<compile_context>
chip_gen: v7x
topology: tpu7x:2x2x1
jax: 0.10.2.dev20260603
libtpu: 0.0.44.dev20260713+nightly
codegen_flags: <defaults>
</compile_context>

<pallas_src>
import functools

import jax
import jax.numpy as jnp
from jax import lax
from jax.experimental import pallas as pl
from jax.experimental.pallas import tpu as pltpu
from jax.experimental.pallas import tpu_sc as plsc

_N = 10000
_E = 320000
_G = 512
_KD = 32
_FF = 32
_HID = 258

_NC = 2
_NS = 16
_NWORK = _NC * _NS
_CHUNK = 128
_CPT = 79
_EPT = _CPT * _CHUNK
_E_PAD = _NWORK * _EPT
_NPT = 632
_N_PAD = _NS * _NPT
_EB = 2048
_NSTEPS = _E_PAD // _EB
_NODE_BLK = 1000
_NB_FINAL = _N // _NODE_BLK


def _tc_call(body, **kw):
    return pl.pallas_call(body, **kw)


def _sc_kernel(**kw):
    return functools.partial(
        pl.kernel,
        compiler_params=pltpu.CompilerParams(use_tc_tiling_on_sc=False),
        **kw)


def _silu(x):
    return x / (1.0 + jnp.exp(-x))


def _lane_sum32(x):
    a = x[:, 0:8] + x[:, 8:16]
    a = a + x[:, 16:24]
    a = a + x[:, 24:32]
    b = a[:, 0:4] + a[:, 4:8]
    c = b[:, 0:2] + b[:, 2:4]
    return c[:, 0:1] + c[:, 1:2]


def _ln(x, g, b):
    mu = _lane_sum32(x) / 32.0
    d = x - mu
    var = _lane_sum32(d * d) / 32.0
    return d / jnp.sqrt(var + 1e-5) * g + b



def _make_mesh():
    return plsc.VectorSubcoreMesh(
        core_axis_name="c", subcore_axis_name="s",
        num_cores=_NC, num_subcores=_NS)


def _gather_pair(table, dst_idx, src_idx, width):
    @_sc_kernel(
        out_type=[jax.ShapeDtypeStruct((_E_PAD, width), jnp.float32),
                  jax.ShapeDtypeStruct((_E_PAD, width), jnp.float32)],
        mesh=_make_mesh(),
        scratch_types=[pltpu.VMEM((_CHUNK,), jnp.int32),
                       pltpu.VMEM((_CHUNK,), jnp.int32),
                       pltpu.VMEM((_CHUNK,), jnp.int32),
                       pltpu.VMEM((_CHUNK,), jnp.int32),
                       pltpu.VMEM((_CHUNK, width), jnp.float32),
                       pltpu.VMEM((_CHUNK, width), jnp.float32),
                       pltpu.VMEM((_CHUNK, width), jnp.float32),
                       pltpu.VMEM((_CHUNK, width), jnp.float32),
                       pltpu.SemaphoreType.DMA,
                       pltpu.SemaphoreType.DMA])
    def gk(tab, dsti, srci, out_d, out_s,
           idx_d0, idx_s0, idx_d1, idx_s1,
           rows_d0, rows_s0, rows_d1, rows_s1, sem0, sem1):
        cid = lax.axis_index("c")
        sid = lax.axis_index("s")
        base = (sid * _NC + cid) * _EPT
        slots = ((idx_d0, idx_s0, rows_d0, rows_s0, sem0),
                 (idx_d1, idx_s1, rows_d1, rows_s1, sem1))

        def issue(slot, c):
            idx_d, idx_s, rows_d, rows_s, sem = slots[slot]
            off = base + c * _CHUNK
            pltpu.sync_copy(dsti.at[pl.ds(off, _CHUNK)], idx_d)
            pltpu.sync_copy(srci.at[pl.ds(off, _CHUNK)], idx_s)
            pltpu.async_copy(tab.at[idx_d], rows_d, sem)
            pltpu.async_copy(tab.at[idx_s], rows_s, sem)

        def drain(slot, c):
            idx_d, idx_s, rows_d, rows_s, sem = slots[slot]
            off = base + c * _CHUNK
            pltpu.make_async_copy(tab.at[idx_d], rows_d, sem).wait()
            pltpu.make_async_copy(tab.at[idx_s], rows_s, sem).wait()
            pltpu.sync_copy(rows_d, out_d.at[pl.ds(off, _CHUNK)])
            pltpu.sync_copy(rows_s, out_s.at[pl.ds(off, _CHUNK)])

        issue(0, 0)

        def body(g, carry):
            c0 = 2 * g
            c1 = c0 + 1

            @pl.when(c1 < _CPT)
            def _():
                issue(1, c1)

            drain(0, c0)

            @pl.when(c0 + 2 < _CPT)
            def _():
                issue(0, c0 + 2)

            @pl.when(c1 < _CPT)
            def _():
                drain(1, c1)

            return carry

        lax.fori_loop(0, (_CPT + 1) // 2, body, 0)

    return gk(table, dst_idx, src_idx)


def _scatter_add(msg, dst_idx, zero_rows, width):
    @_sc_kernel(
        out_type=jax.ShapeDtypeStruct((2 * _N_PAD, width), jnp.float32),
        mesh=_make_mesh(),
        scratch_types=[pltpu.VMEM((_CHUNK,), jnp.int32),
                       pltpu.VMEM((_CHUNK, width), jnp.float32),
                       pltpu.VMEM((_NPT, width), jnp.float32),
                       pltpu.VMEM_SHARED((_N_PAD, width), jnp.float32),
                       pltpu.SemaphoreType.DMA])
    def sk(m, dsti, zrows, acc, idx_v, rows_v, drain_v, shacc, sem):
        cid = lax.axis_index("c")
        sid = lax.axis_index("s")
        base = (sid * _NC + cid) * _EPT
        pltpu.sync_copy(zrows, shacc.at[pl.ds(sid * _NPT, _NPT)])
        plsc.subcore_barrier()

        def body(c, carry):
            off = base + c * _CHUNK
            pltpu.sync_copy(dsti.at[pl.ds(off, _CHUNK)], idx_v)
            pltpu.sync_copy(m.at[pl.ds(off, _CHUNK)], rows_v)
            pltpu.sync_copy(rows_v, shacc.at[idx_v], add=True)
            return carry

        lax.fori_loop(0, _CPT, body, 0)
        plsc.subcore_barrier()
        pltpu.sync_copy(shacc.at[pl.ds(sid * _NPT, _NPT)], drain_v)
        pltpu.sync_copy(drain_v, acc.at[pl.ds(cid * _N_PAD + sid * _NPT, _NPT)])

    return sk(msg, dst_idx, zero_rows)



def _prep_call(props, coords_p, emb_wt, emb_b):
    def body(p_r, c_r, w_r, b_r, out_r):
        f = jnp.dot(p_r[...], w_r[...], preferred_element_type=jnp.float32)
        f = f + b_r[...]
        out_r[...] = jnp.concatenate([f, c_r[...]], axis=-1)

    return _tc_call(
        body,
        out_shape=jax.ShapeDtypeStruct((_N, 48), jnp.float32),
    )(props, coords_p, emb_wt, emb_b)


def _edge_body(first, refs):
    if first:
        (ti_r, tj_r, rdin_r, w1_r, b1_r, w2_r, b2_r, g_r, bt_r, isc_r,
         out_r) = refs
        xi = ti_r[:, :32]
        xj = tj_r[:, :32]
        rd = rdin_r[...]
    else:
        (xi_r, xj_r, rdin_r, w1_r, b1_r, w2_r, b2_r, g_r, bt_r,
         isc_r, out_r) = refs
        xi = xi_r[...]
        xj = xj_r[...]
        rd = rdin_r[...]
    xs = rd * isc_r[...]
    cat = jnp.concatenate([xi, xj, jnp.sin(xs), jnp.cos(xs), rd], axis=-1)
    h1 = jnp.dot(cat, w1_r[...], preferred_element_type=jnp.float32)
    h1 = _silu(h1 + b1_r[...])
    m = jnp.dot(h1, w2_r[...], preferred_element_type=jnp.float32)
    m = _silu(m + b2_r[...])
    m = _ln(m, g_r[...], bt_r[...])
    if first:
        out_r[...] = jnp.concatenate(
            [m, jnp.ones((_EB, 16), jnp.float32)], axis=-1)
    else:
        out_r[...] = m


def _full(shape):
    return pl.BlockSpec(shape, lambda k: (0, 0))


def _edge1_call(ti, tj, rd, ew):
    w1, b1, w2, b2, g, bt, isc = ew
    return _tc_call(
        lambda *rs: _edge_body(True, rs),
        grid=(_NSTEPS,),
        in_specs=[pl.BlockSpec((_EB, 48), lambda k: (k, 0)),
                  pl.BlockSpec((_EB, 48), lambda k: (k, 0)),
                  pl.BlockSpec((_EB, 1), lambda k: (k, 0)),
                  _full((129, _HID)), _full((1, _HID)),
                  _full((_HID, 32)), _full((1, 32)), _full((1, 32)),
                  _full((1, 32)), _full((1, 32))],
        out_specs=pl.BlockSpec((_EB, 48), lambda k: (k, 0)),
        out_shape=jax.ShapeDtypeStruct((_E_PAD, 48), jnp.float32),
    )(ti, tj, rd, w1, b1, w2, b2, g, bt, isc)


def _edge23_call(xi, xj, rd, ew):
    w1, b1, w2, b2, g, bt, isc = ew
    return _tc_call(
        lambda *rs: _edge_body(False, rs),
        grid=(_NSTEPS,),
        in_specs=[pl.BlockSpec((_EB, 32), lambda k: (k, 0)),
                  pl.BlockSpec((_EB, 32), lambda k: (k, 0)),
                  pl.BlockSpec((_EB, 1), lambda k: (k, 0)),
                  _full((129, _HID)), _full((1, _HID)),
                  _full((_HID, 32)), _full((1, 32)), _full((1, 32)),
                  _full((1, 32)), _full((1, 32))],
        out_specs=pl.BlockSpec((_EB, 32), lambda k: (k, 0)),
        out_shape=jax.ShapeDtypeStruct((_E_PAD, 32), jnp.float32),
    )(xi, xj, rd, w1, b1, w2, b2, g, bt, isc)


def _node_body(first, refs):
    if first:
        (acc_r, f_r, w1_r, nb1_r, w2_r, nb2_r, eg_r, eb_r,
         g1_r, b1_r, g2_r, b2_r, out_r, cnt_r) = refs
    else:
        (acc_r, cin_r, f_r, w1_r, nb1_r, w2_r, nb2_r, eg_r, eb_r,
         g1_r, b1_r, g2_r, b2_r, out_r) = refs
    a = acc_r[...]
    s = a[:_N] + a[_N_PAD:_N_PAD + _N]
    if first:
        cnt = s[:, 32:33]
        msum = s[:, :32]
        cnt_r[...] = cnt
    else:
        cnt = cin_r[...]
        msum = s
    m_i = msum / jnp.maximum(cnt, 1.0)
    m_i = _ln(m_i, eg_r[...], eb_r[...])
    f = f_r[...]
    hn = _ln(f, g1_r[...], b1_r[...])
    h = jnp.concatenate([hn, m_i], axis=-1)
    h = jnp.dot(h, w1_r[...], preferred_element_type=jnp.float32)
    h = _silu(h + nb1_r[...])
    h = jnp.dot(h, w2_r[...], preferred_element_type=jnp.float32) + nb2_r[...]
    h = _ln(h, g2_r[...], b2_r[...])
    out_r[...] = f + h


def _node1_call(acc, feats, nw):
    return _tc_call(
        lambda *rs: _node_body(True, rs),
        out_shape=[jax.ShapeDtypeStruct((_N, 32), jnp.float32),
                   jax.ShapeDtypeStruct((_N, 1), jnp.float32)],
    )(acc, feats, *nw)


def _node23_call(acc, cnt, feats, nw):
    return _tc_call(
        lambda *rs: _node_body(False, rs),
        out_shape=jax.ShapeDtypeStruct((_N, 32), jnp.float32),
    )(acc, cnt, feats, *nw)


def _final_call(feats, batch3, mlp_ws, gws):
    w1, b1, w2, b2, w3, b3 = mlp_ws
    gw1, gb1, gw2, gb2, gw3, gb3 = gws

    def body(f_r, bt_r, w1_r, b1_r, w2_r, b2_r, w3_r, b3_r,
             gw1_r, gb1_r, gw2_r, gb2_r, gw3_r, gb3_r,
             out_r, pool_s, gcnt_s):
        k = pl.program_id(0)
        h = f_r[...]
        h = _silu(jnp.dot(h, w1_r[...], preferred_element_type=jnp.float32)
                  + b1_r[...])
        h = _silu(jnp.dot(h, w2_r[...], preferred_element_type=jnp.float32)
                  + b2_r[...])
        h = _silu(jnp.dot(h, w3_r[...], preferred_element_type=jnp.float32)
                  + b3_r[...])
        bt = bt_r[0]
        ids = lax.broadcasted_iota(jnp.int32, (_G, _NODE_BLK), 0)
        oh = (ids == bt).astype(jnp.float32)
        p = jnp.dot(oh, h, preferred_element_type=jnp.float32,
                    precision=lax.Precision.HIGHEST)
        c = jnp.sum(oh, axis=-1, keepdims=True)

        @pl.when(k == 0)
        def _():
            pool_s[...] = p
            gcnt_s[...] = c

        @pl.when(k > 0)
        def _():
            pool_s[...] += p
            gcnt_s[...] += c

        @pl.when(k == _NB_FINAL - 1)
        def _():
            g = pool_s[...] / jnp.maximum(gcnt_s[...], 1.0)
            g = _silu(jnp.dot(g, gw1_r[...],
                              preferred_element_type=jnp.float32) + gb1_r[...])
            g = _silu(jnp.dot(g, gw2_r[...],
                              preferred_element_type=jnp.float32) + gb2_r[...])
            out_r[...] = jnp.dot(
                g, gw3_r[...], preferred_element_type=jnp.float32) + gb3_r[...]

    return _tc_call(
        body,
        grid=(_NB_FINAL,),
        in_specs=[pl.BlockSpec((_NODE_BLK, 32), lambda k: (k, 0)),
                  pl.BlockSpec((1, 1, _NODE_BLK), lambda k: (k, 0, 0)),
                  _full((32, 256)), _full((1, 256)),
                  _full((256, 256)), _full((1, 256)),
                  _full((256, 256)), _full((1, 256)),
                  _full((256, 256)), _full((1, 256)),
                  _full((256, 256)), _full((1, 256)),
                  _full((256, 1)), _full((1, 1))],
        out_specs=pl.BlockSpec((_G, 1), lambda k: (0, 0)),
        out_shape=jax.ShapeDtypeStruct((_G, 1), jnp.float32),
        scratch_shapes=[pltpu.VMEM((_G, 256), jnp.float32),
                        pltpu.VMEM((_G, 1), jnp.float32)],
    )(feats, batch3, w1, b1, w2, b2, w3, b3,
      gw1, gb1, gw2, gb2, gw3, gb3)



def kernel(props, coords, edge_index, batch, params):
    f32 = jnp.float32
    order = jnp.argsort(edge_index[1], stable=True)
    src = edge_index[0][order]
    dst = edge_index[1][order]
    pad = _E_PAD - _E
    src_g = jnp.concatenate([src, jnp.zeros((pad,), jnp.int32)])
    dst_g = jnp.concatenate([dst, jnp.zeros((pad,), jnp.int32)])
    dst_s = jnp.concatenate([dst, jnp.full((pad,), _N, jnp.int32)])
    coords_p = jnp.pad(coords, ((0, 0), (0, 13)))
    zero48 = jnp.zeros((_NPT, 48), f32)
    zero32 = jnp.zeros((_NPT, 32), f32)
    inv_sc = (2.0 ** (-jnp.arange(_FF, dtype=f32)))[None, :]

    def edge_w(lp):
        return (lp["eW1"].T, lp["eb1"][None, :],
                lp["eW2"].T, lp["eb2"][None, :],
                lp["en1_g"][None, :], lp["en1_b"][None, :], inv_sc)

    def node_w(lp):
        return (lp["nW1"].T, lp["nb1"][None, :],
                lp["nW2"].T, lp["nb2"][None, :],
                lp["en1_g"][None, :], lp["en1_b"][None, :],
                lp["nn1_g"][None, :], lp["nn1_b"][None, :],
                lp["nn2_g"][None, :], lp["nn2_b"][None, :])

    layers = params["layers"]
    t0 = _prep_call(props, coords_p, params["embed_w"].T,
                    params["embed_b"][None, :])
    feats = t0[:, :32]

    ti, tj = _gather_pair(t0, dst_g, src_g, 48)
    rel = tj[:, 32:35] - ti[:, 32:35]
    rd = jnp.sum(rel * rel, axis=-1, keepdims=True)
    msgx = _edge1_call(ti, tj, rd, edge_w(layers[0]))
    acc = _scatter_add(msgx, dst_s, zero48, 48)
    feats, cnt = _node1_call(acc, feats, node_w(layers[0]))

    for lp in layers[1:]:
        xi, xj = _gather_pair(feats, dst_g, src_g, 32)
        msg = _edge23_call(xi, xj, rd, edge_w(lp))
        acc = _scatter_add(msg, dst_s, zero32, 32)
        feats = _node23_call(acc, cnt, feats, node_w(lp))

    (mw1, mb1), (mw2, mb2), (mw3, mb3) = params["node_mlps"]
    mlp_ws = (mw1.T, mb1[None, :], mw2.T, mb2[None, :], mw3.T, mb3[None, :])
    (gw1, gb1), (gw2, gb2), (gw3, gb3) = params["graph_mlps"]
    gws = (gw1.T, gb1[None, :], gw2.T, gb2[None, :], gw3.T, gb3[None, :])
    batch3 = batch.reshape(_NB_FINAL, 1, _NODE_BLK)

    return _final_call(feats, batch3, mlp_ws, gws)

# --- scband reference (transcript-rebuilt; emitter-appended) ---
"""Pipeline reference for scband-egnn-ncp-46901042872369 (READ-ONLY COPY).

The authoritative reference and input builder live on the scoring server;
editing this copy changes nothing except your own understanding.
"""

import jax, jax.numpy as jnp
import numpy as np

N_NODES = 10000
N_EDGES = 320000
PROP_DIM = 9
KD = 32
M_DIM = 32
FF = 32
N_KERNELS = 3
MLP_DIM = 256
N_MLP = 3
N_GRAPHS = 512
N_OUT = 1
EDGE_IN = 2 * FF + 1 + 2 * KD


def _silu(x):
    return x * jax.nn.sigmoid(x)


def _ln(x, g, b):
    m = jnp.mean(x, axis=-1, keepdims=True)
    v = jnp.var(x, axis=-1, keepdims=True)
    return (x - m) / jnp.sqrt(v + 1e-5) * g + b


def _lin(key, out_d, in_d):
    s = np.sqrt(2.0 / (in_d + out_d))
    W = jax.random.normal(key, (out_d, in_d), dtype=jnp.float32) * s
    b = jnp.zeros((out_d,), dtype=jnp.float32)
    return W, b


def setup_inputs(seed: int = 0):
    key = jax.random.key(seed)
    ks = jax.random.split(key, 64)
    props = jax.random.normal(ks[0], (N_NODES, PROP_DIM), dtype=jnp.float32)
    coords = jax.random.normal(ks[1], (N_NODES, 3), dtype=jnp.float32)
    edge_index = jax.random.randint(ks[2], (2, N_EDGES), 0, N_NODES, dtype=jnp.int32)
    batch = jnp.sort(jax.random.randint(ks[3], (N_NODES,), 0, N_GRAPHS, dtype=jnp.int32))
    params = {}
    eW, eb = _lin(ks[4], KD, PROP_DIM)
    params["embed_w"] = eW
    params["embed_b"] = eb
    layers = []
    kidx = 5
    for i in range(N_KERNELS):
        lp = {}
        lp["eW1"], lp["eb1"] = _lin(ks[kidx], EDGE_IN * 2, EDGE_IN); kidx += 1
        lp["eW2"], lp["eb2"] = _lin(ks[kidx], M_DIM, EDGE_IN * 2); kidx += 1
        lp["en1_g"] = jnp.ones((M_DIM,), jnp.float32)
        lp["en1_b"] = jnp.zeros((M_DIM,), jnp.float32)
        lp["nn1_g"] = jnp.ones((KD,), jnp.float32)
        lp["nn1_b"] = jnp.zeros((KD,), jnp.float32)
        lp["nn2_g"] = jnp.ones((KD,), jnp.float32)
        lp["nn2_b"] = jnp.zeros((KD,), jnp.float32)
        lp["nW1"], lp["nb1"] = _lin(ks[kidx], KD * 2, KD + M_DIM); kidx += 1
        lp["nW2"], lp["nb2"] = _lin(ks[kidx], KD, KD * 2); kidx += 1
        layers.append(lp)
    params["layers"] = layers
    node_mlps = []
    in_d = KD
    for i in range(N_MLP):
        W, b = _lin(ks[kidx], MLP_DIM, in_d); kidx += 1
        node_mlps.append((W, b))
        in_d = MLP_DIM
    params["node_mlps"] = node_mlps
    graph_mlps = []
    for i in range(N_MLP - 1):
        W, b = _lin(ks[kidx], MLP_DIM, MLP_DIM); kidx += 1
        graph_mlps.append((W, b))
    W, b = _lin(ks[kidx], N_OUT, MLP_DIM); kidx += 1
    graph_mlps.append((W, b))
    params["graph_mlps"] = graph_mlps
    return {"props": props, "coords": coords, "edge_index": edge_index, "batch": batch, "params": params}


def _forward(props, coords, params, edge_index, batch):
    src = edge_index[0]
    dst = edge_index[1]
    feats = props @ params["embed_w"].T + params["embed_b"]
    scales = 2.0 ** jnp.arange(FF, dtype=jnp.float32)
    for lp in params["layers"]:
        rel = coords[src] - coords[dst]
        rd = jnp.sum(rel * rel, axis=-1, keepdims=True)
        xs = rd[..., None] / scales
        enc = jnp.concatenate([jnp.sin(xs), jnp.cos(xs), rd[..., None]], axis=-1)
        enc = enc.reshape(enc.shape[0], -1)
        x_i = feats[dst]
        x_j = feats[src]
        m = jnp.concatenate([x_i, x_j, enc], axis=-1)
        m = _silu(m @ lp["eW1"].T + lp["eb1"])
        m = _silu(m @ lp["eW2"].T + lp["eb2"])
        m = _ln(m, lp["en1_g"], lp["en1_b"])
        ones_e = jnp.ones((m.shape[0], 1), jnp.float32)
        cnt = jax.ops.segment_sum(ones_e, dst, num_segments=N_NODES)
        m_i = jax.ops.segment_sum(m, dst, num_segments=N_NODES) / jnp.clip(cnt, 1.0)
        m_i = _ln(m_i, lp["en1_g"], lp["en1_b"])
        hn = _ln(feats, lp["nn1_g"], lp["nn1_b"])
        h = jnp.concatenate([hn, m_i], axis=-1)
        h = _silu(h @ lp["nW1"].T + lp["nb1"])
        h = h @ lp["nW2"].T + lp["nb2"]
        h = _ln(h, lp["nn2_g"], lp["nn2_b"])
        feats = feats + h
    h = feats
    for (W, b) in params["node_mlps"]:
        h = _silu(h @ W.T + b)
    ones_n = jnp.ones((N_NODES, 1), jnp.float32)
    gcnt = jax.ops.segment_sum(ones_n, batch, num_segments=N_GRAPHS)
    pooled = jax.ops.segment_sum(h, batch, num_segments=N_GRAPHS) / jnp.clip(gcnt, 1.0)
    g = pooled
    for (W, b) in params["graph_mlps"][:-1]:
        g = _silu(g @ W.T + b)
    W, b = params["graph_mlps"][-1]
    g = g @ W.T + b
    return g


def reference(props, coords, edge_index, batch, params):
    return _forward(props, coords, params, edge_index, batch)

if __name__ == "__main__":
    import jax
    _d = setup_inputs()
    print(jax.jit(kernel)(*tuple(_d.values())))

</pallas_src>

<mosaic_0001>
#map = affine_map<(d0, d1) -> (0, 0)>
#map1 = affine_map<(d0, d1) -> (0)>
module attributes {stable_mosaic.version = 14 : i64} {
  func.func @sk(%arg0: i32, %arg1: i32, %arg2: memref<323584x48xf32, #tpu.memory_space<hbm>>, %arg3: memref<323584xi32, #tpu.memory_space<hbm>>, %arg4: memref<632x48xf32, #tpu.memory_space<hbm>>, %arg5: memref<20224x48xf32, #tpu.memory_space<hbm>>, %arg6: memref<128xi32, #tpu.memory_space<vmem>>, %arg7: memref<128x48xf32, #tpu.memory_space<vmem>>, %arg8: memref<632x48xf32, #tpu.memory_space<vmem>>, %arg9: memref<10112x48xf32, #tpu.memory_space<vmem_shared>>, %arg10: memref<!tpu.dma_semaphore, #tpu.memory_space<semaphore_mem>>) attributes {dimension_semantics = [#tpu.dimension_semantics<core_parallel>, #tpu.dimension_semantics<subcore_parallel>], iteration_bounds = array<i64: 2, 16>, scalar_prefetch = 0 : i64, scratch_operands = 5 : i64, tpu.core_type = #tpu.core_type<sc_vector_subcore>, window_params = [{transform_indices = #map}, {transform_indices = #map1}, {transform_indices = #map}, {transform_indices = #map}]} {
    %mul3A = arith.constant 2 : i32
    %mul3A_0 = arith.muli %arg1, %mul3A : i32
    %add3A = arith.addi %mul3A_0, %arg0 : i32
    %mul3A_1 = arith.constant 10112 : i32
    %mul3A_2 = arith.muli %add3A, %mul3A_1 : i32
    %mul3A_3 = arith.constant 632 : i32
    %mul3A_4 = arith.muli %arg1, %mul3A_3 : i32
    "tpu.region"() ({
      %run_scoped3A = tpu.sem_alloc : memref<!tpu.dma_semaphore, #tpu.memory_space<semaphore_mem>>
      %dma_start3A = arith.constant 0 : i32
      %dma_start3A_18 = tpu.memref_slice %arg9[%mul3A_4, %dma_start3A] : memref<10112x48xf32, #tpu.memory_space<vmem_shared>> -> memref<632x48xf32, #tpu.memory_space<vmem_shared>>
      tpu.enqueue_dma source(%arg4 : memref<632x48xf32, #tpu.memory_space<hbm>>) target(%dma_start3A_18 : memref<632x48xf32, #tpu.memory_space<vmem_shared>>) target_semaphore(%run_scoped3A : memref<!tpu.dma_semaphore, #tpu.memory_space<semaphore_mem>>)
      %dma_wait3A = arith.constant 0 : i32
      %dma_wait3A_19 = tpu.memref_slice %arg9[%mul3A_4, %dma_wait3A] : memref<10112x48xf32, #tpu.memory_space<vmem_shared>> -> memref<632x48xf32, #tpu.memory_space<vmem_shared>>
      tpu.wait_dma2 semaphore(%run_scoped3A : memref<!tpu.dma_semaphore, #tpu.memory_space<semaphore_mem>>) src(%arg4 : memref<632x48xf32, #tpu.memory_space<hbm>>) dst(%dma_wait3A_19 : memref<632x48xf32, #tpu.memory_space<vmem_shared>>)
      tpu.yield
    }) : () -> ()
    %barrier3A = arith.constant 0 : index
    tpu.barrier barrier_id(%barrier3A)
    %scan3A = arith.constant 0 : i32
    %scan3A_5 = arith.constant 0 : i32
    %scan3A_6 = arith.constant 79 : i32
    %scan3A_7 = arith.addi %scan3A_5, %scan3A_6 : i32
    %scan3A_8 = arith.constant 1 : i32
    scf.for %scan3A_18 = %scan3A_5 to %scan3A_7 step %scan3A_8  : i32 {
      %mul3A_19 = arith.constant 128 : i32
      %mul3A_20 = arith.muli %scan3A_18, %mul3A_19 : i32
      %add3A_21 = arith.addi %mul3A_2, %mul3A_20 : i32
      "tpu.region"() ({
        %run_scoped3A = tpu.sem_alloc : memref<!tpu.dma_semaphore, #tpu.memory_space<semaphore_mem>>
        %dma_start3A = tpu.memref_slice %arg3[%add3A_21] : memref<323584xi32, #tpu.memory_space<hbm>> -> memref<128xi32, #tpu.memory_space<hbm>>
        %dma_start3A_22 = tpu.memref_slice %arg3[%add3A_21] : memref<323584xi32, #tpu.memory_space<hbm>> -> memref<128xi32, #tpu.memory_space<hbm>>
        tpu.enqueue_dma source(%dma_start3A_22 : memref<128xi32, #tpu.memory_space<hbm>>) target(%arg6 : memref<128xi32, #tpu.memory_space<vmem>>) target_semaphore(%run_scoped3A : memref<!tpu.dma_semaphore, #tpu.memory_space<semaphore_mem>>)
        %dma_wait3A = tpu.memref_slice %arg3[%add3A_21] : memref<323584xi32, #tpu.memory_space<hbm>> -> memref<128xi32, #tpu.memory_space<hbm>>
        %dma_wait3A_23 = tpu.memref_slice %arg3[%add3A_21] : memref<323584xi32, #tpu.memory_space<hbm>> -> memref<128xi32, #tpu.memory_space<hbm>>
        tpu.wait_dma2 semaphore(%run_scoped3A : memref<!tpu.dma_semaphore, #tpu.memory_space<semaphore_mem>>) src(%dma_wait3A_23 : memref<128xi32, #tpu.memory_space<hbm>>) dst(%arg6 : memref<128xi32, #tpu.memory_space<vmem>>)
        tpu.yield
      }) : () -> ()
      "tpu.region"() ({
        %run_scoped3A = tpu.sem_alloc : memref<!tpu.dma_semaphore, #tpu.memory_space<semaphore_mem>>
        %dma_start3A = arith.constant 0 : i32
        %dma_start3A_22 = tpu.memref_slice %arg2[%add3A_21, %dma_start3A] : memref<323584x48xf32, #tpu.memory_space<hbm>> -> memref<128x48xf32, #tpu.memory_space<hbm>>
        %dma_start3A_23 = arith.constant 0 : i32
        %dma_start3A_24 = tpu.memref_slice %arg2[%add3A_21, %dma_start3A_23] : memref<323584x48xf32, #tpu.memory_space<hbm>> -> memref<128x48xf32, #tpu.memory_space<hbm>>
        tpu.enqueue_dma source(%dma_start3A_24 : memref<128x48xf32, #tpu.memory_space<hbm>>) target(%arg7 : memref<128x48xf32, #tpu.memory_space<vmem>>) target_semaphore(%run_scoped3A : memref<!tpu.dma_semaphore, #tpu.memory_space<semaphore_mem>>)
        %dma_wait3A = arith.constant 0 : i32
        %dma_wait3A_25 = tpu.memref_slice %arg2[%add3A_21, %dma_wait3A] : memref<323584x48xf32, #tpu.memory_space<hbm>> -> memref<128x48xf32, #tpu.memory_space<hbm>>
        %dma_wait3A_26 = arith.constant 0 : i32
        %dma_wait3A_27 = tpu.memref_slice %arg2[%add3A_21, %dma_wait3A_26] : memref<323584x48xf32, #tpu.memory_space<hbm>> -> memref<128x48xf32, #tpu.memory_space<hbm>>
        tpu.wait_dma2 semaphore(%run_scoped3A : memref<!tpu.dma_semaphore, #tpu.memory_space<semaphore_mem>>) src(%dma_wait3A_27 : memref<128x48xf32, #tpu.memory_space<hbm>>) dst(%arg7 : memref<128x48xf32, #tpu.memory_space<vmem>>)
        tpu.yield
      }) : () -> ()
      "tpu.region"() ({
        %run_scoped3A = tpu.sem_alloc : memref<!tpu.dma_semaphore, #tpu.memory_space<semaphore_mem>>
        %dma_start3A = arith.constant 0 : i32
        %dma_start3A_22 = arith.constant 0 : i32
        %dma_start3A_23 = tpu.memref_slice %arg9[%dma_start3A, %dma_start3A_22] : memref<10112x48xf32, #tpu.memory_space<vmem_shared>> -> memref<10112x48xf32, #tpu.memory_space<vmem_shared>>
        tpu.enqueue_indirect_dma source(%arg7 : memref<128x48xf32, #tpu.memory_space<vmem>>) target(%dma_start3A_23 : memref<10112x48xf32, #tpu.memory_space<vmem_shared>>) offsets(%arg6 : memref<128xi32, #tpu.memory_space<vmem>>) semaphore(%run_scoped3A : memref<!tpu.dma_semaphore, #tpu.memory_space<semaphore_mem>>) {add = true}
        %dma_wait3A = arith.constant 0 : i32
        %dma_wait3A_24 = arith.constant 0 : i32
        %dma_wait3A_25 = tpu.memref_slice %arg9[%dma_wait3A, %dma_wait3A_24] : memref<10112x48xf32, #tpu.memory_space<vmem_shared>> -> memref<10112x48xf32, #tpu.memory_space<vmem_shared>>
        tpu.wait_indirect_dma semaphore(%run_scoped3A : memref<!tpu.dma_semaphore, #tpu.memory_space<semaphore_mem>>) src(%arg7 : memref<128x48xf32, #tpu.memory_space<vmem>>) dst(%dma_wait3A_25 : memref<10112x48xf32, #tpu.memory_space<vmem_shared>>)
        tpu.yield
      }) : () -> ()
    }
    %scan3A_9 = arith.constant 79 : i32
    %barrier3A_10 = arith.constant 0 : index
    tpu.barrier barrier_id(%barrier3A_10)
    %mul3A_11 = arith.constant 632 : i32
    %mul3A_12 = arith.muli %arg1, %mul3A_11 : i32
    "tpu.region"() ({
      %run_scoped3A = tpu.sem_alloc : memref<!tpu.dma_semaphore, #tpu.memory_space<semaphore_mem>>
      %dma_start3A = arith.constant 0 : i32
      %dma_start3A_18 = tpu.memref_slice %arg9[%mul3A_12, %dma_start3A] : memref<10112x48xf32, #tpu.memory_space<vmem_shared>> -> memref<632x48xf32, #tpu.memory_space<vmem_shared>>
      %dma_start3A_19 = arith.constant 0 : i32
      %dma_start3A_20 = tpu.memref_slice %arg9[%mul3A_12, %dma_start3A_19] : memref<10112x48xf32, #tpu.memory_space<vmem_shared>> -> memref<632x48xf32, #tpu.memory_space<vmem_shared>>
      tpu.enqueue_dma source(%dma_start3A_20 : memref<632x48xf32, #tpu.memory_space<vmem_shared>>) target(%arg8 : memref<632x48xf32, #tpu.memory_space<vmem>>) target_semaphore(%run_scoped3A : memref<!tpu.dma_semaphore, #tpu.memory_space<semaphore_mem>>)
      %dma_wait3A = arith.constant 0 : i32
      %dma_wait3A_21 = tpu.memref_slice %arg9[%mul3A_12, %dma_wait3A] : memref<10112x48xf32, #tpu.memory_space<vmem_shared>> -> memref<632x48xf32, #tpu.memory_space<vmem_shared>>
      %dma_wait3A_22 = arith.constant 0 : i32
      %dma_wait3A_23 = tpu.memref_slice %arg9[%mul3A_12, %dma_wait3A_22] : memref<10112x48xf32, #tpu.memory_space<vmem_shared>> -> memref<632x48xf32, #tpu.memory_space<vmem_shared>>
      tpu.wait_dma2 semaphore(%run_scoped3A : memref<!tpu.dma_semaphore, #tpu.memory_space<semaphore_mem>>) src(%dma_wait3A_23 : memref<632x48xf32, #tpu.memory_space<vmem_shared>>) dst(%arg8 : memref<632x48xf32, #tpu.memory_space<vmem>>)
      tpu.yield
    }) : () -> ()
    %mul3A_13 = arith.constant 10112 : i32
    %mul3A_14 = arith.muli %arg0, %mul3A_13 : i32
    %mul3A_15 = arith.constant 632 : i32
    %mul3A_16 = arith.muli %arg1, %mul3A_15 : i32
    %add3A_17 = arith.addi %mul3A_14, %mul3A_16 : i32
    "tpu.region"() ({
      %run_scoped3A = tpu.sem_alloc : memref<!tpu.dma_semaphore, #tpu.memory_space<semaphore_mem>>
      %dma_start3A = arith.constant 0 : i32
      %dma_start3A_18 = tpu.memref_slice %arg5[%add3A_17, %dma_start3A] : memref<20224x48xf32, #tpu.memory_space<hbm>> -> memref<632x48xf32, #tpu.memory_space<hbm>>
      %dma_start3A_19 = arith.constant 0 : i32
      %dma_start3A_20 = tpu.memref_slice %arg5[%add3A_17, %dma_start3A_19] : memref<20224x48xf32, #tpu.memory_space<hbm>> -> memref<632x48xf32, #tpu.memory_space<hbm>>
      tpu.enqueue_dma source(%arg8 : memref<632x48xf32, #tpu.memory_space<vmem>>) target(%dma_start3A_20 : memref<632x48xf32, #tpu.memory_space<hbm>>) target_semaphore(%run_scoped3A : memref<!tpu.dma_semaphore, #tpu.memory_space<semaphore_mem>>)
      %dma_wait3A = arith.constant 0 : i32
      %dma_wait3A_21 = tpu.memref_slice %arg5[%add3A_17, %dma_wait3A] : memref<20224x48xf32, #tpu.memory_space<hbm>> -> memref<632x48xf32, #tpu.memory_space<hbm>>
      %dma_wait3A_22 = arith.constant 0 : i32
      %dma_wait3A_23 = tpu.memref_slice %arg5[%add3A_17, %dma_wait3A_22] : memref<20224x48xf32, #tpu.memory_space<hbm>> -> memref<632x48xf32, #tpu.memory_space<hbm>>
      tpu.wait_dma2 semaphore(%run_scoped3A : memref<!tpu.dma_semaphore, #tpu.memory_space<semaphore_mem>>) src(%arg8 : memref<632x48xf32, #tpu.memory_space<vmem>>) dst(%dma_wait3A_23 : memref<632x48xf32, #tpu.memory_space<hbm>>)
      tpu.yield
    }) : () -> ()
    return
  }
}

#map = affine_map<(d0, d1) -> (0, 0)>
#map1 = affine_map<(d0, d1) -> (0)>
module attributes {stable_mosaic.version = 14 : i64} {
  func.func @gk(%arg0: i32, %arg1: i32, %arg2: memref<10000x48xf32, #tpu.memory_space<hbm>>, %arg3: memref<323584xi32, #tpu.memory_space<hbm>>, %arg4: memref<323584xi32, #tpu.memory_space<hbm>>, %arg5: memref<323584x48xf32, #tpu.memory_space<hbm>>, %arg6: memref<323584x48xf32, #tpu.memory_space<hbm>>, %arg7: memref<128xi32, #tpu.memory_space<vmem>>, %arg8: memref<128xi32, #tpu.memory_space<vmem>>, %arg9: memref<128xi32, #tpu.memory_space<vmem>>, %arg10: memref<128xi32, #tpu.memory_space<vmem>>, %arg11: memref<128x48xf32, #tpu.memory_space<vmem>>, %arg12: memref<128x48xf32, #tpu.memory_space<vmem>>, %arg13: memref<128x48xf32, #tpu.memory_space<vmem>>, %arg14: memref<128x48xf32, #tpu.memory_space<vmem>>, %arg15: memref<!tpu.dma_semaphore, #tpu.memory_space<semaphore_mem>>, %arg16: memref<!tpu.dma_semaphore, #tpu.memory_space<semaphore_mem>>) attributes {dimension_semantics = [#tpu.dimension_semantics<core_parallel>, #tpu.dimension_semantics<subcore_parallel>], iteration_bounds = array<i64: 2, 16>, scalar_prefetch = 0 : i64, scratch_operands = 10 : i64, tpu.core_type = #tpu.core_type<sc_vector_subcore>, window_params = [{transform_indices = #map}, {transform_indices = #map1}, {transform_indices = #map1}, {transform_indices = #map}, {transform_indices = #map}]} {
    %mul3A = arith.constant 2 : i32
    %mul3A_0 = arith.muli %arg1, %mul3A : i32
    %add3A = arith.addi %mul3A_0, %arg0 : i32
    %mul3A_1 = arith.constant 10112 : i32
    %mul3A_2 = arith.muli %add3A, %mul3A_1 : i32
    %add3A_3 = arith.constant 0 : i32
    %add3A_4 = arith.addi %mul3A_2, %add3A_3 : i32
    "tpu.region"() ({
      %run_scoped3A = tpu.sem_alloc : memref<!tpu.dma_semaphore, #tpu.memory_space<semaphore_mem>>
      %dma_start3A_15 = tpu.memref_slice %arg3[%add3A_4] : memref<323584xi32, #tpu.memory_space<hbm>> -> memref<128xi32, #tpu.memory_space<hbm>>
      %dma_start3A_16 = tpu.memref_slice %arg3[%add3A_4] : memref<323584xi32, #tpu.memory_space<hbm>> -> memref<128xi32, #tpu.memory_space<hbm>>
      tpu.enqueue_dma source(%dma_start3A_16 : memref<128xi32, #tpu.memory_space<hbm>>) target(%arg7 : memref<128xi32, #tpu.memory_space<vmem>>) target_semaphore(%run_scoped3A : memref<!tpu.dma_semaphore, #tpu.memory_space<semaphore_mem>>)
      %dma_wait3A = tpu.memref_slice %arg3[%add3A_4] : memref<323584xi32, #tpu.memory_space<hbm>> -> memref<128xi32, #tpu.memory_space<hbm>>
      %dma_wait3A_17 = tpu.memref_slice %arg3[%add3A_4] : memref<323584xi32, #tpu.memory_space<hbm>> -> memref<128xi32, #tpu.memory_space<hbm>>
      tpu.wait_dma2 semaphore(%run_scoped3A : memref<!tpu.dma_semaphore, #tpu.memory_space<semaphore_mem>>) src(%dma_wait3A_17 : memref<128xi32, #tpu.memory_space<hbm>>) dst(%arg7 : memref<128xi32, #tpu.memory_space<vmem>>)
      tpu.yield
    }) : () -> ()
    "tpu.region"() ({
      %run_scoped3A = tpu.sem_alloc : memref<!tpu.dma_semaphore, #tpu.memory_space<semaphore_mem>>
      %dma_start3A_15 = tpu.memref_slice %arg4[%add3A_4] : memref<323584xi32, #tpu.memory_space<hbm>> -> memref<128xi32, #tpu.memory_space<hbm>>
      %dma_start3A_16 = tpu.memref_slice %arg4[%add3A_4] : memref<323584xi32, #tpu.memory_space<hbm>> -> memref<128xi32, #tpu.memory_space<hbm>>
      tpu.enqueue_dma source(%dma_start3A_16 : memref<128xi32, #tpu.memory_space<hbm>>) target(%arg8 : memref<128xi32, #tpu.memory_space<vmem>>) target_semaphore(%run_scoped3A : memref<!tpu.dma_semaphore, #tpu.memory_space<semaphore_mem>>)
      %dma_wait3A = tpu.memref_slice %arg4[%add3A_4] : memref<323584xi32, #tpu.memory_space<hbm>> -> memref<128xi32, #tpu.memory_space<hbm>>
      %dma_wait3A_17 = tpu.memref_slice %arg4[%add3A_4] : memref<323584xi32, #tpu.memory_space<hbm>> -> memref<128xi32, #tpu.memory_space<hbm>>
      tpu.wait_dma2 semaphore(%run_scoped3A : memref<!tpu.dma_semaphore, #tpu.memory_space<semaphore_mem>>) src(%dma_wait3A_17 : memref<128xi32, #tpu.memory_space<hbm>>) dst(%arg8 : memref<128xi32, #tpu.memory_space<vmem>>)
      tpu.yield
    }) : () -> ()
    %dma_start3A = arith.constant 0 : i32
    %dma_start3A_5 = arith.constant 0 : i32
    %dma_start3A_6 = tpu.memref_slice %arg2[%dma_start3A, %dma_start3A_5] : memref<10000x48xf32, #tpu.memory_space<hbm>> -> memref<10000x48xf32, #tpu.memory_space<hbm>>
    tpu.enqueue_indirect_dma source(%dma_start3A_6 : memref<10000x48xf32, #tpu.memory_space<hbm>>) target(%arg11 : memref<128x48xf32, #tpu.memory_space<vmem>>) offsets(%arg7 : memref<128xi32, #tpu.memory_space<vmem>>) semaphore(%arg15 : memref<!tpu.dma_semaphore, #tpu.memory_space<semaphore_mem>>)
    %dma_start3A_7 = arith.constant 0 : i32
    %dma_start3A_8 = arith.constant 0 : i32
    %dma_start3A_9 = tpu.memref_slice %arg2[%dma_start3A_7, %dma_start3A_8] : memref<10000x48xf32, #tpu.memory_space<hbm>> -> memref<10000x48xf32, #tpu.memory_space<hbm>>
    tpu.enqueue_indirect_dma source(%dma_start3A_9 : memref<10000x48xf32, #tpu.memory_space<hbm>>) target(%arg12 : memref<128x48xf32, #tpu.memory_space<vmem>>) offsets(%arg8 : memref<128xi32, #tpu.memory_space<vmem>>) semaphore(%arg15 : memref<!tpu.dma_semaphore, #tpu.memory_space<semaphore_mem>>)
    %scan3A = arith.constant 0 : i32
    %scan3A_10 = arith.constant 0 : i32
    %scan3A_11 = arith.constant 40 : i32
    %scan3A_12 = arith.addi %scan3A_10, %scan3A_11 : i32
    %scan3A_13 = arith.constant 1 : i32
    scf.for %scan3A_15 = %scan3A_10 to %scan3A_12 step %scan3A_13  : i32 {
      %mul3A_16 = arith.constant 2 : i32
      %mul3A_17 = arith.muli %mul3A_16, %scan3A_15 : i32
      %add3A_18 = arith.constant 1 : i32
      %add3A_19 = arith.addi %mul3A_17, %add3A_18 : i32
      %lt3A = arith.constant 79 : i32
      %lt3A_20 = arith.cmpi slt, %add3A_19, %lt3A : i32
      %convert_element_type3A = arith.extui %lt3A_20 : i1 to i32
      %cond3A = arith.constant 0 : i32
      %cond3A_21 = arith.cmpi ne, %convert_element_type3A, %cond3A : i32
      scf.if %cond3A_21 {
        %mul3A_42 = arith.constant 128 : i32
        %mul3A_43 = arith.muli %add3A_19, %mul3A_42 : i32
        %add3A_44 = arith.addi %mul3A_2, %mul3A_43 : i32
        "tpu.region"() ({
          %run_scoped3A = tpu.sem_alloc : memref<!tpu.dma_semaphore, #tpu.memory_space<semaphore_mem>>
          %dma_start3A_51 = tpu.memref_slice %arg3[%add3A_44] : memref<323584xi32, #tpu.memory_space<hbm>> -> memref<128xi32, #tpu.memory_space<hbm>>
          %dma_start3A_52 = tpu.memref_slice %arg3[%add3A_44] : memref<323584xi32, #tpu.memory_space<hbm>> -> memref<128xi32, #tpu.memory_space<hbm>>
          tpu.enqueue_dma source(%dma_start3A_52 : memref<128xi32, #tpu.memory_space<hbm>>) target(%arg9 : memref<128xi32, #tpu.memory_space<vmem>>) target_semaphore(%run_scoped3A : memref<!tpu.dma_semaphore, #tpu.memory_space<semaphore_mem>>)
          %dma_wait3A_53 = tpu.memref_slice %arg3[%add3A_44] : memref<323584xi32, #tpu.memory_space<hbm>> -> memref<128xi32, #tpu.memory_space<hbm>>
          %dma_wait3A_54 = tpu.memref_slice %arg3[%add3A_44] : memref<323584xi32, #tpu.memory_space<hbm>> -> memref<128xi32, #tpu.memory_space<hbm>>
          tpu.wait_dma2 semaphore(%run_scoped3A : memref<!tpu.dma_semaphore, #tpu.memory_space<semaphore_mem>>) src(%dma_wait3A_54 : memref<128xi32, #tpu.memory_space<hbm>>) dst(%arg9 : memref<128xi32, #tpu.memory_space<vmem>>)
          tpu.yield
        }) : () -> ()
        "tpu.region"() ({
          %run_scoped3A = tpu.sem_alloc : memref<!tpu.dma_semaphore, #tpu.memory_space<semaphore_mem>>
          %dma_start3A_51 = tpu.memref_slice %arg4[%add3A_44] : memref<323584xi32, #tpu.memory_space<hbm>> -> memref<128xi32, #tpu.memory_space<hbm>>
          %dma_start3A_52 = tpu.memref_slice %arg4[%add3A_44] : memref<323584xi32, #tpu.memory_space<hbm>> -> memref<128xi32, #tpu.memory_space<hbm>>
          tpu.enqueue_dma source(%dma_start3A_52 : memref<128xi32, #tpu.memory_space<hbm>>) target(%arg10 : memref<128xi32, #tpu.memory_space<vmem>>) target_semaphore(%run_scoped3A : memref<!tpu.dma_semaphore, #tpu.memory_space<semaphore_mem>>)
          %dma_wait3A_53 = tpu.memref_slice %arg4[%add3A_44] : memref<323584xi32, #tpu.memory_space<hbm>> -> memref<128xi32, #tpu.memory_space<hbm>>
          %dma_wait3A_54 = tpu.memref_slice %arg4[%add3A_44] : memref<323584xi32, #tpu.memory_space<hbm>> -> memref<128xi32, #tpu.memory_space<hbm>>
          tpu.wait_dma2 semaphore(%run_scoped3A : memref<!tpu.dma_semaphore, #tpu.memory_space<semaphore_mem>>) src(%dma_wait3A_54 : memref<128xi32, #tpu.memory_space<hbm>>) dst(%arg10 : memref<128xi32, #tpu.memory_space<vmem>>)
          tpu.yield
        }) : () -> ()
        %dma_start3A_45 = arith.constant 0 : i32
        %dma_start3A_46 = arith.constant 0 : i32
        %dma_start3A_47 = tpu.memref_slice %arg2[%dma_start3A_45, %dma_start3A_46] : memref<10000x48xf32, #tpu.memory_space<hbm>> -> memref<10000x48xf32, #tpu.memory_space<hbm>>
        tpu.enqueue_indirect_dma source(%dma_start3A_47 : memref<10000x48xf32, #tpu.memory_space<hbm>>) target(%arg13 : memref<128x48xf32, #tpu.memory_space<vmem>>) offsets(%arg9 : memref<128xi32, #tpu.memory_space<vmem>>) semaphore(%arg16 : memref<!tpu.dma_semaphore, #tpu.memory_space<semaphore_mem>>)
        %dma_start3A_48 = arith.constant 0 : i32
        %dma_start3A_49 = arith.constant 0 : i32
        %dma_start3A_50 = tpu.memref_slice %arg2[%dma_start3A_48, %dma_start3A_49] : memref<10000x48xf32, #tpu.memory_space<hbm>> -> memref<10000x48xf32, #tpu.memory_space<hbm>>
        tpu.enqueue_indirect_dma source(%dma_start3A_50 : memref<10000x48xf32, #tpu.memory_space<hbm>>) target(%arg14 : memref<128x48xf32, #tpu.memory_space<vmem>>) offsets(%arg10 : memref<128xi32, #tpu.memory_space<vmem>>) semaphore(%arg16 : memref<!tpu.dma_semaphore, #tpu.memory_space<semaphore_mem>>)
      } else {
      }
      %mul3A_22 = arith.constant 128 : i32
      %mul3A_23 = arith.muli %mul3A_17, %mul3A_22 : i32
      %add3A_24 = arith.addi %mul3A_2, %mul3A_23 : i32
      %dma_wait3A = arith.constant 0 : i32
      %dma_wait3A_25 = arith.constant 0 : i32
      %dma_wait3A_26 = tpu.memref_slice %arg2[%dma_wait3A, %dma_wait3A_25] : memref<10000x48xf32, #tpu.memory_space<hbm>> -> memref<10000x48xf32, #tpu.memory_space<hbm>>
      tpu.wait_indirect_dma semaphore(%arg15 : memref<!tpu.dma_semaphore, #tpu.memory_space<semaphore_mem>>) src(%dma_wait3A_26 : memref<10000x48xf32, #tpu.memory_space<hbm>>) dst(%arg11 : memref<128x48xf32, #tpu.memory_space<vmem>>)
      %dma_wait3A_27 = arith.constant 0 : i32
      %dma_wait3A_28 = arith.constant 0 : i32
      %dma_wait3A_29 = tpu.memref_slice %arg2[%dma_wait3A_27, %dma_wait3A_28] : memref<10000x48xf32, #tpu.memory_space<hbm>> -> memref<10000x48xf32, #tpu.memory_space<hbm>>
      tpu.wait_indirect_dma semaphore(%arg15 : memref<!tpu.dma_semaphore, #tpu.memory_space<semaphore_mem>>) src(%dma_wait3A_29 : memref<10000x48xf32, #tpu.memory_space<hbm>>) dst(%arg12 : memref<128x48xf32, #tpu.memory_space<vmem>>)
      "tpu.region"() ({
        %run_scoped3A = tpu.sem_alloc : memref<!tpu.dma_semaphore, #tpu.memory_space<semaphore_mem>>
        %dma_start3A_42 = arith.constant 0 : i32
        %dma_start3A_43 = tpu.memref_slice %arg5[%add3A_24, %dma_start3A_42] : memref<323584x48xf32, #tpu.memory_space<hbm>> -> memref<128x48xf32, #tpu.memory_space<hbm>>
        %dma_start3A_44 = arith.constant 0 : i32
        %dma_start3A_45 = tpu.memref_slice %arg5[%add3A_24, %dma_start3A_44] : memref<323584x48xf32, #tpu.memory_space<hbm>> -> memref<128x48xf32, #tpu.memory_space<hbm>>
        tpu.enqueue_dma source(%arg11 : memref<128x48xf32, #tpu.memory_space<vmem>>) target(%dma_start3A_45 : memref<128x48xf32, #tpu.memory_space<hbm>>) target_semaphore(%run_scoped3A : memref<!tpu.dma_semaphore, #tpu.memory_space<semaphore_mem>>)
        %dma_wait3A_46 = arith.constant 0 : i32
        %dma_wait3A_47 = tpu.memref_slice %arg5[%add3A_24, %dma_wait3A_46] : memref<323584x48xf32, #tpu.memory_space<hbm>> -> memref<128x48xf32, #tpu.memory_space<hbm>>
        %dma_wait3A_48 = arith.constant 0 : i32
        %dma_wait3A_49 = tpu.memref_slice %arg5[%add3A_24, %dma_wait3A_48] : memref<323584x48xf32, #tpu.memory_space<hbm>> -> memref<128x48xf32, #tpu.memory_space<hbm>>
        tpu.wait_dma2 semaphore(%run_scoped3A : memref<!tpu.dma_semaphore, #tpu.memory_space<semaphore_mem>>) src(%arg11 : memref<128x48xf32, #tpu.memory_space<vmem>>) dst(%dma_wait3A_49 : memref<128x48xf32, #tpu.memory_space<hbm>>)
        tpu.yield
      }) : () -> ()
      "tpu.region"() ({
        %run_scoped3A = tpu.sem_alloc : memref<!tpu.dma_semaphore, #tpu.memory_space<semaphore_mem>>
        %dma_start3A_42 = arith.constant 0 : i32
        %dma_start3A_43 = tpu.memref_slice %arg6[%add3A_24, %dma_start3A_42] : memref<323584x48xf32, #tpu.memory_space<hbm>> -> memref<128x48xf32, #tpu.memory_space<hbm>>
        %dma_start3A_44 = arith.constant 0 : i32
        %dma_start3A_45 = tpu.memref_slice %arg6[%add3A_24, %dma_start3A_44] : memref<323584x48xf32, #tpu.memory_space<hbm>> -> memref<128x48xf32, #tpu.memory_space<hbm>>
        tpu.enqueue_dma source(%arg12 : memref<128x48xf32, #tpu.memory_space<vmem>>) target(%dma_start3A_45 : memref<128x48xf32, #tpu.memory_space<hbm>>) target_semaphore(%run_scoped3A : memref<!tpu.dma_semaphore, #tpu.memory_space<semaphore_mem>>)
        %dma_wait3A_46 = arith.constant 0 : i32
        %dma_wait3A_47 = tpu.memref_slice %arg6[%add3A_24, %dma_wait3A_46] : memref<323584x48xf32, #tpu.memory_space<hbm>> -> memref<128x48xf32, #tpu.memory_space<hbm>>
        %dma_wait3A_48 = arith.constant 0 : i32
        %dma_wait3A_49 = tpu.memref_slice %arg6[%add3A_24, %dma_wait3A_48] : memref<323584x48xf32, #tpu.memory_space<hbm>> -> memref<128x48xf32, #tpu.memory_space<hbm>>
        tpu.wait_dma2 semaphore(%run_scoped3A : memref<!tpu.dma_semaphore, #tpu.memory_space<semaphore_mem>>) src(%arg12 : memref<128x48xf32, #tpu.memory_space<vmem>>) dst(%dma_wait3A_49 : memref<128x48xf32, #tpu.memory_space<hbm>>)
        tpu.yield
      }) : () -> ()
      %add3A_30 = arith.constant 2 : i32
      %add3A_31 = arith.addi %mul3A_17, %add3A_30 : i32
      %lt3A_32 = arith.constant 79 : i32
      %lt3A_33 = arith.cmpi slt, %add3A_31, %lt3A_32 : i32
      %convert_element_type3A_34 = arith.extui %lt3A_33 : i1 to i32
      %cond3A_35 = arith.constant 0 : i32
      %cond3A_36 = arith.cmpi ne, %convert_element_type3A_34, %cond3A_35 : i32
      scf.if %cond3A_36 {
        %add3A_42 = arith.constant 2 : i32
        %add3A_43 = arith.addi %mul3A_17, %add3A_42 : i32
        %mul3A_44 = arith.constant 128 : i32
        %mul3A_45 = arith.muli %add3A_43, %mul3A_44 : i32
        %add3A_46 = arith.addi %mul3A_2, %mul3A_45 : i32
        "tpu.region"() ({
          %run_scoped3A = tpu.sem_alloc : memref<!tpu.dma_semaphore, #tpu.memory_space<semaphore_mem>>
          %dma_start3A_53 = tpu.memref_slice %arg3[%add3A_46] : memref<323584xi32, #tpu.memory_space<hbm>> -> memref<128xi32, #tpu.memory_space<hbm>>
          %dma_start3A_54 = tpu.memref_slice %arg3[%add3A_46] : memref<323584xi32, #tpu.memory_space<hbm>> -> memref<128xi32, #tpu.memory_space<hbm>>
          tpu.enqueue_dma source(%dma_start3A_54 : memref<128xi32, #tpu.memory_space<hbm>>) target(%arg7 : memref<128xi32, #tpu.memory_space<vmem>>) target_semaphore(%run_scoped3A : memref<!tpu.dma_semaphore, #tpu.memory_space<semaphore_mem>>)
          %dma_wait3A_55 = tpu.memref_slice %arg3[%add3A_46] : memref<323584xi32, #tpu.memory_space<hbm>> -> memref<128xi32, #tpu.memory_space<hbm>>
          %dma_wait3A_56 = tpu.memref_slice %arg3[%add3A_46] : memref<323584xi32, #tpu.memory_space<hbm>> -> memref<128xi32, #tpu.memory_space<hbm>>
          tpu.wait_dma2 semaphore(%run_scoped3A : memref<!tpu.dma_semaphore, #tpu.memory_space<semaphore_mem>>) src(%dma_wait3A_56 : memref<128xi32, #tpu.memory_space<hbm>>) dst(%arg7 : memref<128xi32, #tpu.memory_space<vmem>>)
          tpu.yield
        }) : () -> ()
        "tpu.region"() ({
          %run_scoped3A = tpu.sem_alloc : memref<!tpu.dma_semaphore, #tpu.memory_space<semaphore_mem>>
          %dma_start3A_53 = tpu.memref_slice %arg4[%add3A_46] : memref<323584xi32, #tpu.memory_space<hbm>> -> memref<128xi32, #tpu.memory_space<hbm>>
          %dma_start3A_54 = tpu.memref_slice %arg4[%add3A_46] : memref<323584xi32, #tpu.memory_space<hbm>> -> memref<128xi32, #tpu.memory_space<hbm>>
          tpu.enqueue_dma source(%dma_start3A_54 : memref<128xi32, #tpu.memory_space<hbm>>) target(%arg8 : memref<128xi32, #tpu.memory_space<vmem>>) target_semaphore(%run_scoped3A : memref<!tpu.dma_semaphore, #tpu.memory_space<semaphore_mem>>)
          %dma_wait3A_55 = tpu.memref_slice %arg4[%add3A_46] : memref<323584xi32, #tpu.memory_space<hbm>> -> memref<128xi32, #tpu.memory_space<hbm>>
          %dma_wait3A_56 = tpu.memref_slice %arg4[%add3A_46] : memref<323584xi32, #tpu.memory_space<hbm>> -> memref<128xi32, #tpu.memory_space<hbm>>
          tpu.wait_dma2 semaphore(%run_scoped3A : memref<!tpu.dma_semaphore, #tpu.memory_space<semaphore_mem>>) src(%dma_wait3A_56 : memref<128xi32, #tpu.memory_space<hbm>>) dst(%arg8 : memref<128xi32, #tpu.memory_space<vmem>>)
          tpu.yield
        }) : () -> ()
        %dma_start3A_47 = arith.constant 0 : i32
        %dma_start3A_48 = arith.constant 0 : i32
        %dma_start3A_49 = tpu.memref_slice %arg2[%dma_start3A_47, %dma_start3A_48] : memref<10000x48xf32, #tpu.memory_space<hbm>> -> memref<10000x48xf32, #tpu.memory_space<hbm>>
        tpu.enqueue_indirect_dma source(%dma_start3A_49 : memref<10000x48xf32, #tpu.memory_space<hbm>>) target(%arg11 : memref<128x48xf32, #tpu.memory_space<vmem>>) offsets(%arg7 : memref<128xi32, #tpu.memory_space<vmem>>) semaphore(%arg15 : memref<!tpu.dma_semaphore, #tpu.memory_space<semaphore_mem>>)
        %dma_start3A_50 = arith.constant 0 : i32
        %dma_start3A_51 = arith.constant 0 : i32
        %dma_start3A_52 = tpu.memref_slice %arg2[%dma_start3A_50, %dma_start3A_51] : memref<10000x48xf32, #tpu.memory_space<hbm>> -> memref<10000x48xf32, #tpu.memory_space<hbm>>
        tpu.enqueue_indirect_dma source(%dma_start3A_52 : memref<10000x48xf32, #tpu.memory_space<hbm>>) target(%arg12 : memref<128x48xf32, #tpu.memory_space<vmem>>) offsets(%arg8 : memref<128xi32, #tpu.memory_space<vmem>>) semaphore(%arg15 : memref<!tpu.dma_semaphore, #tpu.memory_space<semaphore_mem>>)
      } else {
      }
      %lt3A_37 = arith.constant 79 : i32
      %lt3A_38 = arith.cmpi slt, %add3A_19, %lt3A_37 : i32
      %convert_element_type3A_39 = arith.extui %lt3A_38 : i1 to i32
      %cond3A_40 = arith.constant 0 : i32
      %cond3A_41 = arith.cmpi ne, %convert_element_type3A_39, %cond3A_40 : i32
      scf.if %cond3A_41 {
        %mul3A_42 = arith.constant 128 : i32
        %mul3A_43 = arith.muli %add3A_19, %mul3A_42 : i32
        %add3A_44 = arith.addi %mul3A_2, %mul3A_43 : i32
        %dma_wait3A_45 = arith.constant 0 : i32
        %dma_wait3A_46 = arith.constant 0 : i32
        %dma_wait3A_47 = tpu.memref_slice %arg2[%dma_wait3A_45, %dma_wait3A_46] : memref<10000x48xf32, #tpu.memory_space<hbm>> -> memref<10000x48xf32, #tpu.memory_space<hbm>>
        tpu.wait_indirect_dma semaphore(%arg16 : memref<!tpu.dma_semaphore, #tpu.memory_space<semaphore_mem>>) src(%dma_wait3A_47 : memref<10000x48xf32, #tpu.memory_space<hbm>>) dst(%arg13 : memref<128x48xf32, #tpu.memory_space<vmem>>)
        %dma_wait3A_48 = arith.constant 0 : i32
        %dma_wait3A_49 = arith.constant 0 : i32
        %dma_wait3A_50 = tpu.memref_slice %arg2[%dma_wait3A_48, %dma_wait3A_49] : memref<10000x48xf32, #tpu.memory_space<hbm>> -> memref<10000x48xf32, #tpu.memory_space<hbm>>
        tpu.wait_indirect_dma semaphore(%arg16 : memref<!tpu.dma_semaphore, #tpu.memory_space<semaphore_mem>>) src(%dma_wait3A_50 : memref<10000x48xf32, #tpu.memory_space<hbm>>) dst(%arg14 : memref<128x48xf32, #tpu.memory_space<vmem>>)
        "tpu.region"() ({
          %run_scoped3A = tpu.sem_alloc : memref<!tpu.dma_semaphore, #tpu.memory_space<semaphore_mem>>
          %dma_start3A_51 = arith.constant 0 : i32
          %dma_start3A_52 = tpu.memref_slice %arg5[%add3A_44, %dma_start3A_51] : memref<323584x48xf32, #tpu.memory_space<hbm>> -> memref<128x48xf32, #tpu.memory_space<hbm>>
          %dma_start3A_53 = arith.constant 0 : i32
          %dma_start3A_54 = tpu.memref_slice %arg5[%add3A_44, %dma_start3A_53] : memref<323584x48xf32, #tpu.memory_space<hbm>> -> memref<128x48xf32, #tpu.memory_space<hbm>>
          tpu.enqueue_dma source(%arg13 : memref<128x48xf32, #tpu.memory_space<vmem>>) target(%dma_start3A_54 : memref<128x48xf32, #tpu.memory_space<hbm>>) target_semaphore(%run_scoped3A : memref<!tpu.dma_semaphore, #tpu.memory_space<semaphore_mem>>)
          %dma_wait3A_55 = arith.constant 0 : i32
          %dma_wait3A_56 = tpu.memref_slice %arg5[%add3A_44, %dma_wait3A_55] : memref<323584x48xf32, #tpu.memory_space<hbm>> -> memref<128x48xf32, #tpu.memory_space<hbm>>
          %dma_wait3A_57 = arith.constant 0 : i32
          %dma_wait3A_58 = tpu.memref_slice %arg5[%add3A_44, %dma_wait3A_57] : memref<323584x48xf32, #tpu.memory_space<hbm>> -> memref<128x48xf32, #tpu.memory_space<hbm>>
          tpu.wait_dma2 semaphore(%run_scoped3A : memref<!tpu.dma_semaphore, #tpu.memory_space<semaphore_mem>>) src(%arg13 : memref<128x48xf32, #tpu.memory_space<vmem>>) dst(%dma_wait3A_58 : memref<128x48xf32, #tpu.memory_space<hbm>>)
          tpu.yield
        }) : () -> ()
        "tpu.region"() ({
          %run_scoped3A = tpu.sem_alloc : memref<!tpu.dma_semaphore, #tpu.memory_space<semaphore_mem>>
          %dma_start3A_51 = arith.constant 0 : i32
          %dma_start3A_52 = tpu.memref_slice %arg6[%add3A_44, %dma_start3A_51] : memref<323584x48xf32, #tpu.memory_space<hbm>> -> memref<128x48xf32, #tpu.memory_space<hbm>>
          %dma_start3A_53 = arith.constant 0 : i32
          %dma_start3A_54 = tpu.memref_slice %arg6[%add3A_44, %dma_start3A_53] : memref<323584x48xf32, #tpu.memory_space<hbm>> -> memref<128x48xf32, #tpu.memory_space<hbm>>
          tpu.enqueue_dma source(%arg14 : memref<128x48xf32, #tpu.memory_space<vmem>>) target(%dma_start3A_54 : memref<128x48xf32, #tpu.memory_space<hbm>>) target_semaphore(%run_scoped3A : memref<!tpu.dma_semaphore, #tpu.memory_space<semaphore_mem>>)
          %dma_wait3A_55 = arith.constant 0 : i32
          %dma_wait3A_56 = tpu.memref_slice %arg6[%add3A_44, %dma_wait3A_55] : memref<323584x48xf32, #tpu.memory_space<hbm>> -> memref<128x48xf32, #tpu.memory_space<hbm>>
          %dma_wait3A_57 = arith.constant 0 : i32
          %dma_wait3A_58 = tpu.memref_slice %arg6[%add3A_44, %dma_wait3A_57] : memref<323584x48xf32, #tpu.memory_space<hbm>> -> memref<128x48xf32, #tpu.memory_space<hbm>>
          tpu.wait_dma2 semaphore(%run_scoped3A : memref<!tpu.dma_semaphore, #tpu.memory_space<semaphore_mem>>) src(%arg14 : memref<128x48xf32, #tpu.memory_space<vmem>>) dst(%dma_wait3A_58 : memref<128x48xf32, #tpu.memory_space<hbm>>)
          tpu.yield
        }) : () -> ()
      } else {
      }
    }
    %scan3A_14 = arith.constant 40 : i32
    return
  }
}

#map = affine_map<(d0, d1) -> (0, 0)>
#map1 = affine_map<(d0, d1) -> (0)>
module attributes {stable_mosaic.version = 14 : i64} {
  func.func @gk(%arg0: i32, %arg1: i32, %arg2: memref<10000x32xf32, #tpu.memory_space<hbm>>, %arg3: memref<323584xi32, #tpu.memory_space<hbm>>, %arg4: memref<323584xi32, #tpu.memory_space<hbm>>, %arg5: memref<323584x32xf32, #tpu.memory_space<hbm>>, %arg6: memref<323584x32xf32, #tpu.memory_space<hbm>>, %arg7: memref<128xi32, #tpu.memory_space<vmem>>, %arg8: memref<128xi32, #tpu.memory_space<vmem>>, %arg9: memref<128xi32, #tpu.memory_space<vmem>>, %arg10: memref<128xi32, #tpu.memory_space<vmem>>, %arg11: memref<128x32xf32, #tpu.memory_space<vmem>>, %arg12: memref<128x32xf32, #tpu.memory_space<vmem>>, %arg13: memref<128x32xf32, #tpu.memory_space<vmem>>, %arg14: memref<128x32xf32, #tpu.memory_space<vmem>>, %arg15: memref<!tpu.dma_semaphore, #tpu.memory_space<semaphore_mem>>, %arg16: memref<!tpu.dma_semaphore, #tpu.memory_space<semaphore_mem>>) attributes {dimension_semantics = [#tpu.dimension_semantics<core_parallel>, #tpu.dimension_semantics<subcore_parallel>], iteration_bounds = array<i64: 2, 16>, scalar_prefetch = 0 : i64, scratch_operands = 10 : i64, tpu.core_type = #tpu.core_type<sc_vector_subcore>, window_params = [{transform_indices = #map}, {transform_indices = #map1}, {transform_indices = #map1}, {transform_indices = #map}, {transform_indices = #map}]} {
    %mul3A = arith.constant 2 : i32
    %mul3A_0 = arith.muli %arg1, %mul3A : i32
    %add3A = arith.addi %mul3A_0, %arg0 : i32
    %mul3A_1 = arith.constant 10112 : i32
    %mul3A_2 = arith.muli %add3A, %mul3A_1 : i32
    %add3A_3 = arith.constant 0 : i32
    %add3A_4 = arith.addi %mul3A_2, %add3A_3 : i32
    "tpu.region"() ({
      %run_scoped3A = tpu.sem_alloc : memref<!tpu.dma_semaphore, #tpu.memory_space<semaphore_mem>>
      %dma_start3A_15 = tpu.memref_slice %arg3[%add3A_4] : memref<323584xi32, #tpu.memory_space<hbm>> -> memref<128xi32, #tpu.memory_space<hbm>>
      %dma_start3A_16 = tpu.memref_slice %arg3[%add3A_4] : memref<323584xi32, #tpu.memory_space<hbm>> -> memref<128xi32, #tpu.memory_space<hbm>>
      tpu.enqueue_dma source(%dma_start3A_16 : memref<128xi32, #tpu.memory_space<hbm>>) target(%arg7 : memref<128xi32, #tpu.memory_space<vmem>>) target_semaphore(%run_scoped3A : memref<!tpu.dma_semaphore, #tpu.memory_space<semaphore_mem>>)
      %dma_wait3A = tpu.memref_slice %arg3[%add3A_4] : memref<323584xi32, #tpu.memory_space<hbm>> -> memref<128xi32, #tpu.memory_space<hbm>>
      %dma_wait3A_17 = tpu.memref_slice %arg3[%add3A_4] : memref<323584xi32, #tpu.memory_space<hbm>> -> memref<128xi32, #tpu.memory_space<hbm>>
      tpu.wait_dma2 semaphore(%run_scoped3A : memref<!tpu.dma_semaphore, #tpu.memory_space<semaphore_mem>>) src(%dma_wait3A_17 : memref<128xi32, #tpu.memory_space<hbm>>) dst(%arg7 : memref<128xi32, #tpu.memory_space<vmem>>)
      tpu.yield
    }) : () -> ()
    "tpu.region"() ({
      %run_scoped3A = tpu.sem_alloc : memref<!tpu.dma_semaphore, #tpu.memory_space<semaphore_mem>>
      %dma_start3A_15 = tpu.memref_slice %arg4[%add3A_4] : memref<323584xi32, #tpu.memory_space<hbm>> -> memref<128xi32, #tpu.memory_space<hbm>>
      %dma_start3A_16 = tpu.memref_slice %arg4[%add3A_4] : memref<323584xi32, #tpu.memory_space<hbm>> -> memref<128xi32, #tpu.memory_space<hbm>>
      tpu.enqueue_dma source(%dma_start3A_16 : memref<128xi32, #tpu.memory_space<hbm>>) target(%arg8 : memref<128xi32, #tpu.memory_space<vmem>>) target_semaphore(%run_scoped3A : memref<!tpu.dma_semaphore, #tpu.memory_space<semaphore_mem>>)
      %dma_wait3A = tpu.memref_slice %arg4[%add3A_4] : memref<323584xi32, #tpu.memory_space<hbm>> -> memref<128xi32, #tpu.memory_space<hbm>>
      %dma_wait3A_17 = tpu.memref_slice %arg4[%add3A_4] : memref<323584xi32, #tpu.memory_space<hbm>> -> memref<128xi32, #tpu.memory_space<hbm>>
      tpu.wait_dma2 semaphore(%run_scoped3A : memref<!tpu.dma_semaphore, #tpu.memory_space<semaphore_mem>>) src(%dma_wait3A_17 : memref<128xi32, #tpu.memory_space<hbm>>) dst(%arg8 : memref<128xi32, #tpu.memory_space<vmem>>)
      tpu.yield
    }) : () -> ()
    %dma_start3A = arith.constant 0 : i32
    %dma_start3A_5 = arith.constant 0 : i32
    %dma_start3A_6 = tpu.memref_slice %arg2[%dma_start3A, %dma_start3A_5] : memref<10000x32xf32, #tpu.memory_space<hbm>> -> memref<10000x32xf32, #tpu.memory_space<hbm>>
    tpu.enqueue_indirect_dma source(%dma_start3A_6 : memref<10000x32xf32, #tpu.memory_space<hbm>>) target(%arg11 : memref<128x32xf32, #tpu.memory_space<vmem>>) offsets(%arg7 : memref<128xi32, #tpu.memory_space<vmem>>) semaphore(%arg15 : memref<!tpu.dma_semaphore, #tpu.memory_space<semaphore_mem>>)
    %dma_start3A_7 = arith.constant 0 : i32
    %dma_start3A_8 = arith.constant 0 : i32
    %dma_start3A_9 = tpu.memref_slice %arg2[%dma_start3A_7, %dma_start3A_8] : memref<10000x32xf32, #tpu.memory_space<hbm>> -> memref<10000x32xf32, #tpu.memory_space<hbm>>
    tpu.enqueue_indirect_dma source(%dma_start3A_9 : memref<10000x32xf32, #tpu.memory_space<hbm>>) target(%arg12 : memref<128x32xf32, #tpu.memory_space<vmem>>) offsets(%arg8 : memref<128xi32, #tpu.memory_space<vmem>>) semaphore(%arg15 : memref<!tpu.dma_semaphore, #tpu.memory_space<semaphore_mem>>)
    %scan3A = arith.constant 0 : i32
    %scan3A_10 = arith.constant 0 : i32
    %scan3A_11 = arith.constant 40 : i32
    %scan3A_12 = arith.addi %scan3A_10, %scan3A_11 : i32
    %scan3A_13 = arith.constant 1 : i32
    scf.for %scan3A_15 = %scan3A_10 to %scan3A_12 step %scan3A_13  : i32 {
      %mul3A_16 = arith.constant 2 : i32
      %mul3A_17 = arith.muli %mul3A_16, %scan3A_15 : i32
      %add3A_18 = arith.constant 1 : i32
      %add3A_19 = arith.addi %mul3A_17, %add3A_18 : i32
      %lt3A = arith.constant 79 : i32
      %lt3A_20 = arith.cmpi slt, %add3A_19, %lt3A : i32
      %convert_element_type3A = arith.extui %lt3A_20 : i1 to i32
      %cond3A = arith.constant 0 : i32
      %cond3A_21 = arith.cmpi ne, %convert_element_type3A, %cond3A : i32
      scf.if %cond3A_21 {
        %mul3A_42 = arith.constant 128 : i32
        %mul3A_43 = arith.muli %add3A_19, %mul3A_42 : i32
        %add3A_44 = arith.addi %mul3A_2, %mul3A_43 : i32
        "tpu.region"() ({
          %run_scoped3A = tpu.sem_alloc : memref<!tpu.dma_semaphore, #tpu.memory_space<semaphore_mem>>
          %dma_start3A_51 = tpu.memref_slice %arg3[%add3A_44] : memref<323584xi32, #tpu.memory_space<hbm>> -> memref<128xi32, #tpu.memory_space<hbm>>
          %dma_start3A_52 = tpu.memref_slice %arg3[%add3A_44] : memref<323584xi32, #tpu.memory_space<hbm>> -> memref<128xi32, #tpu.memory_space<hbm>>
          tpu.enqueue_dma source(%dma_start3A_52 : memref<128xi32, #tpu.memory_space<hbm>>) target(%arg9 : memref<128xi32, #tpu.memory_space<vmem>>) target_semaphore(%run_scoped3A : memref<!tpu.dma_semaphore, #tpu.memory_space<semaphore_mem>>)
          %dma_wait3A_53 = tpu.memref_slice %arg3[%add3A_44] : memref<323584xi32, #tpu.memory_space<hbm>> -> memref<128xi32, #tpu.memory_space<hbm>>
          %dma_wait3A_54 = tpu.memref_slice %arg3[%add3A_44] : memref<323584xi32, #tpu.memory_space<hbm>> -> memref<128xi32, #tpu.memory_space<hbm>>
          tpu.wait_dma2 semaphore(%run_scoped3A : memref<!tpu.dma_semaphore, #tpu.memory_space<semaphore_mem>>) src(%dma_wait3A_54 : memref<128xi32, #tpu.memory_space<hbm>>) dst(%arg9 : memref<128xi32, #tpu.memory_space<vmem>>)
          tpu.yield
        }) : () -> ()
        "tpu.region"() ({
          %run_scoped3A = tpu.sem_alloc : memref<!tpu.dma_semaphore, #tpu.memory_space<semaphore_mem>>
          %dma_start3A_51 = tpu.memref_slice %arg4[%add3A_44] : memref<323584xi32, #tpu.memory_space<hbm>> -> memref<128xi32, #tpu.memory_space<hbm>>
          %dma_start3A_52 = tpu.memref_slice %arg4[%add3A_44] : memref<323584xi32, #tpu.memory_space<hbm>> -> memref<128xi32, #tpu.memory_space<hbm>>
          tpu.enqueue_dma source(%dma_start3A_52 : memref<128xi32, #tpu.memory_space<hbm>>) target(%arg10 : memref<128xi32, #tpu.memory_space<vmem>>) target_semaphore(%run_scoped3A : memref<!tpu.dma_semaphore, #tpu.memory_space<semaphore_mem>>)
          %dma_wait3A_53 = tpu.memref_slice %arg4[%add3A_44] : memref<323584xi32, #tpu.memory_space<hbm>> -> memref<128xi32, #tpu.memory_space<hbm>>
          %dma_wait3A_54 = tpu.memref_slice %arg4[%add3A_44] : memref<323584xi32, #tpu.memory_space<hbm>> -> memref<128xi32, #tpu.memory_space<hbm>>
          tpu.wait_dma2 semaphore(%run_scoped3A : memref<!tpu.dma_semaphore, #tpu.memory_space<semaphore_mem>>) src(%dma_wait3A_54 : memref<128xi32, #tpu.memory_space<hbm>>) dst(%arg10 : memref<128xi32, #tpu.memory_space<vmem>>)
          tpu.yield
        }) : () -> ()
        %dma_start3A_45 = arith.constant 0 : i32
        %dma_start3A_46 = arith.constant 0 : i32
        %dma_start3A_47 = tpu.memref_slice %arg2[%dma_start3A_45, %dma_start3A_46] : memref<10000x32xf32, #tpu.memory_space<hbm>> -> memref<10000x32xf32, #tpu.memory_space<hbm>>
        tpu.enqueue_indirect_dma source(%dma_start3A_47 : memref<10000x32xf32, #tpu.memory_space<hbm>>) target(%arg13 : memref<128x32xf32, #tpu.memory_space<vmem>>) offsets(%arg9 : memref<128xi32, #tpu.memory_space<vmem>>) semaphore(%arg16 : memref<!tpu.dma_semaphore, #tpu.memory_space<semaphore_mem>>)
        %dma_start3A_48 = arith.constant 0 : i32
        %dma_start3A_49 = arith.constant 0 : i32
        %dma_start3A_50 = tpu.memref_slice %arg2[%dma_start3A_48, %dma_start3A_49] : memref<10000x32xf32, #tpu.memory_space<hbm>> -> memref<10000x32xf32, #tpu.memory_space<hbm>>
        tpu.enqueue_indirect_dma source(%dma_start3A_50 : memref<10000x32xf32, #tpu.memory_space<hbm>>) target(%arg14 : memref<128x32xf32, #tpu.memory_space<vmem>>) offsets(%arg10 : memref<128xi32, #tpu.memory_space<vmem>>) semaphore(%arg16 : memref<!tpu.dma_semaphore, #tpu.memory_space<semaphore_mem>>)
      } else {
      }
      %mul3A_22 = arith.constant 128 : i32
      %mul3A_23 = arith.muli %mul3A_17, %mul3A_22 : i32
      %add3A_24 = arith.addi %mul3A_2, %mul3A_23 : i32
      %dma_wait3A = arith.constant 0 : i32
      %dma_wait3A_25 = arith.constant 0 : i32
      %dma_wait3A_26 = tpu.memref_slice %arg2[%dma_wait3A, %dma_wait3A_25] : memref<10000x32xf32, #tpu.memory_space<hbm>> -> memref<10000x32xf32, #tpu.memory_space<hbm>>
      tpu.wait_indirect_dma semaphore(%arg15 : memref<!tpu.dma_semaphore, #tpu.memory_space<semaphore_mem>>) src(%dma_wait3A_26 : memref<10000x32xf32, #tpu.memory_space<hbm>>) dst(%arg11 : memref<128x32xf32, #tpu.memory_space<vmem>>)
      %dma_wait3A_27 = arith.constant 0 : i32
      %dma_wait3A_28 = arith.constant 0 : i32
      %dma_wait3A_29 = tpu.memref_slice %arg2[%dma_wait3A_27, %dma_wait3A_28] : memref<10000x32xf32, #tpu.memory_space<hbm>> -> memref<10000x32xf32, #tpu.memory_space<hbm>>
      tpu.wait_indirect_dma semaphore(%arg15 : memref<!tpu.dma_semaphore, #tpu.memory_space<semaphore_mem>>) src(%dma_wait3A_29 : memref<10000x32xf32, #tpu.memory_space<hbm>>) dst(%arg12 : memref<128x32xf32, #tpu.memory_space<vmem>>)
      "tpu.region"() ({
        %run_scoped3A = tpu.sem_alloc : memref<!tpu.dma_semaphore, #tpu.memory_space<semaphore_mem>>
        %dma_start3A_42 = arith.constant 0 : i32
        %dma_start3A_43 = tpu.memref_slice %arg5[%add3A_24, %dma_start3A_42] : memref<323584x32xf32, #tpu.memory_space<hbm>> -> memref<128x32xf32, #tpu.memory_space<hbm>>
        %dma_start3A_44 = arith.constant 0 : i32
        %dma_start3A_45 = tpu.memref_slice %arg5[%add3A_24, %dma_start3A_44] : memref<323584x32xf32, #tpu.memory_space<hbm>> -> memref<128x32xf32, #tpu.memory_space<hbm>>
        tpu.enqueue_dma source(%arg11 : memref<128x32xf32, #tpu.memory_space<vmem>>) target(%dma_start3A_45 : memref<128x32xf32, #tpu.memory_space<hbm>>) target_semaphore(%run_scoped3A : memref<!tpu.dma_semaphore, #tpu.memory_space<semaphore_mem>>)
        %dma_wait3A_46 = arith.constant 0 : i32
        %dma_wait3A_47 = tpu.memref_slice %arg5[%add3A_24, %dma_wait3A_46] : memref<323584x32xf32, #tpu.memory_space<hbm>> -> memref<128x32xf32, #tpu.memory_space<hbm>>
        %dma_wait3A_48 = arith.constant 0 : i32
        %dma_wait3A_49 = tpu.memref_slice %arg5[%add3A_24, %dma_wait3A_48] : memref<323584x32xf32, #tpu.memory_space<hbm>> -> memref<128x32xf32, #tpu.memory_space<hbm>>
        tpu.wait_dma2 semaphore(%run_scoped3A : memref<!tpu.dma_semaphore, #tpu.memory_space<semaphore_mem>>) src(%arg11 : memref<128x32xf32, #tpu.memory_space<vmem>>) dst(%dma_wait3A_49 : memref<128x32xf32, #tpu.memory_space<hbm>>)
        tpu.yield
      }) : () -> ()
      "tpu.region"() ({
        %run_scoped3A = tpu.sem_alloc : memref<!tpu.dma_semaphore, #tpu.memory_space<semaphore_mem>>
        %dma_start3A_42 = arith.constant 0 : i32
        %dma_start3A_43 = tpu.memref_slice %arg6[%add3A_24, %dma_start3A_42] : memref<323584x32xf32, #tpu.memory_space<hbm>> -> memref<128x32xf32, #tpu.memory_space<hbm>>
        %dma_start3A_44 = arith.constant 0 : i32
        %dma_start3A_45 = tpu.memref_slice %arg6[%add3A_24, %dma_start3A_44] : memref<323584x32xf32, #tpu.memory_space<hbm>> -> memref<128x32xf32, #tpu.memory_space<hbm>>
        tpu.enqueue_dma source(%arg12 : memref<128x32xf32, #tpu.memory_space<vmem>>) target(%dma_start3A_45 : memref<128x32xf32, #tpu.memory_space<hbm>>) target_semaphore(%run_scoped3A : memref<!tpu.dma_semaphore, #tpu.memory_space<semaphore_mem>>)
        %dma_wait3A_46 = arith.constant 0 : i32
        %dma_wait3A_47 = tpu.memref_slice %arg6[%add3A_24, %dma_wait3A_46] : memref<323584x32xf32, #tpu.memory_space<hbm>> -> memref<128x32xf32, #tpu.memory_space<hbm>>
        %dma_wait3A_48 = arith.constant 0 : i32
        %dma_wait3A_49 = tpu.memref_slice %arg6[%add3A_24, %dma_wait3A_48] : memref<323584x32xf32, #tpu.memory_space<hbm>> -> memref<128x32xf32, #tpu.memory_space<hbm>>
        tpu.wait_dma2 semaphore(%run_scoped3A : memref<!tpu.dma_semaphore, #tpu.memory_space<semaphore_mem>>) src(%arg12 : memref<128x32xf32, #tpu.memory_space<vmem>>) dst(%dma_wait3A_49 : memref<128x32xf32, #tpu.memory_space<hbm>>)
        tpu.yield
      }) : () -> ()
      %add3A_30 = arith.constant 2 : i32
      %add3A_31 = arith.addi %mul3A_17, %add3A_30 : i32
      %lt3A_32 = arith.constant 79 : i32
      %lt3A_33 = arith.cmpi slt, %add3A_31, %lt3A_32 : i32
      %convert_element_type3A_34 = arith.extui %lt3A_33 : i1 to i32
      %cond3A_35 = arith.constant 0 : i32
      %cond3A_36 = arith.cmpi ne, %convert_element_type3A_34, %cond3A_35 : i32
      scf.if %cond3A_36 {
        %add3A_42 = arith.constant 2 : i32
        %add3A_43 = arith.addi %mul3A_17, %add3A_42 : i32
        %mul3A_44 = arith.constant 128 : i32
        %mul3A_45 = arith.muli %add3A_43, %mul3A_44 : i32
        %add3A_46 = arith.addi %mul3A_2, %mul3A_45 : i32
        "tpu.region"() ({
          %run_scoped3A = tpu.sem_alloc : memref<!tpu.dma_semaphore, #tpu.memory_space<semaphore_mem>>
          %dma_start3A_53 = tpu.memref_slice %arg3[%add3A_46] : memref<323584xi32, #tpu.memory_space<hbm>> -> memref<128xi32, #tpu.memory_space<hbm>>
          %dma_start3A_54 = tpu.memref_slice %arg3[%add3A_46] : memref<323584xi32, #tpu.memory_space<hbm>> -> memref<128xi32, #tpu.memory_space<hbm>>
          tpu.enqueue_dma source(%dma_start3A_54 : memref<128xi32, #tpu.memory_space<hbm>>) target(%arg7 : memref<128xi32, #tpu.memory_space<vmem>>) target_semaphore(%run_scoped3A : memref<!tpu.dma_semaphore, #tpu.memory_space<semaphore_mem>>)
          %dma_wait3A_55 = tpu.memref_slice %arg3[%add3A_46] : memref<323584xi32, #tpu.memory_space<hbm>> -> memref<128xi32, #tpu.memory_space<hbm>>
          %dma_wait3A_56 = tpu.memref_slice %arg3[%add3A_46] : memref<323584xi32, #tpu.memory_space<hbm>> -> memref<128xi32, #tpu.memory_space<hbm>>
          tpu.wait_dma2 semaphore(%run_scoped3A : memref<!tpu.dma_semaphore, #tpu.memory_space<semaphore_mem>>) src(%dma_wait3A_56 : memref<128xi32, #tpu.memory_space<hbm>>) dst(%arg7 : memref<128xi32, #tpu.memory_space<vmem>>)
          tpu.yield
        }) : () -> ()
        "tpu.region"() ({
          %run_scoped3A = tpu.sem_alloc : memref<!tpu.dma_semaphore, #tpu.memory_space<semaphore_mem>>
          %dma_start3A_53 = tpu.memref_slice %arg4[%add3A_46] : memref<323584xi32, #tpu.memory_space<hbm>> -> memref<128xi32, #tpu.memory_space<hbm>>
          %dma_start3A_54 = tpu.memref_slice %arg4[%add3A_46] : memref<323584xi32, #tpu.memory_space<hbm>> -> memref<128xi32, #tpu.memory_space<hbm>>
          tpu.enqueue_dma source(%dma_start3A_54 : memref<128xi32, #tpu.memory_space<hbm>>) target(%arg8 : memref<128xi32, #tpu.memory_space<vmem>>) target_semaphore(%run_scoped3A : memref<!tpu.dma_semaphore, #tpu.memory_space<semaphore_mem>>)
          %dma_wait3A_55 = tpu.memref_slice %arg4[%add3A_46] : memref<323584xi32, #tpu.memory_space<hbm>> -> memref<128xi32, #tpu.memory_space<hbm>>
          %dma_wait3A_56 = tpu.memref_slice %arg4[%add3A_46] : memref<323584xi32, #tpu.memory_space<hbm>> -> memref<128xi32, #tpu.memory_space<hbm>>
          tpu.wait_dma2 semaphore(%run_scoped3A : memref<!tpu.dma_semaphore, #tpu.memory_space<semaphore_mem>>) src(%dma_wait3A_56 : memref<128xi32, #tpu.memory_space<hbm>>) dst(%arg8 : memref<128xi32, #tpu.memory_space<vmem>>)
          tpu.yield
        }) : () -> ()
        %dma_start3A_47 = arith.constant 0 : i32
        %dma_start3A_48 = arith.constant 0 : i32
        %dma_start3A_49 = tpu.memref_slice %arg2[%dma_start3A_47, %dma_start3A_48] : memref<10000x32xf32, #tpu.memory_space<hbm>> -> memref<10000x32xf32, #tpu.memory_space<hbm>>
        tpu.enqueue_indirect_dma source(%dma_start3A_49 : memref<10000x32xf32, #tpu.memory_space<hbm>>) target(%arg11 : memref<128x32xf32, #tpu.memory_space<vmem>>) offsets(%arg7 : memref<128xi32, #tpu.memory_space<vmem>>) semaphore(%arg15 : memref<!tpu.dma_semaphore, #tpu.memory_space<semaphore_mem>>)
        %dma_start3A_50 = arith.constant 0 : i32
        %dma_start3A_51 = arith.constant 0 : i32
        %dma_start3A_52 = tpu.memref_slice %arg2[%dma_start3A_50, %dma_start3A_51] : memref<10000x32xf32, #tpu.memory_space<hbm>> -> memref<10000x32xf32, #tpu.memory_space<hbm>>
        tpu.enqueue_indirect_dma source(%dma_start3A_52 : memref<10000x32xf32, #tpu.memory_space<hbm>>) target(%arg12 : memref<128x32xf32, #tpu.memory_space<vmem>>) offsets(%arg8 : memref<128xi32, #tpu.memory_space<vmem>>) semaphore(%arg15 : memref<!tpu.dma_semaphore, #tpu.memory_space<semaphore_mem>>)
      } else {
      }
      %lt3A_37 = arith.constant 79 : i32
      %lt3A_38 = arith.cmpi slt, %add3A_19, %lt3A_37 : i32
      %convert_element_type3A_39 = arith.extui %lt3A_38 : i1 to i32
      %cond3A_40 = arith.constant 0 : i32
      %cond3A_41 = arith.cmpi ne, %convert_element_type3A_39, %cond3A_40 : i32
      scf.if %cond3A_41 {
        %mul3A_42 = arith.constant 128 : i32
        %mul3A_43 = arith.muli %add3A_19, %mul3A_42 : i32
        %add3A_44 = arith.addi %mul3A_2, %mul3A_43 : i32
        %dma_wait3A_45 = arith.constant 0 : i32
        %dma_wait3A_46 = arith.constant 0 : i32
        %dma_wait3A_47 = tpu.memref_slice %arg2[%dma_wait3A_45, %dma_wait3A_46] : memref<10000x32xf32, #tpu.memory_space<hbm>> -> memref<10000x32xf32, #tpu.memory_space<hbm>>
        tpu.wait_indirect_dma semaphore(%arg16 : memref<!tpu.dma_semaphore, #tpu.memory_space<semaphore_mem>>) src(%dma_wait3A_47 : memref<10000x32xf32, #tpu.memory_space<hbm>>) dst(%arg13 : memref<128x32xf32, #tpu.memory_space<vmem>>)
        %dma_wait3A_48 = arith.constant 0 : i32
        %dma_wait3A_49 = arith.constant 0 : i32
        %dma_wait3A_50 = tpu.memref_slice %arg2[%dma_wait3A_48, %dma_wait3A_49] : memref<10000x32xf32, #tpu.memory_space<hbm>> -> memref<10000x32xf32, #tpu.memory_space<hbm>>
        tpu.wait_indirect_dma semaphore(%arg16 : memref<!tpu.dma_semaphore, #tpu.memory_space<semaphore_mem>>) src(%dma_wait3A_50 : memref<10000x32xf32, #tpu.memory_space<hbm>>) dst(%arg14 : memref<128x32xf32, #tpu.memory_space<vmem>>)
        "tpu.region"() ({
          %run_scoped3A = tpu.sem_alloc : memref<!tpu.dma_semaphore, #tpu.memory_space<semaphore_mem>>
          %dma_start3A_51 = arith.constant 0 : i32
          %dma_start3A_52 = tpu.memref_slice %arg5[%add3A_44, %dma_start3A_51] : memref<323584x32xf32, #tpu.memory_space<hbm>> -> memref<128x32xf32, #tpu.memory_space<hbm>>
          %dma_start3A_53 = arith.constant 0 : i32
          %dma_start3A_54 = tpu.memref_slice %arg5[%add3A_44, %dma_start3A_53] : memref<323584x32xf32, #tpu.memory_space<hbm>> -> memref<128x32xf32, #tpu.memory_space<hbm>>
          tpu.enqueue_dma source(%arg13 : memref<128x32xf32, #tpu.memory_space<vmem>>) target(%dma_start3A_54 : memref<128x32xf32, #tpu.memory_space<hbm>>) target_semaphore(%run_scoped3A : memref<!tpu.dma_semaphore, #tpu.memory_space<semaphore_mem>>)
          %dma_wait3A_55 = arith.constant 0 : i32
          %dma_wait3A_56 = tpu.memref_slice %arg5[%add3A_44, %dma_wait3A_55] : memref<323584x32xf32, #tpu.memory_space<hbm>> -> memref<128x32xf32, #tpu.memory_space<hbm>>
          %dma_wait3A_57 = arith.constant 0 : i32
          %dma_wait3A_58 = tpu.memref_slice %arg5[%add3A_44, %dma_wait3A_57] : memref<323584x32xf32, #tpu.memory_space<hbm>> -> memref<128x32xf32, #tpu.memory_space<hbm>>
          tpu.wait_dma2 semaphore(%run_scoped3A : memref<!tpu.dma_semaphore, #tpu.memory_space<semaphore_mem>>) src(%arg13 : memref<128x32xf32, #tpu.memory_space<vmem>>) dst(%dma_wait3A_58 : memref<128x32xf32, #tpu.memory_space<hbm>>)
          tpu.yield
        }) : () -> ()
        "tpu.region"() ({
          %run_scoped3A = tpu.sem_alloc : memref<!tpu.dma_semaphore, #tpu.memory_space<semaphore_mem>>
          %dma_start3A_51 = arith.constant 0 : i32
          %dma_start3A_52 = tpu.memref_slice %arg6[%add3A_44, %dma_start3A_51] : memref<323584x32xf32, #tpu.memory_space<hbm>> -> memref<128x32xf32, #tpu.memory_space<hbm>>
          %dma_start3A_53 = arith.constant 0 : i32
          %dma_start3A_54 = tpu.memref_slice %arg6[%add3A_44, %dma_start3A_53] : memref<323584x32xf32, #tpu.memory_space<hbm>> -> memref<128x32xf32, #tpu.memory_space<hbm>>
          tpu.enqueue_dma source(%arg14 : memref<128x32xf32, #tpu.memory_space<vmem>>) target(%dma_start3A_54 : memref<128x32xf32, #tpu.memory_space<hbm>>) target_semaphore(%run_scoped3A : memref<!tpu.dma_semaphore, #tpu.memory_space<semaphore_mem>>)
          %dma_wait3A_55 = arith.constant 0 : i32
          %dma_wait3A_56 = tpu.memref_slice %arg6[%add3A_44, %dma_wait3A_55] : memref<323584x32xf32, #tpu.memory_space<hbm>> -> memref<128x32xf32, #tpu.memory_space<hbm>>
          %dma_wait3A_57 = arith.constant 0 : i32
          %dma_wait3A_58 = tpu.memref_slice %arg6[%add3A_44, %dma_wait3A_57] : memref<323584x32xf32, #tpu.memory_space<hbm>> -> memref<128x32xf32, #tpu.memory_space<hbm>>
          tpu.wait_dma2 semaphore(%run_scoped3A : memref<!tpu.dma_semaphore, #tpu.memory_space<semaphore_mem>>) src(%arg14 : memref<128x32xf32, #tpu.memory_space<vmem>>) dst(%dma_wait3A_58 : memref<128x32xf32, #tpu.memory_space<hbm>>)
          tpu.yield
        }) : () -> ()
      } else {
      }
    }
    %scan3A_14 = arith.constant 40 : i32
    return
  }
}

#map = affine_map<(d0, d1) -> (0, 0)>
#map1 = affine_map<(d0, d1) -> (0)>
module attributes {stable_mosaic.version = 14 : i64} {
  func.func @sk(%arg0: i32, %arg1: i32, %arg2: memref<323584x32xf32, #tpu.memory_space<hbm>>, %arg3: memref<323584xi32, #tpu.memory_space<hbm>>, %arg4: memref<632x32xf32, #tpu.memory_space<hbm>>, %arg5: memref<20224x32xf32, #tpu.memory_space<hbm>>, %arg6: memref<128xi32, #tpu.memory_space<vmem>>, %arg7: memref<128x32xf32, #tpu.memory_space<vmem>>, %arg8: memref<632x32xf32, #tpu.memory_space<vmem>>, %arg9: memref<10112x32xf32, #tpu.memory_space<vmem_shared>>, %arg10: memref<!tpu.dma_semaphore, #tpu.memory_space<semaphore_mem>>) attributes {dimension_semantics = [#tpu.dimension_semantics<core_parallel>, #tpu.dimension_semantics<subcore_parallel>], iteration_bounds = array<i64: 2, 16>, scalar_prefetch = 0 : i64, scratch_operands = 5 : i64, tpu.core_type = #tpu.core_type<sc_vector_subcore>, window_params = [{transform_indices = #map}, {transform_indices = #map1}, {transform_indices = #map}, {transform_indices = #map}]} {
    %mul3A = arith.constant 2 : i32
    %mul3A_0 = arith.muli %arg1, %mul3A : i32
    %add3A = arith.addi %mul3A_0, %arg0 : i32
    %mul3A_1 = arith.constant 10112 : i32
    %mul3A_2 = arith.muli %add3A, %mul3A_1 : i32
    %mul3A_3 = arith.constant 632 : i32
    %mul3A_4 = arith.muli %arg1, %mul3A_3 : i32
    "tpu.region"() ({
      %run_scoped3A = tpu.sem_alloc : memref<!tpu.dma_semaphore, #tpu.memory_space<semaphore_mem>>
      %dma_start3A = arith.constant 0 : i32
      %dma_start3A_18 = tpu.memref_slice %arg9[%mul3A_4, %dma_start3A] : memref<10112x32xf32, #tpu.memory_space<vmem_shared>> -> memref<632x32xf32, #tpu.memory_space<vmem_shared>>
      tpu.enqueue_dma source(%arg4 : memref<632x32xf32, #tpu.memory_space<hbm>>) target(%dma_start3A_18 : memref<632x32xf32, #tpu.memory_space<vmem_shared>>) target_semaphore(%run_scoped3A : memref<!tpu.dma_semaphore, #tpu.memory_space<semaphore_mem>>)
      %dma_wait3A = arith.constant 0 : i32
      %dma_wait3A_19 = tpu.memref_slice %arg9[%mul3A_4, %dma_wait3A] : memref<10112x32xf32, #tpu.memory_space<vmem_shared>> -> memref<632x32xf32, #tpu.memory_space<vmem_shared>>
      tpu.wait_dma2 semaphore(%run_scoped3A : memref<!tpu.dma_semaphore, #tpu.memory_space<semaphore_mem>>) src(%arg4 : memref<632x32xf32, #tpu.memory_space<hbm>>) dst(%dma_wait3A_19 : memref<632x32xf32, #tpu.memory_space<vmem_shared>>)
      tpu.yield
    }) : () -> ()
    %barrier3A = arith.constant 0 : index
    tpu.barrier barrier_id(%barrier3A)
    %scan3A = arith.constant 0 : i32
    %scan3A_5 = arith.constant 0 : i32
    %scan3A_6 = arith.constant 79 : i32
    %scan3A_7 = arith.addi %scan3A_5, %scan3A_6 : i32
    %scan3A_8 = arith.constant 1 : i32
    scf.for %scan3A_18 = %scan3A_5 to %scan3A_7 step %scan3A_8  : i32 {
      %mul3A_19 = arith.constant 128 : i32
      %mul3A_20 = arith.muli %scan3A_18, %mul3A_19 : i32
      %add3A_21 = arith.addi %mul3A_2, %mul3A_20 : i32
      "tpu.region"() ({
        %run_scoped3A = tpu.sem_alloc : memref<!tpu.dma_semaphore, #tpu.memory_space<semaphore_mem>>
        %dma_start3A = tpu.memref_slice %arg3[%add3A_21] : memref<323584xi32, #tpu.memory_space<hbm>> -> memref<128xi32, #tpu.memory_space<hbm>>
        %dma_start3A_22 = tpu.memref_slice %arg3[%add3A_21] : memref<323584xi32, #tpu.memory_space<hbm>> -> memref<128xi32, #tpu.memory_space<hbm>>
        tpu.enqueue_dma source(%dma_start3A_22 : memref<128xi32, #tpu.memory_space<hbm>>) target(%arg6 : memref<128xi32, #tpu.memory_space<vmem>>) target_semaphore(%run_scoped3A : memref<!tpu.dma_semaphore, #tpu.memory_space<semaphore_mem>>)
        %dma_wait3A = tpu.memref_slice %arg3[%add3A_21] : memref<323584xi32, #tpu.memory_space<hbm>> -> memref<128xi32, #tpu.memory_space<hbm>>
        %dma_wait3A_23 = tpu.memref_slice %arg3[%add3A_21] : memref<323584xi32, #tpu.memory_space<hbm>> -> memref<128xi32, #tpu.memory_space<hbm>>
        tpu.wait_dma2 semaphore(%run_scoped3A : memref<!tpu.dma_semaphore, #tpu.memory_space<semaphore_mem>>) src(%dma_wait3A_23 : memref<128xi32, #tpu.memory_space<hbm>>) dst(%arg6 : memref<128xi32, #tpu.memory_space<vmem>>)
        tpu.yield
      }) : () -> ()
      "tpu.region"() ({
        %run_scoped3A = tpu.sem_alloc : memref<!tpu.dma_semaphore, #tpu.memory_space<semaphore_mem>>
        %dma_start3A = arith.constant 0 : i32
        %dma_start3A_22 = tpu.memref_slice %arg2[%add3A_21, %dma_start3A] : memref<323584x32xf32, #tpu.memory_space<hbm>> -> memref<128x32xf32, #tpu.memory_space<hbm>>
        %dma_start3A_23 = arith.constant 0 : i32
        %dma_start3A_24 = tpu.memref_slice %arg2[%add3A_21, %dma_start3A_23] : memref<323584x32xf32, #tpu.memory_space<hbm>> -> memref<128x32xf32, #tpu.memory_space<hbm>>
        tpu.enqueue_dma source(%dma_start3A_24 : memref<128x32xf32, #tpu.memory_space<hbm>>) target(%arg7 : memref<128x32xf32, #tpu.memory_space<vmem>>) target_semaphore(%run_scoped3A : memref<!tpu.dma_semaphore, #tpu.memory_space<semaphore_mem>>)
        %dma_wait3A = arith.constant 0 : i32
        %dma_wait3A_25 = tpu.memref_slice %arg2[%add3A_21, %dma_wait3A] : memref<323584x32xf32, #tpu.memory_space<hbm>> -> memref<128x32xf32, #tpu.memory_space<hbm>>
        %dma_wait3A_26 = arith.constant 0 : i32
        %dma_wait3A_27 = tpu.memref_slice %arg2[%add3A_21, %dma_wait3A_26] : memref<323584x32xf32, #tpu.memory_space<hbm>> -> memref<128x32xf32, #tpu.memory_space<hbm>>
        tpu.wait_dma2 semaphore(%run_scoped3A : memref<!tpu.dma_semaphore, #tpu.memory_space<semaphore_mem>>) src(%dma_wait3A_27 : memref<128x32xf32, #tpu.memory_space<hbm>>) dst(%arg7 : memref<128x32xf32, #tpu.memory_space<vmem>>)
        tpu.yield
      }) : () -> ()
      "tpu.region"() ({
        %run_scoped3A = tpu.sem_alloc : memref<!tpu.dma_semaphore, #tpu.memory_space<semaphore_mem>>
        %dma_start3A = arith.constant 0 : i32
        %dma_start3A_22 = arith.constant 0 : i32
        %dma_start3A_23 = tpu.memref_slice %arg9[%dma_start3A, %dma_start3A_22] : memref<10112x32xf32, #tpu.memory_space<vmem_shared>> -> memref<10112x32xf32, #tpu.memory_space<vmem_shared>>
        tpu.enqueue_indirect_dma source(%arg7 : memref<128x32xf32, #tpu.memory_space<vmem>>) target(%dma_start3A_23 : memref<10112x32xf32, #tpu.memory_space<vmem_shared>>) offsets(%arg6 : memref<128xi32, #tpu.memory_space<vmem>>) semaphore(%run_scoped3A : memref<!tpu.dma_semaphore, #tpu.memory_space<semaphore_mem>>) {add = true}
        %dma_wait3A = arith.constant 0 : i32
        %dma_wait3A_24 = arith.constant 0 : i32
        %dma_wait3A_25 = tpu.memref_slice %arg9[%dma_wait3A, %dma_wait3A_24] : memref<10112x32xf32, #tpu.memory_space<vmem_shared>> -> memref<10112x32xf32, #tpu.memory_space<vmem_shared>>
        tpu.wait_indirect_dma semaphore(%run_scoped3A : memref<!tpu.dma_semaphore, #tpu.memory_space<semaphore_mem>>) src(%arg7 : memref<128x32xf32, #tpu.memory_space<vmem>>) dst(%dma_wait3A_25 : memref<10112x32xf32, #tpu.memory_space<vmem_shared>>)
        tpu.yield
      }) : () -> ()
    }
    %scan3A_9 = arith.constant 79 : i32
    %barrier3A_10 = arith.constant 0 : index
    tpu.barrier barrier_id(%barrier3A_10)
    %mul3A_11 = arith.constant 632 : i32
    %mul3A_12 = arith.muli %arg1, %mul3A_11 : i32
    "tpu.region"() ({
      %run_scoped3A = tpu.sem_alloc : memref<!tpu.dma_semaphore, #tpu.memory_space<semaphore_mem>>
      %dma_start3A = arith.constant 0 : i32
      %dma_start3A_18 = tpu.memref_slice %arg9[%mul3A_12, %dma_start3A] : memref<10112x32xf32, #tpu.memory_space<vmem_shared>> -> memref<632x32xf32, #tpu.memory_space<vmem_shared>>
      %dma_start3A_19 = arith.constant 0 : i32
      %dma_start3A_20 = tpu.memref_slice %arg9[%mul3A_12, %dma_start3A_19] : memref<10112x32xf32, #tpu.memory_space<vmem_shared>> -> memref<632x32xf32, #tpu.memory_space<vmem_shared>>
      tpu.enqueue_dma source(%dma_start3A_20 : memref<632x32xf32, #tpu.memory_space<vmem_shared>>) target(%arg8 : memref<632x32xf32, #tpu.memory_space<vmem>>) target_semaphore(%run_scoped3A : memref<!tpu.dma_semaphore, #tpu.memory_space<semaphore_mem>>)
      %dma_wait3A = arith.constant 0 : i32
      %dma_wait3A_21 = tpu.memref_slice %arg9[%mul3A_12, %dma_wait3A] : memref<10112x32xf32, #tpu.memory_space<vmem_shared>> -> memref<632x32xf32, #tpu.memory_space<vmem_shared>>
      %dma_wait3A_22 = arith.constant 0 : i32
      %dma_wait3A_23 = tpu.memref_slice %arg9[%mul3A_12, %dma_wait3A_22] : memref<10112x32xf32, #tpu.memory_space<vmem_shared>> -> memref<632x32xf32, #tpu.memory_space<vmem_shared>>
      tpu.wait_dma2 semaphore(%run_scoped3A : memref<!tpu.dma_semaphore, #tpu.memory_space<semaphore_mem>>) src(%dma_wait3A_23 : memref<632x32xf32, #tpu.memory_space<vmem_shared>>) dst(%arg8 : memref<632x32xf32, #tpu.memory_space<vmem>>)
      tpu.yield
    }) : () -> ()
    %mul3A_13 = arith.constant 10112 : i32
    %mul3A_14 = arith.muli %arg0, %mul3A_13 : i32
    %mul3A_15 = arith.constant 632 : i32
    %mul3A_16 = arith.muli %arg1, %mul3A_15 : i32
    %add3A_17 = arith.addi %mul3A_14, %mul3A_16 : i32
    "tpu.region"() ({
      %run_scoped3A = tpu.sem_alloc : memref<!tpu.dma_semaphore, #tpu.memory_space<semaphore_mem>>
      %dma_start3A = arith.constant 0 : i32
      %dma_start3A_18 = tpu.memref_slice %arg5[%add3A_17, %dma_start3A] : memref<20224x32xf32, #tpu.memory_space<hbm>> -> memref<632x32xf32, #tpu.memory_space<hbm>>
      %dma_start3A_19 = arith.constant 0 : i32
      %dma_start3A_20 = tpu.memref_slice %arg5[%add3A_17, %dma_start3A_19] : memref<20224x32xf32, #tpu.memory_space<hbm>> -> memref<632x32xf32, #tpu.memory_space<hbm>>
      tpu.enqueue_dma source(%arg8 : memref<632x32xf32, #tpu.memory_space<vmem>>) target(%dma_start3A_20 : memref<632x32xf32, #tpu.memory_space<hbm>>) target_semaphore(%run_scoped3A : memref<!tpu.dma_semaphore, #tpu.memory_space<semaphore_mem>>)
      %dma_wait3A = arith.constant 0 : i32
      %dma_wait3A_21 = tpu.memref_slice %arg5[%add3A_17, %dma_wait3A] : memref<20224x32xf32, #tpu.memory_space<hbm>> -> memref<632x32xf32, #tpu.memory_space<hbm>>
      %dma_wait3A_22 = arith.constant 0 : i32
      %dma_wait3A_23 = tpu.memref_slice %arg5[%add3A_17, %dma_wait3A_22] : memref<20224x32xf32, #tpu.memory_space<hbm>> -> memref<632x32xf32, #tpu.memory_space<hbm>>
      tpu.wait_dma2 semaphore(%run_scoped3A : memref<!tpu.dma_semaphore, #tpu.memory_space<semaphore_mem>>) src(%arg8 : memref<632x32xf32, #tpu.memory_space<vmem>>) dst(%dma_wait3A_23 : memref<632x32xf32, #tpu.memory_space<hbm>>)
      tpu.yield
    }) : () -> ()
    return
  }
}

#map = affine_map<(d0, d1) -> (0, 0)>
#map1 = affine_map<(d0, d1) -> (0)>
module attributes {stable_mosaic.version = 14 : i64} {
  func.func @gk(%arg0: i32, %arg1: i32, %arg2: memref<10000x32xf32, #tpu.memory_space<hbm>>, %arg3: memref<323584xi32, #tpu.memory_space<hbm>>, %arg4: memref<323584xi32, #tpu.memory_space<hbm>>, %arg5: memref<323584x32xf32, #tpu.memory_space<hbm>>, %arg6: memref<323584x32xf32, #tpu.memory_space<hbm>>, %arg7: memref<128xi32, #tpu.memory_space<vmem>>, %arg8: memref<128xi32, #tpu.memory_space<vmem>>, %arg9: memref<128xi32, #tpu.memory_space<vmem>>, %arg10: memref<128xi32, #tpu.memory_space<vmem>>, %arg11: memref<128x32xf32, #tpu.memory_space<vmem>>, %arg12: memref<128x32xf32, #tpu.memory_space<vmem>>, %arg13: memref<128x32xf32, #tpu.memory_space<vmem>>, %arg14: memref<128x32xf32, #tpu.memory_space<vmem>>, %arg15: memref<!tpu.dma_semaphore, #tpu.memory_space<semaphore_mem>>, %arg16: memref<!tpu.dma_semaphore, #tpu.memory_space<semaphore_mem>>) attributes {dimension_semantics = [#tpu.dimension_semantics<core_parallel>, #tpu.dimension_semantics<subcore_parallel>], iteration_bounds = array<i64: 2, 16>, scalar_prefetch = 0 : i64, scratch_operands = 10 : i64, tpu.core_type = #tpu.core_type<sc_vector_subcore>, window_params = [{transform_indices = #map}, {transform_indices = #map1}, {transform_indices = #map1}, {transform_indices = #map}, {transform_indices = #map}]} {
    %mul3A = arith.constant 2 : i32
    %mul3A_0 = arith.muli %arg1, %mul3A : i32
    %add3A = arith.addi %mul3A_0, %arg0 : i32
    %mul3A_1 = arith.constant 10112 : i32
    %mul3A_2 = arith.muli %add3A, %mul3A_1 : i32
    %add3A_3 = arith.constant 0 : i32
    %add3A_4 = arith.addi %mul3A_2, %add3A_3 : i32
    "tpu.region"() ({
      %run_scoped3A = tpu.sem_alloc : memref<!tpu.dma_semaphore, #tpu.memory_space<semaphore_mem>>
      %dma_start3A_15 = tpu.memref_slice %arg3[%add3A_4] : memref<323584xi32, #tpu.memory_space<hbm>> -> memref<128xi32, #tpu.memory_space<hbm>>
      %dma_start3A_16 = tpu.memref_slice %arg3[%add3A_4] : memref<323584xi32, #tpu.memory_space<hbm>> -> memref<128xi32, #tpu.memory_space<hbm>>
      tpu.enqueue_dma source(%dma_start3A_16 : memref<128xi32, #tpu.memory_space<hbm>>) target(%arg7 : memref<128xi32, #tpu.memory_space<vmem>>) target_semaphore(%run_scoped3A : memref<!tpu.dma_semaphore, #tpu.memory_space<semaphore_mem>>)
      %dma_wait3A = tpu.memref_slice %arg3[%add3A_4] : memref<323584xi32, #tpu.memory_space<hbm>> -> memref<128xi32, #tpu.memory_space<hbm>>
      %dma_wait3A_17 = tpu.memref_slice %arg3[%add3A_4] : memref<323584xi32, #tpu.memory_space<hbm>> -> memref<128xi32, #tpu.memory_space<hbm>>
      tpu.wait_dma2 semaphore(%run_scoped3A : memref<!tpu.dma_semaphore, #tpu.memory_space<semaphore_mem>>) src(%dma_wait3A_17 : memref<128xi32, #tpu.memory_space<hbm>>) dst(%arg7 : memref<128xi32, #tpu.memory_space<vmem>>)
      tpu.yield
    }) : () -> ()
    "tpu.region"() ({
      %run_scoped3A = tpu.sem_alloc : memref<!tpu.dma_semaphore, #tpu.memory_space<semaphore_mem>>
      %dma_start3A_15 = tpu.memref_slice %arg4[%add3A_4] : memref<323584xi32, #tpu.memory_space<hbm>> -> memref<128xi32, #tpu.memory_space<hbm>>
      %dma_start3A_16 = tpu.memref_slice %arg4[%add3A_4] : memref<323584xi32, #tpu.memory_space<hbm>> -> memref<128xi32, #tpu.memory_space<hbm>>
      tpu.enqueue_dma source(%dma_start3A_16 : memref<128xi32, #tpu.memory_space<hbm>>) target(%arg8 : memref<128xi32, #tpu.memory_space<vmem>>) target_semaphore(%run_scoped3A : memref<!tpu.dma_semaphore, #tpu.memory_space<semaphore_mem>>)
      %dma_wait3A = tpu.memref_slice %arg4[%add3A_4] : memref<323584xi32, #tpu.memory_space<hbm>> -> memref<128xi32, #tpu.memory_space<hbm>>
      %dma_wait3A_17 = tpu.memref_slice %arg4[%add3A_4] : memref<323584xi32, #tpu.memory_space<hbm>> -> memref<128xi32, #tpu.memory_space<hbm>>
      tpu.wait_dma2 semaphore(%run_scoped3A : memref<!tpu.dma_semaphore, #tpu.memory_space<semaphore_mem>>) src(%dma_wait3A_17 : memref<128xi32, #tpu.memory_space<hbm>>) dst(%arg8 : memref<128xi32, #tpu.memory_space<vmem>>)
      tpu.yield
    }) : () -> ()
    %dma_start3A = arith.constant 0 : i32
    %dma_start3A_5 = arith.constant 0 : i32
    %dma_start3A_6 = tpu.memref_slice %arg2[%dma_start3A, %dma_start3A_5] : memref<10000x32xf32, #tpu.memory_space<hbm>> -> memref<10000x32xf32, #tpu.memory_space<hbm>>
    tpu.enqueue_indirect_dma source(%dma_start3A_6 : memref<10000x32xf32, #tpu.memory_space<hbm>>) target(%arg11 : memref<128x32xf32, #tpu.memory_space<vmem>>) offsets(%arg7 : memref<128xi32, #tpu.memory_space<vmem>>) semaphore(%arg15 : memref<!tpu.dma_semaphore, #tpu.memory_space<semaphore_mem>>)
    %dma_start3A_7 = arith.constant 0 : i32
    %dma_start3A_8 = arith.constant 0 : i32
    %dma_start3A_9 = tpu.memref_slice %arg2[%dma_start3A_7, %dma_start3A_8] : memref<10000x32xf32, #tpu.memory_space<hbm>> -> memref<10000x32xf32, #tpu.memory_space<hbm>>
    tpu.enqueue_indirect_dma source(%dma_start3A_9 : memref<10000x32xf32, #tpu.memory_space<hbm>>) target(%arg12 : memref<128x32xf32, #tpu.memory_space<vmem>>) offsets(%arg8 : memref<128xi32, #tpu.memory_space<vmem>>) semaphore(%arg15 : memref<!tpu.dma_semaphore, #tpu.memory_space<semaphore_mem>>)
    %scan3A = arith.constant 0 : i32
    %scan3A_10 = arith.constant 0 : i32
    %scan3A_11 = arith.constant 40 : i32
    %scan3A_12 = arith.addi %scan3A_10, %scan3A_11 : i32
    %scan3A_13 = arith.constant 1 : i32
    scf.for %scan3A_15 = %scan3A_10 to %scan3A_12 step %scan3A_13  : i32 {
      %mul3A_16 = arith.constant 2 : i32
      %mul3A_17 = arith.muli %mul3A_16, %scan3A_15 : i32
      %add3A_18 = arith.constant 1 : i32
      %add3A_19 = arith.addi %mul3A_17, %add3A_18 : i32
      %lt3A = arith.constant 79 : i32
      %lt3A_20 = arith.cmpi slt, %add3A_19, %lt3A : i32
      %convert_element_type3A = arith.extui %lt3A_20 : i1 to i32
      %cond3A = arith.constant 0 : i32
      %cond3A_21 = arith.cmpi ne, %convert_element_type3A, %cond3A : i32
      scf.if %cond3A_21 {
        %mul3A_42 = arith.constant 128 : i32
        %mul3A_43 = arith.muli %add3A_19, %mul3A_42 : i32
        %add3A_44 = arith.addi %mul3A_2, %mul3A_43 : i32
        "tpu.region"() ({
          %run_scoped3A = tpu.sem_alloc : memref<!tpu.dma_semaphore, #tpu.memory_space<semaphore_mem>>
          %dma_start3A_51 = tpu.memref_slice %arg3[%add3A_44] : memref<323584xi32, #tpu.memory_space<hbm>> -> memref<128xi32, #tpu.memory_space<hbm>>
          %dma_start3A_52 = tpu.memref_slice %arg3[%add3A_44] : memref<323584xi32, #tpu.memory_space<hbm>> -> memref<128xi32, #tpu.memory_space<hbm>>
          tpu.enqueue_dma source(%dma_start3A_52 : memref<128xi32, #tpu.memory_space<hbm>>) target(%arg9 : memref<128xi32, #tpu.memory_space<vmem>>) target_semaphore(%run_scoped3A : memref<!tpu.dma_semaphore, #tpu.memory_space<semaphore_mem>>)
          %dma_wait3A_53 = tpu.memref_slice %arg3[%add3A_44] : memref<323584xi32, #tpu.memory_space<hbm>> -> memref<128xi32, #tpu.memory_space<hbm>>
          %dma_wait3A_54 = tpu.memref_slice %arg3[%add3A_44] : memref<323584xi32, #tpu.memory_space<hbm>> -> memref<128xi32, #tpu.memory_space<hbm>>
          tpu.wait_dma2 semaphore(%run_scoped3A : memref<!tpu.dma_semaphore, #tpu.memory_space<semaphore_mem>>) src(%dma_wait3A_54 : memref<128xi32, #tpu.memory_space<hbm>>) dst(%arg9 : memref<128xi32, #tpu.memory_space<vmem>>)
          tpu.yield
        }) : () -> ()
        "tpu.region"() ({
          %run_scoped3A = tpu.sem_alloc : memref<!tpu.dma_semaphore, #tpu.memory_space<semaphore_mem>>
          %dma_start3A_51 = tpu.memref_slice %arg4[%add3A_44] : memref<323584xi32, #tpu.memory_space<hbm>> -> memref<128xi32, #tpu.memory_space<hbm>>
          %dma_start3A_52 = tpu.memref_slice %arg4[%add3A_44] : memref<323584xi32, #tpu.memory_space<hbm>> -> memref<128xi32, #tpu.memory_space<hbm>>
          tpu.enqueue_dma source(%dma_start3A_52 : memref<128xi32, #tpu.memory_space<hbm>>) target(%arg10 : memref<128xi32, #tpu.memory_space<vmem>>) target_semaphore(%run_scoped3A : memref<!tpu.dma_semaphore, #tpu.memory_space<semaphore_mem>>)
          %dma_wait3A_53 = tpu.memref_slice %arg4[%add3A_44] : memref<323584xi32, #tpu.memory_space<hbm>> -> memref<128xi32, #tpu.memory_space<hbm>>
          %dma_wait3A_54 = tpu.memref_slice %arg4[%add3A_44] : memref<323584xi32, #tpu.memory_space<hbm>> -> memref<128xi32, #tpu.memory_space<hbm>>
          tpu.wait_dma2 semaphore(%run_scoped3A : memref<!tpu.dma_semaphore, #tpu.memory_space<semaphore_mem>>) src(%dma_wait3A_54 : memref<128xi32, #tpu.memory_space<hbm>>) dst(%arg10 : memref<128xi32, #tpu.memory_space<vmem>>)
          tpu.yield
        }) : () -> ()
        %dma_start3A_45 = arith.constant 0 : i32
        %dma_start3A_46 = arith.constant 0 : i32
        %dma_start3A_47 = tpu.memref_slice %arg2[%dma_start3A_45, %dma_start3A_46] : memref<10000x32xf32, #tpu.memory_space<hbm>> -> memref<10000x32xf32, #tpu.memory_space<hbm>>
        tpu.enqueue_indirect_dma source(%dma_start3A_47 : memref<10000x32xf32, #tpu.memory_space<hbm>>) target(%arg13 : memref<128x32xf32, #tpu.memory_space<vmem>>) offsets(%arg9 : memref<128xi32, #tpu.memory_space<vmem>>) semaphore(%arg16 : memref<!tpu.dma_semaphore, #tpu.memory_space<semaphore_mem>>)
        %dma_start3A_48 = arith.constant 0 : i32
        %dma_start3A_49 = arith.constant 0 : i32
        %dma_start3A_50 = tpu.memref_slice %arg2[%dma_start3A_48, %dma_start3A_49] : memref<10000x32xf32, #tpu.memory_space<hbm>> -> memref<10000x32xf32, #tpu.memory_space<hbm>>
        tpu.enqueue_indirect_dma source(%dma_start3A_50 : memref<10000x32xf32, #tpu.memory_space<hbm>>) target(%arg14 : memref<128x32xf32, #tpu.memory_space<vmem>>) offsets(%arg10 : memref<128xi32, #tpu.memory_space<vmem>>) semaphore(%arg16 : memref<!tpu.dma_semaphore, #tpu.memory_space<semaphore_mem>>)
      } else {
      }
      %mul3A_22 = arith.constant 128 : i32
      %mul3A_23 = arith.muli %mul3A_17, %mul3A_22 : i32
      %add3A_24 = arith.addi %mul3A_2, %mul3A_23 : i32
      %dma_wait3A = arith.constant 0 : i32
      %dma_wait3A_25 = arith.constant 0 : i32
      %dma_wait3A_26 = tpu.memref_slice %arg2[%dma_wait3A, %dma_wait3A_25] : memref<10000x32xf32, #tpu.memory_space<hbm>> -> memref<10000x32xf32, #tpu.memory_space<hbm>>
      tpu.wait_indirect_dma semaphore(%arg15 : memref<!tpu.dma_semaphore, #tpu.memory_space<semaphore_mem>>) src(%dma_wait3A_26 : memref<10000x32xf32, #tpu.memory_space<hbm>>) dst(%arg11 : memref<128x32xf32, #tpu.memory_space<vmem>>)
      %dma_wait3A_27 = arith.constant 0 : i32
      %dma_wait3A_28 = arith.constant 0 : i32
      %dma_wait3A_29 = tpu.memref_slice %arg2[%dma_wait3A_27, %dma_wait3A_28] : memref<10000x32xf32, #tpu.memory_space<hbm>> -> memref<10000x32xf32, #tpu.memory_space<hbm>>
      tpu.wait_indirect_dma semaphore(%arg15 : memref<!tpu.dma_semaphore, #tpu.memory_space<semaphore_mem>>) src(%dma_wait3A_29 : memref<10000x32xf32, #tpu.memory_space<hbm>>) dst(%arg12 : memref<128x32xf32, #tpu.memory_space<vmem>>)
      "tpu.region"() ({
        %run_scoped3A = tpu.sem_alloc : memref<!tpu.dma_semaphore, #tpu.memory_space<semaphore_mem>>
        %dma_start3A_42 = arith.constant 0 : i32
        %dma_start3A_43 = tpu.memref_slice %arg5[%add3A_24, %dma_start3A_42] : memref<323584x32xf32, #tpu.memory_space<hbm>> -> memref<128x32xf32, #tpu.memory_space<hbm>>
        %dma_start3A_44 = arith.constant 0 : i32
        %dma_start3A_45 = tpu.memref_slice %arg5[%add3A_24, %dma_start3A_44] : memref<323584x32xf32, #tpu.memory_space<hbm>> -> memref<128x32xf32, #tpu.memory_space<hbm>>
        tpu.enqueue_dma source(%arg11 : memref<128x32xf32, #tpu.memory_space<vmem>>) target(%dma_start3A_45 : memref<128x32xf32, #tpu.memory_space<hbm>>) target_semaphore(%run_scoped3A : memref<!tpu.dma_semaphore, #tpu.memory_space<semaphore_mem>>)
        %dma_wait3A_46 = arith.constant 0 : i32
        %dma_wait3A_47 = tpu.memref_slice %arg5[%add3A_24, %dma_wait3A_46] : memref<323584x32xf32, #tpu.memory_space<hbm>> -> memref<128x32xf32, #tpu.memory_space<hbm>>
        %dma_wait3A_48 = arith.constant 0 : i32
        %dma_wait3A_49 = tpu.memref_slice %arg5[%add3A_24, %dma_wait3A_48] : memref<323584x32xf32, #tpu.memory_space<hbm>> -> memref<128x32xf32, #tpu.memory_space<hbm>>
        tpu.wait_dma2 semaphore(%run_scoped3A : memref<!tpu.dma_semaphore, #tpu.memory_space<semaphore_mem>>) src(%arg11 : memref<128x32xf32, #tpu.memory_space<vmem>>) dst(%dma_wait3A_49 : memref<128x32xf32, #tpu.memory_space<hbm>>)
        tpu.yield
      }) : () -> ()
      "tpu.region"() ({
        %run_scoped3A = tpu.sem_alloc : memref<!tpu.dma_semaphore, #tpu.memory_space<semaphore_mem>>
        %dma_start3A_42 = arith.constant 0 : i32
        %dma_start3A_43 = tpu.memref_slice %arg6[%add3A_24, %dma_start3A_42] : memref<323584x32xf32, #tpu.memory_space<hbm>> -> memref<128x32xf32, #tpu.memory_space<hbm>>
        %dma_start3A_44 = arith.constant 0 : i32
        %dma_start3A_45 = tpu.memref_slice %arg6[%add3A_24, %dma_start3A_44] : memref<323584x32xf32, #tpu.memory_space<hbm>> -> memref<128x32xf32, #tpu.memory_space<hbm>>
        tpu.enqueue_dma source(%arg12 : memref<128x32xf32, #tpu.memory_space<vmem>>) target(%dma_start3A_45 : memref<128x32xf32, #tpu.memory_space<hbm>>) target_semaphore(%run_scoped3A : memref<!tpu.dma_semaphore, #tpu.memory_space<semaphore_mem>>)
        %dma_wait3A_46 = arith.constant 0 : i32
        %dma_wait3A_47 = tpu.memref_slice %arg6[%add3A_24, %dma_wait3A_46] : memref<323584x32xf32, #tpu.memory_space<hbm>> -> memref<128x32xf32, #tpu.memory_space<hbm>>
        %dma_wait3A_48 = arith.constant 0 : i32
        %dma_wait3A_49 = tpu.memref_slice %arg6[%add3A_24, %dma_wait3A_48] : memref<323584x32xf32, #tpu.memory_space<hbm>> -> memref<128x32xf32, #tpu.memory_space<hbm>>
        tpu.wait_dma2 semaphore(%run_scoped3A : memref<!tpu.dma_semaphore, #tpu.memory_space<semaphore_mem>>) src(%arg12 : memref<128x32xf32, #tpu.memory_space<vmem>>) dst(%dma_wait3A_49 : memref<128x32xf32, #tpu.memory_space<hbm>>)
        tpu.yield
      }) : () -> ()
      %add3A_30 = arith.constant 2 : i32
      %add3A_31 = arith.addi %mul3A_17, %add3A_30 : i32
      %lt3A_32 = arith.constant 79 : i32
      %lt3A_33 = arith.cmpi slt, %add3A_31, %lt3A_32 : i32
      %convert_element_type3A_34 = arith.extui %lt3A_33 : i1 to i32
      %cond3A_35 = arith.constant 0 : i32
      %cond3A_36 = arith.cmpi ne, %convert_element_type3A_34, %cond3A_35 : i32
      scf.if %cond3A_36 {
        %add3A_42 = arith.constant 2 : i32
        %add3A_43 = arith.addi %mul3A_17, %add3A_42 : i32
        %mul3A_44 = arith.constant 128 : i32
        %mul3A_45 = arith.muli %add3A_43, %mul3A_44 : i32
        %add3A_46 = arith.addi %mul3A_2, %mul3A_45 : i32
        "tpu.region"() ({
          %run_scoped3A = tpu.sem_alloc : memref<!tpu.dma_semaphore, #tpu.memory_space<semaphore_mem>>
          %dma_start3A_53 = tpu.memref_slice %arg3[%add3A_46] : memref<323584xi32, #tpu.memory_space<hbm>> -> memref<128xi32, #tpu.memory_space<hbm>>
          %dma_start3A_54 = tpu.memref_slice %arg3[%add3A_46] : memref<323584xi32, #tpu.memory_space<hbm>> -> memref<128xi32, #tpu.memory_space<hbm>>
          tpu.enqueue_dma source(%dma_start3A_54 : memref<128xi32, #tpu.memory_space<hbm>>) target(%arg7 : memref<128xi32, #tpu.memory_space<vmem>>) target_semaphore(%run_scoped3A : memref<!tpu.dma_semaphore, #tpu.memory_space<semaphore_mem>>)
          %dma_wait3A_55 = tpu.memref_slice %arg3[%add3A_46] : memref<323584xi32, #tpu.memory_space<hbm>> -> memref<128xi32, #tpu.memory_space<hbm>>
          %dma_wait3A_56 = tpu.memref_slice %arg3[%add3A_46] : memref<323584xi32, #tpu.memory_space<hbm>> -> memref<128xi32, #tpu.memory_space<hbm>>
          tpu.wait_dma2 semaphore(%run_scoped3A : memref<!tpu.dma_semaphore, #tpu.memory_space<semaphore_mem>>) src(%dma_wait3A_56 : memref<128xi32, #tpu.memory_space<hbm>>) dst(%arg7 : memref<128xi32, #tpu.memory_space<vmem>>)
          tpu.yield
        }) : () -> ()
        "tpu.region"() ({
          %run_scoped3A = tpu.sem_alloc : memref<!tpu.dma_semaphore, #tpu.memory_space<semaphore_mem>>
          %dma_start3A_53 = tpu.memref_slice %arg4[%add3A_46] : memref<323584xi32, #tpu.memory_space<hbm>> -> memref<128xi32, #tpu.memory_space<hbm>>
          %dma_start3A_54 = tpu.memref_slice %arg4[%add3A_46] : memref<323584xi32, #tpu.memory_space<hbm>> -> memref<128xi32, #tpu.memory_space<hbm>>
          tpu.enqueue_dma source(%dma_start3A_54 : memref<128xi32, #tpu.memory_space<hbm>>) target(%arg8 : memref<128xi32, #tpu.memory_space<vmem>>) target_semaphore(%run_scoped3A : memref<!tpu.dma_semaphore, #tpu.memory_space<semaphore_mem>>)
          %dma_wait3A_55 = tpu.memref_slice %arg4[%add3A_46] : memref<323584xi32, #tpu.memory_space<hbm>> -> memref<128xi32, #tpu.memory_space<hbm>>
          %dma_wait3A_56 = tpu.memref_slice %arg4[%add3A_46] : memref<323584xi32, #tpu.memory_space<hbm>> -> memref<128xi32, #tpu.memory_space<hbm>>
          tpu.wait_dma2 semaphore(%run_scoped3A : memref<!tpu.dma_semaphore, #tpu.memory_space<semaphore_mem>>) src(%dma_wait3A_56 : memref<128xi32, #tpu.memory_space<hbm>>) dst(%arg8 : memref<128xi32, #tpu.memory_space<vmem>>)
          tpu.yield
        }) : () -> ()
        %dma_start3A_47 = arith.constant 0 : i32
        %dma_start3A_48 = arith.constant 0 : i32
        %dma_start3A_49 = tpu.memref_slice %arg2[%dma_start3A_47, %dma_start3A_48] : memref<10000x32xf32, #tpu.memory_space<hbm>> -> memref<10000x32xf32, #tpu.memory_space<hbm>>
        tpu.enqueue_indirect_dma source(%dma_start3A_49 : memref<10000x32xf32, #tpu.memory_space<hbm>>) target(%arg11 : memref<128x32xf32, #tpu.memory_space<vmem>>) offsets(%arg7 : memref<128xi32, #tpu.memory_space<vmem>>) semaphore(%arg15 : memref<!tpu.dma_semaphore, #tpu.memory_space<semaphore_mem>>)
        %dma_start3A_50 = arith.constant 0 : i32
        %dma_start3A_51 = arith.constant 0 : i32
        %dma_start3A_52 = tpu.memref_slice %arg2[%dma_start3A_50, %dma_start3A_51] : memref<10000x32xf32, #tpu.memory_space<hbm>> -> memref<10000x32xf32, #tpu.memory_space<hbm>>
        tpu.enqueue_indirect_dma source(%dma_start3A_52 : memref<10000x32xf32, #tpu.memory_space<hbm>>) target(%arg12 : memref<128x32xf32, #tpu.memory_space<vmem>>) offsets(%arg8 : memref<128xi32, #tpu.memory_space<vmem>>) semaphore(%arg15 : memref<!tpu.dma_semaphore, #tpu.memory_space<semaphore_mem>>)
      } else {
      }
      %lt3A_37 = arith.constant 79 : i32
      %lt3A_38 = arith.cmpi slt, %add3A_19, %lt3A_37 : i32
      %convert_element_type3A_39 = arith.extui %lt3A_38 : i1 to i32
      %cond3A_40 = arith.constant 0 : i32
      %cond3A_41 = arith.cmpi ne, %convert_element_type3A_39, %cond3A_40 : i32
      scf.if %cond3A_41 {
        %mul3A_42 = arith.constant 128 : i32
        %mul3A_43 = arith.muli %add3A_19, %mul3A_42 : i32
        %add3A_44 = arith.addi %mul3A_2, %mul3A_43 : i32
        %dma_wait3A_45 = arith.constant 0 : i32
        %dma_wait3A_46 = arith.constant 0 : i32
        %dma_wait3A_47 = tpu.memref_slice %arg2[%dma_wait3A_45, %dma_wait3A_46] : memref<10000x32xf32, #tpu.memory_space<hbm>> -> memref<10000x32xf32, #tpu.memory_space<hbm>>
        tpu.wait_indirect_dma semaphore(%arg16 : memref<!tpu.dma_semaphore, #tpu.memory_space<semaphore_mem>>) src(%dma_wait3A_47 : memref<10000x32xf32, #tpu.memory_space<hbm>>) dst(%arg13 : memref<128x32xf32, #tpu.memory_space<vmem>>)
        %dma_wait3A_48 = arith.constant 0 : i32
        %dma_wait3A_49 = arith.constant 0 : i32
        %dma_wait3A_50 = tpu.memref_slice %arg2[%dma_wait3A_48, %dma_wait3A_49] : memref<10000x32xf32, #tpu.memory_space<hbm>> -> memref<10000x32xf32, #tpu.memory_space<hbm>>
        tpu.wait_indirect_dma semaphore(%arg16 : memref<!tpu.dma_semaphore, #tpu.memory_space<semaphore_mem>>) src(%dma_wait3A_50 : memref<10000x32xf32, #tpu.memory_space<hbm>>) dst(%arg14 : memref<128x32xf32, #tpu.memory_space<vmem>>)
        "tpu.region"() ({
          %run_scoped3A = tpu.sem_alloc : memref<!tpu.dma_semaphore, #tpu.memory_space<semaphore_mem>>
          %dma_start3A_51 = arith.constant 0 : i32
          %dma_start3A_52 = tpu.memref_slice %arg5[%add3A_44, %dma_start3A_51] : memref<323584x32xf32, #tpu.memory_space<hbm>> -> memref<128x32xf32, #tpu.memory_space<hbm>>
          %dma_start3A_53 = arith.constant 0 : i32
          %dma_start3A_54 = tpu.memref_slice %arg5[%add3A_44, %dma_start3A_53] : memref<323584x32xf32, #tpu.memory_space<hbm>> -> memref<128x32xf32, #tpu.memory_space<hbm>>
          tpu.enqueue_dma source(%arg13 : memref<128x32xf32, #tpu.memory_space<vmem>>) target(%dma_start3A_54 : memref<128x32xf32, #tpu.memory_space<hbm>>) target_semaphore(%run_scoped3A : memref<!tpu.dma_semaphore, #tpu.memory_space<semaphore_mem>>)
          %dma_wait3A_55 = arith.constant 0 : i32
          %dma_wait3A_56 = tpu.memref_slice %arg5[%add3A_44, %dma_wait3A_55] : memref<323584x32xf32, #tpu.memory_space<hbm>> -> memref<128x32xf32, #tpu.memory_space<hbm>>
          %dma_wait3A_57 = arith.constant 0 : i32
          %dma_wait3A_58 = tpu.memref_slice %arg5[%add3A_44, %dma_wait3A_57] : memref<323584x32xf32, #tpu.memory_space<hbm>> -> memref<128x32xf32, #tpu.memory_space<hbm>>
          tpu.wait_dma2 semaphore(%run_scoped3A : memref<!tpu.dma_semaphore, #tpu.memory_space<semaphore_mem>>) src(%arg13 : memref<128x32xf32, #tpu.memory_space<vmem>>) dst(%dma_wait3A_58 : memref<128x32xf32, #tpu.memory_space<hbm>>)
          tpu.yield
        }) : () -> ()
        "tpu.region"() ({
          %run_scoped3A = tpu.sem_alloc : memref<!tpu.dma_semaphore, #tpu.memory_space<semaphore_mem>>
          %dma_start3A_51 = arith.constant 0 : i32
          %dma_start3A_52 = tpu.memref_slice %arg6[%add3A_44, %dma_start3A_51] : memref<323584x32xf32, #tpu.memory_space<hbm>> -> memref<128x32xf32, #tpu.memory_space<hbm>>
          %dma_start3A_53 = arith.constant 0 : i32
          %dma_start3A_54 = tpu.memref_slice %arg6[%add3A_44, %dma_start3A_53] : memref<323584x32xf32, #tpu.memory_space<hbm>> -> memref<128x32xf32, #tpu.memory_space<hbm>>
          tpu.enqueue_dma source(%arg14 : memref<128x32xf32, #tpu.memory_space<vmem>>) target(%dma_start3A_54 : memref<128x32xf32, #tpu.memory_space<hbm>>) target_semaphore(%run_scoped3A : memref<!tpu.dma_semaphore, #tpu.memory_space<semaphore_mem>>)
          %dma_wait3A_55 = arith.constant 0 : i32
          %dma_wait3A_56 = tpu.memref_slice %arg6[%add3A_44, %dma_wait3A_55] : memref<323584x32xf32, #tpu.memory_space<hbm>> -> memref<128x32xf32, #tpu.memory_space<hbm>>
          %dma_wait3A_57 = arith.constant 0 : i32
          %dma_wait3A_58 = tpu.memref_slice %arg6[%add3A_44, %dma_wait3A_57] : memref<323584x32xf32, #tpu.memory_space<hbm>> -> memref<128x32xf32, #tpu.memory_space<hbm>>
          tpu.wait_dma2 semaphore(%run_scoped3A : memref<!tpu.dma_semaphore, #tpu.memory_space<semaphore_mem>>) src(%arg14 : memref<128x32xf32, #tpu.memory_space<vmem>>) dst(%dma_wait3A_58 : memref<128x32xf32, #tpu.memory_space<hbm>>)
          tpu.yield
        }) : () -> ()
      } else {
      }
    }
    %scan3A_14 = arith.constant 40 : i32
    return
  }
}

#map = affine_map<(d0, d1) -> (0, 0)>
#map1 = affine_map<(d0, d1) -> (0)>
module attributes {stable_mosaic.version = 14 : i64} {
  func.func @sk(%arg0: i32, %arg1: i32, %arg2: memref<323584x32xf32, #tpu.memory_space<hbm>>, %arg3: memref<323584xi32, #tpu.memory_space<hbm>>, %arg4: memref<632x32xf32, #tpu.memory_space<hbm>>, %arg5: memref<20224x32xf32, #tpu.memory_space<hbm>>, %arg6: memref<128xi32, #tpu.memory_space<vmem>>, %arg7: memref<128x32xf32, #tpu.memory_space<vmem>>, %arg8: memref<632x32xf32, #tpu.memory_space<vmem>>, %arg9: memref<10112x32xf32, #tpu.memory_space<vmem_shared>>, %arg10: memref<!tpu.dma_semaphore, #tpu.memory_space<semaphore_mem>>) attributes {dimension_semantics = [#tpu.dimension_semantics<core_parallel>, #tpu.dimension_semantics<subcore_parallel>], iteration_bounds = array<i64: 2, 16>, scalar_prefetch = 0 : i64, scratch_operands = 5 : i64, tpu.core_type = #tpu.core_type<sc_vector_subcore>, window_params = [{transform_indices = #map}, {transform_indices = #map1}, {transform_indices = #map}, {transform_indices = #map}]} {
    %mul3A = arith.constant 2 : i32
    %mul3A_0 = arith.muli %arg1, %mul3A : i32
    %add3A = arith.addi %mul3A_0, %arg0 : i32
    %mul3A_1 = arith.constant 10112 : i32
    %mul3A_2 = arith.muli %add3A, %mul3A_1 : i32
    %mul3A_3 = arith.constant 632 : i32
    %mul3A_4 = arith.muli %arg1, %mul3A_3 : i32
    "tpu.region"() ({
      %run_scoped3A = tpu.sem_alloc : memref<!tpu.dma_semaphore, #tpu.memory_space<semaphore_mem>>
      %dma_start3A = arith.constant 0 : i32
      %dma_start3A_18 = tpu.memref_slice %arg9[%mul3A_4, %dma_start3A] : memref<10112x32xf32, #tpu.memory_space<vmem_shared>> -> memref<632x32xf32, #tpu.memory_space<vmem_shared>>
      tpu.enqueue_dma source(%arg4 : memref<632x32xf32, #tpu.memory_space<hbm>>) target(%dma_start3A_18 : memref<632x32xf32, #tpu.memory_space<vmem_shared>>) target_semaphore(%run_scoped3A : memref<!tpu.dma_semaphore, #tpu.memory_space<semaphore_mem>>)
      %dma_wait3A = arith.constant 0 : i32
      %dma_wait3A_19 = tpu.memref_slice %arg9[%mul3A_4, %dma_wait3A] : memref<10112x32xf32, #tpu.memory_space<vmem_shared>> -> memref<632x32xf32, #tpu.memory_space<vmem_shared>>
      tpu.wait_dma2 semaphore(%run_scoped3A : memref<!tpu.dma_semaphore, #tpu.memory_space<semaphore_mem>>) src(%arg4 : memref<632x32xf32, #tpu.memory_space<hbm>>) dst(%dma_wait3A_19 : memref<632x32xf32, #tpu.memory_space<vmem_shared>>)
      tpu.yield
    }) : () -> ()
    %barrier3A = arith.constant 0 : index
    tpu.barrier barrier_id(%barrier3A)
    %scan3A = arith.constant 0 : i32
    %scan3A_5 = arith.constant 0 : i32
    %scan3A_6 = arith.constant 79 : i32
    %scan3A_7 = arith.addi %scan3A_5, %scan3A_6 : i32
    %scan3A_8 = arith.constant 1 : i32
    scf.for %scan3A_18 = %scan3A_5 to %scan3A_7 step %scan3A_8  : i32 {
      %mul3A_19 = arith.constant 128 : i32
      %mul3A_20 = arith.muli %scan3A_18, %mul3A_19 : i32
      %add3A_21 = arith.addi %mul3A_2, %mul3A_20 : i32
      "tpu.region"() ({
        %run_scoped3A = tpu.sem_alloc : memref<!tpu.dma_semaphore, #tpu.memory_space<semaphore_mem>>
        %dma_start3A = tpu.memref_slice %arg3[%add3A_21] : memref<323584xi32, #tpu.memory_space<hbm>> -> memref<128xi32, #tpu.memory_space<hbm>>
        %dma_start3A_22 = tpu.memref_slice %arg3[%add3A_21] : memref<323584xi32, #tpu.memory_space<hbm>> -> memref<128xi32, #tpu.memory_space<hbm>>
        tpu.enqueue_dma source(%dma_start3A_22 : memref<128xi32, #tpu.memory_space<hbm>>) target(%arg6 : memref<128xi32, #tpu.memory_space<vmem>>) target_semaphore(%run_scoped3A : memref<!tpu.dma_semaphore, #tpu.memory_space<semaphore_mem>>)
        %dma_wait3A = tpu.memref_slice %arg3[%add3A_21] : memref<323584xi32, #tpu.memory_space<hbm>> -> memref<128xi32, #tpu.memory_space<hbm>>
        %dma_wait3A_23 = tpu.memref_slice %arg3[%add3A_21] : memref<323584xi32, #tpu.memory_space<hbm>> -> memref<128xi32, #tpu.memory_space<hbm>>
        tpu.wait_dma2 semaphore(%run_scoped3A : memref<!tpu.dma_semaphore, #tpu.memory_space<semaphore_mem>>) src(%dma_wait3A_23 : memref<128xi32, #tpu.memory_space<hbm>>) dst(%arg6 : memref<128xi32, #tpu.memory_space<vmem>>)
        tpu.yield
      }) : () -> ()
      "tpu.region"() ({
        %run_scoped3A = tpu.sem_alloc : memref<!tpu.dma_semaphore, #tpu.memory_space<semaphore_mem>>
        %dma_start3A = arith.constant 0 : i32
        %dma_start3A_22 = tpu.memref_slice %arg2[%add3A_21, %dma_start3A] : memref<323584x32xf32, #tpu.memory_space<hbm>> -> memref<128x32xf32, #tpu.memory_space<hbm>>
        %dma_start3A_23 = arith.constant 0 : i32
        %dma_start3A_24 = tpu.memref_slice %arg2[%add3A_21, %dma_start3A_23] : memref<323584x32xf32, #tpu.memory_space<hbm>> -> memref<128x32xf32, #tpu.memory_space<hbm>>
        tpu.enqueue_dma source(%dma_start3A_24 : memref<128x32xf32, #tpu.memory_space<hbm>>) target(%arg7 : memref<128x32xf32, #tpu.memory_space<vmem>>) target_semaphore(%run_scoped3A : memref<!tpu.dma_semaphore, #tpu.memory_space<semaphore_mem>>)
        %dma_wait3A = arith.constant 0 : i32
        %dma_wait3A_25 = tpu.memref_slice %arg2[%add3A_21, %dma_wait3A] : memref<323584x32xf32, #tpu.memory_space<hbm>> -> memref<128x32xf32, #tpu.memory_space<hbm>>
        %dma_wait3A_26 = arith.constant 0 : i32
        %dma_wait3A_27 = tpu.memref_slice %arg2[%add3A_21, %dma_wait3A_26] : memref<323584x32xf32, #tpu.memory_space<hbm>> -> memref<128x32xf32, #tpu.memory_space<hbm>>
        tpu.wait_dma2 semaphore(%run_scoped3A : memref<!tpu.dma_semaphore, #tpu.memory_space<semaphore_mem>>) src(%dma_wait3A_27 : memref<128x32xf32, #tpu.memory_space<hbm>>) dst(%arg7 : memref<128x32xf32, #tpu.memory_space<vmem>>)
        tpu.yield
      }) : () -> ()
      "tpu.region"() ({
        %run_scoped3A = tpu.sem_alloc : memref<!tpu.dma_semaphore, #tpu.memory_space<semaphore_mem>>
        %dma_start3A = arith.constant 0 : i32
        %dma_start3A_22 = arith.constant 0 : i32
        %dma_start3A_23 = tpu.memref_slice %arg9[%dma_start3A, %dma_start3A_22] : memref<10112x32xf32, #tpu.memory_space<vmem_shared>> -> memref<10112x32xf32, #tpu.memory_space<vmem_shared>>
        tpu.enqueue_indirect_dma source(%arg7 : memref<128x32xf32, #tpu.memory_space<vmem>>) target(%dma_start3A_23 : memref<10112x32xf32, #tpu.memory_space<vmem_shared>>) offsets(%arg6 : memref<128xi32, #tpu.memory_space<vmem>>) semaphore(%run_scoped3A : memref<!tpu.dma_semaphore, #tpu.memory_space<semaphore_mem>>) {add = true}
        %dma_wait3A = arith.constant 0 : i32
        %dma_wait3A_24 = arith.constant 0 : i32
        %dma_wait3A_25 = tpu.memref_slice %arg9[%dma_wait3A, %dma_wait3A_24] : memref<10112x32xf32, #tpu.memory_space<vmem_shared>> -> memref<10112x32xf32, #tpu.memory_space<vmem_shared>>
        tpu.wait_indirect_dma semaphore(%run_scoped3A : memref<!tpu.dma_semaphore, #tpu.memory_space<semaphore_mem>>) src(%arg7 : memref<128x32xf32, #tpu.memory_space<vmem>>) dst(%dma_wait3A_25 : memref<10112x32xf32, #tpu.memory_space<vmem_shared>>)
        tpu.yield
      }) : () -> ()
    }
    %scan3A_9 = arith.constant 79 : i32
    %barrier3A_10 = arith.constant 0 : index
    tpu.barrier barrier_id(%barrier3A_10)
    %mul3A_11 = arith.constant 632 : i32
    %mul3A_12 = arith.muli %arg1, %mul3A_11 : i32
    "tpu.region"() ({
      %run_scoped3A = tpu.sem_alloc : memref<!tpu.dma_semaphore, #tpu.memory_space<semaphore_mem>>
      %dma_start3A = arith.constant 0 : i32
      %dma_start3A_18 = tpu.memref_slice %arg9[%mul3A_12, %dma_start3A] : memref<10112x32xf32, #tpu.memory_space<vmem_shared>> -> memref<632x32xf32, #tpu.memory_space<vmem_shared>>
      %dma_start3A_19 = arith.constant 0 : i32
      %dma_start3A_20 = tpu.memref_slice %arg9[%mul3A_12, %dma_start3A_19] : memref<10112x32xf32, #tpu.memory_space<vmem_shared>> -> memref<632x32xf32, #tpu.memory_space<vmem_shared>>
      tpu.enqueue_dma source(%dma_start3A_20 : memref<632x32xf32, #tpu.memory_space<vmem_shared>>) target(%arg8 : memref<632x32xf32, #tpu.memory_space<vmem>>) target_semaphore(%run_scoped3A : memref<!tpu.dma_semaphore, #tpu.memory_space<semaphore_mem>>)
      %dma_wait3A = arith.constant 0 : i32
      %dma_wait3A_21 = tpu.memref_slice %arg9[%mul3A_12, %dma_wait3A] : memref<10112x32xf32, #tpu.memory_space<vmem_shared>> -> memref<632x32xf32, #tpu.memory_space<vmem_shared>>
      %dma_wait3A_22 = arith.constant 0 : i32
      %dma_wait3A_23 = tpu.memref_slice %arg9[%mul3A_12, %dma_wait3A_22] : memref<10112x32xf32, #tpu.memory_space<vmem_shared>> -> memref<632x32xf32, #tpu.memory_space<vmem_shared>>
      tpu.wait_dma2 semaphore(%run_scoped3A : memref<!tpu.dma_semaphore, #tpu.memory_space<semaphore_mem>>) src(%dma_wait3A_23 : memref<632x32xf32, #tpu.memory_space<vmem_shared>>) dst(%arg8 : memref<632x32xf32, #tpu.memory_space<vmem>>)
      tpu.yield
    }) : () -> ()
    %mul3A_13 = arith.constant 10112 : i32
    %mul3A_14 = arith.muli %arg0, %mul3A_13 : i32
    %mul3A_15 = arith.constant 632 : i32
    %mul3A_16 = arith.muli %arg1, %mul3A_15 : i32
    %add3A_17 = arith.addi %mul3A_14, %mul3A_16 : i32
    "tpu.region"() ({
      %run_scoped3A = tpu.sem_alloc : memref<!tpu.dma_semaphore, #tpu.memory_space<semaphore_mem>>
      %dma_start3A = arith.constant 0 : i32
      %dma_start3A_18 = tpu.memref_slice %arg5[%add3A_17, %dma_start3A] : memref<20224x32xf32, #tpu.memory_space<hbm>> -> memref<632x32xf32, #tpu.memory_space<hbm>>
      %dma_start3A_19 = arith.constant 0 : i32
      %dma_start3A_20 = tpu.memref_slice %arg5[%add3A_17, %dma_start3A_19] : memref<20224x32xf32, #tpu.memory_space<hbm>> -> memref<632x32xf32, #tpu.memory_space<hbm>>
      tpu.enqueue_dma source(%arg8 : memref<632x32xf32, #tpu.memory_space<vmem>>) target(%dma_start3A_20 : memref<632x32xf32, #tpu.memory_space<hbm>>) target_semaphore(%run_scoped3A : memref<!tpu.dma_semaphore, #tpu.memory_space<semaphore_mem>>)
      %dma_wait3A = arith.constant 0 : i32
      %dma_wait3A_21 = tpu.memref_slice %arg5[%add3A_17, %dma_wait3A] : memref<20224x32xf32, #tpu.memory_space<hbm>> -> memref<632x32xf32, #tpu.memory_space<hbm>>
      %dma_wait3A_22 = arith.constant 0 : i32
      %dma_wait3A_23 = tpu.memref_slice %arg5[%add3A_17, %dma_wait3A_22] : memref<20224x32xf32, #tpu.memory_space<hbm>> -> memref<632x32xf32, #tpu.memory_space<hbm>>
      tpu.wait_dma2 semaphore(%run_scoped3A : memref<!tpu.dma_semaphore, #tpu.memory_space<semaphore_mem>>) src(%arg8 : memref<632x32xf32, #tpu.memory_space<vmem>>) dst(%dma_wait3A_23 : memref<632x32xf32, #tpu.memory_space<hbm>>)
      tpu.yield
    }) : () -> ()
    return
  }
}

module attributes {stable_mosaic.version = 14 : i64} {
  func.func @body(%arg0: memref<10000x9xf32, #tpu.memory_space<vmem>>, %arg1: memref<10000x16xf32, #tpu.memory_space<vmem>>, %arg2: memref<9x32xf32, #tpu.memory_space<vmem>>, %arg3: memref<1x32xf32, #tpu.memory_space<vmem>>, %arg4: memref<10000x48xf32, #tpu.memory_space<vmem>>) attributes {dimension_semantics = [], scalar_prefetch = 0 : i64, scratch_operands = 0 : i64, tpu.core_type = #tpu.core_type<tc>} {
    %get3A = arith.constant 0 : index
    %get3A_0 = arith.constant 0 : index
    %get3A_1 = vector.load %arg0[%get3A, %get3A_0] : memref<10000x9xf32, #tpu.memory_space<vmem>>, vector<10000x9xf32>
    %get3A_2 = arith.constant 0 : index
    %get3A_3 = arith.constant 0 : index
    %get3A_4 = vector.load %arg2[%get3A_2, %get3A_3] : memref<9x32xf32, #tpu.memory_space<vmem>>, vector<9x32xf32>
    %dot_general3A = arith.constant dense<0.000000e+00> : vector<10000x32xf32>
    %dot_general3A_5 = tpu.matmul %get3A_1, %get3A_4, %dot_general3A {dimension_numbers = #tpu.dot_dimension_numbers<[1], [0], [0], [1], [0, 0, 1, 1], [], []>, transpose_lhs_hint = false} : vector<10000x9xf32>, vector<9x32xf32>, vector<10000x32xf32> -> vector<10000x32xf32>
    %get3A_6 = arith.constant 0 : index
    %get3A_7 = arith.constant 0 : index
    %get3A_8 = vector.load %arg3[%get3A_6, %get3A_7] : memref<1x32xf32, #tpu.memory_space<vmem>>, vector<1x32xf32>
    %add3A = vector.broadcast %get3A_8 : vector<1x32xf32> to vector<10000x32xf32>
    %add3A_9 = arith.addf %dot_general3A_5, %add3A : vector<10000x32xf32>
    %get3A_10 = arith.constant 0 : index
    %get3A_11 = arith.constant 0 : index
    %get3A_12 = vector.load %arg1[%get3A_10, %get3A_11] : memref<10000x16xf32, #tpu.memory_space<vmem>>, vector<10000x16xf32>
    %concatenate3A = tpu.concatenate %add3A_9, %get3A_12 in 1 : vector<10000x32xf32>, vector<10000x16xf32> -> vector<10000x48xf32>
    %swap3A = arith.constant 0 : index
    %swap3A_13 = arith.constant 0 : index
    %swap3A_14 = vector.load %arg4[%swap3A, %swap3A_13] : memref<10000x48xf32, #tpu.memory_space<vmem>>, vector<10000x48xf32>
    tpu.vector_store %arg4[%swap3A, %swap3A_13], %concatenate3A {strides = array<i32>} : memref<10000x48xf32, #tpu.memory_space<vmem>>, vector<10000x48xf32>,
    return
  }
}

module attributes {stable_mosaic.version = 14 : i64} {
  func.func @_lambda_(%arg0: i32, %arg1: memref<2048x48xf32, #tpu.memory_space<vmem>>, %arg2: memref<2048x48xf32, #tpu.memory_space<vmem>>, %arg3: memref<2048x1xf32, #tpu.memory_space<vmem>>, %arg4: memref<129x258xf32, #tpu.memory_space<vmem>>, %arg5: memref<1x258xf32, #tpu.memory_space<vmem>>, %arg6: memref<258x32xf32, #tpu.memory_space<vmem>>, %arg7: memref<1x32xf32, #tpu.memory_space<vmem>>, %arg8: memref<1x32xf32, #tpu.memory_space<vmem>>, %arg9: memref<1x32xf32, #tpu.memory_space<vmem>>, %arg10: memref<1x32xf32, #tpu.memory_space<vmem>>, %arg11: memref<2048x48xf32, #tpu.memory_space<vmem>>) attributes {dimension_semantics = [#tpu.dimension_semantics<arbitrary>], iteration_bounds = array<i64: 158>, scalar_prefetch = 0 : i64, scratch_operands = 0 : i64, tpu.core_type = #tpu.core_type<tc>, window_params = [{transform_indices = @transform_0, window_bounds = array<i64: 2048, 48>}, {transform_indices = @transform_1, window_bounds = array<i64: 2048, 48>}, {transform_indices = @transform_2, window_bounds = array<i64: 2048, 1>}, {pipeline_mode = #tpu.pipeline_mode<synchronous>, transform_indices = @transform_3, window_bounds = array<i64: 129, 258>}, {pipeline_mode = #tpu.pipeline_mode<synchronous>, transform_indices = @transform_4, window_bounds = array<i64: 1, 258>}, {pipeline_mode = #tpu.pipeline_mode<synchronous>, transform_indices = @transform_5, window_bounds = array<i64: 258, 32>}, {pipeline_mode = #tpu.pipeline_mode<synchronous>, transform_indices = @transform_6, window_bounds = array<i64: 1, 32>}, {pipeline_mode = #tpu.pipeline_mode<synchronous>, transform_indices = @transform_7, window_bounds = array<i64: 1, 32>}, {pipeline_mode = #tpu.pipeline_mode<synchronous>, transform_indices = @transform_8, window_bounds = array<i64: 1, 32>}, {pipeline_mode = #tpu.pipeline_mode<synchronous>, transform_indices = @transform_9, window_bounds = array<i64: 1, 32>}, {transform_indices = @transform_10, window_bounds = array<i64: 2048, 48>}]} {
    %get3A = arith.constant 0 : index
    %get3A_0 = arith.constant 0 : index
    %get3A_1 = vector.load %arg1[%get3A, %get3A_0] : memref<2048x48xf32, #tpu.memory_space<vmem>>, vector<2048x32xf32>
    %get3A_2 = arith.constant 0 : index
    %get3A_3 = arith.constant 0 : index
    %get3A_4 = vector.load %arg2[%get3A_2, %get3A_3] : memref<2048x48xf32, #tpu.memory_space<vmem>>, vector<2048x32xf32>
    %get3A_5 = arith.constant 0 : index
    %get3A_6 = arith.constant 0 : index
    %get3A_7 = vector.load %arg3[%get3A_5, %get3A_6] : memref<2048x1xf32, #tpu.memory_space<vmem>>, vector<2048x1xf32>
    %get3A_8 = arith.constant 0 : index
    %get3A_9 = arith.constant 0 : index
    %get3A_10 = vector.load %arg10[%get3A_8, %get3A_9] : memref<1x32xf32, #tpu.memory_space<vmem>>, vector<1x32xf32>
    %mul3A = vector.broadcast %get3A_7 : vector<2048x1xf32> to vector<2048x32xf32>
    %mul3A_11 = vector.broadcast %get3A_10 : vector<1x32xf32> to vector<2048x32xf32>
    %mul3A_12 = arith.mulf %mul3A, %mul3A_11 : vector<2048x32xf32>
    %sin3A = math.sin %mul3A_12 : vector<2048x32xf32>
    %cos3A = math.cos %mul3A_12 : vector<2048x32xf32>
    %concatenate3A = tpu.concatenate %get3A_1, %get3A_4, %sin3A, %cos3A, %get3A_7 in 1 : vector<2048x32xf32>, vector<2048x32xf32>, vector<2048x32xf32>, vector<2048x32xf32>, vector<2048x1xf32> -> vector<2048x129xf32>
    %get3A_13 = arith.constant 0 : index
    %get3A_14 = arith.constant 0 : index
    %get3A_15 = vector.load %arg4[%get3A_13, %get3A_14] : memref<129x258xf32, #tpu.memory_space<vmem>>, vector<129x258xf32>
    %dot_general3A = arith.constant dense<0.000000e+00> : vector<2048x258xf32>
    %dot_general3A_16 = tpu.matmul %concatenate3A, %get3A_15, %dot_general3A {dimension_numbers = #tpu.dot_dimension_numbers<[1], [0], [0], [1], [0, 0, 1, 1], [], []>, transpose_lhs_hint = false} : vector<2048x129xf32>, vector<129x258xf32>, vector<2048x258xf32> -> vector<2048x258xf32>
    %get3A_17 = arith.constant 0 : index
    %get3A_18 = arith.constant 0 : index
    %get3A_19 = vector.load %arg5[%get3A_17, %get3A_18] : memref<1x258xf32, #tpu.memory_space<vmem>>, vector<1x258xf32>
    %add3A = vector.broadcast %get3A_19 : vector<1x258xf32> to vector<2048x258xf32>
    %add3A_20 = arith.addf %dot_general3A_16, %add3A : vector<2048x258xf32>
    %logistic3A = arith.negf %add3A_20 : vector<2048x258xf32>
    %logistic3A_21 = math.exp %logistic3A : vector<2048x258xf32>
    %logistic3A_22 = arith.constant 1.000000e+00 : f32
    %logistic3A_23 = vector.broadcast %logistic3A_22 : f32 to vector<2048x258xf32>
    %logistic3A_24 = arith.addf %logistic3A_23, %logistic3A_21 : vector<2048x258xf32>
    %logistic3A_25 = arith.divf %logistic3A_23, %logistic3A_24 : vector<2048x258xf32>
    %mul3A_26 = arith.mulf %add3A_20, %logistic3A_25 : vector<2048x258xf32>
    %get3A_27 = arith.constant 0 : index
    %get3A_28 = arith.constant 0 : index
    %get3A_29 = vector.load %arg6[%get3A_27, %get3A_28] : memref<258x32xf32, #tpu.memory_space<vmem>>, vector<258x32xf32>
    %dot_general3A_30 = arith.constant dense<0.000000e+00> : vector<2048x32xf32>
    %dot_general3A_31 = tpu.matmul %mul3A_26, %get3A_29, %dot_general3A_30 {dimension_numbers = #tpu.dot_dimension_numbers<[1], [0], [0], [1], [0, 0, 1, 1], [], []>, transpose_lhs_hint = false} : vector<2048x258xf32>, vector<258x32xf32>, vector<2048x32xf32> -> vector<2048x32xf32>
    %get3A_32 = arith.constant 0 : index
    %get3A_33 = arith.constant 0 : index
    %get3A_34 = vector.load %arg7[%get3A_32, %get3A_33] : memref<1x32xf32, #tpu.memory_space<vmem>>, vector<1x32xf32>
    %add3A_35 = vector.broadcast %get3A_34 : vector<1x32xf32> to vector<2048x32xf32>
    %add3A_36 = arith.addf %dot_general3A_31, %add3A_35 : vector<2048x32xf32>
    %logistic3A_37 = arith.negf %add3A_36 : vector<2048x32xf32>
    %logistic3A_38 = math.exp %logistic3A_37 : vector<2048x32xf32>
    %logistic3A_39 = arith.constant 1.000000e+00 : f32
    %logistic3A_40 = vector.broadcast %logistic3A_39 : f32 to vector<2048x32xf32>
    %logistic3A_41 = arith.addf %logistic3A_40, %logistic3A_38 : vector<2048x32xf32>
    %logistic3A_42 = arith.divf %logistic3A_40, %logistic3A_41 : vector<2048x32xf32>
    %mul3A_43 = arith.mulf %add3A_36, %logistic3A_42 : vector<2048x32xf32>
    %get3A_44 = arith.constant 0 : index
    %get3A_45 = arith.constant 0 : index
    %get3A_46 = vector.load %arg8[%get3A_44, %get3A_45] : memref<1x32xf32, #tpu.memory_space<vmem>>, vector<1x32xf32>
    %get3A_47 = arith.constant 0 : index
    %get3A_48 = arith.constant 0 : index
    %get3A_49 = vector.load %arg9[%get3A_47, %get3A_48] : memref<1x32xf32, #tpu.memory_space<vmem>>, vector<1x32xf32>
    %reduce_sum3A = arith.constant dense<0.000000e+00> : vector<2048xf32>
    %reduce_sum3A_50 = vector.multi_reduction <add>, %mul3A_43, %reduce_sum3A [1] : vector<2048x32xf32> to vector<2048xf32>
    %broadcast_in_dim3A = vector.shape_cast %reduce_sum3A_50 : vector<2048xf32> to vector<2048x1xf32>
    %div3A = arith.constant 3.200000e+01 : f32
    %div3A_51 = vector.broadcast %div3A : f32 to vector<2048x1xf32>
    %div3A_52 = arith.divf %broadcast_in_dim3A, %div3A_51 : vector<2048x1xf32>
    %jit3A = arith.constant 0 : i32
    %reduce_sum3A_53 = arith.constant dense<0.000000e+00> : vector<2048xf32>
    %reduce_sum3A_54 = vector.multi_reduction <add>, %mul3A_43, %reduce_sum3A_53 [1] : vector<2048x32xf32> to vector<2048xf32>
    %broadcast_in_dim3A_55 = vector.shape_cast %reduce_sum3A_54 : vector<2048xf32> to vector<2048x1xf32>
    %div3A_56 = arith.constant 3.200000e+01 : f32
    %div3A_57 = vector.broadcast %div3A_56 : f32 to vector<2048x1xf32>
    %div3A_58 = arith.divf %broadcast_in_dim3A_55, %div3A_57 : vector<2048x1xf32>
    %sub3A = vector.broadcast %div3A_58 : vector<2048x1xf32> to vector<2048x32xf32>
    %sub3A_59 = arith.subf %mul3A_43, %sub3A : vector<2048x32xf32>
    %square3A = arith.mulf %sub3A_59, %sub3A_59 : vector<2048x32xf32>
    %convert_element_type3A = arith.sitofp %jit3A : i32 to f32
    %sub3A_60 = arith.constant 3.200000e+01 : f32
    %sub3A_61 = arith.subf %sub3A_60, %convert_element_type3A : f32
    %reduce_sum3A_62 = arith.constant dense<0.000000e+00> : vector<2048xf32>
    %reduce_sum3A_63 = vector.multi_reduction <add>, %square3A, %reduce_sum3A_62 [1] : vector<2048x32xf32> to vector<2048xf32>
    %broadcast_in_dim3A_64 = vector.shape_cast %reduce_sum3A_63 : vector<2048xf32> to vector<2048x1xf32>
    %div3A_65 = vector.broadcast %sub3A_61 : f32 to vector<2048x1xf32>
    %div3A_66 = arith.divf %broadcast_in_dim3A_64, %div3A_65 : vector<2048x1xf32>
    %gt3A = arith.constant 0.000000e+00 : f32
    %gt3A_67 = arith.cmpf ogt, %sub3A_61, %gt3A : f32
    %jit3A_68 = arith.constant 0x7FC00000 : f32
    %broadcast_in_dim3A_69 = vector.broadcast %jit3A_68 : f32 to vector<2048x1xf32>
    %select_n3A = arith.select %gt3A_67, %div3A_66, %broadcast_in_dim3A_69 : vector<2048x1xf32>
    %sub3A_70 = vector.broadcast %div3A_52 : vector<2048x1xf32> to vector<2048x32xf32>
    %sub3A_71 = arith.subf %mul3A_43, %sub3A_70 : vector<2048x32xf32>
    %add3A_72 = arith.constant 9.99999974E-6 : f32
    %add3A_73 = vector.broadcast %add3A_72 : f32 to vector<2048x1xf32>
    %add3A_74 = arith.addf %select_n3A, %add3A_73 : vector<2048x1xf32>
    %sqrt3A = math.sqrt %add3A_74 : vector<2048x1xf32>
    %div3A_75 = vector.broadcast %sqrt3A : vector<2048x1xf32> to vector<2048x32xf32>
    %div3A_76 = arith.divf %sub3A_71, %div3A_75 : vector<2048x32xf32>
    %mul3A_77 = vector.broadcast %get3A_46 : vector<1x32xf32> to vector<2048x32xf32>
    %mul3A_78 = arith.mulf %div3A_76, %mul3A_77 : vector<2048x32xf32>
    %add3A_79 = vector.broadcast %get3A_49 : vector<1x32xf32> to vector<2048x32xf32>
    %add3A_80 = arith.addf %mul3A_78, %add3A_79 : vector<2048x32xf32>
    %broadcast_in_dim3A_81 = arith.constant 1.000000e+00 : f32
    %broadcast_in_dim3A_82 = vector.broadcast %broadcast_in_dim3A_81 : f32 to vector<2048x16xf32>
    %concatenate3A_83 = tpu.concatenate %add3A_80, %broadcast_in_dim3A_82 in 1 : vector<2048x32xf32>, vector<2048x16xf32> -> vector<2048x48xf32>
    %swap3A = arith.constant 0 : index
    %swap3A_84 = arith.constant 0 : index
    %swap3A_85 = vector.load %arg11[%swap3A, %swap3A_84] : memref<2048x48xf32, #tpu.memory_space<vmem>>, vector<2048x48xf32>
    tpu.vector_store %arg11[%swap3A, %swap3A_84], %concatenate3A_83 {strides = array<i32>} : memref<2048x48xf32, #tpu.memory_space<vmem>>, vector<2048x48xf32>,
    return
  }
  func.func @transform_0(%arg0: i32) -> (i32, i32) {
    %c0_i32 = arith.constant 0 : i32
    %c0_i32_0 = arith.constant 0 : i32
    return %arg0, %c0_i32 : i32, i32
  }
  func.func @transform_1(%arg0: i32) -> (i32, i32) {
    %c0_i32 = arith.constant 0 : i32
    %c0_i32_0 = arith.constant 0 : i32
    return %arg0, %c0_i32 : i32, i32
  }
  func.func @transform_2(%arg0: i32) -> (i32, i32) {
    %c0_i32 = arith.constant 0 : i32
    %c0_i32_0 = arith.constant 0 : i32
    return %arg0, %c0_i32 : i32, i32
  }
  func.func @transform_3(%arg0: i32) -> (i32, i32) {
    %c0_i32 = arith.constant 0 : i32
    %c0_i32_0 = arith.constant 0 : i32
    %c0_i32_1 = arith.constant 0 : i32
    return %c0_i32, %c0_i32_0 : i32, i32
  }
  func.func @transform_4(%arg0: i32) -> (i32, i32) {
    %c0_i32 = arith.constant 0 : i32
    %c0_i32_0 = arith.constant 0 : i32
    %c0_i32_1 = arith.constant 0 : i32
    return %c0_i32, %c0_i32_0 : i32, i32
  }
  func.func @transform_5(%arg0: i32) -> (i32, i32) {
    %c0_i32 = arith.constant 0 : i32
    %c0_i32_0 = arith.constant 0 : i32
    %c0_i32_1 = arith.constant 0 : i32
    return %c0_i32, %c0_i32_0 : i32, i32
  }
  func.func @transform_6(%arg0: i32) -> (i32, i32) {
    %c0_i32 = arith.constant 0 : i32
    %c0_i32_0 = arith.constant 0 : i32
    %c0_i32_1 = arith.constant 0 : i32
    return %c0_i32, %c0_i32_0 : i32, i32
  }
  func.func @transform_7(%arg0: i32) -> (i32, i32) {
    %c0_i32 = arith.constant 0 : i32
    %c0_i32_0 = arith.constant 0 : i32
    %c0_i32_1 = arith.constant 0 : i32
    return %c0_i32, %c0_i32_0 : i32, i32
  }
  func.func @transform_8(%arg0: i32) -> (i32, i32) {
    %c0_i32 = arith.constant 0 : i32
    %c0_i32_0 = arith.constant 0 : i32
    %c0_i32_1 = arith.constant 0 : i32
    return %c0_i32, %c0_i32_0 : i32, i32
  }
  func.func @transform_9(%arg0: i32) -> (i32, i32) {
    %c0_i32 = arith.constant 0 : i32
    %c0_i32_0 = arith.constant 0 : i32
    %c0_i32_1 = arith.constant 0 : i32
    return %c0_i32, %c0_i32_0 : i32, i32
  }
  func.func @transform_10(%arg0: i32) -> (i32, i32) {
    %c0_i32 = arith.constant 0 : i32
    %c0_i32_0 = arith.constant 0 : i32
    return %arg0, %c0_i32 : i32, i32
  }
}

module attributes {stable_mosaic.version = 14 : i64} {
  func.func @_lambda_(%arg0: memref<20224x48xf32, #tpu.memory_space<vmem>>, %arg1: memref<10000x32xf32, #tpu.memory_space<vmem>>, %arg2: memref<64x64xf32, #tpu.memory_space<vmem>>, %arg3: memref<1x64xf32, #tpu.memory_space<vmem>>, %arg4: memref<64x32xf32, #tpu.memory_space<vmem>>, %arg5: memref<1x32xf32, #tpu.memory_space<vmem>>, %arg6: memref<1x32xf32, #tpu.memory_space<vmem>>, %arg7: memref<1x32xf32, #tpu.memory_space<vmem>>, %arg8: memref<1x32xf32, #tpu.memory_space<vmem>>, %arg9: memref<1x32xf32, #tpu.memory_space<vmem>>, %arg10: memref<1x32xf32, #tpu.memory_space<vmem>>, %arg11: memref<1x32xf32, #tpu.memory_space<vmem>>, %arg12: memref<10000x32xf32, #tpu.memory_space<vmem>>, %arg13: memref<10000x1xf32, #tpu.memory_space<vmem>>) attributes {dimension_semantics = [], scalar_prefetch = 0 : i64, scratch_operands = 0 : i64, tpu.core_type = #tpu.core_type<tc>} {
    %get3A = arith.constant 0 : index
    %get3A_0 = arith.constant 0 : index
    %get3A_1 = vector.load %arg0[%get3A, %get3A_0] : memref<20224x48xf32, #tpu.memory_space<vmem>>, vector<20224x48xf32>
    %slice3A = vector.extract_strided_slice %get3A_1 {offsets = [0, 0], sizes = [10000, 48], strides = [1, 1]} : vector<20224x48xf32> to vector<10000x48xf32>
    %slice3A_2 = vector.extract_strided_slice %get3A_1 {offsets = [10112, 0], sizes = [10000, 48], strides = [1, 1]} : vector<20224x48xf32> to vector<10000x48xf32>
    %add3A = arith.addf %slice3A, %slice3A_2 : vector<10000x48xf32>
    %slice3A_3 = vector.extract_strided_slice %add3A {offsets = [0, 32], sizes = [10000, 1], strides = [1, 1]} : vector<10000x48xf32> to vector<10000x1xf32>
    %slice3A_4 = vector.extract_strided_slice %add3A {offsets = [0, 0], sizes = [10000, 32], strides = [1, 1]} : vector<10000x48xf32> to vector<10000x32xf32>
    %swap3A = arith.constant 0 : index
    %swap3A_5 = arith.constant 0 : index
    %swap3A_6 = vector.load %arg13[%swap3A, %swap3A_5] : memref<10000x1xf32, #tpu.memory_space<vmem>>, vector<10000x1xf32>
    tpu.vector_store %arg13[%swap3A, %swap3A_5], %slice3A_3 {strides = array<i32>} : memref<10000x1xf32, #tpu.memory_space<vmem>>, vector<10000x1xf32>,
    %max3A = arith.constant 1.000000e+00 : f32
    %max3A_7 = vector.broadcast %max3A : f32 to vector<10000x1xf32>
    %max3A_8 = arith.maximumf %slice3A_3, %max3A_7 : vector<10000x1xf32>
    %div3A = vector.broadcast %max3A_8 : vector<10000x1xf32> to vector<10000x32xf32>
    %div3A_9 = arith.divf %slice3A_4, %div3A : vector<10000x32xf32>
    %get3A_10 = arith.constant 0 : index
    %get3A_11 = arith.constant 0 : index
    %get3A_12 = vector.load %arg6[%get3A_10, %get3A_11] : memref<1x32xf32, #tpu.memory_space<vmem>>, vector<1x32xf32>
    %get3A_13 = arith.constant 0 : index
    %get3A_14 = arith.constant 0 : index
    %get3A_15 = vector.load %arg7[%get3A_13, %get3A_14] : memref<1x32xf32, #tpu.memory_space<vmem>>, vector<1x32xf32>
    %reduce_sum3A = arith.constant dense<0.000000e+00> : vector<10000xf32>
    %reduce_sum3A_16 = vector.multi_reduction <add>, %div3A_9, %reduce_sum3A [1] : vector<10000x32xf32> to vector<10000xf32>
    %broadcast_in_dim3A = vector.shape_cast %reduce_sum3A_16 : vector<10000xf32> to vector<10000x1xf32>
    %div3A_17 = arith.constant 3.200000e+01 : f32
    %div3A_18 = vector.broadcast %div3A_17 : f32 to vector<10000x1xf32>
    %div3A_19 = arith.divf %broadcast_in_dim3A, %div3A_18 : vector<10000x1xf32>
    %jit3A = arith.constant 0 : i32
    %reduce_sum3A_20 = arith.constant dense<0.000000e+00> : vector<10000xf32>
    %reduce_sum3A_21 = vector.multi_reduction <add>, %div3A_9, %reduce_sum3A_20 [1] : vector<10000x32xf32> to vector<10000xf32>
    %broadcast_in_dim3A_22 = vector.shape_cast %reduce_sum3A_21 : vector<10000xf32> to vector<10000x1xf32>
    %div3A_23 = arith.constant 3.200000e+01 : f32
    %div3A_24 = vector.broadcast %div3A_23 : f32 to vector<10000x1xf32>
    %div3A_25 = arith.divf %broadcast_in_dim3A_22, %div3A_24 : vector<10000x1xf32>
    %sub3A = vector.broadcast %div3A_25 : vector<10000x1xf32> to vector<10000x32xf32>
    %sub3A_26 = arith.subf %div3A_9, %sub3A : vector<10000x32xf32>
    %square3A = arith.mulf %sub3A_26, %sub3A_26 : vector<10000x32xf32>
    %convert_element_type3A = arith.sitofp %jit3A : i32 to f32
    %sub3A_27 = arith.constant 3.200000e+01 : f32
    %sub3A_28 = arith.subf %sub3A_27, %convert_element_type3A : f32
    %reduce_sum3A_29 = arith.constant dense<0.000000e+00> : vector<10000xf32>
    %reduce_sum3A_30 = vector.multi_reduction <add>, %square3A, %reduce_sum3A_29 [1] : vector<10000x32xf32> to vector<10000xf32>
    %broadcast_in_dim3A_31 = vector.shape_cast %reduce_sum3A_30 : vector<10000xf32> to vector<10000x1xf32>
    %div3A_32 = vector.broadcast %sub3A_28 : f32 to vector<10000x1xf32>
    %div3A_33 = arith.divf %broadcast_in_dim3A_31, %div3A_32 : vector<10000x1xf32>
    %gt3A = arith.constant 0.000000e+00 : f32
    %gt3A_34 = arith.cmpf ogt, %sub3A_28, %gt3A : f32
    %jit3A_35 = arith.constant 0x7FC00000 : f32
    %broadcast_in_dim3A_36 = vector.broadcast %jit3A_35 : f32 to vector<10000x1xf32>
    %select_n3A = arith.select %gt3A_34, %div3A_33, %broadcast_in_dim3A_36 : vector<10000x1xf32>
    %sub3A_37 = vector.broadcast %div3A_19 : vector<10000x1xf32> to vector<10000x32xf32>
    %sub3A_38 = arith.subf %div3A_9, %sub3A_37 : vector<10000x32xf32>
    %add3A_39 = arith.constant 9.99999974E-6 : f32
    %add3A_40 = vector.broadcast %add3A_39 : f32 to vector<10000x1xf32>
    %add3A_41 = arith.addf %select_n3A, %add3A_40 : vector<10000x1xf32>
    %sqrt3A = math.sqrt %add3A_41 : vector<10000x1xf32>
    %div3A_42 = vector.broadcast %sqrt3A : vector<10000x1xf32> to vector<10000x32xf32>
    %div3A_43 = arith.divf %sub3A_38, %div3A_42 : vector<10000x32xf32>
    %mul3A = vector.broadcast %get3A_12 : vector<1x32xf32> to vector<10000x32xf32>
    %mul3A_44 = arith.mulf %div3A_43, %mul3A : vector<10000x32xf32>
    %add3A_45 = vector.broadcast %get3A_15 : vector<1x32xf32> to vector<10000x32xf32>
    %add3A_46 = arith.addf %mul3A_44, %add3A_45 : vector<10000x32xf32>
    %get3A_47 = arith.constant 0 : index
    %get3A_48 = arith.constant 0 : index
    %get3A_49 = vector.load %arg1[%get3A_47, %get3A_48] : memref<10000x32xf32, #tpu.memory_space<vmem>>, vector<10000x32xf32>
    %get3A_50 = arith.constant 0 : index
    %get3A_51 = arith.constant 0 : index
    %get3A_52 = vector.load %arg8[%get3A_50, %get3A_51] : memref<1x32xf32, #tpu.memory_space<vmem>>, vector<1x32xf32>
    %get3A_53 = arith.constant 0 : index
    %get3A_54 = arith.constant 0 : index
    %get3A_55 = vector.load %arg9[%get3A_53, %get3A_54] : memref<1x32xf32, #tpu.memory_space<vmem>>, vector<1x32xf32>
    %reduce_sum3A_56 = arith.constant dense<0.000000e+00> : vector<10000xf32>
    %reduce_sum3A_57 = vector.multi_reduction <add>, %get3A_49, %reduce_sum3A_56 [1] : vector<10000x32xf32> to vector<10000xf32>
    %broadcast_in_dim3A_58 = vector.shape_cast %reduce_sum3A_57 : vector<10000xf32> to vector<10000x1xf32>
    %div3A_59 = arith.constant 3.200000e+01 : f32
    %div3A_60 = vector.broadcast %div3A_59 : f32 to vector<10000x1xf32>
    %div3A_61 = arith.divf %broadcast_in_dim3A_58, %div3A_60 : vector<10000x1xf32>
    %jit3A_62 = arith.constant 0 : i32
    %reduce_sum3A_63 = arith.constant dense<0.000000e+00> : vector<10000xf32>
    %reduce_sum3A_64 = vector.multi_reduction <add>, %get3A_49, %reduce_sum3A_63 [1] : vector<10000x32xf32> to vector<10000xf32>
    %broadcast_in_dim3A_65 = vector.shape_cast %reduce_sum3A_64 : vector<10000xf32> to vector<10000x1xf32>
    %div3A_66 = arith.constant 3.200000e+01 : f32
    %div3A_67 = vector.broadcast %div3A_66 : f32 to vector<10000x1xf32>
    %div3A_68 = arith.divf %broadcast_in_dim3A_65, %div3A_67 : vector<10000x1xf32>
    %sub3A_69 = vector.broadcast %div3A_68 : vector<10000x1xf32> to vector<10000x32xf32>
    %sub3A_70 = arith.subf %get3A_49, %sub3A_69 : vector<10000x32xf32>
    %square3A_71 = arith.mulf %sub3A_70, %sub3A_70 : vector<10000x32xf32>
    %convert_element_type3A_72 = arith.sitofp %jit3A_62 : i32 to f32
    %sub3A_73 = arith.constant 3.200000e+01 : f32
    %sub3A_74 = arith.subf %sub3A_73, %convert_element_type3A_72 : f32
    %reduce_sum3A_75 = arith.constant dense<0.000000e+00> : vector<10000xf32>
    %reduce_sum3A_76 = vector.multi_reduction <add>, %square3A_71, %reduce_sum3A_75 [1] : vector<10000x32xf32> to vector<10000xf32>
    %broadcast_in_dim3A_77 = vector.shape_cast %reduce_sum3A_76 : vector<10000xf32> to vector<10000x1xf32>
    %div3A_78 = vector.broadcast %sub3A_74 : f32 to vector<10000x1xf32>
    %div3A_79 = arith.divf %broadcast_in_dim3A_77, %div3A_78 : vector<10000x1xf32>
    %gt3A_80 = arith.constant 0.000000e+00 : f32
    %gt3A_81 = arith.cmpf ogt, %sub3A_74, %gt3A_80 : f32
    %jit3A_82 = arith.constant 0x7FC00000 : f32
    %broadcast_in_dim3A_83 = vector.broadcast %jit3A_82 : f32 to vector<10000x1xf32>
    %select_n3A_84 = arith.select %gt3A_81, %div3A_79, %broadcast_in_dim3A_83 : vector<10000x1xf32>
    %sub3A_85 = vector.broadcast %div3A_61 : vector<10000x1xf32> to vector<10000x32xf32>
    %sub3A_86 = arith.subf %get3A_49, %sub3A_85 : vector<10000x32xf32>
    %add3A_87 = arith.constant 9.99999974E-6 : f32
    %add3A_88 = vector.broadcast %add3A_87 : f32 to vector<10000x1xf32>
    %add3A_89 = arith.addf %select_n3A_84, %add3A_88 : vector<10000x1xf32>
    %sqrt3A_90 = math.sqrt %add3A_89 : vector<10000x1xf32>
    %div3A_91 = vector.broadcast %sqrt3A_90 : vector<10000x1xf32> to vector<10000x32xf32>
    %div3A_92 = arith.divf %sub3A_86, %div3A_91 : vector<10000x32xf32>
    %mul3A_93 = vector.broadcast %get3A_52 : vector<1x32xf32> to vector<10000x32xf32>
    %mul3A_94 = arith.mulf %div3A_92, %mul3A_93 : vector<10000x32xf32>
    %add3A_95 = vector.broadcast %get3A_55 : vector<1x32xf32> to vector<10000x32xf32>
    %add3A_96 = arith.addf %mul3A_94, %add3A_95 : vector<10000x32xf32>
    %concatenate3A = tpu.concatenate %add3A_96, %add3A_46 in 1 : vector<10000x32xf32>, vector<10000x32xf32> -> vector<10000x64xf32>
    %get3A_97 = arith.constant 0 : index
    %get3A_98 = arith.constant 0 : index
    %get3A_99 = vector.load %arg2[%get3A_97, %get3A_98] : memref<64x64xf32, #tpu.memory_space<vmem>>, vector<64x64xf32>
    %dot_general3A = arith.constant dense<0.000000e+00> : vector<10000x64xf32>
    %dot_general3A_100 = tpu.matmul %concatenate3A, %get3A_99, %dot_general3A {dimension_numbers = #tpu.dot_dimension_numbers<[1], [0], [0], [1], [0, 0, 1, 1], [], []>, transpose_lhs_hint = false} : vector<10000x64xf32>, vector<64x64xf32>, vector<10000x64xf32> -> vector<10000x64xf32>
    %get3A_101 = arith.constant 0 : index
    %get3A_102 = arith.constant 0 : index
    %get3A_103 = vector.load %arg3[%get3A_101, %get3A_102] : memref<1x64xf32, #tpu.memory_space<vmem>>, vector<1x64xf32>
    %add3A_104 = vector.broadcast %get3A_103 : vector<1x64xf32> to vector<10000x64xf32>
    %add3A_105 = arith.addf %dot_general3A_100, %add3A_104 : vector<10000x64xf32>
    %logistic3A = arith.negf %add3A_105 : vector<10000x64xf32>
    %logistic3A_106 = math.exp %logistic3A : vector<10000x64xf32>
    %logistic3A_107 = arith.constant 1.000000e+00 : f32
    %logistic3A_108 = vector.broadcast %logistic3A_107 : f32 to vector<10000x64xf32>
    %logistic3A_109 = arith.addf %logistic3A_108, %logistic3A_106 : vector<10000x64xf32>
    %logistic3A_110 = arith.divf %logistic3A_108, %logistic3A_109 : vector<10000x64xf32>
    %mul3A_111 = arith.mulf %add3A_105, %logistic3A_110 : vector<10000x64xf32>
    %get3A_112 = arith.constant 0 : index
    %get3A_113 = arith.constant 0 : index
    %get3A_114 = vector.load %arg4[%get3A_112, %get3A_113] : memref<64x32xf32, #tpu.memory_space<vmem>>, vector<64x32xf32>
    %dot_general3A_115 = arith.constant dense<0.000000e+00> : vector<10000x32xf32>
    %dot_general3A_116 = tpu.matmul %mul3A_111, %get3A_114, %dot_general3A_115 {dimension_numbers = #tpu.dot_dimension_numbers<[1], [0], [0], [1], [0, 0, 1, 1], [], []>, transpose_lhs_hint = false} : vector<10000x64xf32>, vector<64x32xf32>, vector<10000x32xf32> -> vector<10000x32xf32>
    %get3A_117 = arith.constant 0 : index
    %get3A_118 = arith.constant 0 : index
    %get3A_119 = vector.load %arg5[%get3A_117, %get3A_118] : memref<1x32xf32, #tpu.memory_space<vmem>>, vector<1x32xf32>
    %add3A_120 = vector.broadcast %get3A_119 : vector<1x32xf32> to vector<10000x32xf32>
    %add3A_121 = arith.addf %dot_general3A_116, %add3A_120 : vector<10000x32xf32>
    %get3A_122 = arith.constant 0 : index
    %get3A_123 = arith.constant 0 : index
    %get3A_124 = vector.load %arg10[%get3A_122, %get3A_123] : memref<1x32xf32, #tpu.memory_space<vmem>>, vector<1x32xf32>
    %get3A_125 = arith.constant 0 : index
    %get3A_126 = arith.constant 0 : index
    %get3A_127 = vector.load %arg11[%get3A_125, %get3A_126] : memref<1x32xf32, #tpu.memory_space<vmem>>, vector<1x32xf32>
    %reduce_sum3A_128 = arith.constant dense<0.000000e+00> : vector<10000xf32>
    %reduce_sum3A_129 = vector.multi_reduction <add>, %add3A_121, %reduce_sum3A_128 [1] : vector<10000x32xf32> to vector<10000xf32>
    %broadcast_in_dim3A_130 = vector.shape_cast %reduce_sum3A_129 : vector<10000xf32> to vector<10000x1xf32>
    %div3A_131 = arith.constant 3.200000e+01 : f32
    %div3A_132 = vector.broadcast %div3A_131 : f32 to vector<10000x1xf32>
    %div3A_133 = arith.divf %broadcast_in_dim3A_130, %div3A_132 : vector<10000x1xf32>
    %jit3A_134 = arith.constant 0 : i32
    %reduce_sum3A_135 = arith.constant dense<0.000000e+00> : vector<10000xf32>
    %reduce_sum3A_136 = vector.multi_reduction <add>, %add3A_121, %reduce_sum3A_135 [1] : vector<10000x32xf32> to vector<10000xf32>
    %broadcast_in_dim3A_137 = vector.shape_cast %reduce_sum3A_136 : vector<10000xf32> to vector<10000x1xf32>
    %div3A_138 = arith.constant 3.200000e+01 : f32
    %div3A_139 = vector.broadcast %div3A_138 : f32 to vector<10000x1xf32>
    %div3A_140 = arith.divf %broadcast_in_dim3A_137, %div3A_139 : vector<10000x1xf32>
    %sub3A_141 = vector.broadcast %div3A_140 : vector<10000x1xf32> to vector<10000x32xf32>
    %sub3A_142 = arith.subf %add3A_121, %sub3A_141 : vector<10000x32xf32>
    %square3A_143 = arith.mulf %sub3A_142, %sub3A_142 : vector<10000x32xf32>
    %convert_element_type3A_144 = arith.sitofp %jit3A_134 : i32 to f32
    %sub3A_145 = arith.constant 3.200000e+01 : f32
    %sub3A_146 = arith.subf %sub3A_145, %convert_element_type3A_144 : f32
    %reduce_sum3A_147 = arith.constant dense<0.000000e+00> : vector<10000xf32>
    %reduce_sum3A_148 = vector.multi_reduction <add>, %square3A_143, %reduce_sum3A_147 [1] : vector<10000x32xf32> to vector<10000xf32>
    %broadcast_in_dim3A_149 = vector.shape_cast %reduce_sum3A_148 : vector<10000xf32> to vector<10000x1xf32>
    %div3A_150 = vector.broadcast %sub3A_146 : f32 to vector<10000x1xf32>
    %div3A_151 = arith.divf %broadcast_in_dim3A_149, %div3A_150 : vector<10000x1xf32>
    %gt3A_152 = arith.constant 0.000000e+00 : f32
    %gt3A_153 = arith.cmpf ogt, %sub3A_146, %gt3A_152 : f32
    %jit3A_154 = arith.constant 0x7FC00000 : f32
    %broadcast_in_dim3A_155 = vector.broadcast %jit3A_154 : f32 to vector<10000x1xf32>
    %select_n3A_156 = arith.select %gt3A_153, %div3A_151, %broadcast_in_dim3A_155 : vector<10000x1xf32>
    %sub3A_157 = vector.broadcast %div3A_133 : vector<10000x1xf32> to vector<10000x32xf32>
    %sub3A_158 = arith.subf %add3A_121, %sub3A_157 : vector<10000x32xf32>
    %add3A_159 = arith.constant 9.99999974E-6 : f32
    %add3A_160 = vector.broadcast %add3A_159 : f32 to vector<10000x1xf32>
    %add3A_161 = arith.addf %select_n3A_156, %add3A_160 : vector<10000x1xf32>
    %sqrt3A_162 = math.sqrt %add3A_161 : vector<10000x1xf32>
    %div3A_163 = vector.broadcast %sqrt3A_162 : vector<10000x1xf32> to vector<10000x32xf32>
    %div3A_164 = arith.divf %sub3A_158, %div3A_163 : vector<10000x32xf32>
    %mul3A_165 = vector.broadcast %get3A_124 : vector<1x32xf32> to vector<10000x32xf32>
    %mul3A_166 = arith.mulf %div3A_164, %mul3A_165 : vector<10000x32xf32>
    %add3A_167 = vector.broadcast %get3A_127 : vector<1x32xf32> to vector<10000x32xf32>
    %add3A_168 = arith.addf %mul3A_166, %add3A_167 : vector<10000x32xf32>
    %add3A_169 = arith.addf %get3A_49, %add3A_168 : vector<10000x32xf32>
    %swap3A_170 = arith.constant 0 : index
    %swap3A_171 = arith.constant 0 : index
    %swap3A_172 = vector.load %arg12[%swap3A_170, %swap3A_171] : memref<10000x32xf32, #tpu.memory_space<vmem>>, vector<10000x32xf32>
    tpu.vector_store %arg12[%swap3A_170, %swap3A_171], %add3A_169 {strides = array<i32>} : memref<10000x32xf32, #tpu.memory_space<vmem>>, vector<10000x32xf32>,
    return
  }
}

module attributes {stable_mosaic.version = 14 : i64} {
  func.func @_lambda_(%arg0: i32, %arg1: memref<2048x32xf32, #tpu.memory_space<vmem>>, %arg2: memref<2048x32xf32, #tpu.memory_space<vmem>>, %arg3: memref<2048x1xf32, #tpu.memory_space<vmem>>, %arg4: memref<129x258xf32, #tpu.memory_space<vmem>>, %arg5: memref<1x258xf32, #tpu.memory_space<vmem>>, %arg6: memref<258x32xf32, #tpu.memory_space<vmem>>, %arg7: memref<1x32xf32, #tpu.memory_space<vmem>>, %arg8: memref<1x32xf32, #tpu.memory_space<vmem>>, %arg9: memref<1x32xf32, #tpu.memory_space<vmem>>, %arg10: memref<1x32xf32, #tpu.memory_space<vmem>>, %arg11: memref<2048x32xf32, #tpu.memory_space<vmem>>) attributes {dimension_semantics = [#tpu.dimension_semantics<arbitrary>], iteration_bounds = array<i64: 158>, scalar_prefetch = 0 : i64, scratch_operands = 0 : i64, tpu.core_type = #tpu.core_type<tc>, window_params = [{transform_indices = @transform_0, window_bounds = array<i64: 2048, 32>}, {transform_indices = @transform_1, window_bounds = array<i64: 2048, 32>}, {transform_indices = @transform_2, window_bounds = array<i64: 2048, 1>}, {pipeline_mode = #tpu.pipeline_mode<synchronous>, transform_indices = @transform_3, window_bounds = array<i64: 129, 258>}, {pipeline_mode = #tpu.pipeline_mode<synchronous>, transform_indices = @transform_4, window_bounds = array<i64: 1, 258>}, {pipeline_mode = #tpu.pipeline_mode<synchronous>, transform_indices = @transform_5, window_bounds = array<i64: 258, 32>}, {pipeline_mode = #tpu.pipeline_mode<synchronous>, transform_indices = @transform_6, window_bounds = array<i64: 1, 32>}, {pipeline_mode = #tpu.pipeline_mode<synchronous>, transform_indices = @transform_7, window_bounds = array<i64: 1, 32>}, {pipeline_mode = #tpu.pipeline_mode<synchronous>, transform_indices = @transform_8, window_bounds = array<i64: 1, 32>}, {pipeline_mode = #tpu.pipeline_mode<synchronous>, transform_indices = @transform_9, window_bounds = array<i64: 1, 32>}, {transform_indices = @transform_10, window_bounds = array<i64: 2048, 32>}]} {
    %get3A = arith.constant 0 : index
    %get3A_0 = arith.constant 0 : index
    %get3A_1 = vector.load %arg1[%get3A, %get3A_0] : memref<2048x32xf32, #tpu.memory_space<vmem>>, vector<2048x32xf32>
    %get3A_2 = arith.constant 0 : index
    %get3A_3 = arith.constant 0 : index
    %get3A_4 = vector.load %arg2[%get3A_2, %get3A_3] : memref<2048x32xf32, #tpu.memory_space<vmem>>, vector<2048x32xf32>
    %get3A_5 = arith.constant 0 : index
    %get3A_6 = arith.constant 0 : index
    %get3A_7 = vector.load %arg3[%get3A_5, %get3A_6] : memref<2048x1xf32, #tpu.memory_space<vmem>>, vector<2048x1xf32>
    %get3A_8 = arith.constant 0 : index
    %get3A_9 = arith.constant 0 : index
    %get3A_10 = vector.load %arg10[%get3A_8, %get3A_9] : memref<1x32xf32, #tpu.memory_space<vmem>>, vector<1x32xf32>
    %mul3A = vector.broadcast %get3A_7 : vector<2048x1xf32> to vector<2048x32xf32>
    %mul3A_11 = vector.broadcast %get3A_10 : vector<1x32xf32> to vector<2048x32xf32>
    %mul3A_12 = arith.mulf %mul3A, %mul3A_11 : vector<2048x32xf32>
    %sin3A = math.sin %mul3A_12 : vector<2048x32xf32>
    %cos3A = math.cos %mul3A_12 : vector<2048x32xf32>
    %concatenate3A = tpu.concatenate %get3A_1, %get3A_4, %sin3A, %cos3A, %get3A_7 in 1 : vector<2048x32xf32>, vector<2048x32xf32>, vector<2048x32xf32>, vector<2048x32xf32>, vector<2048x1xf32> -> vector<2048x129xf32>
    %get3A_13 = arith.constant 0 : index
    %get3A_14 = arith.constant 0 : index
    %get3A_15 = vector.load %arg4[%get3A_13, %get3A_14] : memref<129x258xf32, #tpu.memory_space<vmem>>, vector<129x258xf32>
    %dot_general3A = arith.constant dense<0.000000e+00> : vector<2048x258xf32>
    %dot_general3A_16 = tpu.matmul %concatenate3A, %get3A_15, %dot_general3A {dimension_numbers = #tpu.dot_dimension_numbers<[1], [0], [0], [1], [0, 0, 1, 1], [], []>, transpose_lhs_hint = false} : vector<2048x129xf32>, vector<129x258xf32>, vector<2048x258xf32> -> vector<2048x258xf32>
    %get3A_17 = arith.constant 0 : index
    %get3A_18 = arith.constant 0 : index
    %get3A_19 = vector.load %arg5[%get3A_17, %get3A_18] : memref<1x258xf32, #tpu.memory_space<vmem>>, vector<1x258xf32>
    %add3A = vector.broadcast %get3A_19 : vector<1x258xf32> to vector<2048x258xf32>
    %add3A_20 = arith.addf %dot_general3A_16, %add3A : vector<2048x258xf32>
    %logistic3A = arith.negf %add3A_20 : vector<2048x258xf32>
    %logistic3A_21 = math.exp %logistic3A : vector<2048x258xf32>
    %logistic3A_22 = arith.constant 1.000000e+00 : f32
    %logistic3A_23 = vector.broadcast %logistic3A_22 : f32 to vector<2048x258xf32>
    %logistic3A_24 = arith.addf %logistic3A_23, %logistic3A_21 : vector<2048x258xf32>
    %logistic3A_25 = arith.divf %logistic3A_23, %logistic3A_24 : vector<2048x258xf32>
    %mul3A_26 = arith.mulf %add3A_20, %logistic3A_25 : vector<2048x258xf32>
    %get3A_27 = arith.constant 0 : index
    %get3A_28 = arith.constant 0 : index
    %get3A_29 = vector.load %arg6[%get3A_27, %get3A_28] : memref<258x32xf32, #tpu.memory_space<vmem>>, vector<258x32xf32>
    %dot_general3A_30 = arith.constant dense<0.000000e+00> : vector<2048x32xf32>
    %dot_general3A_31 = tpu.matmul %mul3A_26, %get3A_29, %dot_general3A_30 {dimension_numbers = #tpu.dot_dimension_numbers<[1], [0], [0], [1], [0, 0, 1, 1], [], []>, transpose_lhs_hint = false} : vector<2048x258xf32>, vector<258x32xf32>, vector<2048x32xf32> -> vector<2048x32xf32>
    %get3A_32 = arith.constant 0 : index
    %get3A_33 = arith.constant 0 : index
    %get3A_34 = vector.load %arg7[%get3A_32, %get3A_33] : memref<1x32xf32, #tpu.memory_space<vmem>>, vector<1x32xf32>
    %add3A_35 = vector.broadcast %get3A_34 : vector<1x32xf32> to vector<2048x32xf32>
    %add3A_36 = arith.addf %dot_general3A_31, %add3A_35 : vector<2048x32xf32>
    %logistic3A_37 = arith.negf %add3A_36 : vector<2048x32xf32>
    %logistic3A_38 = math.exp %logistic3A_37 : vector<2048x32xf32>
    %logistic3A_39 = arith.constant 1.000000e+00 : f32
    %logistic3A_40 = vector.broadcast %logistic3A_39 : f32 to vector<2048x32xf32>
    %logistic3A_41 = arith.addf %logistic3A_40, %logistic3A_38 : vector<2048x32xf32>
    %logistic3A_42 = arith.divf %logistic3A_40, %logistic3A_41 : vector<2048x32xf32>
    %mul3A_43 = arith.mulf %add3A_36, %logistic3A_42 : vector<2048x32xf32>
    %get3A_44 = arith.constant 0 : index
    %get3A_45 = arith.constant 0 : index
    %get3A_46 = vector.load %arg8[%get3A_44, %get3A_45] : memref<1x32xf32, #tpu.memory_space<vmem>>, vector<1x32xf32>
    %get3A_47 = arith.constant 0 : index
    %get3A_48 = arith.constant 0 : index
    %get3A_49 = vector.load %arg9[%get3A_47, %get3A_48] : memref<1x32xf32, #tpu.memory_space<vmem>>, vector<1x32xf32>
    %reduce_sum3A = arith.constant dense<0.000000e+00> : vector<2048xf32>
    %reduce_sum3A_50 = vector.multi_reduction <add>, %mul3A_43, %reduce_sum3A [1] : vector<2048x32xf32> to vector<2048xf32>
    %broadcast_in_dim3A = vector.shape_cast %reduce_sum3A_50 : vector<2048xf32> to vector<2048x1xf32>
    %div3A = arith.constant 3.200000e+01 : f32
    %div3A_51 = vector.broadcast %div3A : f32 to vector<2048x1xf32>
    %div3A_52 = arith.divf %broadcast_in_dim3A, %div3A_51 : vector<2048x1xf32>
    %jit3A = arith.constant 0 : i32
    %reduce_sum3A_53 = arith.constant dense<0.000000e+00> : vector<2048xf32>
    %reduce_sum3A_54 = vector.multi_reduction <add>, %mul3A_43, %reduce_sum3A_53 [1] : vector<2048x32xf32> to vector<2048xf32>
    %broadcast_in_dim3A_55 = vector.shape_cast %reduce_sum3A_54 : vector<2048xf32> to vector<2048x1xf32>
    %div3A_56 = arith.constant 3.200000e+01 : f32
    %div3A_57 = vector.broadcast %div3A_56 : f32 to vector<2048x1xf32>
    %div3A_58 = arith.divf %broadcast_in_dim3A_55, %div3A_57 : vector<2048x1xf32>
    %sub3A = vector.broadcast %div3A_58 : vector<2048x1xf32> to vector<2048x32xf32>
    %sub3A_59 = arith.subf %mul3A_43, %sub3A : vector<2048x32xf32>
    %square3A = arith.mulf %sub3A_59, %sub3A_59 : vector<2048x32xf32>
    %convert_element_type3A = arith.sitofp %jit3A : i32 to f32
    %sub3A_60 = arith.constant 3.200000e+01 : f32
    %sub3A_61 = arith.subf %sub3A_60, %convert_element_type3A : f32
    %reduce_sum3A_62 = arith.constant dense<0.000000e+00> : vector<2048xf32>
    %reduce_sum3A_63 = vector.multi_reduction <add>, %square3A, %reduce_sum3A_62 [1] : vector<2048x32xf32> to vector<2048xf32>
    %broadcast_in_dim3A_64 = vector.shape_cast %reduce_sum3A_63 : vector<2048xf32> to vector<2048x1xf32>
    %div3A_65 = vector.broadcast %sub3A_61 : f32 to vector<2048x1xf32>
    %div3A_66 = arith.divf %broadcast_in_dim3A_64, %div3A_65 : vector<2048x1xf32>
    %gt3A = arith.constant 0.000000e+00 : f32
    %gt3A_67 = arith.cmpf ogt, %sub3A_61, %gt3A : f32
    %jit3A_68 = arith.constant 0x7FC00000 : f32
    %broadcast_in_dim3A_69 = vector.broadcast %jit3A_68 : f32 to vector<2048x1xf32>
    %select_n3A = arith.select %gt3A_67, %div3A_66, %broadcast_in_dim3A_69 : vector<2048x1xf32>
    %sub3A_70 = vector.broadcast %div3A_52 : vector<2048x1xf32> to vector<2048x32xf32>
    %sub3A_71 = arith.subf %mul3A_43, %sub3A_70 : vector<2048x32xf32>
    %add3A_72 = arith.constant 9.99999974E-6 : f32
    %add3A_73 = vector.broadcast %add3A_72 : f32 to vector<2048x1xf32>
    %add3A_74 = arith.addf %select_n3A, %add3A_73 : vector<2048x1xf32>
    %sqrt3A = math.sqrt %add3A_74 : vector<2048x1xf32>
    %div3A_75 = vector.broadcast %sqrt3A : vector<2048x1xf32> to vector<2048x32xf32>
    %div3A_76 = arith.divf %sub3A_71, %div3A_75 : vector<2048x32xf32>
    %mul3A_77 = vector.broadcast %get3A_46 : vector<1x32xf32> to vector<2048x32xf32>
    %mul3A_78 = arith.mulf %div3A_76, %mul3A_77 : vector<2048x32xf32>
    %add3A_79 = vector.broadcast %get3A_49 : vector<1x32xf32> to vector<2048x32xf32>
    %add3A_80 = arith.addf %mul3A_78, %add3A_79 : vector<2048x32xf32>
    %swap3A = arith.constant 0 : index
    %swap3A_81 = arith.constant 0 : index
    %swap3A_82 = vector.load %arg11[%swap3A, %swap3A_81] : memref<2048x32xf32, #tpu.memory_space<vmem>>, vector<2048x32xf32>
    tpu.vector_store %arg11[%swap3A, %swap3A_81], %add3A_80 {strides = array<i32>} : memref<2048x32xf32, #tpu.memory_space<vmem>>, vector<2048x32xf32>,
    return
  }
  func.func @transform_0(%arg0: i32) -> (i32, i32) {
    %c0_i32 = arith.constant 0 : i32
    %c0_i32_0 = arith.constant 0 : i32
    return %arg0, %c0_i32 : i32, i32
  }
  func.func @transform_1(%arg0: i32) -> (i32, i32) {
    %c0_i32 = arith.constant 0 : i32
    %c0_i32_0 = arith.constant 0 : i32
    return %arg0, %c0_i32 : i32, i32
  }
  func.func @transform_2(%arg0: i32) -> (i32, i32) {
    %c0_i32 = arith.constant 0 : i32
    %c0_i32_0 = arith.constant 0 : i32
    return %arg0, %c0_i32 : i32, i32
  }
  func.func @transform_3(%arg0: i32) -> (i32, i32) {
    %c0_i32 = arith.constant 0 : i32
    %c0_i32_0 = arith.constant 0 : i32
    %c0_i32_1 = arith.constant 0 : i32
    return %c0_i32, %c0_i32_0 : i32, i32
  }
  func.func @transform_4(%arg0: i32) -> (i32, i32) {
    %c0_i32 = arith.constant 0 : i32
    %c0_i32_0 = arith.constant 0 : i32
    %c0_i32_1 = arith.constant 0 : i32
    return %c0_i32, %c0_i32_0 : i32, i32
  }
  func.func @transform_5(%arg0: i32) -> (i32, i32) {
    %c0_i32 = arith.constant 0 : i32
    %c0_i32_0 = arith.constant 0 : i32
    %c0_i32_1 = arith.constant 0 : i32
    return %c0_i32, %c0_i32_0 : i32, i32
  }
  func.func @transform_6(%arg0: i32) -> (i32, i32) {
    %c0_i32 = arith.constant 0 : i32
    %c0_i32_0 = arith.constant 0 : i32
    %c0_i32_1 = arith.constant 0 : i32
    return %c0_i32, %c0_i32_0 : i32, i32
  }
  func.func @transform_7(%arg0: i32) -> (i32, i32) {
    %c0_i32 = arith.constant 0 : i32
    %c0_i32_0 = arith.constant 0 : i32
    %c0_i32_1 = arith.constant 0 : i32
    return %c0_i32, %c0_i32_0 : i32, i32
  }
  func.func @transform_8(%arg0: i32) -> (i32, i32) {
    %c0_i32 = arith.constant 0 : i32
    %c0_i32_0 = arith.constant 0 : i32
    %c0_i32_1 = arith.constant 0 : i32
    return %c0_i32, %c0_i32_0 : i32, i32
  }
  func.func @transform_9(%arg0: i32) -> (i32, i32) {
    %c0_i32 = arith.constant 0 : i32
    %c0_i32_0 = arith.constant 0 : i32
    %c0_i32_1 = arith.constant 0 : i32
    return %c0_i32, %c0_i32_0 : i32, i32
  }
  func.func @transform_10(%arg0: i32) -> (i32, i32) {
    %c0_i32 = arith.constant 0 : i32
    %c0_i32_0 = arith.constant 0 : i32
    return %arg0, %c0_i32 : i32, i32
  }
}

module attributes {stable_mosaic.version = 14 : i64} {
  func.func @_lambda_(%arg0: memref<20224x32xf32, #tpu.memory_space<vmem>>, %arg1: memref<10000x1xf32, #tpu.memory_space<vmem>>, %arg2: memref<10000x32xf32, #tpu.memory_space<vmem>>, %arg3: memref<64x64xf32, #tpu.memory_space<vmem>>, %arg4: memref<1x64xf32, #tpu.memory_space<vmem>>, %arg5: memref<64x32xf32, #tpu.memory_space<vmem>>, %arg6: memref<1x32xf32, #tpu.memory_space<vmem>>, %arg7: memref<1x32xf32, #tpu.memory_space<vmem>>, %arg8: memref<1x32xf32, #tpu.memory_space<vmem>>, %arg9: memref<1x32xf32, #tpu.memory_space<vmem>>, %arg10: memref<1x32xf32, #tpu.memory_space<vmem>>, %arg11: memref<1x32xf32, #tpu.memory_space<vmem>>, %arg12: memref<1x32xf32, #tpu.memory_space<vmem>>, %arg13: memref<10000x32xf32, #tpu.memory_space<vmem>>) attributes {dimension_semantics = [], scalar_prefetch = 0 : i64, scratch_operands = 0 : i64, tpu.core_type = #tpu.core_type<tc>} {
    %get3A = arith.constant 0 : index
    %get3A_0 = arith.constant 0 : index
    %get3A_1 = vector.load %arg0[%get3A, %get3A_0] : memref<20224x32xf32, #tpu.memory_space<vmem>>, vector<20224x32xf32>
    %slice3A = vector.extract_strided_slice %get3A_1 {offsets = [0, 0], sizes = [10000, 32], strides = [1, 1]} : vector<20224x32xf32> to vector<10000x32xf32>
    %slice3A_2 = vector.extract_strided_slice %get3A_1 {offsets = [10112, 0], sizes = [10000, 32], strides = [1, 1]} : vector<20224x32xf32> to vector<10000x32xf32>
    %add3A = arith.addf %slice3A, %slice3A_2 : vector<10000x32xf32>
    %get3A_3 = arith.constant 0 : index
    %get3A_4 = arith.constant 0 : index
    %get3A_5 = vector.load %arg1[%get3A_3, %get3A_4] : memref<10000x1xf32, #tpu.memory_space<vmem>>, vector<10000x1xf32>
    %max3A = arith.constant 1.000000e+00 : f32
    %max3A_6 = vector.broadcast %max3A : f32 to vector<10000x1xf32>
    %max3A_7 = arith.maximumf %get3A_5, %max3A_6 : vector<10000x1xf32>
    %div3A = vector.broadcast %max3A_7 : vector<10000x1xf32> to vector<10000x32xf32>
    %div3A_8 = arith.divf %add3A, %div3A : vector<10000x32xf32>
    %get3A_9 = arith.constant 0 : index
    %get3A_10 = arith.constant 0 : index
    %get3A_11 = vector.load %arg7[%get3A_9, %get3A_10] : memref<1x32xf32, #tpu.memory_space<vmem>>, vector<1x32xf32>
    %get3A_12 = arith.constant 0 : index
    %get3A_13 = arith.constant 0 : index
    %get3A_14 = vector.load %arg8[%get3A_12, %get3A_13] : memref<1x32xf32, #tpu.memory_space<vmem>>, vector<1x32xf32>
    %reduce_sum3A = arith.constant dense<0.000000e+00> : vector<10000xf32>
    %reduce_sum3A_15 = vector.multi_reduction <add>, %div3A_8, %reduce_sum3A [1] : vector<10000x32xf32> to vector<10000xf32>
    %broadcast_in_dim3A = vector.shape_cast %reduce_sum3A_15 : vector<10000xf32> to vector<10000x1xf32>
    %div3A_16 = arith.constant 3.200000e+01 : f32
    %div3A_17 = vector.broadcast %div3A_16 : f32 to vector<10000x1xf32>
    %div3A_18 = arith.divf %broadcast_in_dim3A, %div3A_17 : vector<10000x1xf32>
    %jit3A = arith.constant 0 : i32
    %reduce_sum3A_19 = arith.constant dense<0.000000e+00> : vector<10000xf32>
    %reduce_sum3A_20 = vector.multi_reduction <add>, %div3A_8, %reduce_sum3A_19 [1] : vector<10000x32xf32> to vector<10000xf32>
    %broadcast_in_dim3A_21 = vector.shape_cast %reduce_sum3A_20 : vector<10000xf32> to vector<10000x1xf32>
    %div3A_22 = arith.constant 3.200000e+01 : f32
    %div3A_23 = vector.broadcast %div3A_22 : f32 to vector<10000x1xf32>
    %div3A_24 = arith.divf %broadcast_in_dim3A_21, %div3A_23 : vector<10000x1xf32>
    %sub3A = vector.broadcast %div3A_24 : vector<10000x1xf32> to vector<10000x32xf32>
    %sub3A_25 = arith.subf %div3A_8, %sub3A : vector<10000x32xf32>
    %square3A = arith.mulf %sub3A_25, %sub3A_25 : vector<10000x32xf32>
    %convert_element_type3A = arith.sitofp %jit3A : i32 to f32
    %sub3A_26 = arith.constant 3.200000e+01 : f32
    %sub3A_27 = arith.subf %sub3A_26, %convert_element_type3A : f32
    %reduce_sum3A_28 = arith.constant dense<0.000000e+00> : vector<10000xf32>
    %reduce_sum3A_29 = vector.multi_reduction <add>, %square3A, %reduce_sum3A_28 [1] : vector<10000x32xf32> to vector<10000xf32>
    %broadcast_in_dim3A_30 = vector.shape_cast %reduce_sum3A_29 : vector<10000xf32> to vector<10000x1xf32>
    %div3A_31 = vector.broadcast %sub3A_27 : f32 to vector<10000x1xf32>
    %div3A_32 = arith.divf %broadcast_in_dim3A_30, %div3A_31 : vector<10000x1xf32>
    %gt3A = arith.constant 0.000000e+00 : f32
    %gt3A_33 = arith.cmpf ogt, %sub3A_27, %gt3A : f32
    %jit3A_34 = arith.constant 0x7FC00000 : f32
    %broadcast_in_dim3A_35 = vector.broadcast %jit3A_34 : f32 to vector<10000x1xf32>
    %select_n3A = arith.select %gt3A_33, %div3A_32, %broadcast_in_dim3A_35 : vector<10000x1xf32>
    %sub3A_36 = vector.broadcast %div3A_18 : vector<10000x1xf32> to vector<10000x32xf32>
    %sub3A_37 = arith.subf %div3A_8, %sub3A_36 : vector<10000x32xf32>
    %add3A_38 = arith.constant 9.99999974E-6 : f32
    %add3A_39 = vector.broadcast %add3A_38 : f32 to vector<10000x1xf32>
    %add3A_40 = arith.addf %select_n3A, %add3A_39 : vector<10000x1xf32>
    %sqrt3A = math.sqrt %add3A_40 : vector<10000x1xf32>
    %div3A_41 = vector.broadcast %sqrt3A : vector<10000x1xf32> to vector<10000x32xf32>
    %div3A_42 = arith.divf %sub3A_37, %div3A_41 : vector<10000x32xf32>
    %mul3A = vector.broadcast %get3A_11 : vector<1x32xf32> to vector<10000x32xf32>
    %mul3A_43 = arith.mulf %div3A_42, %mul3A : vector<10000x32xf32>
    %add3A_44 = vector.broadcast %get3A_14 : vector<1x32xf32> to vector<10000x32xf32>
    %add3A_45 = arith.addf %mul3A_43, %add3A_44 : vector<10000x32xf32>
    %get3A_46 = arith.constant 0 : index
    %get3A_47 = arith.constant 0 : index
    %get3A_48 = vector.load %arg2[%get3A_46, %get3A_47] : memref<10000x32xf32, #tpu.memory_space<vmem>>, vector<10000x32xf32>
    %get3A_49 = arith.constant 0 : index
    %get3A_50 = arith.constant 0 : index
    %get3A_51 = vector.load %arg9[%get3A_49, %get3A_50] : memref<1x32xf32, #tpu.memory_space<vmem>>, vector<1x32xf32>
    %get3A_52 = arith.constant 0 : index
    %get3A_53 = arith.constant 0 : index
    %get3A_54 = vector.load %arg10[%get3A_52, %get3A_53] : memref<1x32xf32, #tpu.memory_space<vmem>>, vector<1x32xf32>
    %reduce_sum3A_55 = arith.constant dense<0.000000e+00> : vector<10000xf32>
    %reduce_sum3A_56 = vector.multi_reduction <add>, %get3A_48, %reduce_sum3A_55 [1] : vector<10000x32xf32> to vector<10000xf32>
    %broadcast_in_dim3A_57 = vector.shape_cast %reduce_sum3A_56 : vector<10000xf32> to vector<10000x1xf32>
    %div3A_58 = arith.constant 3.200000e+01 : f32
    %div3A_59 = vector.broadcast %div3A_58 : f32 to vector<10000x1xf32>
    %div3A_60 = arith.divf %broadcast_in_dim3A_57, %div3A_59 : vector<10000x1xf32>
    %jit3A_61 = arith.constant 0 : i32
    %reduce_sum3A_62 = arith.constant dense<0.000000e+00> : vector<10000xf32>
    %reduce_sum3A_63 = vector.multi_reduction <add>, %get3A_48, %reduce_sum3A_62 [1] : vector<10000x32xf32> to vector<10000xf32>
    %broadcast_in_dim3A_64 = vector.shape_cast %reduce_sum3A_63 : vector<10000xf32> to vector<10000x1xf32>
    %div3A_65 = arith.constant 3.200000e+01 : f32
    %div3A_66 = vector.broadcast %div3A_65 : f32 to vector<10000x1xf32>
    %div3A_67 = arith.divf %broadcast_in_dim3A_64, %div3A_66 : vector<10000x1xf32>
    %sub3A_68 = vector.broadcast %div3A_67 : vector<10000x1xf32> to vector<10000x32xf32>
    %sub3A_69 = arith.subf %get3A_48, %sub3A_68 : vector<10000x32xf32>
    %square3A_70 = arith.mulf %sub3A_69, %sub3A_69 : vector<10000x32xf32>
    %convert_element_type3A_71 = arith.sitofp %jit3A_61 : i32 to f32
    %sub3A_72 = arith.constant 3.200000e+01 : f32
    %sub3A_73 = arith.subf %sub3A_72, %convert_element_type3A_71 : f32
    %reduce_sum3A_74 = arith.constant dense<0.000000e+00> : vector<10000xf32>
    %reduce_sum3A_75 = vector.multi_reduction <add>, %square3A_70, %reduce_sum3A_74 [1] : vector<10000x32xf32> to vector<10000xf32>
    %broadcast_in_dim3A_76 = vector.shape_cast %reduce_sum3A_75 : vector<10000xf32> to vector<10000x1xf32>
    %div3A_77 = vector.broadcast %sub3A_73 : f32 to vector<10000x1xf32>
    %div3A_78 = arith.divf %broadcast_in_dim3A_76, %div3A_77 : vector<10000x1xf32>
    %gt3A_79 = arith.constant 0.000000e+00 : f32
    %gt3A_80 = arith.cmpf ogt, %sub3A_73, %gt3A_79 : f32
    %jit3A_81 = arith.constant 0x7FC00000 : f32
    %broadcast_in_dim3A_82 = vector.broadcast %jit3A_81 : f32 to vector<10000x1xf32>
    %select_n3A_83 = arith.select %gt3A_80, %div3A_78, %broadcast_in_dim3A_82 : vector<10000x1xf32>
    %sub3A_84 = vector.broadcast %div3A_60 : vector<10000x1xf32> to vector<10000x32xf32>
    %sub3A_85 = arith.subf %get3A_48, %sub3A_84 : vector<10000x32xf32>
    %add3A_86 = arith.constant 9.99999974E-6 : f32
    %add3A_87 = vector.broadcast %add3A_86 : f32 to vector<10000x1xf32>
    %add3A_88 = arith.addf %select_n3A_83, %add3A_87 : vector<10000x1xf32>
    %sqrt3A_89 = math.sqrt %add3A_88 : vector<10000x1xf32>
    %div3A_90 = vector.broadcast %sqrt3A_89 : vector<10000x1xf32> to vector<10000x32xf32>
    %div3A_91 = arith.divf %sub3A_85, %div3A_90 : vector<10000x32xf32>
    %mul3A_92 = vector.broadcast %get3A_51 : vector<1x32xf32> to vector<10000x32xf32>
    %mul3A_93 = arith.mulf %div3A_91, %mul3A_92 : vector<10000x32xf32>
    %add3A_94 = vector.broadcast %get3A_54 : vector<1x32xf32> to vector<10000x32xf32>
    %add3A_95 = arith.addf %mul3A_93, %add3A_94 : vector<10000x32xf32>
    %concatenate3A = tpu.concatenate %add3A_95, %add3A_45 in 1 : vector<10000x32xf32>, vector<10000x32xf32> -> vector<10000x64xf32>
    %get3A_96 = arith.constant 0 : index
    %get3A_97 = arith.constant 0 : index
    %get3A_98 = vector.load %arg3[%get3A_96, %get3A_97] : memref<64x64xf32, #tpu.memory_space<vmem>>, vector<64x64xf32>
    %dot_general3A = arith.constant dense<0.000000e+00> : vector<10000x64xf32>
    %dot_general3A_99 = tpu.matmul %concatenate3A, %get3A_98, %dot_general3A {dimension_numbers = #tpu.dot_dimension_numbers<[1], [0], [0], [1], [0, 0, 1, 1], [], []>, transpose_lhs_hint = false} : vector<10000x64xf32>, vector<64x64xf32>, vector<10000x64xf32> -> vector<10000x64xf32>
    %get3A_100 = arith.constant 0 : index
    %get3A_101 = arith.constant 0 : index
    %get3A_102 = vector.load %arg4[%get3A_100, %get3A_101] : memref<1x64xf32, #tpu.memory_space<vmem>>, vector<1x64xf32>
    %add3A_103 = vector.broadcast %get3A_102 : vector<1x64xf32> to vector<10000x64xf32>
    %add3A_104 = arith.addf %dot_general3A_99, %add3A_103 : vector<10000x64xf32>
    %logistic3A = arith.negf %add3A_104 : vector<10000x64xf32>
    %logistic3A_105 = math.exp %logistic3A : vector<10000x64xf32>
    %logistic3A_106 = arith.constant 1.000000e+00 : f32
    %logistic3A_107 = vector.broadcast %logistic3A_106 : f32 to vector<10000x64xf32>
    %logistic3A_108 = arith.addf %logistic3A_107, %logistic3A_105 : vector<10000x64xf32>
    %logistic3A_109 = arith.divf %logistic3A_107, %logistic3A_108 : vector<10000x64xf32>
    %mul3A_110 = arith.mulf %add3A_104, %logistic3A_109 : vector<10000x64xf32>
    %get3A_111 = arith.constant 0 : index
    %get3A_112 = arith.constant 0 : index
    %get3A_113 = vector.load %arg5[%get3A_111, %get3A_112] : memref<64x32xf32, #tpu.memory_space<vmem>>, vector<64x32xf32>
    %dot_general3A_114 = arith.constant dense<0.000000e+00> : vector<10000x32xf32>
    %dot_general3A_115 = tpu.matmul %mul3A_110, %get3A_113, %dot_general3A_114 {dimension_numbers = #tpu.dot_dimension_numbers<[1], [0], [0], [1], [0, 0, 1, 1], [], []>, transpose_lhs_hint = false} : vector<10000x64xf32>, vector<64x32xf32>, vector<10000x32xf32> -> vector<10000x32xf32>
    %get3A_116 = arith.constant 0 : index
    %get3A_117 = arith.constant 0 : index
    %get3A_118 = vector.load %arg6[%get3A_116, %get3A_117] : memref<1x32xf32, #tpu.memory_space<vmem>>, vector<1x32xf32>
    %add3A_119 = vector.broadcast %get3A_118 : vector<1x32xf32> to vector<10000x32xf32>
    %add3A_120 = arith.addf %dot_general3A_115, %add3A_119 : vector<10000x32xf32>
    %get3A_121 = arith.constant 0 : index
    %get3A_122 = arith.constant 0 : index
    %get3A_123 = vector.load %arg11[%get3A_121, %get3A_122] : memref<1x32xf32, #tpu.memory_space<vmem>>, vector<1x32xf32>
    %get3A_124 = arith.constant 0 : index
    %get3A_125 = arith.constant 0 : index
    %get3A_126 = vector.load %arg12[%get3A_124, %get3A_125] : memref<1x32xf32, #tpu.memory_space<vmem>>, vector<1x32xf32>
    %reduce_sum3A_127 = arith.constant dense<0.000000e+00> : vector<10000xf32>
    %reduce_sum3A_128 = vector.multi_reduction <add>, %add3A_120, %reduce_sum3A_127 [1] : vector<10000x32xf32> to vector<10000xf32>
    %broadcast_in_dim3A_129 = vector.shape_cast %reduce_sum3A_128 : vector<10000xf32> to vector<10000x1xf32>
    %div3A_130 = arith.constant 3.200000e+01 : f32
    %div3A_131 = vector.broadcast %div3A_130 : f32 to vector<10000x1xf32>
    %div3A_132 = arith.divf %broadcast_in_dim3A_129, %div3A_131 : vector<10000x1xf32>
    %jit3A_133 = arith.constant 0 : i32
    %reduce_sum3A_134 = arith.constant dense<0.000000e+00> : vector<10000xf32>
    %reduce_sum3A_135 = vector.multi_reduction <add>, %add3A_120, %reduce_sum3A_134 [1] : vector<10000x32xf32> to vector<10000xf32>
    %broadcast_in_dim3A_136 = vector.shape_cast %reduce_sum3A_135 : vector<10000xf32> to vector<10000x1xf32>
    %div3A_137 = arith.constant 3.200000e+01 : f32
    %div3A_138 = vector.broadcast %div3A_137 : f32 to vector<10000x1xf32>
    %div3A_139 = arith.divf %broadcast_in_dim3A_136, %div3A_138 : vector<10000x1xf32>
    %sub3A_140 = vector.broadcast %div3A_139 : vector<10000x1xf32> to vector<10000x32xf32>
    %sub3A_141 = arith.subf %add3A_120, %sub3A_140 : vector<10000x32xf32>
    %square3A_142 = arith.mulf %sub3A_141, %sub3A_141 : vector<10000x32xf32>
    %convert_element_type3A_143 = arith.sitofp %jit3A_133 : i32 to f32
    %sub3A_144 = arith.constant 3.200000e+01 : f32
    %sub3A_145 = arith.subf %sub3A_144, %convert_element_type3A_143 : f32
    %reduce_sum3A_146 = arith.constant dense<0.000000e+00> : vector<10000xf32>
    %reduce_sum3A_147 = vector.multi_reduction <add>, %square3A_142, %reduce_sum3A_146 [1] : vector<10000x32xf32> to vector<10000xf32>
    %broadcast_in_dim3A_148 = vector.shape_cast %reduce_sum3A_147 : vector<10000xf32> to vector<10000x1xf32>
    %div3A_149 = vector.broadcast %sub3A_145 : f32 to vector<10000x1xf32>
    %div3A_150 = arith.divf %broadcast_in_dim3A_148, %div3A_149 : vector<10000x1xf32>
    %gt3A_151 = arith.constant 0.000000e+00 : f32
    %gt3A_152 = arith.cmpf ogt, %sub3A_145, %gt3A_151 : f32
    %jit3A_153 = arith.constant 0x7FC00000 : f32
    %broadcast_in_dim3A_154 = vector.broadcast %jit3A_153 : f32 to vector<10000x1xf32>
    %select_n3A_155 = arith.select %gt3A_152, %div3A_150, %broadcast_in_dim3A_154 : vector<10000x1xf32>
    %sub3A_156 = vector.broadcast %div3A_132 : vector<10000x1xf32> to vector<10000x32xf32>
    %sub3A_157 = arith.subf %add3A_120, %sub3A_156 : vector<10000x32xf32>
    %add3A_158 = arith.constant 9.99999974E-6 : f32
    %add3A_159 = vector.broadcast %add3A_158 : f32 to vector<10000x1xf32>
    %add3A_160 = arith.addf %select_n3A_155, %add3A_159 : vector<10000x1xf32>
    %sqrt3A_161 = math.sqrt %add3A_160 : vector<10000x1xf32>
    %div3A_162 = vector.broadcast %sqrt3A_161 : vector<10000x1xf32> to vector<10000x32xf32>
    %div3A_163 = arith.divf %sub3A_157, %div3A_162 : vector<10000x32xf32>
    %mul3A_164 = vector.broadcast %get3A_123 : vector<1x32xf32> to vector<10000x32xf32>
    %mul3A_165 = arith.mulf %div3A_163, %mul3A_164 : vector<10000x32xf32>
    %add3A_166 = vector.broadcast %get3A_126 : vector<1x32xf32> to vector<10000x32xf32>
    %add3A_167 = arith.addf %mul3A_165, %add3A_166 : vector<10000x32xf32>
    %add3A_168 = arith.addf %get3A_48, %add3A_167 : vector<10000x32xf32>
    %swap3A = arith.constant 0 : index
    %swap3A_169 = arith.constant 0 : index
    %swap3A_170 = vector.load %arg13[%swap3A, %swap3A_169] : memref<10000x32xf32, #tpu.memory_space<vmem>>, vector<10000x32xf32>
    tpu.vector_store %arg13[%swap3A, %swap3A_169], %add3A_168 {strides = array<i32>} : memref<10000x32xf32, #tpu.memory_space<vmem>>, vector<10000x32xf32>,
    return
  }
}

module attributes {stable_mosaic.version = 14 : i64} {
  func.func @body(%arg0: i32, %arg1: memref<1000x32xf32, #tpu.memory_space<vmem>>, %arg2: memref<1x1x1000xi32, #tpu.memory_space<vmem>>, %arg3: memref<32x256xf32, #tpu.memory_space<vmem>>, %arg4: memref<1x256xf32, #tpu.memory_space<vmem>>, %arg5: memref<256x256xf32, #tpu.memory_space<vmem>>, %arg6: memref<1x256xf32, #tpu.memory_space<vmem>>, %arg7: memref<256x256xf32, #tpu.memory_space<vmem>>, %arg8: memref<1x256xf32, #tpu.memory_space<vmem>>, %arg9: memref<256x256xf32, #tpu.memory_space<vmem>>, %arg10: memref<1x256xf32, #tpu.memory_space<vmem>>, %arg11: memref<256x256xf32, #tpu.memory_space<vmem>>, %arg12: memref<1x256xf32, #tpu.memory_space<vmem>>, %arg13: memref<256x1xf32, #tpu.memory_space<vmem>>, %arg14: memref<1x1xf32, #tpu.memory_space<vmem>>, %arg15: memref<512x1xf32, #tpu.memory_space<vmem>>, %arg16: memref<512x256xf32, #tpu.memory_space<vmem>>, %arg17: memref<512x1xf32, #tpu.memory_space<vmem>>) attributes {dimension_semantics = [#tpu.dimension_semantics<arbitrary>], iteration_bounds = array<i64: 10>, scalar_prefetch = 0 : i64, scratch_operands = 2 : i64, tpu.core_type = #tpu.core_type<tc>, window_params = [{transform_indices = @transform_0, window_bounds = array<i64: 1000, 32>}, {transform_indices = @transform_1, window_bounds = array<i64: 1, 1, 1000>}, {pipeline_mode = #tpu.pipeline_mode<synchronous>, transform_indices = @transform_2, window_bounds = array<i64: 32, 256>}, {pipeline_mode = #tpu.pipeline_mode<synchronous>, transform_indices = @transform_3, window_bounds = array<i64: 1, 256>}, {pipeline_mode = #tpu.pipeline_mode<synchronous>, transform_indices = @transform_4, window_bounds = array<i64: 256, 256>}, {pipeline_mode = #tpu.pipeline_mode<synchronous>, transform_indices = @transform_5, window_bounds = array<i64: 1, 256>}, {pipeline_mode = #tpu.pipeline_mode<synchronous>, transform_indices = @transform_6, window_bounds = array<i64: 256, 256>}, {pipeline_mode = #tpu.pipeline_mode<synchronous>, transform_indices = @transform_7, window_bounds = array<i64: 1, 256>}, {pipeline_mode = #tpu.pipeline_mode<synchronous>, transform_indices = @transform_8, window_bounds = array<i64: 256, 256>}, {pipeline_mode = #tpu.pipeline_mode<synchronous>, transform_indices = @transform_9, window_bounds = array<i64: 1, 256>}, {pipeline_mode = #tpu.pipeline_mode<synchronous>, transform_indices = @transform_10, window_bounds = array<i64: 256, 256>}, {pipeline_mode = #tpu.pipeline_mode<synchronous>, transform_indices = @transform_11, window_bounds = array<i64: 1, 256>}, {pipeline_mode = #tpu.pipeline_mode<synchronous>, transform_indices = @transform_12, window_bounds = array<i64: 256, 1>}, {pipeline_mode = #tpu.pipeline_mode<synchronous>, transform_indices = @transform_13, window_bounds = array<i64: 1, 1>}, {pipeline_mode = #tpu.pipeline_mode<synchronous>, transform_indices = @transform_14, window_bounds = array<i64: 512, 1>}]} {
    %get3A = arith.constant 0 : index
    %get3A_0 = arith.constant 0 : index
    %get3A_1 = vector.load %arg1[%get3A, %get3A_0] : memref<1000x32xf32, #tpu.memory_space<vmem>>, vector<1000x32xf32>
    %get3A_2 = arith.constant 0 : index
    %get3A_3 = arith.constant 0 : index
    %get3A_4 = vector.load %arg3[%get3A_2, %get3A_3] : memref<32x256xf32, #tpu.memory_space<vmem>>, vector<32x256xf32>
    %dot_general3A = arith.constant dense<0.000000e+00> : vector<1000x256xf32>
    %dot_general3A_5 = tpu.matmul %get3A_1, %get3A_4, %dot_general3A {dimension_numbers = #tpu.dot_dimension_numbers<[1], [0], [0], [1], [0, 0, 1, 1], [], []>, transpose_lhs_hint = false} : vector<1000x32xf32>, vector<32x256xf32>, vector<1000x256xf32> -> vector<1000x256xf32>
    %get3A_6 = arith.constant 0 : index
    %get3A_7 = arith.constant 0 : index
    %get3A_8 = vector.load %arg4[%get3A_6, %get3A_7] : memref<1x256xf32, #tpu.memory_space<vmem>>, vector<1x256xf32>
    %add3A = vector.broadcast %get3A_8 : vector<1x256xf32> to vector<1000x256xf32>
    %add3A_9 = arith.addf %dot_general3A_5, %add3A : vector<1000x256xf32>
    %logistic3A = arith.negf %add3A_9 : vector<1000x256xf32>
    %logistic3A_10 = math.exp %logistic3A : vector<1000x256xf32>
    %logistic3A_11 = arith.constant 1.000000e+00 : f32
    %logistic3A_12 = vector.broadcast %logistic3A_11 : f32 to vector<1000x256xf32>
    %logistic3A_13 = arith.addf %logistic3A_12, %logistic3A_10 : vector<1000x256xf32>
    %logistic3A_14 = arith.divf %logistic3A_12, %logistic3A_13 : vector<1000x256xf32>
    %mul3A = arith.mulf %add3A_9, %logistic3A_14 : vector<1000x256xf32>
    %get3A_15 = arith.constant 0 : index
    %get3A_16 = arith.constant 0 : index
    %get3A_17 = vector.load %arg5[%get3A_15, %get3A_16] : memref<256x256xf32, #tpu.memory_space<vmem>>, vector<256x256xf32>
    %dot_general3A_18 = arith.constant dense<0.000000e+00> : vector<1000x256xf32>
    %dot_general3A_19 = tpu.matmul %mul3A, %get3A_17, %dot_general3A_18 {dimension_numbers = #tpu.dot_dimension_numbers<[1], [0], [0], [1], [0, 0, 1, 1], [], []>, transpose_lhs_hint = false} : vector<1000x256xf32>, vector<256x256xf32>, vector<1000x256xf32> -> vector<1000x256xf32>
    %get3A_20 = arith.constant 0 : index
    %get3A_21 = arith.constant 0 : index
    %get3A_22 = vector.load %arg6[%get3A_20, %get3A_21] : memref<1x256xf32, #tpu.memory_space<vmem>>, vector<1x256xf32>
    %add3A_23 = vector.broadcast %get3A_22 : vector<1x256xf32> to vector<1000x256xf32>
    %add3A_24 = arith.addf %dot_general3A_19, %add3A_23 : vector<1000x256xf32>
    %logistic3A_25 = arith.negf %add3A_24 : vector<1000x256xf32>
    %logistic3A_26 = math.exp %logistic3A_25 : vector<1000x256xf32>
    %logistic3A_27 = arith.constant 1.000000e+00 : f32
    %logistic3A_28 = vector.broadcast %logistic3A_27 : f32 to vector<1000x256xf32>
    %logistic3A_29 = arith.addf %logistic3A_28, %logistic3A_26 : vector<1000x256xf32>
    %logistic3A_30 = arith.divf %logistic3A_28, %logistic3A_29 : vector<1000x256xf32>
    %mul3A_31 = arith.mulf %add3A_24, %logistic3A_30 : vector<1000x256xf32>
    %get3A_32 = arith.constant 0 : index
    %get3A_33 = arith.constant 0 : index
    %get3A_34 = vector.load %arg7[%get3A_32, %get3A_33] : memref<256x256xf32, #tpu.memory_space<vmem>>, vector<256x256xf32>
    %dot_general3A_35 = arith.constant dense<0.000000e+00> : vector<1000x256xf32>
    %dot_general3A_36 = tpu.matmul %mul3A_31, %get3A_34, %dot_general3A_35 {dimension_numbers = #tpu.dot_dimension_numbers<[1], [0], [0], [1], [0, 0, 1, 1], [], []>, transpose_lhs_hint = false} : vector<1000x256xf32>, vector<256x256xf32>, vector<1000x256xf32> -> vector<1000x256xf32>
    %get3A_37 = arith.constant 0 : index
    %get3A_38 = arith.constant 0 : index
    %get3A_39 = vector.load %arg8[%get3A_37, %get3A_38] : memref<1x256xf32, #tpu.memory_space<vmem>>, vector<1x256xf32>
    %add3A_40 = vector.broadcast %get3A_39 : vector<1x256xf32> to vector<1000x256xf32>
    %add3A_41 = arith.addf %dot_general3A_36, %add3A_40 : vector<1000x256xf32>
    %logistic3A_42 = arith.negf %add3A_41 : vector<1000x256xf32>
    %logistic3A_43 = math.exp %logistic3A_42 : vector<1000x256xf32>
    %logistic3A_44 = arith.constant 1.000000e+00 : f32
    %logistic3A_45 = vector.broadcast %logistic3A_44 : f32 to vector<1000x256xf32>
    %logistic3A_46 = arith.addf %logistic3A_45, %logistic3A_43 : vector<1000x256xf32>
    %logistic3A_47 = arith.divf %logistic3A_45, %logistic3A_46 : vector<1000x256xf32>
    %mul3A_48 = arith.mulf %add3A_41, %logistic3A_47 : vector<1000x256xf32>
    %get3A_49 = arith.constant 0 : index
    %get3A_50 = arith.constant 0 : index
    %get3A_51 = arith.constant 0 : index
    %get3A_52 = vector.load %arg2[%get3A_49, %get3A_50, %get3A_51] : memref<1x1x1000xi32, #tpu.memory_space<vmem>>, vector<1x1x1000xi32>
    %get3A_53 = vector.shape_cast %get3A_52 : vector<1x1x1000xi32> to vector<1x1000xi32>
    %iota3A = tpu.iota {dimensions = array<i32: 0>} : vector<512x1000xi32>
    %eq3A = vector.broadcast %get3A_53 : vector<1x1000xi32> to vector<512x1000xi32>
    %eq3A_54 = arith.cmpi eq, %iota3A, %eq3A : vector<512x1000xi32>
    %convert_element_type3A = arith.extui %eq3A_54 : vector<512x1000xi1> to vector<512x1000xi32>
    %convert_element_type3A_55 = arith.sitofp %convert_element_type3A : vector<512x1000xi32> to vector<512x1000xf32>
    %dot_general3A_56 = arith.constant dense<0.000000e+00> : vector<512x256xf32>
    %dot_general3A_57 = tpu.matmul %convert_element_type3A_55, %mul3A_48, %dot_general3A_56 {dimension_numbers = #tpu.dot_dimension_numbers<[1], [0], [0], [1], [0, 0, 1, 1], [], []>, precision = #tpu.contract_precision<fp32>, transpose_lhs_hint = false} : vector<512x1000xf32>, vector<1000x256xf32>, vector<512x256xf32> -> vector<512x256xf32>
    %reduce_sum3A = arith.constant dense<0.000000e+00> : vector<512xf32>
    %reduce_sum3A_58 = vector.multi_reduction <add>, %convert_element_type3A_55, %reduce_sum3A [1] : vector<512x1000xf32> to vector<512xf32>
    %broadcast_in_dim3A = vector.shape_cast %reduce_sum3A_58 : vector<512xf32> to vector<512x1xf32>
    %eq3A_59 = arith.constant 0 : i32
    %eq3A_60 = arith.cmpi eq, %arg0, %eq3A_59 : i32
    %convert_element_type3A_61 = arith.extui %eq3A_60 : i1 to i32
    %cond3A = arith.constant 0 : i32
    %cond3A_62 = arith.cmpi ne, %convert_element_type3A_61, %cond3A : i32
    scf.if %cond3A_62 {
      %swap3A = arith.constant 0 : index
      %swap3A_72 = arith.constant 0 : index
      %swap3A_73 = vector.load %arg16[%swap3A, %swap3A_72] : memref<512x256xf32, #tpu.memory_space<vmem>>, vector<512x256xf32>
      tpu.vector_store %arg16[%swap3A, %swap3A_72], %dot_general3A_57 {strides = array<i32>} : memref<512x256xf32, #tpu.memory_space<vmem>>, vector<512x256xf32>,
      %swap3A_74 = arith.constant 0 : index
      %swap3A_75 = arith.constant 0 : index
      %swap3A_76 = vector.load %arg17[%swap3A_74, %swap3A_75] : memref<512x1xf32, #tpu.memory_space<vmem>>, vector<512x1xf32>
      tpu.vector_store %arg17[%swap3A_74, %swap3A_75], %broadcast_in_dim3A {strides = array<i32>} : memref<512x1xf32, #tpu.memory_space<vmem>>, vector<512x1xf32>,
    } else {
    }
    %gt3A = arith.constant 0 : i32
    %gt3A_63 = arith.cmpi sgt, %arg0, %gt3A : i32
    %convert_element_type3A_64 = arith.extui %gt3A_63 : i1 to i32
    %cond3A_65 = arith.constant 0 : i32
    %cond3A_66 = arith.cmpi ne, %convert_element_type3A_64, %cond3A_65 : i32
    scf.if %cond3A_66 {
      %get3A_72 = arith.constant 0 : index
      %get3A_73 = arith.constant 0 : index
      %get3A_74 = vector.load %arg16[%get3A_72, %get3A_73] : memref<512x256xf32, #tpu.memory_space<vmem>>, vector<512x256xf32>
      %add3A_75 = arith.addf %get3A_74, %dot_general3A_57 : vector<512x256xf32>
      %swap3A = arith.constant 0 : index
      %swap3A_76 = arith.constant 0 : index
      %swap3A_77 = vector.load %arg16[%swap3A, %swap3A_76] : memref<512x256xf32, #tpu.memory_space<vmem>>, vector<512x256xf32>
      tpu.vector_store %arg16[%swap3A, %swap3A_76], %add3A_75 {strides = array<i32>} : memref<512x256xf32, #tpu.memory_space<vmem>>, vector<512x256xf32>,
      %get3A_78 = arith.constant 0 : index
      %get3A_79 = arith.constant 0 : index
      %get3A_80 = vector.load %arg17[%get3A_78, %get3A_79] : memref<512x1xf32, #tpu.memory_space<vmem>>, vector<512x1xf32>
      %add3A_81 = arith.addf %get3A_80, %broadcast_in_dim3A : vector<512x1xf32>
      %swap3A_82 = arith.constant 0 : index
      %swap3A_83 = arith.constant 0 : index
      %swap3A_84 = vector.load %arg17[%swap3A_82, %swap3A_83] : memref<512x1xf32, #tpu.memory_space<vmem>>, vector<512x1xf32>
      tpu.vector_store %arg17[%swap3A_82, %swap3A_83], %add3A_81 {strides = array<i32>} : memref<512x1xf32, #tpu.memory_space<vmem>>, vector<512x1xf32>,
    } else {
    }
    %eq3A_67 = arith.constant 9 : i32
    %eq3A_68 = arith.cmpi eq, %arg0, %eq3A_67 : i32
    %convert_element_type3A_69 = arith.extui %eq3A_68 : i1 to i32
    %cond3A_70 = arith.constant 0 : i32
    %cond3A_71 = arith.cmpi ne, %convert_element_type3A_69, %cond3A_70 : i32
    scf.if %cond3A_71 {
      %get3A_72 = arith.constant 0 : index
      %get3A_73 = arith.constant 0 : index
      %get3A_74 = vector.load %arg16[%get3A_72, %get3A_73] : memref<512x256xf32, #tpu.memory_space<vmem>>, vector<512x256xf32>
      %get3A_75 = arith.constant 0 : index
      %get3A_76 = arith.constant 0 : index
      %get3A_77 = vector.load %arg17[%get3A_75, %get3A_76] : memref<512x1xf32, #tpu.memory_space<vmem>>, vector<512x1xf32>
      %max3A = arith.constant 1.000000e+00 : f32
      %max3A_78 = vector.broadcast %max3A : f32 to vector<512x1xf32>
      %max3A_79 = arith.maximumf %get3A_77, %max3A_78 : vector<512x1xf32>
      %div3A = vector.broadcast %max3A_79 : vector<512x1xf32> to vector<512x256xf32>
      %div3A_80 = arith.divf %get3A_74, %div3A : vector<512x256xf32>
      %get3A_81 = arith.constant 0 : index
      %get3A_82 = arith.constant 0 : index
      %get3A_83 = vector.load %arg9[%get3A_81, %get3A_82] : memref<256x256xf32, #tpu.memory_space<vmem>>, vector<256x256xf32>
      %dot_general3A_84 = arith.constant dense<0.000000e+00> : vector<512x256xf32>
      %dot_general3A_85 = tpu.matmul %div3A_80, %get3A_83, %dot_general3A_84 {dimension_numbers = #tpu.dot_dimension_numbers<[1], [0], [0], [1], [0, 0, 1, 1], [], []>, transpose_lhs_hint = false} : vector<512x256xf32>, vector<256x256xf32>, vector<512x256xf32> -> vector<512x256xf32>
      %get3A_86 = arith.constant 0 : index
      %get3A_87 = arith.constant 0 : index
      %get3A_88 = vector.load %arg10[%get3A_86, %get3A_87] : memref<1x256xf32, #tpu.memory_space<vmem>>, vector<1x256xf32>
      %add3A_89 = vector.broadcast %get3A_88 : vector<1x256xf32> to vector<512x256xf32>
      %add3A_90 = arith.addf %dot_general3A_85, %add3A_89 : vector<512x256xf32>
      %logistic3A_91 = arith.negf %add3A_90 : vector<512x256xf32>
      %logistic3A_92 = math.exp %logistic3A_91 : vector<512x256xf32>
      %logistic3A_93 = arith.constant 1.000000e+00 : f32
      %logistic3A_94 = vector.broadcast %logistic3A_93 : f32 to vector<512x256xf32>
      %logistic3A_95 = arith.addf %logistic3A_94, %logistic3A_92 : vector<512x256xf32>
      %logistic3A_96 = arith.divf %logistic3A_94, %logistic3A_95 : vector<512x256xf32>
      %mul3A_97 = arith.mulf %add3A_90, %logistic3A_96 : vector<512x256xf32>
      %get3A_98 = arith.constant 0 : index
      %get3A_99 = arith.constant 0 : index
      %get3A_100 = vector.load %arg11[%get3A_98, %get3A_99] : memref<256x256xf32, #tpu.memory_space<vmem>>, vector<256x256xf32>
      %dot_general3A_101 = arith.constant dense<0.000000e+00> : vector<512x256xf32>
      %dot_general3A_102 = tpu.matmul %mul3A_97, %get3A_100, %dot_general3A_101 {dimension_numbers = #tpu.dot_dimension_numbers<[1], [0], [0], [1], [0, 0, 1, 1], [], []>, transpose_lhs_hint = false} : vector<512x256xf32>, vector<256x256xf32>, vector<512x256xf32> -> vector<512x256xf32>
      %get3A_103 = arith.constant 0 : index
      %get3A_104 = arith.constant 0 : index
      %get3A_105 = vector.load %arg12[%get3A_103, %get3A_104] : memref<1x256xf32, #tpu.memory_space<vmem>>, vector<1x256xf32>
      %add3A_106 = vector.broadcast %get3A_105 : vector<1x256xf32> to vector<512x256xf32>
      %add3A_107 = arith.addf %dot_general3A_102, %add3A_106 : vector<512x256xf32>
      %logistic3A_108 = arith.negf %add3A_107 : vector<512x256xf32>
      %logistic3A_109 = math.exp %logistic3A_108 : vector<512x256xf32>
      %logistic3A_110 = arith.constant 1.000000e+00 : f32
      %logistic3A_111 = vector.broadcast %logistic3A_110 : f32 to vector<512x256xf32>
      %logistic3A_112 = arith.addf %logistic3A_111, %logistic3A_109 : vector<512x256xf32>
      %logistic3A_113 = arith.divf %logistic3A_111, %logistic3A_112 : vector<512x256xf32>
      %mul3A_114 = arith.mulf %add3A_107, %logistic3A_113 : vector<512x256xf32>
      %get3A_115 = arith.constant 0 : index
      %get3A_116 = arith.constant 0 : index
      %get3A_117 = vector.load %arg13[%get3A_115, %get3A_116] : memref<256x1xf32, #tpu.memory_space<vmem>>, vector<256x1xf32>
      %dot_general3A_118 = arith.constant dense<0.000000e+00> : vector<512x1xf32>
      %dot_general3A_119 = tpu.matmul %mul3A_114, %get3A_117, %dot_general3A_118 {dimension_numbers = #tpu.dot_dimension_numbers<[1], [0], [0], [1], [0, 0, 1, 1], [], []>, transpose_lhs_hint = false} : vector<512x256xf32>, vector<256x1xf32>, vector<512x1xf32> -> vector<512x1xf32>
      %get3A_120 = arith.constant 0 : index
      %get3A_121 = arith.constant 0 : index
      %get3A_122 = vector.load %arg14[%get3A_120, %get3A_121] : memref<1x1xf32, #tpu.memory_space<vmem>>, vector<1x1xf32>
      %add3A_123 = vector.broadcast %get3A_122 : vector<1x1xf32> to vector<512x1xf32>
      %add3A_124 = arith.addf %dot_general3A_119, %add3A_123 : vector<512x1xf32>
      %swap3A = arith.constant 0 : index
      %swap3A_125 = arith.constant 0 : index
      %swap3A_126 = vector.load %arg15[%swap3A, %swap3A_125] : memref<512x1xf32, #tpu.memory_space<vmem>>, vector<512x1xf32>
      tpu.vector_store %arg15[%swap3A, %swap3A_125], %add3A_124 {strides = array<i32>} : memref<512x1xf32, #tpu.memory_space<vmem>>, vector<512x1xf32>,
    } else {
    }
    return
  }
  func.func @transform_0(%arg0: i32) -> (i32, i32) {
    %c0_i32 = arith.constant 0 : i32
    %c0_i32_0 = arith.constant 0 : i32
    return %arg0, %c0_i32 : i32, i32
  }
  func.func @transform_1(%arg0: i32) -> (i32, i32, i32) {
    %c0_i32 = arith.constant 0 : i32
    %c0_i32_0 = arith.constant 0 : i32
    %c0_i32_1 = arith.constant 0 : i32
    return %arg0, %c0_i32, %c0_i32_0 : i32, i32, i32
  }
  func.func @transform_2(%arg0: i32) -> (i32, i32) {
    %c0_i32 = arith.constant 0 : i32
    %c0_i32_0 = arith.constant 0 : i32
    %c0_i32_1 = arith.constant 0 : i32
    return %c0_i32, %c0_i32_0 : i32, i32
  }
  func.func @transform_3(%arg0: i32) -> (i32, i32) {
    %c0_i32 = arith.constant 0 : i32
    %c0_i32_0 = arith.constant 0 : i32
    %c0_i32_1 = arith.constant 0 : i32
    return %c0_i32, %c0_i32_0 : i32, i32
  }
  func.func @transform_4(%arg0: i32) -> (i32, i32) {
    %c0_i32 = arith.constant 0 : i32
    %c0_i32_0 = arith.constant 0 : i32
    %c0_i32_1 = arith.constant 0 : i32
    return %c0_i32, %c0_i32_0 : i32, i32
  }
  func.func @transform_5(%arg0: i32) -> (i32, i32) {
    %c0_i32 = arith.constant 0 : i32
    %c0_i32_0 = arith.constant 0 : i32
    %c0_i32_1 = arith.constant 0 : i32
    return %c0_i32, %c0_i32_0 : i32, i32
  }
  func.func @transform_6(%arg0: i32) -> (i32, i32) {
    %c0_i32 = arith.constant 0 : i32
    %c0_i32_0 = arith.constant 0 : i32
    %c0_i32_1 = arith.constant 0 : i32
    return %c0_i32, %c0_i32_0 : i32, i32
  }
  func.func @transform_7(%arg0: i32) -> (i32, i32) {
    %c0_i32 = arith.constant 0 : i32
    %c0_i32_0 = arith.constant 0 : i32
    %c0_i32_1 = arith.constant 0 : i32
    return %c0_i32, %c0_i32_0 : i32, i32
  }
  func.func @transform_8(%arg0: i32) -> (i32, i32) {
    %c0_i32 = arith.constant 0 : i32
    %c0_i32_0 = arith.constant 0 : i32
    %c0_i32_1 = arith.constant 0 : i32
    return %c0_i32, %c0_i32_0 : i32, i32
  }
  func.func @transform_9(%arg0: i32) -> (i32, i32) {
    %c0_i32 = arith.constant 0 : i32
    %c0_i32_0 = arith.constant 0 : i32
    %c0_i32_1 = arith.constant 0 : i32
    return %c0_i32, %c0_i32_0 : i32, i32
  }
  func.func @transform_10(%arg0: i32) -> (i32, i32) {
    %c0_i32 = arith.constant 0 : i32
    %c0_i32_0 = arith.constant 0 : i32
    %c0_i32_1 = arith.constant 0 : i32
    return %c0_i32, %c0_i32_0 : i32, i32
  }
  func.func @transform_11(%arg0: i32) -> (i32, i32) {
    %c0_i32 = arith.constant 0 : i32
    %c0_i32_0 = arith.constant 0 : i32
    %c0_i32_1 = arith.constant 0 : i32
    return %c0_i32, %c0_i32_0 : i32, i32
  }
  func.func @transform_12(%arg0: i32) -> (i32, i32) {
    %c0_i32 = arith.constant 0 : i32
    %c0_i32_0 = arith.constant 0 : i32
    %c0_i32_1 = arith.constant 0 : i32
    return %c0_i32, %c0_i32_0 : i32, i32
  }
  func.func @transform_13(%arg0: i32) -> (i32, i32) {
    %c0_i32 = arith.constant 0 : i32
    %c0_i32_0 = arith.constant 0 : i32
    %c0_i32_1 = arith.constant 0 : i32
    return %c0_i32, %c0_i32_0 : i32, i32
  }
  func.func @transform_14(%arg0: i32) -> (i32, i32) {
    %c0_i32 = arith.constant 0 : i32
    %c0_i32_0 = arith.constant 0 : i32
    %c0_i32_1 = arith.constant 0 : i32
    return %c0_i32, %c0_i32_0 : i32, i32
  }
}

</mosaic_0001>

<sc_bundles>
// kernel: gather_offload_async_start.1
scs
__scs_entry_jumppad:
0x0: {  	(pc) =	sbr.rel $0x88, $3  }
0x1: {  	(tag) =	ssettag $0x0;
	lr =	simm.s32 $0x1  }
0x2: {  	[smem:$0x3F65] =	sst lr;
	_ =	strace $0xD0000000  }
0x3: {  	_ = 	snop  }
0x4: {  	_ = 	snop  }
0x5: {  	_ = 	snop  }
0x6: {  	_ = 	snop  }
0x7: {  	_ = 	snop  }
__scs_overlays_trampoline_lowered:
0x8: {  	[smem:$0x3F74] =	sst s0  }
0x9: {  	[smem:$0x3F75] =	sst s1  }
0xa: {  	[smem:$0x3F76] =	sst s2  }
0xb: {  	[smem:$0x3F77] =	sst s3  }
0xc: {  	[smem:$0x3F78] =	sst s4  }
0xd: {  	[smem:$0x3F79] =	sst s5  }
0xe: {  	[smem:$0x3F7A] =	sst s6  }
0xf: {  	[smem:$0x3F7B] =	sst s7  }
0x10: {  	[smem:$0x3F7C] =	sst s8  }
0x11: {  	[smem:$0x3F7D] =	sst s9;
	s0 =	simm.s32 @!p0 $0x0  }
0x12: {  	s1 =	sld [smem:$0x3F63];
	s0 =	simm.s32 @p0 $0x1  }
0x13: {  	[smem:$0x3F7E] =	sst s0;
	s0 =	simm.s32 @!p1 $0x0  }
0x14: {  	s2 =	sld [smem:$0x3F62];
	s0 =	simm.s32 @p1 $0x1  }
0x15: {  	[smem:$0x3F7F] =	sst s0;
	s0 =	simm.s32 @!p2 $0x0  }
0x16: {  	s3 =	sld [smem:$0x3FDB];
	s0 =	simm.s32 @p2 $0x1  }
0x17: {  	s4 =	simm.s32 $0x1BF5;
	[smem:$0x3F81] =	sst s0  }
0x18: {  	s0 =	sld [smem:$0x3F64];
	_ =	swait.ge [sflag:s4], $0x0  }
0x19: {  	s7 =	sld [smem:$0x3F65]  }
0x1a: {  	s8 =	sadd.s32 $0xFFFFE003, lr  }
0x1b: {  	s9 =	sadd.s32 $0xFFFFFEF7, lr;
	s5 =	simm.s32 $0xFFFFFFFF;
	p2 =	slt.u32 s8, $0xFFFFF086  }
0x1c: {  	p1 =	slt.u32 s9, $0xF7A;
	s5 =	simm.s32 @!p2 $0x0  }
0x1d: {  	s5 =	simm.s32 @p1 $0x1;
	p0 =	seq.s32 s7, s2  }
0x1e: {  	s7 =	smul.u32 @!p0 $0xF7A, s2;
	p2 =	seq.s32 @!p0 s5, $0x0  }
0x1f: {  	s9 =	smul.u32 $0xF7A, s1;
	s8 =	simm.s32 @!p0 $0x1BF5;
	p2 =	por !p2, p0  }
0x20: {  	[sflag:s8] =	ssyncset.s32 @!p0 $0xFFFFF086;
	s6 =	sadd.s32 @!p0 s3, s7;
	s7 =	simm.s32 @!p0 $0x108  }
0x21: {  	s3 =	sadd.s32 s3, s9;
	s6 =	sadd.s32 @!p0 $0x88, s6;
	s7 =	simm.s32 @p2 $0x1082  }
0x22: {  	[simem:s7], [sflag:s8] =	dma.local @!p0 [hbm:s6], $0xF7A  }
0x23: {  	s9 =	sor.u32 $0xD0000000, s2;
	s6 =	simm.s32 $0x108;
	_ =	swait.ge @!p0 [sflag:s8], $0x0  }
0x24: {  	s3 =	sadd.s32 $0x88, s3;
	s6 =	simm.s32 @!p1 $0x1082;
	[sflag:s4] =	ssyncset.s32 $0xFFFFF086  }
0x25: {  	[simem:s6], [sflag:s4] =	dma.local [hbm:s3], $0xF7A  }
0x26: {  	[smem:$0x3F65] =	sst s1;
	(tag) =	ssettag s2;
	_ =	strace s9  }
0x27: {  	s1 =	sld [smem:$0x3F75]  }
0x28: {  	s2 =	sld [smem:$0x3F76]  }
0x29: {  	s4 =	sld [smem:$0x3F78]  }
0x2a: {  	p0 =	seq.s32 s5, $0x0;
	s5 =	sld [smem:$0x3F79]  }
0x2b: {  	s6 =	sld [smem:$0x3F7A]  }
0x2c: {  	s7 =	sld [smem:$0x3F7B]  }
0x2d: {  	s3 =	simm.s32 $0x108;
	s8 =	sld [smem:$0x3F7C]  }
0x2e: {  	s3 =	simm.s32 @!p0 $0x1082;
	s9 =	sld [smem:$0x3F7D]  }
0x2f: {  	lr =	sadd.s32 s0, s3;
	s0 =	sld [smem:$0x3F74]  }
0x30: {  	s3 =	sld [smem:$0x3F77]  }
0x31: {  	[smem:$0x3F80] =	sst s10  }
0x32: {  	s10 =	sld [smem:$0x3F7E];
	_ =	sdelay $0x3  }
0x33: {  	p0 =	seq.s32 s10, $0x1;
	s10 =	sld [smem:$0x3F80];
	_ =	sdelay $0x3  }
0x34: {  	[smem:$0x3F80] =	sst s10  }
0x35: {  	s10 =	sld [smem:$0x3F7F];
	_ =	sdelay $0x3  }
0x36: {  	p1 =	seq.s32 s10, $0x1;
	s10 =	sld [smem:$0x3F80];
	_ =	sdelay $0x3  }
0x37: {  	[smem:$0x3F80] =	sst s10  }
0x38: {  	s10 =	sld [smem:$0x3F81]  }
0x39: {  	_ = 	snop;
	(pc) =	sbr.ind lr, $3  }
0x3a: {  	_ = 	snop  }
0x3b: {  	_ = 	snop  }
0x3c: {  	p2 =	seq.s32 s10, $0x1;
	s10 =	sld [smem:$0x3F80]  }
0x3d: {  	_ =	shalt  }
0x3e: {  	_ =	shalt  }
0x3f: {  	_ =	shalt  }
0x40: {  	_ =	shalt  }
0x41: {  	_ =	shalt  }
0x42: {  	_ =	shalt  }
0x43: {  	_ =	shalt  }
0x44: {  	_ =	shalt  }
0x45: {  	_ =	shalt  }
0x46: {  	_ =	shalt  }
0x47: {  	_ =	shalt  }
0x48: {  	_ =	shalt  }
0x49: {  	_ =	shalt  }
0x4a: {  	_ =	shalt  }
0x4b: {  	_ =	shalt  }
0x4c: {  	_ =	shalt  }
0x4d: {  	_ =	shalt  }
0x4e: {  	_ =	shalt  }
0x4f: {  	_ =	shalt  }
0x50: {  	_ =	shalt  }
0x51: {  	_ =	shalt  }
0x52: {  	_ =	shalt  }
0x53: {  	_ =	shalt  }
0x54: {  	_ =	shalt  }
0x55: {  	_ =	shalt  }
0x56: {  	_ =	shalt  }
0x57: {  	_ =	shalt  }
0x58: {  	_ =	shalt  }
0x59: {  	_ =	shalt  }
0x5a: {  	_ =	shalt  }
0x5b: {  	_ =	shalt  }
0x5c: {  	_ =	shalt  }
0x5d: {  	_ =	shalt  }
0x5e: {  	_ =	shalt  }
0x5f: {  	_ =	shalt  }
0x60: {  	_ =	shalt  }
0x61: {  	_ =	shalt  }
0x62: {  	_ =	shalt  }
0x63: {  	_ =	shalt  }
0x64: {  	_ =	shalt  }
0x65: {  	_ =	shalt  }
0x66: {  	_ =	shalt  }
0x67: {  	_ =	shalt  }
0x68: {  	_ =	shalt  }
0x69: {  	_ =	shalt  }
0x6a: {  	_ =	shalt  }
0x6b: {  	_ =	shalt  }
0x6c: {  	_ =	shalt  }
0x6d: {  	_ =	shalt  }
0x6e: {  	_ =	shalt  }
0x6f: {  	_ =	shalt  }
0x70: {  	_ =	shalt  }
0x71: {  	_ =	shalt  }
0x72: {  	_ =	shalt  }
0x73: {  	_ =	shalt  }
0x74: {  	_ =	shalt  }
0x75: {  	_ =	shalt  }
0x76: {  	_ =	shalt  }
0x77: {  	_ =	shalt  }
0x78: {  	_ =	shalt  }
0x79: {  	_ =	shalt  }
0x7a: {  	_ =	shalt  }
0x7b: {  	_ =	shalt  }
0x7c: {  	_ =	shalt  }
0x7d: {  	_ =	shalt  }
0x7e: {  	_ =	shalt  }
0x7f: {  	_ =	shalt  }
0x80: {  	_ =	shalt  }
0x81: {  	_ =	shalt  }
0x82: {  	_ =	shalt  }
0x83: {  	_ =	shalt  }
0x84: {  	_ =	shalt  }
0x85: {  	_ =	shalt  }
0x86: {  	_ =	shalt  }
0x87: {  	_ =	shalt  }
.Lfunc_end0:
.L_simem_size_0:
called_computation.1_lowered:
.L_overlay_start_0:
0x88: {  	s2 =	sld [smem:$0x3FD9]  }
0x89: {  	s3 =	sld [smem:$0x3FFE];
	_ =	sdelay $0x1  }
0x8a: {  	s1 =	srdreg.scid  }
0x8b: {  	s0 =	sand.u32 $0x1, s1  }
0x8c: {  	s16 =	sshll.u32 s0, $0xA;
	s2 =	sadd.s32 s3, s2  }
0x8d: {  	s2 =	sadd.s32 s2, s16  }
0x8e: {  	[smem:$0x3F8C] =	sst s2  }
0x8f: {  	_ = 	snop  }
0x90: {  	(tm) =	ssettm $0x1  }
0x91: {  	s17 =	sld [smem:$0x3FFB];
	_ =	sdelay $0x3  }
0x92: {  	_ =	strace s17  }
0x93: {  	s2 =	sld [smem:$0x3FFC];
	_ =	sdelay $0x3  }
0x94: {  	_ =	strace s2  }
0x95: {  	s2 =	sld [smem:$0x3FFD];
	_ =	sdelay $0x3  }
0x96: {  	_ =	strace s2  }
0x97: {  	_ =	strace $0x8FFFFFFF  }
0x98: {  	s18 =	sld [smem:$0x3FDB];
	_ =	sdelay $0x1  }
0x99: {  	s19 =	simm.s32 $_scs_section_size  }
0x9a: {  	s4 =	simm.s32 $_size__tile_overlayer_lowered;
	s5 =	simm.s32 $_tile_overlayer_lowered  }
0x9b: {  	s22 =	simm.s32 $0x1BFF;
	s21 =	sshll.u32 s5, $0x1;
	s2 =	sadd.s32 s19, s18  }
0x9c: {  	s6 =	simm.s32 $0x0;
	s20 =	sshll.u32 s4, $0x1;
	s4 =	sadd.s32 s21, s2  }
0x9d: {  	[timem:s6], [sflag:s22] =	dma.local [hbm:s4], s20  }
0x9e: {  	_ =	swait.ge [sflag:s22], s20  }
0x9f: {  	s3 =	ssub.s32 $0x0, s20;
	[sflag:s22] =	ssyncset.done $0x0  }
0xa0: {  	[sflag:s22] =	ssyncadd.s32 s3;
	_ =	sdelay $0x1  }
0xa1: {  	s23 =	simm.s32 $0x1B8B  }
0xa2: {  	_ =	swait.ge [sflag:s23], $0x1  }
0xa3: {  	[sflag:s23] =	ssyncset.done $0x0  }
0xa4: {  	s25 =	simm.s32 $0x1B8E;
	s24 =	sld [smem:$0x3FFE];
	[sflag:s23] =	ssyncadd.s32 $0xFFFFFFFF  }
0xa5: {  	s26 =	simm.s32 $execute0_lowered;
	[smem:$0x3FD2] =	sst s25  }
0xa6: {  	s4 =	sshll.u32 s26, $0x1;
	_ =	strace $0x80000046;
	[dreg:$0x1] =	wrdreg $0xFFFFFFFF  }
0xa7: {  	s28 =	simm.s32 $_size_execute0_lowered;
	s2 =	sadd.s32 s2, s4;
	[dreg:$0x0] =	wrdreg $0x0  }
0xa8: {  	s4 =	sshll.u32 s28, $0x1;
	[dreg:$0x2] =	wrdreg s2  }
0xa9: {  	[dreg:$0x3] =	wrdreg s4  }
0xaa: {  	[dreg:$0x4] =	wrdreg $0xC0  }
0xab: {  	_ =	task [dreg:s6], $0x5FFFF  }
0xac: {  	[dreg:$0x1] =	wrdreg $0xFFFFFFFF  }
0xad: {  	[dreg:$0x0] =	wrdreg $0x60  }
0xae: {  	[dreg:$0x2] =	wrdreg s24  }
0xaf: {  	[dreg:$0x3] =	wrdreg $0xA  }
0xb0: {  	_ =	task.clear_ibuf [dreg:s6], $0x4FFFF;
	_ =	strace $0x90000046  }
0xb1: {  	s29 =	simm.s32 $0xA;
	_ =	strace $0x80000048  }
0xb2: {  	_ =	swait.ge [sflag:s29], $0x1  }
0xb3: {  	[sflag:s29] =	ssyncadd.s32 $0xFFFFFFFF  }
0xb4: {  	_ =	strace $0x90000048  }
0xb5: {  	_ =	sfence  }
0xb6: {  	s30 =	sld [smem:$0x0];
	_ =	sdelay $0x2  }
0xb7: {  	s31 =	sshll.u32 s1, $0xD;
	s1 =	sshrl.u32 s1, $0x2  }
0xb8: {  	s3 =	sand.u32 $0x4000, s31;
	s1 =	sadd.s32 s1, s30  }
0xb9: {  	s0 =	sor.u32 s3, s0;
	s1 =	sshll.u32 s1, $0x11  }
0xba: {  	s0 =	sor.u32 s1, s0  }
0xbb: {  	s0 =	sadd.s32 $0x8F2B, s0  }
0xbc: {  	[sflag:s0] =	ssyncadd.remote.s32 $0x1  }
0xbd: {  	_ =	sfence.sel $0xFFFF  }
0xbe: {  	[dreg:$0x0] =	wrdreg $0xFFFFFFFF;
	(pc) =	sbr.abs _section_cstart, $3  }
0xbf: {  	[dreg:$0x1] =	wrdreg $0xFFFFFFFF  }
0xc0: {  	_ =	task.clear_ibuf [dreg:s6], $0x2FFFF;
	_ =	strace $0x9FFFFFFF  }
0xc1: {  	(tm) =	ssettm $0x7FFFFFFF  }
tec
execute0_lowered:
.L_overlay_start_1:
0x0: {  	(tag) =	ssettag $0x1  }
0x1: {  	s8 =	rddreg [dreg:$0x0]  }
0x2: {  	s0 =	rddreg [dreg:$0x1];
	_ =	strace $0x80000047;
	s1 =	stileid.u32  }
0x3: {  	s3 =	srdreg.scid;
	s4 =	simm.s32 $0x1;
	s7 =	simm.s32 $0x1  }
0x4: {  	s9 =	simm.s32 $0x1;
	s10 =	simm.s32 $0x3;
	s13 =	simm.s32 $0x0  }
0x5: {  	s12 =	simm.s32 $0x0;
	s5 =	sand.u32 $0x1, s3;
	s6 =	sshll.u32 s1, $0x1  }
0x6: {  	s2 =	sadd.s32 $0x15A00, s8;
	s3 =	sadd.s32 $0x1F800, s8;
	s5 =	sor.u32 s6, s5  }
.Ltmp0:
0x7: {  	[sflag:s4] =	ssyncpa.u1 $0x0;
	p0 =	slt.u32 s5, $0x9;
	(pc) =	sbr.rel .LBB2_1-.Ltmp0, $4  }
0x8: {  	s6 =	simm.s32 $0x2;
	s7 =	simm.s32 @!p0 $0x0;
	p0 =	sne.s32 s5, $0x8  }
0x9: {  	[sflag:s6] =	ssyncpa.u1 $0x0;
	s5 =	smul.u32 $0x1F40, s5;
	s9 =	simm.s32 @!p0 $0x0  }
0xa: {  	s8 =	sadd.s32 $0x5F400, s8;
	[sflag:s10] =	ssyncpa.u1 $0x0;
	s7 =	sadd.s32 s9, s7  }
0xb: {  	vm0 =	vmmov $0xffff;
	s10 =	simm.s32 $0x0;
	s11 =	smov.u32 s5;
	s9 =	sadd.s32 $0x1, s7  }
.LBB2_4:
0xc: {  	v2 =	vnsel vm1, $0x0, v2  }
0xd: {  	vm1 =	vgt.s32 v0, $0x0;
	v2 =	vmin.u32 v2, $0x4E1FF  }
0xe: {  	v0 =	vnsel vm1, $0x0, v0  }
0xf: {  	v0 =	vmin.u32 v0, $0x4E1FF  }
0x10: {  	[tilespmem:s18], [sflag:$0x1] =	stream.indirect_vreg.gather [hbm4b:s2+s10], $0x1, v1, vm0, $0x4038;
	[tilespmem:$0x7D00] =	vst v63  }
0x11: {  	(ifvalue) =	ssetifvalue $0x7FFFFFFF  }
0x12: {  	[tilespmem:s15], [sflag:$0x1] =	stream.indirect_vreg.gather [hbm4b:s2+s10], $0x1, v2, vm0, $0x4038;
	[tilespmem:$0x7D00] =	vst v63  }
0x13: {  	s29 =	sadd.s32 $0x10, s15;
	(ifvalue) =	ssetifvalue $0x7FFFFFFF  }
0x14: {  	[tilespmem:s29], [sflag:$0x1] =	stream.indirect_vreg.gather [hbm4b:s2+s10], $0x1, v0, vm0, $0x4038;
	[tilespmem:$0x7D00] =	vst v63  }
0x15: {  	_ =	swait.ge [sflag:s4], $0x1F40  }
0x16: {  	s30 =	sshrl.u32 s13, $0x3;
	[sflag:s4] =	ssyncset.done $0x0  }
0x17: {  	s31 =	sand.u32 $0x7, s13;
	s15 =	sadd.s32 s8, s30;
	[sflag:s4] =	ssyncadd.s32 $0xFFFFE0C0  }
0x18: {  	[hbm4b:s15+s31] =	stream.linear.scatter [tilespmem:s14], [sflag:$0x3], $0x1F40, $0x38;
	[tilespmem:$0x7D00] =	vst v63  }
.LBB2_5:
0x19: {  	s15 =	sadd.s32 $0x3E800, s11  }
0x1a: {  	p1 =	sgt.s32 s15, $0x4E1FF  }
0x1b: {  	s15 =	smov.u32 @p1 s5;
	p1 =	sne.s32 s12, s9  }
.Ltmp1:
0x1c: {  	p0 =	slt.u32 s12, $0x2;
	(pc) =	sbr.rel @!p1 .LBB2_6-.Ltmp1, $4  }
0x1d: {  	s14 =	simm.s32 @!p0 $0x3  }
0x1e: {  	_ =	swait.ge @!p0 [sflag:s14], $0x1F40  }
0x1f: {  	s16 =	sadd.s32 $0x1, s12;
	s13 =	smov.u32 s11;
	[sflag:s14] =	ssyncset.done @!p0 $0x0  }
0x20: {  	s12 =	smov.u32 s16;
	s11 =	smov.u32 s15;
	[sflag:s14] =	ssyncadd.s32 @!p0 $0xFFFFE0C0  }
.LBB2_1:
0x21: {  	p0 =	sge.u32 s12, s7  }
0x22: {  	s14 =	sxor.u32 @!p0 $0x1, s12  }
0x23: {  	s14 =	smul.u32 @!p0 $0x7D00, s14  }
0x24: {  	s31 =	sadd.s32 $0xFFFFFFFF, s12;
	s15 =	sshrl.u32 @!p0 s11, $0x3  }
0x25: {  	s16 =	sand.u32 @!p0 $0x7, s11;
	s15 =	sadd.s32 @!p0 s3, s15;
	s14 =	sshra.s32 @!p0 s14, $0x2  }
0x26: {  	[tilespmem:s14], [sflag:$0x2] =	stream.linear.gather @!p0 [hbm4b:s15+s16], $0x1F40, $0x38;
	[tilespmem:$0x7D00] =	vst v63  }
0x27: {  	p0 =	sge.u32 s31, s7  }
.Ltmp2:
0x28: {  	_ = 	snop;
	(pc) =	sbr.rel @p0 .LBB2_5-.Ltmp2, $1  }
0x29: {  	_ =	sdelay $0x3  }
0x2a: {  	s14 =	sand.u32 $0x1, s12  }
0x2b: {  	_ =	swait.ge [sflag:s6], $0x1F40;
	p0 =	seq.s32 s14, $0x1;
	s14 =	simm.s32 $0x1F40  }
0x2c: {  	[sflag:s6] =	ssyncset.done $0x0;
	s14 =	simm.s32 @!p0 $0x0  }
0x2d: {  	[sflag:s6] =	ssyncadd.s32 $0xFFFFE0C0;
	(ifvalue) =	ssetifvalue $0x7FFFFFFF;
	v0 =	vld.msk [tilespmem:s14+$0x0 ss:$0x1], $0xffff;
	_ =	sdelay $0x4  }
0x2e: {  	s15 =	sadd.s32 $0x10, s14;
	vm1 =	vgt.s32 v0, $0x0  }
0x2f: {  	v2 =	vld.msk [tilespmem:s15+$0x0 ss:$0x1], $0xffff;
	v1 =	vnsel vm1, $0x0, v0  }
0x30: {  	v1 =	vmin.u32 v1, $0x4E1FF;
	_ =	sdelay $0x2  }
0x31: {  	s17 =	simm.s32 $0x20;
	s14 =	sadd.s32 $0x3E80, s14;
	s16 =	sadd.s32 $0x10, s15  }
0x32: {  	s15 =	sadd.s32 $0x10, s14;
	s18 =	smov.u32 s14;
	v0 =	vld.msk [tilespmem:s16+$0x0 ss:$0x1], $0xffff;
	vm1 =	vgt.s32 v2, $0x0;
	(ifvalue) =	ssetifvalue $0x7FFFFFFF  }
.LBB2_3:
0x33: {  	[tilespmem:s18], [sflag:$0x1] =	stream.indirect_vreg.gather [hbm4b:s2+s10], $0x1, v1, vm0, $0x4038;
	[tilespmem:$0x7D00] =	vst v63  }
0x34: {  	s17 =	sadd.s32 $0x10, s17  }
0x35: {  	v2 =	vnsel vm1, $0x0, v2;
	p0 =	slt.u32 s17, $0x1F30  }
.Ltmp3:
0x36: {  	s18 =	smov.u32 s15;
	v1 =	vmin.u32 v2, $0x4E1FF;
	(pc) =	sbr.rel @p0 .LBB2_3-.Ltmp3, $3  }
0x37: {  	_ =	sdelay $0x1  }
0x38: {  	s16 =	sadd.s32 $0x10, s16  }
0x39: {  	vm1 =	vgt.s32 v0, $0x0;
	s15 =	sadd.s32 $0x10, s15;
	v2 =	vmov v0;
	(ifvalue) =	ssetifvalue $0x7FFFFFFF;
	v0 =	vld.msk [tilespmem:s16+$0x0 ss:$0x1], $0xffff  }
.Ltmp4:
0x3a: {  	_ = 	snop;
	(pc) =	sbr.rel .LBB2_4-.Ltmp4, $1  }
0x3b: {  	_ =	sdelay $0x3  }
.LBB2_6:
0x3c: {  	_ =	sfence.sel $0x180000  }
0x3d: {  	s2 =	simm.s32 $0x2;
	[bflag:$0x0] =	sbarrier.arrive $0xFFFF  }
0x3e: {  	s30 =	simm.s32 $0x3;
	[sflag:s2] =	ssyncpa.u1 $0x1  }
0x3f: {  	s31 =	simm.s32 $0x1;
	[sflag:s30] =	ssyncpa.u1 $0x1  }
0x40: {  	[sflag:s31] =	ssyncpa.u1 $0x1  }
0x41: {  	p0 =	sne.s32 s1, $0x0;
	_ =	strace $0x90000047  }
0x42: {  	s0 =	sadd.s32 @!p0 $0x100000, s0;
	[bflag:$0x2] =	sbarrier.arrive $0xFFFF  }
0x43: {  	[sflag:s0] =	ssyncadd.tile.s32 @!p0 $0x1;
	_ =	shalt  }
.Lfunc_end2:
_tile_overlayer_lowered:
.L_overlay_start_2:
0x44: {  	(tag) =	ssettag $0x2  }
0x45: {  	s0 =	rddreg [dreg:$0x0];
	s2 =	stileid.u32  }
0x46: {  	s1 =	rddreg [dreg:$0x1];
	p0 =	sne.s32 s2, $0x0  }
0x47: {  	s3 =	rddreg [dreg:$0x2];
	[bflag:$0x3] =	sbarrier.arrive $0xFFFF;
	s2 =	simm.s32 @!p0 $0x1C01  }
0x48: {  	[timem:s3], [sflag:s2] =	dma.local @!p0 [hbm:s0], s1  }
0x49: {  	s0 =	simm.s32 @!p0 $0x1  }
0x4a: {  	_ =	swait.ge @!p0 [sflag:s0], s1  }
0x4b: {  	s1 =	ssub.s32 @!p0 $0x0, s1;
	[sflag:s0] =	ssyncset.done @!p0 $0x0  }
0x4c: {  	[sflag:s0] =	ssyncadd.s32 @!p0 s1  }
0x4d: {  	[bflag:$0x3] =	sbarrier.arrive $0xFFFF  }
0x4e: {  	_ =	shalt  }

// kernel: gather_offload_async_start
scs
__scs_entry_jumppad:
0x0: {  	(pc) =	sbr.rel $0x88, $3  }
0x1: {  	(tag) =	ssettag $0x0;
	lr =	simm.s32 $0x1  }
0x2: {  	[smem:$0x3F65] =	sst lr;
	_ =	strace $0xD0000000  }
0x3: {  	_ = 	snop  }
0x4: {  	_ = 	snop  }
0x5: {  	_ = 	snop  }
0x6: {  	_ = 	snop  }
0x7: {  	_ = 	snop  }
__scs_overlays_trampoline_lowered:
0x8: {  	[smem:$0x3F74] =	sst s0  }
0x9: {  	[smem:$0x3F75] =	sst s1  }
0xa: {  	[smem:$0x3F76] =	sst s2  }
0xb: {  	[smem:$0x3F77] =	sst s3  }
0xc: {  	[smem:$0x3F78] =	sst s4  }
0xd: {  	[smem:$0x3F79] =	sst s5  }
0xe: {  	[smem:$0x3F7A] =	sst s6  }
0xf: {  	[smem:$0x3F7B] =	sst s7  }
0x10: {  	[smem:$0x3F7C] =	sst s8  }
0x11: {  	[smem:$0x3F7D] =	sst s9;
	s0 =	simm.s32 @!p0 $0x0  }
0x12: {  	s1 =	sld [smem:$0x3F63];
	s0 =	simm.s32 @p0 $0x1  }
0x13: {  	[smem:$0x3F7E] =	sst s0;
	s0 =	simm.s32 @!p1 $0x0  }
0x14: {  	s2 =	sld [smem:$0x3F62];
	s0 =	simm.s32 @p1 $0x1  }
0x15: {  	[smem:$0x3F7F] =	sst s0;
	s0 =	simm.s32 @!p2 $0x0  }
0x16: {  	s3 =	sld [smem:$0x3FDB];
	s0 =	simm.s32 @p2 $0x1  }
0x17: {  	s4 =	simm.s32 $0x1BF5;
	[smem:$0x3F81] =	sst s0  }
0x18: {  	s0 =	sld [smem:$0x3F64];
	_ =	swait.ge [sflag:s4], $0x0  }
0x19: {  	s7 =	sld [smem:$0x3F65]  }
0x1a: {  	s8 =	sadd.s32 $0xFFFFE003, lr  }
0x1b: {  	s9 =	sadd.s32 $0xFFFFFEF7, lr;
	s5 =	simm.s32 $0xFFFFFFFF;
	p2 =	slt.u32 s8, $0xFFFFF086  }
0x1c: {  	p1 =	slt.u32 s9, $0xF7A;
	s5 =	simm.s32 @!p2 $0x0  }
0x1d: {  	s5 =	simm.s32 @p1 $0x1;
	p0 =	seq.s32 s7, s2  }
0x1e: {  	s7 =	smul.u32 @!p0 $0xF7A, s2;
	p2 =	seq.s32 @!p0 s5, $0x0  }
0x1f: {  	s9 =	smul.u32 $0xF7A, s1;
	s8 =	simm.s32 @!p0 $0x1BF5;
	p2 =	por !p2, p0  }
0x20: {  	[sflag:s8] =	ssyncset.s32 @!p0 $0xFFFFF086;
	s6 =	sadd.s32 @!p0 s3, s7;
	s7 =	simm.s32 @!p0 $0x108  }
0x21: {  	s3 =	sadd.s32 s3, s9;
	s6 =	sadd.s32 @!p0 $0x88, s6;
	s7 =	simm.s32 @p2 $0x1082  }
0x22: {  	[simem:s7], [sflag:s8] =	dma.local @!p0 [hbm:s6], $0xF7A  }
0x23: {  	s9 =	sor.u32 $0xD0000000, s2;
	s6 =	simm.s32 $0x108;
	_ =	swait.ge @!p0 [sflag:s8], $0x0  }
0x24: {  	s3 =	sadd.s32 $0x88, s3;
	s6 =	simm.s32 @!p1 $0x1082;
	[sflag:s4] =	ssyncset.s32 $0xFFFFF086  }
0x25: {  	[simem:s6], [sflag:s4] =	dma.local [hbm:s3], $0xF7A  }
0x26: {  	[smem:$0x3F65] =	sst s1;
	(tag) =	ssettag s2;
	_ =	strace s9  }
0x27: {  	s1 =	sld [smem:$0x3F75]  }
0x28: {  	s2 =	sld [smem:$0x3F76]  }
0x29: {  	s4 =	sld [smem:$0x3F78]  }
0x2a: {  	p0 =	seq.s32 s5, $0x0;
	s5 =	sld [smem:$0x3F79]  }
0x2b: {  	s6 =	sld [smem:$0x3F7A]  }
0x2c: {  	s7 =	sld [smem:$0x3F7B]  }
0x2d: {  	s3 =	simm.s32 $0x108;
	s8 =	sld [smem:$0x3F7C]  }
0x2e: {  	s3 =	simm.s32 @!p0 $0x1082;
	s9 =	sld [smem:$0x3F7D]  }
0x2f: {  	lr =	sadd.s32 s0, s3;
	s0 =	sld [smem:$0x3F74]  }
0x30: {  	s3 =	sld [smem:$0x3F77]  }
0x31: {  	[smem:$0x3F80] =	sst s10  }
0x32: {  	s10 =	sld [smem:$0x3F7E];
	_ =	sdelay $0x3  }
0x33: {  	p0 =	seq.s32 s10, $0x1;
	s10 =	sld [smem:$0x3F80];
	_ =	sdelay $0x3  }
0x34: {  	[smem:$0x3F80] =	sst s10  }
0x35: {  	s10 =	sld [smem:$0x3F7F];
	_ =	sdelay $0x3  }
0x36: {  	p1 =	seq.s32 s10, $0x1;
	s10 =	sld [smem:$0x3F80];
	_ =	sdelay $0x3  }
0x37: {  	[smem:$0x3F80] =	sst s10  }
0x38: {  	s10 =	sld [smem:$0x3F81]  }
0x39: {  	_ = 	snop;
	(pc) =	sbr.ind lr, $3  }
0x3a: {  	_ = 	snop  }
0x3b: {  	_ = 	snop  }
0x3c: {  	p2 =	seq.s32 s10, $0x1;
	s10 =	sld [smem:$0x3F80]  }
0x3d: {  	_ =	shalt  }
0x3e: {  	_ =	shalt  }
0x3f: {  	_ =	shalt  }
0x40: {  	_ =	shalt  }
0x41: {  	_ =	shalt  }
0x42: {  	_ =	shalt  }
0x43: {  	_ =	shalt  }
0x44: {  	_ =	shalt  }
0x45: {  	_ =	shalt  }
0x46: {  	_ =	shalt  }
0x47: {  	_ =	shalt  }
0x48: {  	_ =	shalt  }
0x49: {  	_ =	shalt  }
0x4a: {  	_ =	shalt  }
0x4b: {  	_ =	shalt  }
0x4c: {  	_ =	shalt  }
0x4d: {  	_ =	shalt  }
0x4e: {  	_ =	shalt  }
0x4f: {  	_ =	shalt  }
0x50: {  	_ =	shalt  }
0x51: {  	_ =	shalt  }
0x52: {  	_ =	shalt  }
0x53: {  	_ =	shalt  }
0x54: {  	_ =	shalt  }
0x55: {  	_ =	shalt  }
0x56: {  	_ =	shalt  }
0x57: {  	_ =	shalt  }
0x58: {  	_ =	shalt  }
0x59: {  	_ =	shalt  }
0x5a: {  	_ =	shalt  }
0x5b: {  	_ =	shalt  }
0x5c: {  	_ =	shalt  }
0x5d: {  	_ =	shalt  }
0x5e: {  	_ =	shalt  }
0x5f: {  	_ =	shalt  }
0x60: {  	_ =	shalt  }
0x61: {  	_ =	shalt  }
0x62: {  	_ =	shalt  }
0x63: {  	_ =	shalt  }
0x64: {  	_ =	shalt  }
0x65: {  	_ =	shalt  }
0x66: {  	_ =	shalt  }
0x67: {  	_ =	shalt  }
0x68: {  	_ =	shalt  }
0x69: {  	_ =	shalt  }
0x6a: {  	_ =	shalt  }
0x6b: {  	_ =	shalt  }
0x6c: {  	_ =	shalt  }
0x6d: {  	_ =	shalt  }
0x6e: {  	_ =	shalt  }
0x6f: {  	_ =	shalt  }
0x70: {  	_ =	shalt  }
0x71: {  	_ =	shalt  }
0x72: {  	_ =	shalt  }
0x73: {  	_ =	shalt  }
0x74: {  	_ =	shalt  }
0x75: {  	_ =	shalt  }
0x76: {  	_ =	shalt  }
0x77: {  	_ =	shalt  }
0x78: {  	_ =	shalt  }
0x79: {  	_ =	shalt  }
0x7a: {  	_ =	shalt  }
0x7b: {  	_ =	shalt  }
0x7c: {  	_ =	shalt  }
0x7d: {  	_ =	shalt  }
0x7e: {  	_ =	shalt  }
0x7f: {  	_ =	shalt  }
0x80: {  	_ =	shalt  }
0x81: {  	_ =	shalt  }
0x82: {  	_ =	shalt  }
0x83: {  	_ =	shalt  }
0x84: {  	_ =	shalt  }
0x85: {  	_ =	shalt  }
0x86: {  	_ =	shalt  }
0x87: {  	_ =	shalt  }
.Lfunc_end0:
.L_simem_size_0:
called_computation_lowered:
.L_overlay_start_0:
0x88: {  	s2 =	sld [smem:$0x3FD9]  }
0x89: {  	s3 =	sld [smem:$0x3FFE];
	_ =	sdelay $0x1  }
0x8a: {  	s1 =	srdreg.scid  }
0x8b: {  	s0 =	sand.u32 $0x1, s1  }
0x8c: {  	s17 =	sshll.u32 s0, $0xA;
	s2 =	sadd.s32 s3, s2  }
0x8d: {  	s2 =	sadd.s32 s2, s17  }
0x8e: {  	[smem:$0x3F8C] =	sst s2  }
0x8f: {  	_ = 	snop  }
0x90: {  	(tm) =	ssettm $0x1  }
0x91: {  	s18 =	sld [smem:$0x3FFB];
	_ =	sdelay $0x3  }
0x92: {  	_ =	strace s18  }
0x93: {  	s2 =	sld [smem:$0x3FFC];
	_ =	sdelay $0x3  }
0x94: {  	_ =	strace s2  }
0x95: {  	s2 =	sld [smem:$0x3FFD];
	_ =	sdelay $0x3  }
0x96: {  	_ =	strace s2  }
0x97: {  	_ =	strace $0x8FFFFFFF  }
0x98: {  	s19 =	sld [smem:$0x3FDB];
	_ =	sdelay $0x1  }
0x99: {  	s20 =	simm.s32 $_scs_section_size  }
0x9a: {  	s4 =	simm.s32 $_size__tile_overlayer_lowered;
	s5 =	simm.s32 $_tile_overlayer_lowered  }
0x9b: {  	s6 =	simm.s32 $0x1BFF;
	s21 =	sshll.u32 s5, $0x1;
	s3 =	sadd.s32 s20, s19  }
0x9c: {  	s22 =	simm.s32 $0x0;
	s4 =	sshll.u32 s4, $0x1;
	s5 =	sadd.s32 s21, s3  }
0x9d: {  	[timem:s22], [sflag:s6] =	dma.local [hbm:s5], s4  }
0x9e: {  	_ =	swait.ge [sflag:s6], s4  }
0x9f: {  	s4 =	ssub.s32 $0x0, s4;
	[sflag:s6] =	ssyncset.done $0x0  }
0xa0: {  	[sflag:s6] =	ssyncadd.s32 s4;
	_ =	sdelay $0x1  }
0xa1: {  	s23 =	simm.s32 $0x1B8B  }
0xa2: {  	_ =	swait.ge [sflag:s23], $0x1  }
0xa3: {  	[sflag:s23] =	ssyncset.done $0x0  }
0xa4: {  	[sflag:s23] =	ssyncadd.s32 $0xFFFFFFFF  }
0xa5: {  	s4 =	sld [smem:$0x0]  }
0xa6: {  	s5 =	sand.u32 $0xFFFFFFFE, s1  }
0xa7: {  	p0 =	sne.s32 s1, s5  }
0xa8: {  	s5 =	sshll.u32 @p0 s5, $0xE  }
0xa9: {  	s5 =	sadd.s32 @p0 $0x11B8D, s5;
	s6 =	sshll.u32 @p0 s4, $0x11  }
0xaa: {  	s5 =	sor.u32 @p0 s6, s5  }
0xab: {  	[sflag:s5] =	ssyncadd.remote.s32 @p0 $0x1;
	_ =	sdelay $0x1  }
0xac: {  	s5 =	simm.s32 @p0 $0x1B8D  }
0xad: {  	_ =	swait.eq @p0 [sflag:s5], $0x1  }
0xae: {  	[sflag:s5] =	ssyncadd.s32 @p0 $0xFFFFFFFF  }
0xaf: {  	s6 =	sshll.u32 @!p0 s1, $0xE  }
0xb0: {  	s6 =	sor.u32 @!p0 $0x4000, s6;
	s5 =	simm.s32 @!p0 $0x1B8D  }
0xb1: {  	s4 =	sshll.u32 @!p0 s4, $0x11;
	s6 =	sadd.s32 @!p0 $0x11B8D, s6;
	_ =	swait.eq @!p0 [sflag:s5], $0x1  }
0xb2: {  	s4 =	sor.u32 @!p0 s4, s6;
	[sflag:s5] =	ssyncadd.s32 @!p0 $0xFFFFFFFF  }
0xb3: {  	s25 =	simm.s32 $0x1B8E;
	s24 =	sld [smem:$0x3FFE];
	[sflag:s4] =	ssyncadd.remote.s32 @!p0 $0x1  }
0xb4: {  	s26 =	simm.s32 $execute0_lowered;
	[smem:$0x3FD2] =	sst s25  }
0xb5: {  	s5 =	sshll.u32 s26, $0x1;
	_ =	strace $0x80000049;
	[dreg:$0x1] =	wrdreg $0xFFFFFFFF  }
0xb6: {  	s28 =	simm.s32 $_size_execute0_lowered;
	s3 =	sadd.s32 s3, s5;
	[dreg:$0x0] =	wrdreg $0x0  }
0xb7: {  	s5 =	sshll.u32 s28, $0x1;
	[dreg:$0x2] =	wrdreg s3  }
0xb8: {  	[dreg:$0x3] =	wrdreg s5  }
0xb9: {  	[dreg:$0x4] =	wrdreg $0xC0  }
0xba: {  	_ =	task [dreg:s22], $0x5FFFF  }
0xbb: {  	[dreg:$0x1] =	wrdreg $0xFFFFFFFF  }
0xbc: {  	[dreg:$0x0] =	wrdreg $0x60  }
0xbd: {  	[dreg:$0x2] =	wrdreg s24  }
0xbe: {  	[dreg:$0x3] =	wrdreg $0x9  }
0xbf: {  	_ =	task.clear_ibuf [dreg:s22], $0x4FFFF;
	_ =	strace $0x90000049  }
0xc0: {  	s29 =	simm.s32 $0x9;
	_ =	strace $0x8000004B  }
0xc1: {  	_ =	swait.ge [sflag:s29], $0x1  }
0xc2: {  	[sflag:s29] =	ssyncadd.s32 $0xFFFFFFFF  }
0xc3: {  	_ =	strace $0x9000004B  }
0xc4: {  	_ =	sfence  }
0xc5: {  	s30 =	sld [smem:$0x0];
	_ =	sdelay $0x2  }
0xc6: {  	s31 =	sshll.u32 s1, $0xD;
	s1 =	sshrl.u32 s1, $0x2  }
0xc7: {  	s4 =	sand.u32 $0x4000, s31;
	s1 =	sadd.s32 s1, s30  }
0xc8: {  	s0 =	sor.u32 s4, s0;
	s1 =	sshll.u32 s1, $0x11  }
0xc9: {  	s0 =	sor.u32 s1, s0  }
0xca: {  	s0 =	sadd.s32 $0x8F2B, s0  }
0xcb: {  	[sflag:s0] =	ssyncadd.remote.s32 $0x1  }
0xcc: {  	_ =	sfence.sel $0xFFFF  }
0xcd: {  	[dreg:$0x0] =	wrdreg $0xFFFFFFFF;
	(pc) =	sbr.abs _section_cstart, $3  }
0xce: {  	[dreg:$0x1] =	wrdreg $0xFFFFFFFF  }
0xcf: {  	_ =	task.clear_ibuf [dreg:s22], $0x2FFFF;
	_ =	strace $0x9FFFFFFF  }
0xd0: {  	(tm) =	ssettm $0x7FFFFFFF  }
0xd1: {  	_ =	shalt  }
tec
execute0_lowered:
.L_overlay_start_1:
0x0: {  	(tag) =	ssettag $0x1  }
0x1: {  	s8 =	rddreg [dreg:$0x0]  }
0x2: {  	s0 =	rddreg [dreg:$0x1];
	_ =	strace $0x8000004A;
	s1 =	stileid.u32  }
0x3: {  	s3 =	srdreg.scid;
	s4 =	simm.s32 $0x1;
	s7 =	simm.s32 $0x1  }
0x4: {  	s9 =	simm.s32 $0x1;
	s10 =	simm.s32 $0x3;
	s13 =	simm.s32 $0x0  }
0x5: {  	s12 =	simm.s32 $0x0;
	s5 =	sand.u32 $0x1, s3;
	s6 =	sshll.u32 s1, $0x1  }
0x6: {  	s2 =	sadd.s32 $0xBC00, s8;
	s3 =	sadd.s32 $0x1F800, s8;
	s5 =	sor.u32 s6, s5  }
.Ltmp0:
0x7: {  	[sflag:s4] =	ssyncpa.u1 $0x0;
	p0 =	slt.u32 s5, $0x9;
	(pc) =	sbr.rel .LBB2_1-.Ltmp0, $4  }
0x8: {  	s6 =	simm.s32 $0x2;
	s7 =	simm.s32 @!p0 $0x0;
	p0 =	sne.s32 s5, $0x8  }
0x9: {  	[sflag:s6] =	ssyncpa.u1 $0x0;
	s5 =	smul.u32 $0x1F40, s5;
	s9 =	simm.s32 @!p0 $0x0  }
0xa: {  	s8 =	sadd.s32 $0x69200, s8;
	[sflag:s10] =	ssyncpa.u1 $0x0;
	s7 =	sadd.s32 s9, s7  }
0xb: {  	vm0 =	vmmov $0xffff;
	s10 =	simm.s32 $0x0;
	s11 =	smov.u32 s5;
	s9 =	sadd.s32 $0x1, s7  }
.LBB2_4:
0xc: {  	v2 =	vnsel vm1, $0x0, v2  }
0xd: {  	vm1 =	vgt.s32 v0, $0x0;
	v2 =	vmin.u32 v2, $0x4E1FF  }
0xe: {  	v0 =	vnsel vm1, $0x0, v0  }
0xf: {  	v0 =	vmin.u32 v0, $0x4E1FF  }
0x10: {  	[tilespmem:s18], [sflag:$0x1] =	stream.indirect_vreg.gather [hbm4b:s2+s10], $0x1, v1, vm0, $0x4038;
	[tilespmem:$0x7D00] =	vst v63  }
0x11: {  	(ifvalue) =	ssetifvalue $0x7FFFFFFF  }
0x12: {  	[tilespmem:s15], [sflag:$0x1] =	stream.indirect_vreg.gather [hbm4b:s2+s10], $0x1, v2, vm0, $0x4038;
	[tilespmem:$0x7D00] =	vst v63  }
0x13: {  	s29 =	sadd.s32 $0x10, s15;
	(ifvalue) =	ssetifvalue $0x7FFFFFFF  }
0x14: {  	[tilespmem:s29], [sflag:$0x1] =	stream.indirect_vreg.gather [hbm4b:s2+s10], $0x1, v0, vm0, $0x4038;
	[tilespmem:$0x7D00] =	vst v63  }
0x15: {  	_ =	swait.ge [sflag:s4], $0x1F40  }
0x16: {  	s30 =	sshrl.u32 s13, $0x3;
	[sflag:s4] =	ssyncset.done $0x0  }
0x17: {  	s31 =	sand.u32 $0x7, s13;
	s15 =	sadd.s32 s8, s30;
	[sflag:s4] =	ssyncadd.s32 $0xFFFFE0C0  }
0x18: {  	[hbm4b:s15+s31] =	stream.linear.scatter [tilespmem:s14], [sflag:$0x3], $0x1F40, $0x38;
	[tilespmem:$0x7D00] =	vst v63  }
.LBB2_5:
0x19: {  	s15 =	sadd.s32 $0x3E800, s11  }
0x1a: {  	p1 =	sgt.s32 s15, $0x4E1FF  }
0x1b: {  	s15 =	smov.u32 @p1 s5;
	p1 =	sne.s32 s12, s9  }
.Ltmp1:
0x1c: {  	p0 =	slt.u32 s12, $0x2;
	(pc) =	sbr.rel @!p1 .LBB2_6-.Ltmp1, $4  }
0x1d: {  	s14 =	simm.s32 @!p0 $0x3  }
0x1e: {  	_ =	swait.ge @!p0 [sflag:s14], $0x1F40  }
0x1f: {  	s16 =	sadd.s32 $0x1, s12;
	s13 =	smov.u32 s11;
	[sflag:s14] =	ssyncset.done @!p0 $0x0  }
0x20: {  	s12 =	smov.u32 s16;
	s11 =	smov.u32 s15;
	[sflag:s14] =	ssyncadd.s32 @!p0 $0xFFFFE0C0  }
.LBB2_1:
0x21: {  	p0 =	sge.u32 s12, s7  }
0x22: {  	s14 =	sxor.u32 @!p0 $0x1, s12  }
0x23: {  	s14 =	smul.u32 @!p0 $0x7D00, s14  }
0x24: {  	s31 =	sadd.s32 $0xFFFFFFFF, s12;
	s15 =	sshrl.u32 @!p0 s11, $0x3  }
0x25: {  	s16 =	sand.u32 @!p0 $0x7, s11;
	s15 =	sadd.s32 @!p0 s3, s15;
	s14 =	sshra.s32 @!p0 s14, $0x2  }
0x26: {  	[tilespmem:s14], [sflag:$0x2] =	stream.linear.gather @!p0 [hbm4b:s15+s16], $0x1F40, $0x38;
	[tilespmem:$0x7D00] =	vst v63  }
0x27: {  	p0 =	sge.u32 s31, s7  }
.Ltmp2:
0x28: {  	_ = 	snop;
	(pc) =	sbr.rel @p0 .LBB2_5-.Ltmp2, $1  }
0x29: {  	_ =	sdelay $0x3  }
0x2a: {  	s14 =	sand.u32 $0x1, s12  }
0x2b: {  	_ =	swait.ge [sflag:s6], $0x1F40;
	p0 =	seq.s32 s14, $0x1;
	s14 =	simm.s32 $0x1F40  }
0x2c: {  	[sflag:s6] =	ssyncset.done $0x0;
	s14 =	simm.s32 @!p0 $0x0  }
0x2d: {  	[sflag:s6] =	ssyncadd.s32 $0xFFFFE0C0;
	(ifvalue) =	ssetifvalue $0x7FFFFFFF;
	v0 =	vld.msk [tilespmem:s14+$0x0 ss:$0x1], $0xffff;
	_ =	sdelay $0x4  }
0x2e: {  	s15 =	sadd.s32 $0x10, s14;
	vm1 =	vgt.s32 v0, $0x0  }
0x2f: {  	v2 =	vld.msk [tilespmem:s15+$0x0 ss:$0x1], $0xffff;
	v1 =	vnsel vm1, $0x0, v0  }
0x30: {  	v1 =	vmin.u32 v1, $0x4E1FF;
	_ =	sdelay $0x2  }
0x31: {  	s17 =	simm.s32 $0x20;
	s14 =	sadd.s32 $0x3E80, s14;
	s16 =	sadd.s32 $0x10, s15  }
0x32: {  	s15 =	sadd.s32 $0x10, s14;
	s18 =	smov.u32 s14;
	v0 =	vld.msk [tilespmem:s16+$0x0 ss:$0x1], $0xffff;
	vm1 =	vgt.s32 v2, $0x0;
	(ifvalue) =	ssetifvalue $0x7FFFFFFF  }
.LBB2_3:
0x33: {  	[tilespmem:s18], [sflag:$0x1] =	stream.indirect_vreg.gather [hbm4b:s2+s10], $0x1, v1, vm0, $0x4038;
	[tilespmem:$0x7D00] =	vst v63  }
0x34: {  	s17 =	sadd.s32 $0x10, s17  }
0x35: {  	v2 =	vnsel vm1, $0x0, v2;
	p0 =	slt.u32 s17, $0x1F30  }
.Ltmp3:
0x36: {  	s18 =	smov.u32 s15;
	v1 =	vmin.u32 v2, $0x4E1FF;
	(pc) =	sbr.rel @p0 .LBB2_3-.Ltmp3, $3  }
0x37: {  	_ =	sdelay $0x1  }
0x38: {  	s16 =	sadd.s32 $0x10, s16  }
0x39: {  	vm1 =	vgt.s32 v0, $0x0;
	s15 =	sadd.s32 $0x10, s15;
	v2 =	vmov v0;
	(ifvalue) =	ssetifvalue $0x7FFFFFFF;
	v0 =	vld.msk [tilespmem:s16+$0x0 ss:$0x1], $0xffff  }
.Ltmp4:
0x3a: {  	_ = 	snop;
	(pc) =	sbr.rel .LBB2_4-.Ltmp4, $1  }
0x3b: {  	_ =	sdelay $0x3  }
.LBB2_6:
0x3c: {  	_ =	sfence.sel $0x180000  }
0x3d: {  	s2 =	simm.s32 $0x2;
	[bflag:$0x0] =	sbarrier.arrive $0xFFFF  }
0x3e: {  	s30 =	simm.s32 $0x3;
	[sflag:s2] =	ssyncpa.u1 $0x1  }
0x3f: {  	s31 =	simm.s32 $0x1;
	[sflag:s30] =	ssyncpa.u1 $0x1  }
0x40: {  	[sflag:s31] =	ssyncpa.u1 $0x1  }
0x41: {  	p0 =	sne.s32 s1, $0x0;
	_ =	strace $0x9000004A  }
0x42: {  	s0 =	sadd.s32 @!p0 $0x100000, s0;
	[bflag:$0x2] =	sbarrier.arrive $0xFFFF  }
0x43: {  	[sflag:s0] =	ssyncadd.tile.s32 @!p0 $0x1;
	_ =	shalt  }
.Lfunc_end2:
_tile_overlayer_lowered:
.L_overlay_start_2:
0x44: {  	(tag) =	ssettag $0x2  }
0x45: {  	s0 =	rddreg [dreg:$0x0];
	s2 =	stileid.u32  }
0x46: {  	s1 =	rddreg [dreg:$0x1];
	p0 =	sne.s32 s2, $0x0  }
0x47: {  	s3 =	rddreg [dreg:$0x2];
	[bflag:$0x3] =	sbarrier.arrive $0xFFFF;
	s2 =	simm.s32 @!p0 $0x1C01  }
0x48: {  	[timem:s3], [sflag:s2] =	dma.local @!p0 [hbm:s0], s1  }
0x49: {  	s0 =	simm.s32 @!p0 $0x1  }
0x4a: {  	_ =	swait.ge @!p0 [sflag:s0], s1  }
0x4b: {  	s1 =	ssub.s32 @!p0 $0x0, s1;
	[sflag:s0] =	ssyncset.done @!p0 $0x0  }
0x4c: {  	[sflag:s0] =	ssyncadd.s32 @!p0 s1  }
0x4d: {  	[bflag:$0x3] =	sbarrier.arrive $0xFFFF  }
0x4e: {  	_ =	shalt  }

// kernel: kernel.16.cloned.1.call-start
scs
__scs_entry_jumppad:
0x0: {  	(pc) =	sbr.rel $0x88, $3  }
0x1: {  	(tag) =	ssettag $0x0;
	lr =	simm.s32 $0x1  }
0x2: {  	[smem:$0x3F65] =	sst lr;
	_ =	strace $0xD0000000  }
0x3: {  	_ = 	snop  }
0x4: {  	_ = 	snop  }
0x5: {  	_ = 	snop  }
0x6: {  	_ = 	snop  }
0x7: {  	_ = 	snop  }
__scs_overlays_trampoline_lowered:
0x8: {  	[smem:$0x3F74] =	sst s0  }
0x9: {  	[smem:$0x3F75] =	sst s1  }
0xa: {  	[smem:$0x3F76] =	sst s2  }
0xb: {  	[smem:$0x3F77] =	sst s3  }
0xc: {  	[smem:$0x3F78] =	sst s4  }
0xd: {  	[smem:$0x3F79] =	sst s5  }
0xe: {  	[smem:$0x3F7A] =	sst s6  }
0xf: {  	[smem:$0x3F7B] =	sst s7  }
0x10: {  	[smem:$0x3F7C] =	sst s8  }
0x11: {  	[smem:$0x3F7D] =	sst s9;
	s0 =	simm.s32 @!p0 $0x0  }
0x12: {  	s1 =	sld [smem:$0x3F63];
	s0 =	simm.s32 @p0 $0x1  }
0x13: {  	[smem:$0x3F7E] =	sst s0;
	s0 =	simm.s32 @!p1 $0x0  }
0x14: {  	s2 =	sld [smem:$0x3F62];
	s0 =	simm.s32 @p1 $0x1  }
0x15: {  	[smem:$0x3F7F] =	sst s0;
	s0 =	simm.s32 @!p2 $0x0  }
0x16: {  	s3 =	sld [smem:$0x3FDB];
	s0 =	simm.s32 @p2 $0x1  }
0x17: {  	s4 =	simm.s32 $0x1BF5;
	[smem:$0x3F81] =	sst s0  }
0x18: {  	s0 =	sld [smem:$0x3F64];
	_ =	swait.ge [sflag:s4], $0x0  }
0x19: {  	s7 =	sld [smem:$0x3F65]  }
0x1a: {  	s8 =	sadd.s32 $0xFFFFE003, lr  }
0x1b: {  	s9 =	sadd.s32 $0xFFFFFEF7, lr;
	s5 =	simm.s32 $0xFFFFFFFF;
	p2 =	slt.u32 s8, $0xFFFFF086  }
0x1c: {  	p1 =	slt.u32 s9, $0xF7A;
	s5 =	simm.s32 @!p2 $0x0  }
0x1d: {  	s5 =	simm.s32 @p1 $0x1;
	p0 =	seq.s32 s7, s2  }
0x1e: {  	s7 =	smul.u32 @!p0 $0xF7A, s2;
	p2 =	seq.s32 @!p0 s5, $0x0  }
0x1f: {  	s9 =	smul.u32 $0xF7A, s1;
	s8 =	simm.s32 @!p0 $0x1BF5;
	p2 =	por !p2, p0  }
0x20: {  	[sflag:s8] =	ssyncset.s32 @!p0 $0xFFFFF086;
	s6 =	sadd.s32 @!p0 s3, s7;
	s7 =	simm.s32 @!p0 $0x108  }
0x21: {  	s3 =	sadd.s32 s3, s9;
	s6 =	sadd.s32 @!p0 $0x88, s6;
	s7 =	simm.s32 @p2 $0x1082  }
0x22: {  	[simem:s7], [sflag:s8] =	dma.local @!p0 [hbm:s6], $0xF7A  }
0x23: {  	s9 =	sor.u32 $0xD0000000, s2;
	s6 =	simm.s32 $0x108;
	_ =	swait.ge @!p0 [sflag:s8], $0x0  }
0x24: {  	s3 =	sadd.s32 $0x88, s3;
	s6 =	simm.s32 @!p1 $0x1082;
	[sflag:s4] =	ssyncset.s32 $0xFFFFF086  }
0x25: {  	[simem:s6], [sflag:s4] =	dma.local [hbm:s3], $0xF7A  }
0x26: {  	[smem:$0x3F65] =	sst s1;
	(tag) =	ssettag s2;
	_ =	strace s9  }
0x27: {  	s1 =	sld [smem:$0x3F75]  }
0x28: {  	s2 =	sld [smem:$0x3F76]  }
0x29: {  	s4 =	sld [smem:$0x3F78]  }
0x2a: {  	p0 =	seq.s32 s5, $0x0;
	s5 =	sld [smem:$0x3F79]  }
0x2b: {  	s6 =	sld [smem:$0x3F7A]  }
0x2c: {  	s7 =	sld [smem:$0x3F7B]  }
0x2d: {  	s3 =	simm.s32 $0x108;
	s8 =	sld [smem:$0x3F7C]  }
0x2e: {  	s3 =	simm.s32 @!p0 $0x1082;
	s9 =	sld [smem:$0x3F7D]  }
0x2f: {  	lr =	sadd.s32 s0, s3;
	s0 =	sld [smem:$0x3F74]  }
0x30: {  	s3 =	sld [smem:$0x3F77]  }
0x31: {  	[smem:$0x3F80] =	sst s10  }
0x32: {  	s10 =	sld [smem:$0x3F7E];
	_ =	sdelay $0x3  }
0x33: {  	p0 =	seq.s32 s10, $0x1;
	s10 =	sld [smem:$0x3F80];
	_ =	sdelay $0x3  }
0x34: {  	[smem:$0x3F80] =	sst s10  }
0x35: {  	s10 =	sld [smem:$0x3F7F];
	_ =	sdelay $0x3  }
0x36: {  	p1 =	seq.s32 s10, $0x1;
	s10 =	sld [smem:$0x3F80];
	_ =	sdelay $0x3  }
0x37: {  	[smem:$0x3F80] =	sst s10  }
0x38: {  	s10 =	sld [smem:$0x3F81]  }
0x39: {  	_ = 	snop;
	(pc) =	sbr.ind lr, $3  }
0x3a: {  	_ = 	snop  }
0x3b: {  	_ = 	snop  }
0x3c: {  	p2 =	seq.s32 s10, $0x1;
	s10 =	sld [smem:$0x3F80]  }
0x3d: {  	_ =	shalt  }
0x3e: {  	_ =	shalt  }
0x3f: {  	_ =	shalt  }
0x40: {  	_ =	shalt  }
0x41: {  	_ =	shalt  }
0x42: {  	_ =	shalt  }
0x43: {  	_ =	shalt  }
0x44: {  	_ =	shalt  }
0x45: {  	_ =	shalt  }
0x46: {  	_ =	shalt  }
0x47: {  	_ =	shalt  }
0x48: {  	_ =	shalt  }
0x49: {  	_ =	shalt  }
0x4a: {  	_ =	shalt  }
0x4b: {  	_ =	shalt  }
0x4c: {  	_ =	shalt  }
0x4d: {  	_ =	shalt  }
0x4e: {  	_ =	shalt  }
0x4f: {  	_ =	shalt  }
0x50: {  	_ =	shalt  }
0x51: {  	_ =	shalt  }
0x52: {  	_ =	shalt  }
0x53: {  	_ =	shalt  }
0x54: {  	_ =	shalt  }
0x55: {  	_ =	shalt  }
0x56: {  	_ =	shalt  }
0x57: {  	_ =	shalt  }
0x58: {  	_ =	shalt  }
0x59: {  	_ =	shalt  }
0x5a: {  	_ =	shalt  }
0x5b: {  	_ =	shalt  }
0x5c: {  	_ =	shalt  }
0x5d: {  	_ =	shalt  }
0x5e: {  	_ =	shalt  }
0x5f: {  	_ =	shalt  }
0x60: {  	_ =	shalt  }
0x61: {  	_ =	shalt  }
0x62: {  	_ =	shalt  }
0x63: {  	_ =	shalt  }
0x64: {  	_ =	shalt  }
0x65: {  	_ =	shalt  }
0x66: {  	_ =	shalt  }
0x67: {  	_ =	shalt  }
0x68: {  	_ =	shalt  }
0x69: {  	_ =	shalt  }
0x6a: {  	_ =	shalt  }
0x6b: {  	_ =	shalt  }
0x6c: {  	_ =	shalt  }
0x6d: {  	_ =	shalt  }
0x6e: {  	_ =	shalt  }
0x6f: {  	_ =	shalt  }
0x70: {  	_ =	shalt  }
0x71: {  	_ =	shalt  }
0x72: {  	_ =	shalt  }
0x73: {  	_ =	shalt  }
0x74: {  	_ =	shalt  }
0x75: {  	_ =	shalt  }
0x76: {  	_ =	shalt  }
0x77: {  	_ =	shalt  }
0x78: {  	_ =	shalt  }
0x79: {  	_ =	shalt  }
0x7a: {  	_ =	shalt  }
0x7b: {  	_ =	shalt  }
0x7c: {  	_ =	shalt  }
0x7d: {  	_ =	shalt  }
0x7e: {  	_ =	shalt  }
0x7f: {  	_ =	shalt  }
0x80: {  	_ =	shalt  }
0x81: {  	_ =	shalt  }
0x82: {  	_ =	shalt  }
0x83: {  	_ =	shalt  }
0x84: {  	_ =	shalt  }
0x85: {  	_ =	shalt  }
0x86: {  	_ =	shalt  }
0x87: {  	_ =	shalt  }
.Lfunc_end0:
.L_simem_size_0:
called_computation.2_lowered:
.L_overlay_start_0:
0x88: {  	s2 =	sld [smem:$0x3FD9]  }
0x89: {  	s3 =	sld [smem:$0x3FFE];
	_ =	sdelay $0x1  }
0x8a: {  	s1 =	srdreg.scid  }
0x8b: {  	s0 =	sand.u32 $0x1, s1  }
0x8c: {  	s16 =	sshll.u32 s0, $0xA;
	s2 =	sadd.s32 s3, s2  }
0x8d: {  	s2 =	sadd.s32 s2, s16  }
0x8e: {  	[smem:$0x3F8C] =	sst s2  }
0x8f: {  	_ = 	snop  }
0x90: {  	(tm) =	ssettm $0x1  }
0x91: {  	s17 =	sld [smem:$0x3FFB];
	_ =	sdelay $0x3  }
0x92: {  	_ =	strace s17  }
0x93: {  	s2 =	sld [smem:$0x3FFC];
	_ =	sdelay $0x3  }
0x94: {  	_ =	strace s2  }
0x95: {  	s2 =	sld [smem:$0x3FFD];
	_ =	sdelay $0x3  }
0x96: {  	_ =	strace s2  }
0x97: {  	_ =	strace $0x8FFFFFFF  }
0x98: {  	s18 =	sld [smem:$0x3FDB];
	_ =	sdelay $0x1  }
0x99: {  	s19 =	simm.s32 $_scs_section_size  }
0x9a: {  	s4 =	simm.s32 $_size__tile_overlayer_lowered;
	s5 =	simm.s32 $_tile_overlayer_lowered  }
0x9b: {  	s22 =	simm.s32 $0x1BFF;
	s21 =	sshll.u32 s5, $0x1;
	s2 =	sadd.s32 s19, s18  }
0x9c: {  	s6 =	simm.s32 $0x0;
	s20 =	sshll.u32 s4, $0x1;
	s4 =	sadd.s32 s21, s2  }
0x9d: {  	[timem:s6], [sflag:s22] =	dma.local [hbm:s4], s20  }
0x9e: {  	_ =	swait.ge [sflag:s22], s20  }
0x9f: {  	s3 =	ssub.s32 $0x0, s20;
	[sflag:s22] =	ssyncset.done $0x0  }
0xa0: {  	[sflag:s22] =	ssyncadd.s32 s3;
	_ =	sdelay $0x1  }
0xa1: {  	s23 =	simm.s32 $0x1B8B  }
0xa2: {  	_ =	swait.ge [sflag:s23], $0x1  }
0xa3: {  	[sflag:s23] =	ssyncset.done $0x0  }
0xa4: {  	s25 =	simm.s32 $0x1B8E;
	s24 =	sld [smem:$0x3FFE];
	[sflag:s23] =	ssyncadd.s32 $0xFFFFFFFF  }
0xa5: {  	s26 =	simm.s32 $execute0_lowered;
	[smem:$0x3FD2] =	sst s25  }
0xa6: {  	s4 =	sshll.u32 s26, $0x1;
	_ =	strace $0x8000004C;
	[dreg:$0x1] =	wrdreg $0xFFFFFFFF  }
0xa7: {  	s28 =	simm.s32 $_size_execute0_lowered;
	s2 =	sadd.s32 s2, s4;
	[dreg:$0x0] =	wrdreg $0x0  }
0xa8: {  	s4 =	sshll.u32 s28, $0x1;
	[dreg:$0x2] =	wrdreg s2  }
0xa9: {  	[dreg:$0x3] =	wrdreg s4  }
0xaa: {  	[dreg:$0x4] =	wrdreg $0xC0  }
0xab: {  	_ =	task [dreg:s6], $0x5FFFF  }
0xac: {  	[dreg:$0x1] =	wrdreg $0xFFFFFFFF  }
0xad: {  	[dreg:$0x0] =	wrdreg $0x60  }
0xae: {  	[dreg:$0x2] =	wrdreg s24  }
0xaf: {  	[dreg:$0x3] =	wrdreg $0x9  }
0xb0: {  	_ =	task.clear_ibuf [dreg:s6], $0x4FFFF;
	_ =	strace $0x9000004C  }
0xb1: {  	s29 =	simm.s32 $0x9;
	_ =	strace $0x8000004E  }
0xb2: {  	_ =	swait.ge [sflag:s29], $0x1  }
0xb3: {  	[sflag:s29] =	ssyncadd.s32 $0xFFFFFFFF  }
0xb4: {  	_ =	strace $0x9000004E  }
0xb5: {  	_ =	sfence  }
0xb6: {  	s30 =	sld [smem:$0x0];
	_ =	sdelay $0x2  }
0xb7: {  	s31 =	sshll.u32 s1, $0xD;
	s1 =	sshrl.u32 s1, $0x2  }
0xb8: {  	s3 =	sand.u32 $0x4000, s31;
	s1 =	sadd.s32 s1, s30  }
0xb9: {  	s0 =	sor.u32 s3, s0;
	s1 =	sshll.u32 s1, $0x11  }
0xba: {  	s0 =	sor.u32 s1, s0  }
0xbb: {  	s0 =	sadd.s32 $0x8F2B, s0  }
0xbc: {  	[sflag:s0] =	ssyncadd.remote.s32 $0x1  }
0xbd: {  	_ =	sfence.sel $0xFFFF  }
0xbe: {  	[dreg:$0x0] =	wrdreg $0xFFFFFFFF;
	(pc) =	sbr.abs _section_cstart, $3  }
0xbf: {  	[dreg:$0x1] =	wrdreg $0xFFFFFFFF  }
0xc0: {  	_ =	task.clear_ibuf [dreg:s6], $0x2FFFF;
	_ =	strace $0x9FFFFFFF  }
0xc1: {  	(tm) =	ssettm $0x7FFFFFFF  }
tec
execute0_lowered:
.L_overlay_start_1:
0x0: {  	(tag) =	ssettag $0x1  }
0x1: {  	s0 =	rddreg [dreg:$0x0];
	s2 =	simm.s32 $0x0  }
0x2: {  	s8 =	stileid.u32;
	s1 =	srdreg.scid;
	s14 =	simm.s32 $0x3  }
0x3: {  	s15 =	simm.s32 $0x80;
	s16 =	simm.s32 $0x200;
	s17 =	simm.s32 $0x1A00  }
0x4: {  	s18 =	simm.s32 $0x1;
	s19 =	simm.s32 $0x4;
	s20 =	simm.s32 $0x0  }
0x5: {  	[smem:$0x7FF] =	sst s2;
	s1 =	sand.u32 $0x1, s1;
	s6 =	smul.u32 $0x1DA00, s8  }
0x6: {  	s4 =	sshll.u32 s8, $0x1;
	s3 =	sadd.s32 $0x50800, s0;
	s9 =	smul.u32 $0x4F00, s8  }
0x7: {  	s5 =	sadd.s32 $0xBC00, s0;
	_ =	strace $0x8000004D;
	s10 =	smul.u32 $0x2780, s1  }
0x8: {  	s7 =	sor.u32 s1, s4;
	s24 =	ssub.s32 $0x2, s1;
	s1 =	smul.u32 $0xED00, s1  }
0x9: {  	s4 =	sadd.s32 $0x73000, s0;
	s7 =	smul.u32 $0x2780, s7;
	s25 =	sshrl.u32 s24, $0x1  }
0xa: {  	s0 =	sadd.s32 s6, s0;
	s8 =	ssub.s32 s24, s25;
	s10 =	sadd.s32 s10, s9  }
0xb: {  	s0 =	sadd.s32 s1, s0;
	s7 =	sshrl.u32 s7, $0x3;
	s29 =	smax.u32 s8, $0x1  }
0xc: {  	s9 =	sadd.s32 $0x100, s10;
	s30 =	sadd.s32 $0x80, s10;
	s10 =	sadd.s32 $0x260C00, s0  }
0xd: {  	s11 =	sadd.s32 $0x86C00, s0;
	s26 =	sadd.s32 s4, s7;
	[dreg:$0x4] =	wrdreg s29  }
0xe: {  	s28 =	sadd.s32 s5, s7;
	s31 =	sshrl.u32 s30, $0x3;
	[dreg:$0x2] =	wrdreg s26  }
0xf: {  	[dreg:$0x3] =	wrdreg s28;
	s12 =	sadd.s32 s31, s5;
	s13 =	sadd.s32 s31, s4  }
.LBB2_1:
0x10: {  	s0 =	rddreg [dreg:$0x2]  }
0x11: {  	[tilespmem:s2], [sflag:$0x3] =	stream.linear.gather [hbm4b:s0+s2], $0x80, $0x38;
	[tilespmem:$0x6200] =	vst v63  }
0x12: {  	_ =	swait.ge [sflag:s14], $0x80  }
0x13: {  	[sflag:s14] =	ssyncset.done $0x0  }
0x14: {  	s29 =	rddreg [dreg:$0x3];
	[sflag:s14] =	ssyncadd.s32 $0xFFFFFF80  }
0x15: {  	[tilespmem:s15], [sflag:$0x3] =	stream.linear.gather [hbm4b:s29+s2], $0x80, $0x38;
	[tilespmem:$0x6200] =	vst v63  }
0x16: {  	_ =	swait.ge [sflag:s14], $0x80  }
0x17: {  	[sflag:s14] =	ssyncset.done $0x0  }
0x18: {  	[sflag:s14] =	ssyncadd.s32 $0xFFFFFF80  }
0x19: {  	[tilespmem:s16], [sflag:$0x1] =	stream.indirect.gather [hbm4b:s3+s15], $0x30, s2, s15, $0xb8;
	[tilespmem:$0x6200] =	vst v63  }
0x1a: {  	p0 =	por $0x0, $0x0  }
0x1b: {  	[tilespmem:s17], [sflag:$0x1] =	stream.indirect.gather [hbm4b:s3+s15], $0x30, s15, s15, $0xb8;
	[tilespmem:$0x6200] =	vst v63  }
0x1c: {  	s0 =	simm.s32 @!p0 $0x0;
	s1 =	simm.s32 @!p0 $0x100;
	s22 =	simm.s32 @!p0 $0x4  }
0x1d: {  	[tilespmem:s1], [sflag:$0x4] =	stream.linear.gather @!p0 [hbm4b:s13+s0], $0x80, $0x38;
	[tilespmem:$0x6200] =	vst v63  }
0x1e: {  	_ =	swait.ge @!p0 [sflag:s22], $0x80;
	p0 =	por p0, p0  }
0x1f: {  	[sflag:s22] =	ssyncset.done @!p0 $0x0  }
0x20: {  	s21 =	simm.s32 @!p0 $0x180;
	[sflag:s22] =	ssyncadd.s32 @!p0 $0xFFFFFF80  }
0x21: {  	[tilespmem:s21], [sflag:$0x4] =	stream.linear.gather @!p0 [hbm4b:s12+s0], $0x80, $0x38;
	[tilespmem:$0x6200] =	vst v63  }
0x22: {  	_ =	swait.ge @!p0 [sflag:s22], $0x80  }
0x23: {  	[sflag:s22] =	ssyncset.done @!p0 $0x0  }
0x24: {  	s23 =	simm.s32 @!p0 $0x80;
	s24 =	simm.s32 @!p0 $0x3200;
	[sflag:s22] =	ssyncadd.s32 @!p0 $0xFFFFFF80  }
0x25: {  	[tilespmem:s24], [sflag:$0x2] =	stream.indirect.gather @!p0 [hbm4b:s3+s23], $0x30, s1, s23, $0xb8;
	[tilespmem:$0x6200] =	vst v63  }
0x26: {  	s1 =	simm.s32 @!p0 $0x4A00  }
0x27: {  	[tilespmem:s1], [sflag:$0x2] =	stream.indirect.gather @!p0 [hbm4b:s3+s23], $0x30, s21, s23, $0xb8;
	[tilespmem:$0x6200] =	vst v63  }
0x28: {  	_ =	swait.ge [sflag:s18], $0x1800  }
0x29: {  	[sflag:s18] =	ssyncset.done $0x0  }
0x2a: {  	[sflag:s18] =	ssyncadd.s32 $0xFFFFE800  }
0x2b: {  	_ =	swait.ge [sflag:s18], $0x1800  }
0x2c: {  	[sflag:s18] =	ssyncset.done $0x0  }
0x2d: {  	s30 =	sadd.s32 $0x0, s10;
	[sflag:s18] =	ssyncadd.s32 $0xFFFFE800  }
0x2e: {  	[hbm4b:s30+s2] =	stream.linear.scatter [tilespmem:s16], [sflag:$0x4], $0x1800, $0x38;
	[tilespmem:$0x6200] =	vst v63  }
0x2f: {  	_ =	swait.ge [sflag:s19], $0x1800  }
0x30: {  	[sflag:s19] =	ssyncset.done $0x0  }
0x31: {  	s31 =	sadd.s32 $0x0, s11;
	[sflag:s19] =	ssyncadd.s32 $0xFFFFE800  }
0x32: {  	[hbm4b:s31+s2] =	stream.linear.scatter [tilespmem:s17], [sflag:$0x4], $0x1800, $0x38;
	[tilespmem:$0x6200] =	vst v63  }
0x33: {  	p1 =	por $0x0, $0x0;
	_ =	swait.ge [sflag:s19], $0x1800  }
0x34: {  	s26 =	simm.s32 @!p1 $0x0;
	s21 =	sshrl.u32 @!p1 s9, $0x3;
	[sflag:s19] =	ssyncset.done $0x0  }
0x35: {  	s23 =	simm.s32 @!p1 $0x4;
	s25 =	sadd.s32 @!p1 s4, s21;
	[sflag:s19] =	ssyncadd.s32 $0xFFFFE800  }
0x36: {  	[tilespmem:s26], [sflag:$0x4] =	stream.linear.gather @!p1 [hbm4b:s25+s26], $0x80, $0x38;
	[tilespmem:$0x6200] =	vst v63  }
0x37: {  	_ =	swait.ge @!p1 [sflag:s23], $0x80  }
0x38: {  	[sflag:s23] =	ssyncset.done @!p1 $0x0  }
0x39: {  	s21 =	sadd.s32 @!p1 s5, s21;
	s25 =	simm.s32 @!p1 $0x80;
	[sflag:s23] =	ssyncadd.s32 @!p1 $0xFFFFFF80  }
0x3a: {  	[tilespmem:s25], [sflag:$0x4] =	stream.linear.gather @!p1 [hbm4b:s21+s26], $0x80, $0x38;
	[tilespmem:$0x6200] =	vst v63  }
0x3b: {  	_ =	swait.ge @!p1 [sflag:s23], $0x80  }
0x3c: {  	[sflag:s23] =	ssyncset.done @!p1 $0x0  }
0x3d: {  	s21 =	simm.s32 @!p1 $0x200;
	[sflag:s23] =	ssyncadd.s32 @!p1 $0xFFFFFF80  }
0x3e: {  	[tilespmem:s21], [sflag:$0x1] =	stream.indirect.gather @!p1 [hbm4b:s3+s25], $0x30, s26, s25, $0xb8;
	[tilespmem:$0x6200] =	vst v63  }
0x3f: {  	s23 =	simm.s32 @!p0 $0x2;
	s21 =	simm.s32 @!p1 $0x1A00  }
0x40: {  	[tilespmem:s21], [sflag:$0x1] =	stream.indirect.gather @!p1 [hbm4b:s3+s25], $0x30, s25, s25, $0xb8;
	[tilespmem:$0x6200] =	vst v63  }
0x41: {  	_ =	swait.ge @!p0 [sflag:s23], $0x1800  }
0x42: {  	[sflag:s23] =	ssyncset.done @!p0 $0x0  }
0x43: {  	[sflag:s23] =	ssyncadd.s32 @!p0 $0xFFFFE800  }
0x44: {  	_ =	swait.ge @!p0 [sflag:s23], $0x1800  }
0x45: {  	s21 =	sadd.s32 @!p0 $0x0, s10;
	[sflag:s23] =	ssyncset.done @!p0 $0x0  }
0x46: {  	s21 =	sadd.s32 @!p0 $0x300, s21;
	[sflag:s23] =	ssyncadd.s32 @!p0 $0xFFFFE800  }
0x47: {  	[hbm4b:s21+s0] =	stream.linear.scatter @!p0 [tilespmem:s24], [sflag:$0x4], $0x1800, $0x38;
	[tilespmem:$0x6200] =	vst v63  }
0x48: {  	p2 =	por $0x0, $0x0;
	_ =	swait.ge @!p0 [sflag:s22], $0x1800  }
0x49: {  	s26 =	simm.s32 $0x3;
	s23 =	sadd.s32 @!p0 $0x0, s11;
	[sflag:s22] =	ssyncset.done @!p0 $0x0  }
0x4a: {  	s25 =	simm.s32 $0xC00;
	[sflag:s22] =	ssyncadd.s32 @!p0 $0xFFFFE800;
	s22 =	sadd.s32 @!p0 $0x300, s23  }
0x4b: {  	[hbm4b:s22+s0] =	stream.linear.scatter @!p0 [tilespmem:s1], [sflag:$0x3], $0x1800, $0x38;
	[tilespmem:$0x6200] =	vst v63  }
0x4c: {  	s21 =	simm.s32 $0x600;
	s24 =	sadd.s32 $0x20, s13;
	s1 =	simm.s32 @!p0 $0x3  }
0x4d: {  	s23 =	sadd.s32 $0x20, s12;
	s22 =	sadd.s32 $0x100, s9;
	_ =	swait.ge @!p0 [sflag:s1], $0x1800  }
.LBB2_2:
0x4e: {  	s28 =	simm.s32 @!p2 $0x0;
	s31 =	simm.s32 @!p2 $0x100  }
0x4f: {  	[sflag:s1] =	ssyncset.done @!p0 $0x0;
	s29 =	smov.u32 s21;
	s21 =	smov.u32 s25  }
0x50: {  	s25 =	sadd.s32 $0x600, s25;
	s30 =	simm.s32 @!p2 $0x4;
	[sflag:s1] =	ssyncadd.s32 @!p0 $0xFFFFE800  }
0x51: {  	[tilespmem:s31], [sflag:$0x4] =	stream.linear.gather @!p2 [hbm4b:s24+s28], $0x80, $0x38;
	[tilespmem:$0x6200] =	vst v63  }
0x52: {  	p1 =	sne.s32 s25, $0xF000;
	p0 =	por p2, p2;
	_ =	swait.ge @!p2 [sflag:s30], $0x80  }
0x53: {  	[sflag:s30] =	ssyncset.done @!p0 $0x0  }
0x54: {  	s1 =	simm.s32 @!p0 $0x180;
	[sflag:s30] =	ssyncadd.s32 @!p0 $0xFFFFFF80  }
0x55: {  	[tilespmem:s1], [sflag:$0x4] =	stream.linear.gather @!p0 [hbm4b:s23+s28], $0x80, $0x38;
	[tilespmem:$0x6200] =	vst v63  }
0x56: {  	_ =	swait.ge @!p0 [sflag:s30], $0x80  }
0x57: {  	[sflag:s30] =	ssyncset.done @!p0 $0x0  }
0x58: {  	s6 =	simm.s32 @!p0 $0x80;
	s0 =	simm.s32 @!p0 $0x3200;
	[sflag:s30] =	ssyncadd.s32 @!p0 $0xFFFFFF80  }
0x59: {  	[tilespmem:s0], [sflag:$0x2] =	stream.indirect.gather @!p0 [hbm4b:s3+s6], $0x30, s31, s6, $0xb8;
	[tilespmem:$0x6200] =	vst v63  }
0x5a: {  	s31 =	simm.s32 @!p0 $0x4A00  }
0x5b: {  	[tilespmem:s31], [sflag:$0x2] =	stream.indirect.gather @!p0 [hbm4b:s3+s6], $0x30, s1, s6, $0xb8;
	[tilespmem:$0x6200] =	vst v63  }
0x5c: {  	_ =	swait.ge [sflag:s18], $0x1800  }
0x5d: {  	[sflag:s18] =	ssyncset.done $0x0  }
0x5e: {  	[sflag:s18] =	ssyncadd.s32 $0xFFFFE800  }
0x5f: {  	_ =	swait.ge [sflag:s18], $0x1800  }
0x60: {  	[sflag:s18] =	ssyncset.done $0x0  }
0x61: {  	s1 =	sadd.s32 s29, s10;
	[sflag:s18] =	ssyncadd.s32 $0xFFFFE800  }
0x62: {  	[hbm4b:s1+s2] =	stream.linear.scatter [tilespmem:s16], [sflag:$0x4], $0x1800, $0x38;
	[tilespmem:$0x6200] =	vst v63  }
0x63: {  	_ =	swait.ge [sflag:s19], $0x1800  }
0x64: {  	[sflag:s19] =	ssyncset.done $0x0  }
0x65: {  	s1 =	sadd.s32 s29, s11;
	[sflag:s19] =	ssyncadd.s32 $0xFFFFE800  }
0x66: {  	[hbm4b:s1+s2] =	stream.linear.scatter [tilespmem:s17], [sflag:$0x4], $0x1800, $0x38;
	[tilespmem:$0x6200] =	vst v63  }
0x67: {  	p2 =	seq.s32 s29, $0xEA00;
	_ =	swait.ge [sflag:s19], $0x1800  }
0x68: {  	s6 =	simm.s32 @!p2 $0x4;
	s1 =	sshrl.u32 @!p2 s22, $0x3;
	[sflag:s19] =	ssyncset.done $0x0  }
0x69: {  	s8 =	simm.s32 @!p2 $0x0;
	s7 =	sadd.s32 @!p2 s4, s1;
	[sflag:s19] =	ssyncadd.s32 $0xFFFFE800  }
0x6a: {  	[tilespmem:s8], [sflag:$0x4] =	stream.linear.gather @!p2 [hbm4b:s7+s8], $0x80, $0x38;
	[tilespmem:$0x6200] =	vst v63  }
0x6b: {  	s1 =	sadd.s32 @!p2 s5, s1;
	_ =	swait.ge @!p2 [sflag:s6], $0x80  }
0x6c: {  	[sflag:s6] =	ssyncset.done @!p2 $0x0  }
0x6d: {  	s7 =	simm.s32 @!p2 $0x80;
	[sflag:s6] =	ssyncadd.s32 @!p2 $0xFFFFFF80  }
0x6e: {  	[tilespmem:s7], [sflag:$0x4] =	stream.linear.gather @!p2 [hbm4b:s1+s8], $0x80, $0x38;
	[tilespmem:$0x6200] =	vst v63  }
0x6f: {  	_ =	swait.ge @!p2 [sflag:s6], $0x80  }
0x70: {  	[sflag:s6] =	ssyncset.done @!p2 $0x0  }
0x71: {  	s1 =	simm.s32 @!p2 $0x200;
	[sflag:s6] =	ssyncadd.s32 @!p2 $0xFFFFFF80  }
0x72: {  	[tilespmem:s1], [sflag:$0x1] =	stream.indirect.gather @!p2 [hbm4b:s3+s7], $0x30, s8, s7, $0xb8;
	[tilespmem:$0x6200] =	vst v63  }
0x73: {  	s6 =	simm.s32 @!p0 $0x2;
	s1 =	simm.s32 @!p2 $0x1A00  }
0x74: {  	[tilespmem:s1], [sflag:$0x1] =	stream.indirect.gather @!p2 [hbm4b:s3+s7], $0x30, s7, s7, $0xb8;
	[tilespmem:$0x6200] =	vst v63  }
0x75: {  	_ =	swait.ge @!p0 [sflag:s6], $0x1800  }
0x76: {  	[sflag:s6] =	ssyncset.done @!p0 $0x0  }
0x77: {  	[sflag:s6] =	ssyncadd.s32 @!p0 $0xFFFFE800  }
0x78: {  	_ =	swait.ge @!p0 [sflag:s6], $0x1800  }
0x79: {  	s1 =	sadd.s32 @!p0 s29, s10;
	[sflag:s6] =	ssyncset.done @!p0 $0x0  }
0x7a: {  	s24 =	sadd.s32 $0x20, s24;
	s1 =	sadd.s32 @!p0 $0x300, s1;
	[sflag:s6] =	ssyncadd.s32 @!p0 $0xFFFFE800  }
0x7b: {  	[hbm4b:s1+s28] =	stream.linear.scatter @!p0 [tilespmem:s0], [sflag:$0x4], $0x1800, $0x38;
	[tilespmem:$0x6200] =	vst v63  }
.Ltmp0:
0x7c: {  	s23 =	sadd.s32 $0x20, s23;
	_ =	swait.ge @!p0 [sflag:s30], $0x1800;
	(pc) =	sbr.rel @p1 .LBB2_2-.Ltmp0, $4  }
0x7d: {  	s26 =	sadd.s32 $0x2, s26;
	s0 =	sadd.s32 @!p0 s29, s11;
	[sflag:s30] =	ssyncset.done @!p0 $0x0  }
0x7e: {  	s1 =	simm.s32 @!p0 $0x3;
	s0 =	sadd.s32 @!p0 $0x300, s0;
	[sflag:s30] =	ssyncadd.s32 @!p0 $0xFFFFE800  }
0x7f: {  	[hbm4b:s0+s28] =	stream.linear.scatter @!p0 [tilespmem:s31], [sflag:$0x3], $0x1800, $0x38;
	[tilespmem:$0x6200] =	vst v63  }
0x80: {  	s22 =	sadd.s32 $0x100, s22;
	p2 =	sgt.u32 s26, $0x4E;
	_ =	swait.ge @!p0 [sflag:s1], $0x1800  }
0x81: {  	s0 =	simm.s32 @!p2 $0x0;
	[sflag:s1] =	ssyncset.done @!p0 $0x0  }
0x82: {  	s6 =	simm.s32 @!p2 $0x100;
	s25 =	simm.s32 @!p2 $0x4;
	[sflag:s1] =	ssyncadd.s32 @!p0 $0xFFFFE800  }
0x83: {  	[tilespmem:s6], [sflag:$0x4] =	stream.linear.gather @!p2 [hbm4b:s24+s0], $0x80, $0x38;
	[tilespmem:$0x6200] =	vst v63  }
0x84: {  	p0 =	por p2, p2;
	_ =	swait.ge @!p2 [sflag:s25], $0x80  }
0x85: {  	[sflag:s25] =	ssyncset.done @!p0 $0x0  }
0x86: {  	s1 =	simm.s32 @!p0 $0x180;
	[sflag:s25] =	ssyncadd.s32 @!p0 $0xFFFFFF80  }
0x87: {  	[tilespmem:s1], [sflag:$0x4] =	stream.linear.gather @!p0 [hbm4b:s23+s0], $0x80, $0x38;
	[tilespmem:$0x6200] =	vst v63  }
0x88: {  	_ =	swait.ge @!p0 [sflag:s25], $0x80  }
0x89: {  	[sflag:s25] =	ssyncset.done @!p0 $0x0  }
0x8a: {  	s7 =	simm.s32 @!p0 $0x80;
	s8 =	simm.s32 @!p0 $0x3200;
	[sflag:s25] =	ssyncadd.s32 @!p0 $0xFFFFFF80  }
0x8b: {  	[tilespmem:s8], [sflag:$0x2] =	stream.indirect.gather @!p0 [hbm4b:s3+s7], $0x30, s6, s7, $0xb8;
	[tilespmem:$0x6200] =	vst v63  }
0x8c: {  	s6 =	simm.s32 @!p0 $0x4A00  }
0x8d: {  	[tilespmem:s6], [sflag:$0x2] =	stream.indirect.gather @!p0 [hbm4b:s3+s7], $0x30, s1, s7, $0xb8;
	[tilespmem:$0x6200] =	vst v63  }
0x8e: {  	_ =	swait.ge [sflag:s18], $0x1800  }
0x8f: {  	[sflag:s18] =	ssyncset.done $0x0  }
0x90: {  	[sflag:s18] =	ssyncadd.s32 $0xFFFFE800  }
0x91: {  	_ =	swait.ge [sflag:s18], $0x1800  }
0x92: {  	[sflag:s18] =	ssyncset.done $0x0  }
0x93: {  	s29 =	sadd.s32 s21, s10;
	[sflag:s18] =	ssyncadd.s32 $0xFFFFE800  }
0x94: {  	[hbm4b:s29+s2] =	stream.linear.scatter [tilespmem:s16], [sflag:$0x4], $0x1800, $0x38;
	[tilespmem:$0x6200] =	vst v63  }
0x95: {  	_ =	swait.ge [sflag:s19], $0x1800  }
0x96: {  	[sflag:s19] =	ssyncset.done $0x0  }
0x97: {  	s30 =	sadd.s32 s21, s11;
	[sflag:s19] =	ssyncadd.s32 $0xFFFFE800  }
0x98: {  	[hbm4b:s30+s2] =	stream.linear.scatter [tilespmem:s17], [sflag:$0x4], $0x1800, $0x38;
	[tilespmem:$0x6200] =	vst v63  }
0x99: {  	p1 =	seq.s32 s21, $0xEA00;
	_ =	swait.ge [sflag:s19], $0x1800  }
0x9a: {  	s23 =	simm.s32 @!p1 $0x0;
	s1 =	sshrl.u32 @!p1 s22, $0x3;
	[sflag:s19] =	ssyncset.done $0x0  }
0x9b: {  	s7 =	simm.s32 @!p1 $0x4;
	s22 =	sadd.s32 @!p1 s4, s1;
	[sflag:s19] =	ssyncadd.s32 $0xFFFFE800  }
0x9c: {  	[tilespmem:s23], [sflag:$0x4] =	stream.linear.gather @!p1 [hbm4b:s22+s23], $0x80, $0x38;
	[tilespmem:$0x6200] =	vst v63  }
0x9d: {  	_ =	swait.ge @!p1 [sflag:s7], $0x80  }
0x9e: {  	[sflag:s7] =	ssyncset.done @!p1 $0x0  }
0x9f: {  	s1 =	sadd.s32 @!p1 s5, s1;
	s22 =	simm.s32 @!p1 $0x80;
	[sflag:s7] =	ssyncadd.s32 @!p1 $0xFFFFFF80  }
0xa0: {  	[tilespmem:s22], [sflag:$0x4] =	stream.linear.gather @!p1 [hbm4b:s1+s23], $0x80, $0x38;
	[tilespmem:$0x6200] =	vst v63  }
0xa1: {  	_ =	swait.ge @!p1 [sflag:s7], $0x80  }
0xa2: {  	[sflag:s7] =	ssyncset.done @!p1 $0x0  }
0xa3: {  	s1 =	simm.s32 @!p1 $0x200;
	[sflag:s7] =	ssyncadd.s32 @!p1 $0xFFFFFF80  }
0xa4: {  	[tilespmem:s1], [sflag:$0x1] =	stream.indirect.gather @!p1 [hbm4b:s3+s22], $0x30, s23, s22, $0xb8;
	[tilespmem:$0x6200] =	vst v63  }
0xa5: {  	s7 =	simm.s32 @!p0 $0x2;
	s1 =	simm.s32 @!p1 $0x1A00  }
0xa6: {  	[tilespmem:s1], [sflag:$0x1] =	stream.indirect.gather @!p1 [hbm4b:s3+s22], $0x30, s22, s22, $0xb8;
	[tilespmem:$0x6200] =	vst v63  }
0xa7: {  	_ =	swait.ge @!p0 [sflag:s7], $0x1800  }
0xa8: {  	[sflag:s7] =	ssyncset.done @!p0 $0x0  }
0xa9: {  	[sflag:s7] =	ssyncadd.s32 @!p0 $0xFFFFE800  }
0xaa: {  	_ =	swait.ge @!p0 [sflag:s7], $0x1800  }
0xab: {  	s1 =	sadd.s32 @!p0 s21, s10;
	[sflag:s7] =	ssyncset.done @!p0 $0x0  }
0xac: {  	s1 =	sadd.s32 @!p0 $0x300, s1;
	[sflag:s7] =	ssyncadd.s32 @!p0 $0xFFFFE800  }
0xad: {  	[hbm4b:s1+s0] =	stream.linear.scatter @!p0 [tilespmem:s8], [sflag:$0x4], $0x1800, $0x38;
	[tilespmem:$0x6200] =	vst v63  }
0xae: {  	_ =	swait.ge @!p0 [sflag:s25], $0x1800  }
0xaf: {  	s1 =	sadd.s32 @!p0 s21, s11;
	[sflag:s25] =	ssyncset.done @!p0 $0x0  }
0xb0: {  	s7 =	simm.s32 @!p0 $0x3;
	s1 =	sadd.s32 @!p0 $0x300, s1;
	[sflag:s25] =	ssyncadd.s32 @!p0 $0xFFFFE800  }
0xb1: {  	[hbm4b:s1+s0] =	stream.linear.scatter @!p0 [tilespmem:s6], [sflag:$0x3], $0x1800, $0x38;
	[tilespmem:$0x6200] =	vst v63  }
0xb2: {  	_ =	swait.ge @!p0 [sflag:s7], $0x1800  }
0xb3: {  	s20 =	sadd.s32 $0x1, s20;
	s31 =	rddreg [dreg:$0x4]  }
0xb4: {  	p1 =	sne.s32 s20, s31  }
.Ltmp1:
0xb5: {  	_ = 	snop;
	(pc) =	sbr.rel @p1 .LBB2_1-.Ltmp1, $3  }
0xb6: {  	_ =	sdelay $0x1  }
0xb7: {  	[sflag:s7] =	ssyncset.done @!p0 $0x0  }
0xb8: {  	[sflag:s7] =	ssyncadd.s32 @!p0 $0xFFFFE800  }
0xb9: {  	_ =	sfence.sel $0x180000  }
0xba: {  	[bflag:$0x0] =	sbarrier.arrive $0xFFFF  }
0xbb: {  	_ =	strace $0x9000004D  }
0xbc: {  	s0 =	stileid.u32;
	[bflag:$0x2] =	sbarrier.arrive $0xFFFF  }
0xbd: {  	p0 =	sne.s32 s0, $0x0;
	s0 =	rddreg [dreg:$0x1]  }
0xbe: {  	s0 =	sadd.s32 @!p0 $0x100000, s0  }
0xbf: {  	[sflag:s0] =	ssyncadd.tile.s32 @!p0 $0x1;
	_ =	shalt  }
.Lfunc_end2:
_tile_overlayer_lowered:
.L_overlay_start_2:
0xc0: {  	(tag) =	ssettag $0x2  }
0xc1: {  	s0 =	rddreg [dreg:$0x0];
	s2 =	stileid.u32  }
0xc2: {  	s1 =	rddreg [dreg:$0x1];
	p0 =	sne.s32 s2, $0x0  }
0xc3: {  	s3 =	rddreg [dreg:$0x2];
	[bflag:$0x3] =	sbarrier.arrive $0xFFFF;
	s2 =	simm.s32 @!p0 $0x1C03  }
0xc4: {  	[timem:s3], [sflag:s2] =	dma.local @!p0 [hbm:s0], s1  }
0xc5: {  	s0 =	simm.s32 @!p0 $0x3  }
0xc6: {  	_ =	swait.ge @!p0 [sflag:s0], s1  }
0xc7: {  	s1 =	ssub.s32 @!p0 $0x0, s1;
	[sflag:s0] =	ssyncset.done @!p0 $0x0  }
0xc8: {  	[sflag:s0] =	ssyncadd.s32 @!p0 s1  }
0xc9: {  	[bflag:$0x3] =	sbarrier.arrive $0xFFFF  }
0xca: {  	_ =	shalt  }

// kernel: kernel.19.cloned.1.call-start
scs
__scs_entry_jumppad:
0x0: {  	(pc) =	sbr.rel $0x88, $3  }
0x1: {  	(tag) =	ssettag $0x0;
	lr =	simm.s32 $0x1  }
0x2: {  	[smem:$0x3F65] =	sst lr;
	_ =	strace $0xD0000000  }
0x3: {  	_ = 	snop  }
0x4: {  	_ = 	snop  }
0x5: {  	_ = 	snop  }
0x6: {  	_ = 	snop  }
0x7: {  	_ = 	snop  }
__scs_overlays_trampoline_lowered:
0x8: {  	[smem:$0x3F74] =	sst s0  }
0x9: {  	[smem:$0x3F75] =	sst s1  }
0xa: {  	[smem:$0x3F76] =	sst s2  }
0xb: {  	[smem:$0x3F77] =	sst s3  }
0xc: {  	[smem:$0x3F78] =	sst s4  }
0xd: {  	[smem:$0x3F79] =	sst s5  }
0xe: {  	[smem:$0x3F7A] =	sst s6  }
0xf: {  	[smem:$0x3F7B] =	sst s7  }
0x10: {  	[smem:$0x3F7C] =	sst s8  }
0x11: {  	[smem:$0x3F7D] =	sst s9;
	s0 =	simm.s32 @!p0 $0x0  }
0x12: {  	s1 =	sld [smem:$0x3F63];
	s0 =	simm.s32 @p0 $0x1  }
0x13: {  	[smem:$0x3F7E] =	sst s0;
	s0 =	simm.s32 @!p1 $0x0  }
0x14: {  	s2 =	sld [smem:$0x3F62];
	s0 =	simm.s32 @p1 $0x1  }
0x15: {  	[smem:$0x3F7F] =	sst s0;
	s0 =	simm.s32 @!p2 $0x0  }
0x16: {  	s3 =	sld [smem:$0x3FDB];
	s0 =	simm.s32 @p2 $0x1  }
0x17: {  	s4 =	simm.s32 $0x1BF5;
	[smem:$0x3F81] =	sst s0  }
0x18: {  	s0 =	sld [smem:$0x3F64];
	_ =	swait.ge [sflag:s4], $0x0  }
0x19: {  	s7 =	sld [smem:$0x3F65]  }
0x1a: {  	s8 =	sadd.s32 $0xFFFFE003, lr  }
0x1b: {  	s9 =	sadd.s32 $0xFFFFFEF7, lr;
	s5 =	simm.s32 $0xFFFFFFFF;
	p2 =	slt.u32 s8, $0xFFFFF086  }
0x1c: {  	p1 =	slt.u32 s9, $0xF7A;
	s5 =	simm.s32 @!p2 $0x0  }
0x1d: {  	s5 =	simm.s32 @p1 $0x1;
	p0 =	seq.s32 s7, s2  }
0x1e: {  	s7 =	smul.u32 @!p0 $0xF7A, s2;
	p2 =	seq.s32 @!p0 s5, $0x0  }
0x1f: {  	s9 =	smul.u32 $0xF7A, s1;
	s8 =	simm.s32 @!p0 $0x1BF5;
	p2 =	por !p2, p0  }
0x20: {  	[sflag:s8] =	ssyncset.s32 @!p0 $0xFFFFF086;
	s6 =	sadd.s32 @!p0 s3, s7;
	s7 =	simm.s32 @!p0 $0x108  }
0x21: {  	s3 =	sadd.s32 s3, s9;
	s6 =	sadd.s32 @!p0 $0x88, s6;
	s7 =	simm.s32 @p2 $0x1082  }
0x22: {  	[simem:s7], [sflag:s8] =	dma.local @!p0 [hbm:s6], $0xF7A  }
0x23: {  	s9 =	sor.u32 $0xD0000000, s2;
	s6 =	simm.s32 $0x108;
	_ =	swait.ge @!p0 [sflag:s8], $0x0  }
0x24: {  	s3 =	sadd.s32 $0x88, s3;
	s6 =	simm.s32 @!p1 $0x1082;
	[sflag:s4] =	ssyncset.s32 $0xFFFFF086  }
0x25: {  	[simem:s6], [sflag:s4] =	dma.local [hbm:s3], $0xF7A  }
0x26: {  	[smem:$0x3F65] =	sst s1;
	(tag) =	ssettag s2;
	_ =	strace s9  }
0x27: {  	s1 =	sld [smem:$0x3F75]  }
0x28: {  	s2 =	sld [smem:$0x3F76]  }
0x29: {  	s4 =	sld [smem:$0x3F78]  }
0x2a: {  	p0 =	seq.s32 s5, $0x0;
	s5 =	sld [smem:$0x3F79]  }
0x2b: {  	s6 =	sld [smem:$0x3F7A]  }
0x2c: {  	s7 =	sld [smem:$0x3F7B]  }
0x2d: {  	s3 =	simm.s32 $0x108;
	s8 =	sld [smem:$0x3F7C]  }
0x2e: {  	s3 =	simm.s32 @!p0 $0x1082;
	s9 =	sld [smem:$0x3F7D]  }
0x2f: {  	lr =	sadd.s32 s0, s3;
	s0 =	sld [smem:$0x3F74]  }
0x30: {  	s3 =	sld [smem:$0x3F77]  }
0x31: {  	[smem:$0x3F80] =	sst s10  }
0x32: {  	s10 =	sld [smem:$0x3F7E];
	_ =	sdelay $0x3  }
0x33: {  	p0 =	seq.s32 s10, $0x1;
	s10 =	sld [smem:$0x3F80];
	_ =	sdelay $0x3  }
0x34: {  	[smem:$0x3F80] =	sst s10  }
0x35: {  	s10 =	sld [smem:$0x3F7F];
	_ =	sdelay $0x3  }
0x36: {  	p1 =	seq.s32 s10, $0x1;
	s10 =	sld [smem:$0x3F80];
	_ =	sdelay $0x3  }
0x37: {  	[smem:$0x3F80] =	sst s10  }
0x38: {  	s10 =	sld [smem:$0x3F81]  }
0x39: {  	_ = 	snop;
	(pc) =	sbr.ind lr, $3  }
0x3a: {  	_ = 	snop  }
0x3b: {  	_ = 	snop  }
0x3c: {  	p2 =	seq.s32 s10, $0x1;
	s10 =	sld [smem:$0x3F80]  }
0x3d: {  	_ =	shalt  }
0x3e: {  	_ =	shalt  }
0x3f: {  	_ =	shalt  }
0x40: {  	_ =	shalt  }
0x41: {  	_ =	shalt  }
0x42: {  	_ =	shalt  }
0x43: {  	_ =	shalt  }
0x44: {  	_ =	shalt  }
0x45: {  	_ =	shalt  }
0x46: {  	_ =	shalt  }
0x47: {  	_ =	shalt  }
0x48: {  	_ =	shalt  }
0x49: {  	_ =	shalt  }
0x4a: {  	_ =	shalt  }
0x4b: {  	_ =	shalt  }
0x4c: {  	_ =	shalt  }
0x4d: {  	_ =	shalt  }
0x4e: {  	_ =	shalt  }
0x4f: {  	_ =	shalt  }
0x50: {  	_ =	shalt  }
0x51: {  	_ =	shalt  }
0x52: {  	_ =	shalt  }
0x53: {  	_ =	shalt  }
0x54: {  	_ =	shalt  }
0x55: {  	_ =	shalt  }
0x56: {  	_ =	shalt  }
0x57: {  	_ =	shalt  }
0x58: {  	_ =	shalt  }
0x59: {  	_ =	shalt  }
0x5a: {  	_ =	shalt  }
0x5b: {  	_ =	shalt  }
0x5c: {  	_ =	shalt  }
0x5d: {  	_ =	shalt  }
0x5e: {  	_ =	shalt  }
0x5f: {  	_ =	shalt  }
0x60: {  	_ =	shalt  }
0x61: {  	_ =	shalt  }
0x62: {  	_ =	shalt  }
0x63: {  	_ =	shalt  }
0x64: {  	_ =	shalt  }
0x65: {  	_ =	shalt  }
0x66: {  	_ =	shalt  }
0x67: {  	_ =	shalt  }
0x68: {  	_ =	shalt  }
0x69: {  	_ =	shalt  }
0x6a: {  	_ =	shalt  }
0x6b: {  	_ =	shalt  }
0x6c: {  	_ =	shalt  }
0x6d: {  	_ =	shalt  }
0x6e: {  	_ =	shalt  }
0x6f: {  	_ =	shalt  }
0x70: {  	_ =	shalt  }
0x71: {  	_ =	shalt  }
0x72: {  	_ =	shalt  }
0x73: {  	_ =	shalt  }
0x74: {  	_ =	shalt  }
0x75: {  	_ =	shalt  }
0x76: {  	_ =	shalt  }
0x77: {  	_ =	shalt  }
0x78: {  	_ =	shalt  }
0x79: {  	_ =	shalt  }
0x7a: {  	_ =	shalt  }
0x7b: {  	_ =	shalt  }
0x7c: {  	_ =	shalt  }
0x7d: {  	_ =	shalt  }
0x7e: {  	_ =	shalt  }
0x7f: {  	_ =	shalt  }
0x80: {  	_ =	shalt  }
0x81: {  	_ =	shalt  }
0x82: {  	_ =	shalt  }
0x83: {  	_ =	shalt  }
0x84: {  	_ =	shalt  }
0x85: {  	_ =	shalt  }
0x86: {  	_ =	shalt  }
0x87: {  	_ =	shalt  }
.Lfunc_end0:
.L_simem_size_0:
called_computation.3_lowered:
.L_overlay_start_0:
0x88: {  	s2 =	sld [smem:$0x3FD9]  }
0x89: {  	s3 =	sld [smem:$0x3FFE];
	_ =	sdelay $0x1  }
0x8a: {  	s1 =	srdreg.scid  }
0x8b: {  	s0 =	sand.u32 $0x1, s1  }
0x8c: {  	s16 =	sshll.u32 s0, $0xA;
	s2 =	sadd.s32 s3, s2  }
0x8d: {  	s2 =	sadd.s32 s2, s16  }
0x8e: {  	[smem:$0x3F8C] =	sst s2  }
0x8f: {  	_ = 	snop  }
0x90: {  	(tm) =	ssettm $0x1  }
0x91: {  	s17 =	sld [smem:$0x3FFB];
	_ =	sdelay $0x3  }
0x92: {  	_ =	strace s17  }
0x93: {  	s2 =	sld [smem:$0x3FFC];
	_ =	sdelay $0x3  }
0x94: {  	_ =	strace s2  }
0x95: {  	s2 =	sld [smem:$0x3FFD];
	_ =	sdelay $0x3  }
0x96: {  	_ =	strace s2  }
0x97: {  	_ =	strace $0x8FFFFFFF  }
0x98: {  	s18 =	sld [smem:$0x3FDB];
	_ =	sdelay $0x1  }
0x99: {  	s19 =	simm.s32 $_scs_section_size  }
0x9a: {  	s4 =	simm.s32 $_size__tile_overlayer_lowered;
	s5 =	simm.s32 $_tile_overlayer_lowered  }
0x9b: {  	s22 =	simm.s32 $0x1BFF;
	s21 =	sshll.u32 s5, $0x1;
	s2 =	sadd.s32 s19, s18  }
0x9c: {  	s6 =	simm.s32 $0x0;
	s20 =	sshll.u32 s4, $0x1;
	s4 =	sadd.s32 s21, s2  }
0x9d: {  	[timem:s6], [sflag:s22] =	dma.local [hbm:s4], s20  }
0x9e: {  	_ =	swait.ge [sflag:s22], s20  }
0x9f: {  	s3 =	ssub.s32 $0x0, s20;
	[sflag:s22] =	ssyncset.done $0x0  }
0xa0: {  	[sflag:s22] =	ssyncadd.s32 s3;
	_ =	sdelay $0x1  }
0xa1: {  	s23 =	simm.s32 $0x1B8B  }
0xa2: {  	_ =	swait.ge [sflag:s23], $0x1  }
0xa3: {  	[sflag:s23] =	ssyncset.done $0x0  }
0xa4: {  	s25 =	simm.s32 $0x1B8E;
	s24 =	sld [smem:$0x3FFE];
	[sflag:s23] =	ssyncadd.s32 $0xFFFFFFFF  }
0xa5: {  	s26 =	simm.s32 $execute0_lowered;
	[smem:$0x3FD2] =	sst s25  }
0xa6: {  	s4 =	sshll.u32 s26, $0x1;
	_ =	strace $0x8000004F;
	[dreg:$0x1] =	wrdreg $0xFFFFFFFF  }
0xa7: {  	s28 =	simm.s32 $_size_execute0_lowered;
	s2 =	sadd.s32 s2, s4;
	[dreg:$0x0] =	wrdreg $0x0  }
0xa8: {  	s4 =	sshll.u32 s28, $0x1;
	[dreg:$0x2] =	wrdreg s2  }
0xa9: {  	[dreg:$0x3] =	wrdreg s4  }
0xaa: {  	[dreg:$0x4] =	wrdreg $0xC0  }
0xab: {  	_ =	task [dreg:s6], $0x5FFFF  }
0xac: {  	[dreg:$0x1] =	wrdreg $0xFFFFFFFF  }
0xad: {  	[dreg:$0x0] =	wrdreg $0x60  }
0xae: {  	[dreg:$0x2] =	wrdreg s24  }
0xaf: {  	[dreg:$0x3] =	wrdreg $0x8F000  }
0xb0: {  	[dreg:$0x4] =	wrdreg $0x9  }
0xb1: {  	_ =	task.clear_ibuf [dreg:s6], $0x5FFFF;
	_ =	strace $0x9000004F  }
0xb2: {  	s29 =	simm.s32 $0x9;
	_ =	strace $0x80000051  }
0xb3: {  	_ =	swait.ge [sflag:s29], $0x1  }
0xb4: {  	[sflag:s29] =	ssyncadd.s32 $0xFFFFFFFF  }
0xb5: {  	_ =	strace $0x90000051  }
0xb6: {  	_ =	sfence  }
0xb7: {  	s30 =	sld [smem:$0x0];
	_ =	sdelay $0x2  }
0xb8: {  	s31 =	sshll.u32 s1, $0xD;
	s1 =	sshrl.u32 s1, $0x2  }
0xb9: {  	s3 =	sand.u32 $0x4000, s31;
	s1 =	sadd.s32 s1, s30  }
0xba: {  	s0 =	sor.u32 s3, s0;
	s1 =	sshll.u32 s1, $0x11  }
0xbb: {  	s0 =	sor.u32 s1, s0  }
0xbc: {  	s0 =	sadd.s32 $0x8F2B, s0  }
0xbd: {  	[sflag:s0] =	ssyncadd.remote.s32 $0x1  }
0xbe: {  	_ =	sfence.sel $0xFFFF  }
0xbf: {  	[dreg:$0x0] =	wrdreg $0xFFFFFFFF;
	(pc) =	sbr.abs _section_cstart, $3  }
0xc0: {  	[dreg:$0x1] =	wrdreg $0xFFFFFFFF  }
0xc1: {  	_ =	task.clear_ibuf [dreg:s6], $0x2FFFF;
	_ =	strace $0x9FFFFFFF  }
0xc2: {  	(tm) =	ssettm $0x7FFFFFFF  }
0xc3: {  	_ =	shalt  }
tec
execute0_lowered:
.L_overlay_start_1:
0x0: {  	(tag) =	ssettag $0x1  }
0x1: {  	s0 =	stileid.u32;
	s6 =	rddreg [dreg:$0x0]  }
0x2: {  	s1 =	srdreg.scid;
	s2 =	rddreg [dreg:$0x1];
	s3 =	simm.s32 $0x0  }
0x3: {  	s12 =	simm.s32 $0x1;
	s13 =	simm.s32 $0x80;
	s5 =	smul.u32 $0x1DA00, s0  }
0x4: {  	s14 =	simm.s32 $0x1880;
	s15 =	simm.s32 $0x0;
	s7 =	smul.u32 $0x4F00, s0  }
0x5: {  	s4 =	sand.u32 $0x1, s1;
	s1 =	rddreg [dreg:$0x2];
	s9 =	smul.u32 $0xED0, s0  }
0x6: {  	[smem:$0x7FF] =	sst s3;
	s31 =	sshll.u32 s0, $0x6;
	s8 =	smul.u32 $0x2780, s4  }
0x7: {  	s26 =	smul.u32 $0xED00, s4;
	_ =	strace $0x80000050;
	s29 =	ssub.s32 $0x2, s4  }
0x8: {  	s4 =	sadd.s32 $0x15A00, s6;
	s10 =	sadd.s32 s5, s6;
	s30 =	sshrl.u32 s29, $0x1  }
0x9: {  	s5 =	sshrl.u32 s5, $0x2;
	s7 =	sadd.s32 s8, s7;
	s28 =	sadd.s32 s9, s26  }
0xa: {  	s9 =	ssub.s32 s29, s30;
	s5 =	sadd.s32 s5, s2;
	s10 =	sadd.s32 s26, s10  }
0xb: {  	s7 =	sshrl.u32 s7, $0x3;
	s8 =	smax.u32 s9, $0x1;
	s9 =	sadd.s32 $0x86C00, s10  }
0xc: {  	s11 =	sadd.s32 s7, s6;
	s7 =	sadd.s32 s28, s6;
	s6 =	sor.u32 $0x1C01, s31  }
0xd: {  	s7 =	sadd.s32 $0x50800, s7;
	s10 =	sadd.s32 $0x7CE00, s11;
	s11 =	sshrl.u32 s5, $0x3  }
.LBB2_1:
0xe: {  	[spmem:s11], [sflag:s6] =	dma.local [hbm:s4], $0xED0  }
0xf: {  	_ =	swait.ge [sflag:s12], $0xED0  }
0x10: {  	[sflag:s12] =	ssyncset.done $0x0  }
0x11: {  	[sflag:s12] =	ssyncadd.s32 $0xFFFFF130  }
0x12: {  	s16 =	sadd.s32 $0x0, s10;
	[bflag:$0x0] =	sbarrier.arrive $0xFFFF  }
0x13: {  	[tilespmem:s3], [sflag:$0x1] =	stream.linear.gather [hbm4b:s16+s3], $0x80, $0x38;
	[tilespmem:$0x10580] =	vst v63  }
0x14: {  	_ =	swait.ge [sflag:s12], $0x80  }
0x15: {  	[sflag:s12] =	ssyncset.done $0x0  }
0x16: {  	[sflag:s12] =	ssyncadd.s32 $0xFFFFFF80  }
0x17: {  	[tilespmem:s13], [sflag:$0x1] =	stream.linear.gather [hbm4b:s9+s3], $0x1800, $0x38;
	[tilespmem:$0x10580] =	vst v63  }
0x18: {  	_ =	swait.ge [sflag:s12], $0x1800  }
0x19: {  	[sflag:s12] =	ssyncset.done $0x0  }
0x1a: {  	[sflag:s12] =	ssyncadd.s32 $0xFFFFE800  }
0x1b: {  	[spmem:s2] =	stream.indirect.scatter.add.f32 [tilespmem:s13], [sflag:$0x1], $0x30, s3, s13, $0xb8;
	[tilespmem:$0x10580] =	vst v63  }
0x1c: {  	s17 =	simm.s32 $0x10;
	_ =	swait.ge [sflag:s12], $0x1800  }
0x1d: {  	s18 =	simm.s32 $0x20;
	s16 =	sadd.s32 $0x300, s9;
	[sflag:s12] =	ssyncset.done $0x0  }
.LBB2_2:
0x1e: {  	s19 =	sadd.s32 s17, s10  }
0x1f: {  	[sflag:s12] =	ssyncadd.s32 $0xFFFFE800;
	s17 =	smov.u32 s18;
	s20 =	sadd.s32 $0x10, s18  }
0x20: {  	[tilespmem:s3], [sflag:$0x1] =	stream.linear.gather [hbm4b:s19+s3], $0x80, $0x38;
	[tilespmem:$0x10580] =	vst v63  }
0x21: {  	p0 =	sne.s32 s18, $0x4E0;
	_ =	swait.ge [sflag:s12], $0x80  }
0x22: {  	[sflag:s12] =	ssyncset.done $0x0  }
0x23: {  	[sflag:s12] =	ssyncadd.s32 $0xFFFFFF80  }
0x24: {  	[tilespmem:s13], [sflag:$0x1] =	stream.linear.gather [hbm4b:s16+s3], $0x1800, $0x38;
	[tilespmem:$0x10580] =	vst v63  }
0x25: {  	_ =	swait.ge [sflag:s12], $0x1800  }
.Ltmp0:
0x26: {  	[sflag:s12] =	ssyncset.done $0x0;
	(pc) =	sbr.rel @p0 .LBB2_2-.Ltmp0, $4  }
0x27: {  	[sflag:s12] =	ssyncadd.s32 $0xFFFFE800  }
0x28: {  	[spmem:s2] =	stream.indirect.scatter.add.f32 [tilespmem:s13], [sflag:$0x1], $0x30, s3, s13, $0xb8;
	[tilespmem:$0x10580] =	vst v63  }
0x29: {  	_ =	swait.ge [sflag:s12], $0x1800  }
0x2a: {  	s18 =	smov.u32 s20;
	s16 =	sadd.s32 $0x300, s16;
	[sflag:s12] =	ssyncset.done $0x0  }
0x2b: {  	s17 =	sadd.s32 s17, s10;
	[sflag:s12] =	ssyncadd.s32 $0xFFFFE800  }
0x2c: {  	[tilespmem:s3], [sflag:$0x1] =	stream.linear.gather [hbm4b:s17+s3], $0x80, $0x38;
	[tilespmem:$0x10580] =	vst v63  }
0x2d: {  	_ =	swait.ge [sflag:s12], $0x80  }
0x2e: {  	[sflag:s12] =	ssyncset.done $0x0  }
0x2f: {  	[sflag:s12] =	ssyncadd.s32 $0xFFFFFF80  }
0x30: {  	[tilespmem:s13], [sflag:$0x1] =	stream.linear.gather [hbm4b:s16+s3], $0x1800, $0x38;
	[tilespmem:$0x10580] =	vst v63  }
0x31: {  	_ =	swait.ge [sflag:s12], $0x1800  }
0x32: {  	[sflag:s12] =	ssyncset.done $0x0  }
0x33: {  	[sflag:s12] =	ssyncadd.s32 $0xFFFFE800  }
0x34: {  	[spmem:s2] =	stream.indirect.scatter.add.f32 [tilespmem:s13], [sflag:$0x1], $0x30, s3, s13, $0xb8;
	[tilespmem:$0x10580] =	vst v63  }
0x35: {  	_ =	swait.ge [sflag:s12], $0x1800  }
0x36: {  	[sflag:s12] =	ssyncset.done $0x0  }
0x37: {  	[sflag:s12] =	ssyncadd.s32 $0xFFFFE800  }
0x38: {  	[bflag:$0x0] =	sbarrier.arrive $0xFFFF  }
0x39: {  	[tilespmem:s14], [sflag:$0x1] =	stream.linear.gather [spmem:s5], $0x7680, $0x38;
	[tilespmem:$0x10580] =	vst v63  }
0x3a: {  	s15 =	sadd.s32 $0x1, s15;
	_ =	swait.ge [sflag:s12], $0x7680  }
0x3b: {  	p0 =	sne.s32 s15, s8;
	[sflag:s12] =	ssyncset.done $0x0  }
.Ltmp1:
0x3c: {  	[sflag:s12] =	ssyncadd.s32 $0xFFFF8980;
	(pc) =	sbr.rel @p0 .LBB2_1-.Ltmp1, $4  }
0x3d: {  	[hbm4b:s7+s3] =	stream.linear.scatter [tilespmem:s14], [sflag:$0x1], $0x7680, $0x38;
	[tilespmem:$0x10580] =	vst v63  }
0x3e: {  	_ =	swait.ge [sflag:s12], $0x7680  }
0x3f: {  	[sflag:s12] =	ssyncset.done $0x0  }
0x40: {  	[sflag:s12] =	ssyncadd.s32 $0xFFFF8980  }
0x41: {  	_ =	sfence.sel $0x180000  }
0x42: {  	[bflag:$0x0] =	sbarrier.arrive $0xFFFF  }
0x43: {  	p0 =	sne.s32 s0, $0x0;
	_ =	strace $0x90000050  }
0x44: {  	s0 =	sadd.s32 @!p0 $0x100000, s1;
	[bflag:$0x2] =	sbarrier.arrive $0xFFFF  }
0x45: {  	[sflag:s0] =	ssyncadd.tile.s32 @!p0 $0x1;
	_ =	shalt  }
.Lfunc_end2:
_tile_overlayer_lowered:
.L_overlay_start_2:
0x46: {  	(tag) =	ssettag $0x2  }
0x47: {  	s0 =	rddreg [dreg:$0x0];
	s2 =	stileid.u32  }
0x48: {  	s1 =	rddreg [dreg:$0x1];
	p0 =	sne.s32 s2, $0x0  }
0x49: {  	s3 =	rddreg [dreg:$0x2];
	[bflag:$0x3] =	sbarrier.arrive $0xFFFF;
	s2 =	simm.s32 @!p0 $0x1C01  }
0x4a: {  	[timem:s3], [sflag:s2] =	dma.local @!p0 [hbm:s0], s1  }
0x4b: {  	s0 =	simm.s32 @!p0 $0x1  }
0x4c: {  	_ =	swait.ge @!p0 [sflag:s0], s1  }
0x4d: {  	s1 =	ssub.s32 @!p0 $0x0, s1;
	[sflag:s0] =	ssyncset.done @!p0 $0x0  }
0x4e: {  	[sflag:s0] =	ssyncadd.s32 @!p0 s1  }
0x4f: {  	[bflag:$0x3] =	sbarrier.arrive $0xFFFF  }
0x50: {  	_ =	shalt  }

// kernel: kernel.22.cloned.1.call-start
scs
__scs_entry_jumppad:
0x0: {  	(pc) =	sbr.rel $0x88, $3  }
0x1: {  	(tag) =	ssettag $0x0;
	lr =	simm.s32 $0x1  }
0x2: {  	[smem:$0x3F65] =	sst lr;
	_ =	strace $0xD0000000  }
0x3: {  	_ = 	snop  }
0x4: {  	_ = 	snop  }
0x5: {  	_ = 	snop  }
0x6: {  	_ = 	snop  }
0x7: {  	_ = 	snop  }
__scs_overlays_trampoline_lowered:
0x8: {  	[smem:$0x3F74] =	sst s0  }
0x9: {  	[smem:$0x3F75] =	sst s1  }
0xa: {  	[smem:$0x3F76] =	sst s2  }
0xb: {  	[smem:$0x3F77] =	sst s3  }
0xc: {  	[smem:$0x3F78] =	sst s4  }
0xd: {  	[smem:$0x3F79] =	sst s5  }
0xe: {  	[smem:$0x3F7A] =	sst s6  }
0xf: {  	[smem:$0x3F7B] =	sst s7  }
0x10: {  	[smem:$0x3F7C] =	sst s8  }
0x11: {  	[smem:$0x3F7D] =	sst s9;
	s0 =	simm.s32 @!p0 $0x0  }
0x12: {  	s1 =	sld [smem:$0x3F63];
	s0 =	simm.s32 @p0 $0x1  }
0x13: {  	[smem:$0x3F7E] =	sst s0;
	s0 =	simm.s32 @!p1 $0x0  }
0x14: {  	s2 =	sld [smem:$0x3F62];
	s0 =	simm.s32 @p1 $0x1  }
0x15: {  	[smem:$0x3F7F] =	sst s0;
	s0 =	simm.s32 @!p2 $0x0  }
0x16: {  	s3 =	sld [smem:$0x3FDB];
	s0 =	simm.s32 @p2 $0x1  }
0x17: {  	s4 =	simm.s32 $0x1BF5;
	[smem:$0x3F81] =	sst s0  }
0x18: {  	s0 =	sld [smem:$0x3F64];
	_ =	swait.ge [sflag:s4], $0x0  }
0x19: {  	s7 =	sld [smem:$0x3F65]  }
0x1a: {  	s8 =	sadd.s32 $0xFFFFE003, lr  }
0x1b: {  	s9 =	sadd.s32 $0xFFFFFEF7, lr;
	s5 =	simm.s32 $0xFFFFFFFF;
	p2 =	slt.u32 s8, $0xFFFFF086  }
0x1c: {  	p1 =	slt.u32 s9, $0xF7A;
	s5 =	simm.s32 @!p2 $0x0  }
0x1d: {  	s5 =	simm.s32 @p1 $0x1;
	p0 =	seq.s32 s7, s2  }
0x1e: {  	s7 =	smul.u32 @!p0 $0xF7A, s2;
	p2 =	seq.s32 @!p0 s5, $0x0  }
0x1f: {  	s9 =	smul.u32 $0xF7A, s1;
	s8 =	simm.s32 @!p0 $0x1BF5;
	p2 =	por !p2, p0  }
0x20: {  	[sflag:s8] =	ssyncset.s32 @!p0 $0xFFFFF086;
	s6 =	sadd.s32 @!p0 s3, s7;
	s7 =	simm.s32 @!p0 $0x108  }
0x21: {  	s3 =	sadd.s32 s3, s9;
	s6 =	sadd.s32 @!p0 $0x88, s6;
	s7 =	simm.s32 @p2 $0x1082  }
0x22: {  	[simem:s7], [sflag:s8] =	dma.local @!p0 [hbm:s6], $0xF7A  }
0x23: {  	s9 =	sor.u32 $0xD0000000, s2;
	s6 =	simm.s32 $0x108;
	_ =	swait.ge @!p0 [sflag:s8], $0x0  }
0x24: {  	s3 =	sadd.s32 $0x88, s3;
	s6 =	simm.s32 @!p1 $0x1082;
	[sflag:s4] =	ssyncset.s32 $0xFFFFF086  }
0x25: {  	[simem:s6], [sflag:s4] =	dma.local [hbm:s3], $0xF7A  }
0x26: {  	[smem:$0x3F65] =	sst s1;
	(tag) =	ssettag s2;
	_ =	strace s9  }
0x27: {  	s1 =	sld [smem:$0x3F75]  }
0x28: {  	s2 =	sld [smem:$0x3F76]  }
0x29: {  	s4 =	sld [smem:$0x3F78]  }
0x2a: {  	p0 =	seq.s32 s5, $0x0;
	s5 =	sld [smem:$0x3F79]  }
0x2b: {  	s6 =	sld [smem:$0x3F7A]  }
0x2c: {  	s7 =	sld [smem:$0x3F7B]  }
0x2d: {  	s3 =	simm.s32 $0x108;
	s8 =	sld [smem:$0x3F7C]  }
0x2e: {  	s3 =	simm.s32 @!p0 $0x1082;
	s9 =	sld [smem:$0x3F7D]  }
0x2f: {  	lr =	sadd.s32 s0, s3;
	s0 =	sld [smem:$0x3F74]  }
0x30: {  	s3 =	sld [smem:$0x3F77]  }
0x31: {  	[smem:$0x3F80] =	sst s10  }
0x32: {  	s10 =	sld [smem:$0x3F7E];
	_ =	sdelay $0x3  }
0x33: {  	p0 =	seq.s32 s10, $0x1;
	s10 =	sld [smem:$0x3F80];
	_ =	sdelay $0x3  }
0x34: {  	[smem:$0x3F80] =	sst s10  }
0x35: {  	s10 =	sld [smem:$0x3F7F];
	_ =	sdelay $0x3  }
0x36: {  	p1 =	seq.s32 s10, $0x1;
	s10 =	sld [smem:$0x3F80];
	_ =	sdelay $0x3  }
0x37: {  	[smem:$0x3F80] =	sst s10  }
0x38: {  	s10 =	sld [smem:$0x3F81]  }
0x39: {  	_ = 	snop;
	(pc) =	sbr.ind lr, $3  }
0x3a: {  	_ = 	snop  }
0x3b: {  	_ = 	snop  }
0x3c: {  	p2 =	seq.s32 s10, $0x1;
	s10 =	sld [smem:$0x3F80]  }
0x3d: {  	_ =	shalt  }
0x3e: {  	_ =	shalt  }
0x3f: {  	_ =	shalt  }
0x40: {  	_ =	shalt  }
0x41: {  	_ =	shalt  }
0x42: {  	_ =	shalt  }
0x43: {  	_ =	shalt  }
0x44: {  	_ =	shalt  }
0x45: {  	_ =	shalt  }
0x46: {  	_ =	shalt  }
0x47: {  	_ =	shalt  }
0x48: {  	_ =	shalt  }
0x49: {  	_ =	shalt  }
0x4a: {  	_ =	shalt  }
0x4b: {  	_ =	shalt  }
0x4c: {  	_ =	shalt  }
0x4d: {  	_ =	shalt  }
0x4e: {  	_ =	shalt  }
0x4f: {  	_ =	shalt  }
0x50: {  	_ =	shalt  }
0x51: {  	_ =	shalt  }
0x52: {  	_ =	shalt  }
0x53: {  	_ =	shalt  }
0x54: {  	_ =	shalt  }
0x55: {  	_ =	shalt  }
0x56: {  	_ =	shalt  }
0x57: {  	_ =	shalt  }
0x58: {  	_ =	shalt  }
0x59: {  	_ =	shalt  }
0x5a: {  	_ =	shalt  }
0x5b: {  	_ =	shalt  }
0x5c: {  	_ =	shalt  }
0x5d: {  	_ =	shalt  }
0x5e: {  	_ =	shalt  }
0x5f: {  	_ =	shalt  }
0x60: {  	_ =	shalt  }
0x61: {  	_ =	shalt  }
0x62: {  	_ =	shalt  }
0x63: {  	_ =	shalt  }
0x64: {  	_ =	shalt  }
0x65: {  	_ =	shalt  }
0x66: {  	_ =	shalt  }
0x67: {  	_ =	shalt  }
0x68: {  	_ =	shalt  }
0x69: {  	_ =	shalt  }
0x6a: {  	_ =	shalt  }
0x6b: {  	_ =	shalt  }
0x6c: {  	_ =	shalt  }
0x6d: {  	_ =	shalt  }
0x6e: {  	_ =	shalt  }
0x6f: {  	_ =	shalt  }
0x70: {  	_ =	shalt  }
0x71: {  	_ =	shalt  }
0x72: {  	_ =	shalt  }
0x73: {  	_ =	shalt  }
0x74: {  	_ =	shalt  }
0x75: {  	_ =	shalt  }
0x76: {  	_ =	shalt  }
0x77: {  	_ =	shalt  }
0x78: {  	_ =	shalt  }
0x79: {  	_ =	shalt  }
0x7a: {  	_ =	shalt  }
0x7b: {  	_ =	shalt  }
0x7c: {  	_ =	shalt  }
0x7d: {  	_ =	shalt  }
0x7e: {  	_ =	shalt  }
0x7f: {  	_ =	shalt  }
0x80: {  	_ =	shalt  }
0x81: {  	_ =	shalt  }
0x82: {  	_ =	shalt  }
0x83: {  	_ =	shalt  }
0x84: {  	_ =	shalt  }
0x85: {  	_ =	shalt  }
0x86: {  	_ =	shalt  }
0x87: {  	_ =	shalt  }
.Lfunc_end0:
.L_simem_size_0:
called_computation.4_lowered:
.L_overlay_start_0:
0x88: {  	s2 =	sld [smem:$0x3FD9]  }
0x89: {  	s3 =	sld [smem:$0x3FFE];
	_ =	sdelay $0x1  }
0x8a: {  	s1 =	srdreg.scid  }
0x8b: {  	s0 =	sand.u32 $0x1, s1  }
0x8c: {  	s16 =	sshll.u32 s0, $0xA;
	s2 =	sadd.s32 s3, s2  }
0x8d: {  	s2 =	sadd.s32 s2, s16  }
0x8e: {  	[smem:$0x3F8C] =	sst s2  }
0x8f: {  	_ = 	snop  }
0x90: {  	(tm) =	ssettm $0x1  }
0x91: {  	s17 =	sld [smem:$0x3FFB];
	_ =	sdelay $0x3  }
0x92: {  	_ =	strace s17  }
0x93: {  	s2 =	sld [smem:$0x3FFC];
	_ =	sdelay $0x3  }
0x94: {  	_ =	strace s2  }
0x95: {  	s2 =	sld [smem:$0x3FFD];
	_ =	sdelay $0x3  }
0x96: {  	_ =	strace s2  }
0x97: {  	_ =	strace $0x8FFFFFFF  }
0x98: {  	s18 =	sld [smem:$0x3FDB];
	_ =	sdelay $0x1  }
0x99: {  	s19 =	simm.s32 $_scs_section_size  }
0x9a: {  	s4 =	simm.s32 $_size__tile_overlayer_lowered;
	s5 =	simm.s32 $_tile_overlayer_lowered  }
0x9b: {  	s22 =	simm.s32 $0x1BFF;
	s21 =	sshll.u32 s5, $0x1;
	s2 =	sadd.s32 s19, s18  }
0x9c: {  	s6 =	simm.s32 $0x0;
	s20 =	sshll.u32 s4, $0x1;
	s4 =	sadd.s32 s21, s2  }
0x9d: {  	[timem:s6], [sflag:s22] =	dma.local [hbm:s4], s20  }
0x9e: {  	_ =	swait.ge [sflag:s22], s20  }
0x9f: {  	s3 =	ssub.s32 $0x0, s20;
	[sflag:s22] =	ssyncset.done $0x0  }
0xa0: {  	[sflag:s22] =	ssyncadd.s32 s3;
	_ =	sdelay $0x1  }
0xa1: {  	s23 =	simm.s32 $0x1B8B  }
0xa2: {  	_ =	swait.ge [sflag:s23], $0x1  }
0xa3: {  	[sflag:s23] =	ssyncset.done $0x0  }
0xa4: {  	s25 =	simm.s32 $0x1B8E;
	s24 =	sld [smem:$0x3FFE];
	[sflag:s23] =	ssyncadd.s32 $0xFFFFFFFF  }
0xa5: {  	s26 =	simm.s32 $execute0_lowered;
	[smem:$0x3FD2] =	sst s25  }
0xa6: {  	s4 =	sshll.u32 s26, $0x1;
	_ =	strace $0x80000052;
	[dreg:$0x1] =	wrdreg $0xFFFFFFFF  }
0xa7: {  	s28 =	simm.s32 $_size_execute0_lowered;
	s2 =	sadd.s32 s2, s4;
	[dreg:$0x0] =	wrdreg $0x0  }
0xa8: {  	s4 =	sshll.u32 s28, $0x1;
	[dreg:$0x2] =	wrdreg s2  }
0xa9: {  	[dreg:$0x3] =	wrdreg s4  }
0xaa: {  	[dreg:$0x4] =	wrdreg $0xC0  }
0xab: {  	_ =	task [dreg:s6], $0x5FFFF  }
0xac: {  	[dreg:$0x1] =	wrdreg $0xFFFFFFFF  }
0xad: {  	[dreg:$0x0] =	wrdreg $0x60  }
0xae: {  	[dreg:$0x2] =	wrdreg s24  }
0xaf: {  	[dreg:$0x3] =	wrdreg $0x9  }
0xb0: {  	_ =	task.clear_ibuf [dreg:s6], $0x4FFFF;
	_ =	strace $0x90000052  }
0xb1: {  	s29 =	simm.s32 $0x9;
	_ =	strace $0x80000054  }
0xb2: {  	_ =	swait.ge [sflag:s29], $0x1  }
0xb3: {  	[sflag:s29] =	ssyncadd.s32 $0xFFFFFFFF  }
0xb4: {  	_ =	strace $0x90000054  }
0xb5: {  	_ =	sfence  }
0xb6: {  	s30 =	sld [smem:$0x0];
	_ =	sdelay $0x2  }
0xb7: {  	s31 =	sshll.u32 s1, $0xD;
	s1 =	sshrl.u32 s1, $0x2  }
0xb8: {  	s3 =	sand.u32 $0x4000, s31;
	s1 =	sadd.s32 s1, s30  }
0xb9: {  	s0 =	sor.u32 s3, s0;
	s1 =	sshll.u32 s1, $0x11  }
0xba: {  	s0 =	sor.u32 s1, s0  }
0xbb: {  	s0 =	sadd.s32 $0x8F2B, s0  }
0xbc: {  	[sflag:s0] =	ssyncadd.remote.s32 $0x1  }
0xbd: {  	_ =	sfence.sel $0xFFFF  }
0xbe: {  	[dreg:$0x0] =	wrdreg $0xFFFFFFFF;
	(pc) =	sbr.abs _section_cstart, $3  }
0xbf: {  	[dreg:$0x1] =	wrdreg $0xFFFFFFFF  }
0xc0: {  	_ =	task.clear_ibuf [dreg:s6], $0x2FFFF;
	_ =	strace $0x9FFFFFFF  }
0xc1: {  	(tm) =	ssettm $0x7FFFFFFF  }
tec
execute0_lowered:
.L_overlay_start_1:
0x0: {  	(tag) =	ssettag $0x1  }
0x1: {  	s6 =	rddreg [dreg:$0x0]  }
0x2: {  	s2 =	simm.s32 $0x0;
	s3 =	srdreg.scid;
	s0 =	stileid.u32  }
0x3: {  	s16 =	simm.s32 $0x1;
	s17 =	simm.s32 $0x4;
	s18 =	simm.s32 $0x0  }
0x4: {  	[smem:$0x7FF] =	sst s2;
	s9 =	sand.u32 $0x1, s3;
	s28 =	sshll.u32 s0, $0x1  }
0x5: {  	s3 =	sadd.s32 $0x65200, s6;
	s4 =	sadd.s32 $0x73000, s6;
	s10 =	smul.u32 $0x9E000, s0  }
0x6: {  	s11 =	sadd.s32 $0x1C2C00, s6;
	s14 =	sadd.s32 $0x86C00, s6;
	s29 =	smul.u32 $0x4F00, s0  }
0x7: {  	_ =	strace $0x80000053;
	s8 =	ssub.s32 $0x2, s9;
	s13 =	smul.u32 $0x4F000, s9  }
0x8: {  	s5 =	sor.u32 s9, s28;
	s9 =	smul.u32 $0x2780, s9;
	s12 =	sshrl.u32 s8, $0x1  }
0x9: {  	s7 =	smul.u32 $0x2780, s5;
	s5 =	sadd.s32 $0xBC00, s6;
	s8 =	ssub.s32 s8, s12  }
0xa: {  	s10 =	sadd.s32 s13, s10;
	s9 =	sadd.s32 s9, s29;
	s12 =	simm.s32 $0x3  }
0xb: {  	s7 =	sshrl.u32 s7, $0x3;
	s8 =	smax.u32 s8, $0x1;
	s13 =	sshrl.u32 s10, $0x3  }
0xc: {  	s10 =	sadd.s32 $0x1000, s10;
	s31 =	sadd.s32 $0x80, s9;
	s1 =	sadd.s32 s4, s7  }
0xd: {  	s9 =	sadd.s32 $0x100, s9;
	s15 =	sadd.s32 s13, s14;
	[dreg:$0x6] =	wrdreg s1  }
0xe: {  	s13 =	sadd.s32 s13, s11;
	s10 =	sshrl.u32 s10, $0x3;
	[dreg:$0x3] =	wrdreg s15  }
0xf: {  	s7 =	sadd.s32 s5, s7;
	[dreg:$0x2] =	wrdreg s13;
	s30 =	sadd.s32 s10, s14  }
0x10: {  	s10 =	sadd.s32 s10, s11;
	s11 =	sshrl.u32 s31, $0x3;
	s13 =	simm.s32 $0x80  }
0x11: {  	s14 =	simm.s32 $0x200;
	s15 =	simm.s32 $0x1200;
	[dreg:$0x5] =	wrdreg s30  }
0x12: {  	[dreg:$0x4] =	wrdreg s10;
	s10 =	sadd.s32 s11, s5;
	s11 =	sadd.s32 s11, s4  }
.LBB2_1:
0x13: {  	s0 =	rddreg [dreg:$0x6]  }
0x14: {  	[tilespmem:s2], [sflag:$0x3] =	stream.linear.gather [hbm4b:s0+s2], $0x80, $0x38;
	[tilespmem:$0x4200] =	vst v63  }
0x15: {  	_ =	swait.ge [sflag:s12], $0x80  }
0x16: {  	[sflag:s12] =	ssyncset.done $0x0  }
0x17: {  	[sflag:s12] =	ssyncadd.s32 $0xFFFFFF80  }
0x18: {  	[tilespmem:s13], [sflag:$0x3] =	stream.linear.gather [hbm4b:s7+s2], $0x80, $0x38;
	[tilespmem:$0x4200] =	vst v63  }
0x19: {  	_ =	swait.ge [sflag:s12], $0x80  }
0x1a: {  	[sflag:s12] =	ssyncset.done $0x0  }
0x1b: {  	[sflag:s12] =	ssyncadd.s32 $0xFFFFFF80  }
0x1c: {  	[tilespmem:s14], [sflag:$0x1] =	stream.indirect.gather [hbm4b:s3+s13], $0x20, s2, s13, $0xb8;
	[tilespmem:$0x4200] =	vst v63  }
0x1d: {  	p0 =	por $0x0, $0x0  }
0x1e: {  	[tilespmem:s15], [sflag:$0x1] =	stream.indirect.gather [hbm4b:s3+s13], $0x20, s13, s13, $0xb8;
	[tilespmem:$0x4200] =	vst v63  }
0x1f: {  	s20 =	simm.s32 @!p0 $0x0;
	s19 =	simm.s32 @!p0 $0x100;
	s21 =	simm.s32 @!p0 $0x4  }
0x20: {  	[tilespmem:s19], [sflag:$0x4] =	stream.linear.gather @!p0 [hbm4b:s11+s20], $0x80, $0x38;
	[tilespmem:$0x4200] =	vst v63  }
0x21: {  	_ =	swait.ge @!p0 [sflag:s21], $0x80;
	p0 =	por p0, p0  }
0x22: {  	[sflag:s21] =	ssyncset.done @!p0 $0x0  }
0x23: {  	s22 =	simm.s32 @!p0 $0x180;
	[sflag:s21] =	ssyncadd.s32 @!p0 $0xFFFFFF80  }
0x24: {  	[tilespmem:s22], [sflag:$0x4] =	stream.linear.gather @!p0 [hbm4b:s10+s20], $0x80, $0x38;
	[tilespmem:$0x4200] =	vst v63  }
0x25: {  	_ =	swait.ge @!p0 [sflag:s21], $0x80  }
0x26: {  	[sflag:s21] =	ssyncset.done @!p0 $0x0  }
0x27: {  	s23 =	simm.s32 @!p0 $0x80;
	s24 =	simm.s32 @!p0 $0x2200;
	[sflag:s21] =	ssyncadd.s32 @!p0 $0xFFFFFF80  }
0x28: {  	[tilespmem:s24], [sflag:$0x2] =	stream.indirect.gather @!p0 [hbm4b:s3+s23], $0x20, s19, s23, $0xb8;
	[tilespmem:$0x4200] =	vst v63  }
0x29: {  	s25 =	simm.s32 @!p0 $0x3200  }
0x2a: {  	[tilespmem:s25], [sflag:$0x2] =	stream.indirect.gather @!p0 [hbm4b:s3+s23], $0x20, s22, s23, $0xb8;
	[tilespmem:$0x4200] =	vst v63  }
0x2b: {  	_ =	swait.ge [sflag:s16], $0x1000  }
0x2c: {  	[sflag:s16] =	ssyncset.done $0x0  }
0x2d: {  	[sflag:s16] =	ssyncadd.s32 $0xFFFFF000  }
0x2e: {  	_ =	swait.ge [sflag:s16], $0x1000  }
0x2f: {  	s29 =	rddreg [dreg:$0x2];
	[sflag:s16] =	ssyncset.done $0x0  }
0x30: {  	[sflag:s16] =	ssyncadd.s32 $0xFFFFF000;
	s19 =	sadd.s32 $0x0, s29  }
0x31: {  	[hbm4b:s19+s2] =	stream.linear.scatter [tilespmem:s14], [sflag:$0x4], $0x1000, $0x38;
	[tilespmem:$0x4200] =	vst v63  }
0x32: {  	_ =	swait.ge [sflag:s17], $0x1000  }
0x33: {  	s31 =	rddreg [dreg:$0x3];
	[sflag:s17] =	ssyncset.done $0x0  }
0x34: {  	[sflag:s17] =	ssyncadd.s32 $0xFFFFF000;
	s19 =	sadd.s32 $0x0, s31  }
0x35: {  	[hbm4b:s19+s2] =	stream.linear.scatter [tilespmem:s15], [sflag:$0x4], $0x1000, $0x38;
	[tilespmem:$0x4200] =	vst v63  }
0x36: {  	p1 =	por $0x0, $0x0;
	_ =	swait.ge [sflag:s17], $0x1000  }
0x37: {  	s26 =	simm.s32 @!p1 $0x4;
	s19 =	sshrl.u32 @!p1 s9, $0x3;
	[sflag:s17] =	ssyncset.done $0x0  }
0x38: {  	s23 =	simm.s32 @!p1 $0x0;
	s22 =	sadd.s32 @!p1 s4, s19;
	[sflag:s17] =	ssyncadd.s32 $0xFFFFF000  }
0x39: {  	[tilespmem:s23], [sflag:$0x4] =	stream.linear.gather @!p1 [hbm4b:s22+s23], $0x80, $0x38;
	[tilespmem:$0x4200] =	vst v63  }
0x3a: {  	_ =	swait.ge @!p1 [sflag:s26], $0x80  }
0x3b: {  	[sflag:s26] =	ssyncset.done @!p1 $0x0  }
0x3c: {  	s19 =	sadd.s32 @!p1 s5, s19;
	s22 =	simm.s32 @!p1 $0x80;
	[sflag:s26] =	ssyncadd.s32 @!p1 $0xFFFFFF80  }
0x3d: {  	[tilespmem:s22], [sflag:$0x4] =	stream.linear.gather @!p1 [hbm4b:s19+s23], $0x80, $0x38;
	[tilespmem:$0x4200] =	vst v63  }
0x3e: {  	_ =	swait.ge @!p1 [sflag:s26], $0x80  }
0x3f: {  	[sflag:s26] =	ssyncset.done @!p1 $0x0  }
0x40: {  	s19 =	simm.s32 @!p1 $0x200;
	[sflag:s26] =	ssyncadd.s32 @!p1 $0xFFFFFF80  }
0x41: {  	[tilespmem:s19], [sflag:$0x1] =	stream.indirect.gather @!p1 [hbm4b:s3+s22], $0x20, s23, s22, $0xb8;
	[tilespmem:$0x4200] =	vst v63  }
0x42: {  	s19 =	simm.s32 @!p1 $0x1200;
	s23 =	simm.s32 @!p0 $0x2  }
0x43: {  	[tilespmem:s19], [sflag:$0x1] =	stream.indirect.gather @!p1 [hbm4b:s3+s22], $0x20, s22, s22, $0xb8;
	[tilespmem:$0x4200] =	vst v63  }
0x44: {  	_ =	swait.ge @!p0 [sflag:s23], $0x1000  }
0x45: {  	[sflag:s23] =	ssyncset.done @!p0 $0x0  }
0x46: {  	[sflag:s23] =	ssyncadd.s32 @!p0 $0xFFFFF000  }
0x47: {  	_ =	swait.ge @!p0 [sflag:s23], $0x1000  }
0x48: {  	p2 =	por $0x0, $0x0;
	s19 =	rddreg [dreg:$0x4];
	[sflag:s23] =	ssyncset.done @!p0 $0x0  }
0x49: {  	s30 =	simm.s32 @!p0 $0x3;
	[sflag:s23] =	ssyncadd.s32 @!p0 $0xFFFFF000;
	s19 =	sadd.s32 @!p0 $0x0, s19  }
0x4a: {  	[hbm4b:s19+s20] =	stream.linear.scatter @!p0 [tilespmem:s24], [sflag:$0x4], $0x1000, $0x38;
	[tilespmem:$0x4200] =	vst v63  }
0x4b: {  	s23 =	simm.s32 $0x800;
	s19 =	simm.s32 $0x400;
	_ =	swait.ge @!p0 [sflag:s21], $0x1000  }
0x4c: {  	s24 =	simm.s32 $0x3;
	s22 =	rddreg [dreg:$0x5];
	[sflag:s21] =	ssyncset.done @!p0 $0x0  }
0x4d: {  	[sflag:s21] =	ssyncadd.s32 @!p0 $0xFFFFF000;
	s21 =	sadd.s32 $0x20, s10;
	s22 =	sadd.s32 @!p0 $0x0, s22  }
0x4e: {  	[hbm4b:s22+s20] =	stream.linear.scatter @!p0 [tilespmem:s25], [sflag:$0x3], $0x1000, $0x38;
	[tilespmem:$0x4200] =	vst v63  }
0x4f: {  	s22 =	sadd.s32 $0x20, s11;
	s20 =	sadd.s32 $0x100, s9;
	_ =	swait.ge @!p0 [sflag:s30], $0x1000  }
.LBB2_2:
0x50: {  	s25 =	simm.s32 @!p2 $0x0;
	[sflag:s30] =	ssyncset.done @!p0 $0x0  }
0x51: {  	s31 =	simm.s32 @!p2 $0x100;
	s28 =	simm.s32 @!p2 $0x4;
	[sflag:s30] =	ssyncadd.s32 @!p0 $0xFFFFF000  }
0x52: {  	[tilespmem:s31], [sflag:$0x4] =	stream.linear.gather @!p2 [hbm4b:s22+s25], $0x80, $0x38;
	[tilespmem:$0x4200] =	vst v63  }
0x53: {  	p0 =	por p2, p2;
	_ =	swait.ge @!p2 [sflag:s28], $0x80  }
0x54: {  	[sflag:s28] =	ssyncset.done @!p0 $0x0  }
0x55: {  	s0 =	simm.s32 @!p0 $0x180;
	[sflag:s28] =	ssyncadd.s32 @!p0 $0xFFFFFF80  }
0x56: {  	[tilespmem:s0], [sflag:$0x4] =	stream.linear.gather @!p0 [hbm4b:s21+s25], $0x80, $0x38;
	[tilespmem:$0x4200] =	vst v63  }
0x57: {  	_ =	swait.ge @!p0 [sflag:s28], $0x80  }
0x58: {  	[sflag:s28] =	ssyncset.done @!p0 $0x0  }
0x59: {  	s1 =	simm.s32 @!p0 $0x80;
	s30 =	simm.s32 @!p0 $0x2200;
	[sflag:s28] =	ssyncadd.s32 @!p0 $0xFFFFFF80  }
0x5a: {  	[tilespmem:s30], [sflag:$0x2] =	stream.indirect.gather @!p0 [hbm4b:s3+s1], $0x20, s31, s1, $0xb8;
	[tilespmem:$0x4200] =	vst v63  }
0x5b: {  	s29 =	simm.s32 @!p0 $0x3200  }
0x5c: {  	[tilespmem:s29], [sflag:$0x2] =	stream.indirect.gather @!p0 [hbm4b:s3+s1], $0x20, s0, s1, $0xb8;
	[tilespmem:$0x4200] =	vst v63  }
0x5d: {  	_ =	swait.ge [sflag:s16], $0x1000  }
0x5e: {  	[sflag:s16] =	ssyncset.done $0x0  }
0x5f: {  	[sflag:s16] =	ssyncadd.s32 $0xFFFFF000  }
0x60: {  	_ =	swait.ge [sflag:s16], $0x1000  }
0x61: {  	s26 =	smov.u32 s19;
	s6 =	rddreg [dreg:$0x2];
	[sflag:s16] =	ssyncset.done $0x0  }
0x62: {  	[sflag:s16] =	ssyncadd.s32 $0xFFFFF000;
	s0 =	sadd.s32 s26, s6  }
0x63: {  	[hbm4b:s0+s2] =	stream.linear.scatter [tilespmem:s14], [sflag:$0x4], $0x1000, $0x38;
	[tilespmem:$0x4200] =	vst v63  }
0x64: {  	_ =	swait.ge [sflag:s17], $0x1000  }
0x65: {  	s31 =	rddreg [dreg:$0x3];
	[sflag:s17] =	ssyncset.done $0x0  }
0x66: {  	[sflag:s17] =	ssyncadd.s32 $0xFFFFF000;
	s0 =	sadd.s32 s26, s31  }
0x67: {  	[hbm4b:s0+s2] =	stream.linear.scatter [tilespmem:s15], [sflag:$0x4], $0x1000, $0x38;
	[tilespmem:$0x4200] =	vst v63  }
0x68: {  	p2 =	seq.s32 s26, $0x9C00;
	_ =	swait.ge [sflag:s17], $0x1000  }
0x69: {  	s6 =	simm.s32 @!p2 $0x4;
	s0 =	sshrl.u32 @!p2 s20, $0x3;
	[sflag:s17] =	ssyncset.done $0x0  }
0x6a: {  	s31 =	simm.s32 @!p2 $0x0;
	s1 =	sadd.s32 @!p2 s4, s0;
	[sflag:s17] =	ssyncadd.s32 $0xFFFFF000  }
0x6b: {  	[tilespmem:s31], [sflag:$0x4] =	stream.linear.gather @!p2 [hbm4b:s1+s31], $0x80, $0x38;
	[tilespmem:$0x4200] =	vst v63  }
0x6c: {  	_ =	swait.ge @!p2 [sflag:s6], $0x80  }
0x6d: {  	[sflag:s6] =	ssyncset.done @!p2 $0x0  }
0x6e: {  	s0 =	sadd.s32 @!p2 s5, s0;
	s1 =	simm.s32 @!p2 $0x80;
	[sflag:s6] =	ssyncadd.s32 @!p2 $0xFFFFFF80  }
0x6f: {  	[tilespmem:s1], [sflag:$0x4] =	stream.linear.gather @!p2 [hbm4b:s0+s31], $0x80, $0x38;
	[tilespmem:$0x4200] =	vst v63  }
0x70: {  	_ =	swait.ge @!p2 [sflag:s6], $0x80  }
0x71: {  	[sflag:s6] =	ssyncset.done @!p2 $0x0  }
0x72: {  	s0 =	simm.s32 @!p2 $0x200;
	[sflag:s6] =	ssyncadd.s32 @!p2 $0xFFFFFF80  }
0x73: {  	[tilespmem:s0], [sflag:$0x1] =	stream.indirect.gather @!p2 [hbm4b:s3+s1], $0x20, s31, s1, $0xb8;
	[tilespmem:$0x4200] =	vst v63  }
0x74: {  	s6 =	simm.s32 @!p2 $0x1200;
	s0 =	simm.s32 @!p0 $0x2  }
0x75: {  	[tilespmem:s6], [sflag:$0x1] =	stream.indirect.gather @!p2 [hbm4b:s3+s1], $0x20, s1, s1, $0xb8;
	[tilespmem:$0x4200] =	vst v63  }
0x76: {  	_ =	swait.ge @!p0 [sflag:s0], $0x1000  }
0x77: {  	[sflag:s0] =	ssyncset.done @!p0 $0x0  }
0x78: {  	[sflag:s0] =	ssyncadd.s32 @!p0 $0xFFFFF000  }
0x79: {  	s19 =	smov.u32 s23;
	s23 =	sadd.s32 $0x400, s23;
	_ =	swait.ge @!p0 [sflag:s0], $0x1000  }
0x7a: {  	s24 =	sadd.s32 $0x2, s24;
	[sflag:s0] =	ssyncset.done @!p0 $0x0;
	s1 =	rddreg [dreg:$0x4]  }
0x7b: {  	p1 =	sne.s32 s23, $0xA000;
	[sflag:s0] =	ssyncadd.s32 @!p0 $0xFFFFF000;
	s0 =	sadd.s32 @!p0 s26, s1  }
0x7c: {  	[hbm4b:s0+s25] =	stream.linear.scatter @!p0 [tilespmem:s30], [sflag:$0x4], $0x1000, $0x38;
	[tilespmem:$0x4200] =	vst v63  }
.Ltmp0:
0x7d: {  	s22 =	sadd.s32 $0x20, s22;
	_ =	swait.ge @!p0 [sflag:s28], $0x1000;
	(pc) =	sbr.rel @p1 .LBB2_2-.Ltmp0, $4  }
0x7e: {  	s21 =	sadd.s32 $0x20, s21;
	[sflag:s28] =	ssyncset.done @!p0 $0x0;
	s0 =	rddreg [dreg:$0x5]  }
0x7f: {  	s30 =	simm.s32 @!p0 $0x3;
	[sflag:s28] =	ssyncadd.s32 @!p0 $0xFFFFF000;
	s0 =	sadd.s32 @!p0 s26, s0  }
0x80: {  	[hbm4b:s0+s25] =	stream.linear.scatter @!p0 [tilespmem:s29], [sflag:$0x3], $0x1000, $0x38;
	[tilespmem:$0x4200] =	vst v63  }
0x81: {  	s20 =	sadd.s32 $0x100, s20;
	p2 =	sgt.u32 s24, $0x4E;
	_ =	swait.ge @!p0 [sflag:s30], $0x1000  }
0x82: {  	s23 =	simm.s32 @!p2 $0x0;
	[sflag:s30] =	ssyncset.done @!p0 $0x0  }
0x83: {  	s0 =	simm.s32 @!p2 $0x100;
	s24 =	simm.s32 @!p2 $0x4;
	[sflag:s30] =	ssyncadd.s32 @!p0 $0xFFFFF000  }
0x84: {  	[tilespmem:s0], [sflag:$0x4] =	stream.linear.gather @!p2 [hbm4b:s22+s23], $0x80, $0x38;
	[tilespmem:$0x4200] =	vst v63  }
0x85: {  	p0 =	por p2, p2;
	_ =	swait.ge @!p2 [sflag:s24], $0x80  }
0x86: {  	[sflag:s24] =	ssyncset.done @!p0 $0x0  }
0x87: {  	s1 =	simm.s32 @!p0 $0x180;
	[sflag:s24] =	ssyncadd.s32 @!p0 $0xFFFFFF80  }
0x88: {  	[tilespmem:s1], [sflag:$0x4] =	stream.linear.gather @!p0 [hbm4b:s21+s23], $0x80, $0x38;
	[tilespmem:$0x4200] =	vst v63  }
0x89: {  	_ =	swait.ge @!p0 [sflag:s24], $0x80  }
0x8a: {  	[sflag:s24] =	ssyncset.done @!p0 $0x0  }
0x8b: {  	s6 =	simm.s32 @!p0 $0x80;
	s21 =	simm.s32 @!p0 $0x2200;
	[sflag:s24] =	ssyncadd.s32 @!p0 $0xFFFFFF80  }
0x8c: {  	[tilespmem:s21], [sflag:$0x2] =	stream.indirect.gather @!p0 [hbm4b:s3+s6], $0x20, s0, s6, $0xb8;
	[tilespmem:$0x4200] =	vst v63  }
0x8d: {  	s0 =	simm.s32 @!p0 $0x3200  }
0x8e: {  	[tilespmem:s0], [sflag:$0x2] =	stream.indirect.gather @!p0 [hbm4b:s3+s6], $0x20, s1, s6, $0xb8;
	[tilespmem:$0x4200] =	vst v63  }
0x8f: {  	_ =	swait.ge [sflag:s16], $0x1000  }
0x90: {  	[sflag:s16] =	ssyncset.done $0x0  }
0x91: {  	[sflag:s16] =	ssyncadd.s32 $0xFFFFF000  }
0x92: {  	_ =	swait.ge [sflag:s16], $0x1000  }
0x93: {  	s30 =	rddreg [dreg:$0x2];
	[sflag:s16] =	ssyncset.done $0x0  }
0x94: {  	[sflag:s16] =	ssyncadd.s32 $0xFFFFF000;
	s1 =	sadd.s32 s19, s30  }
0x95: {  	[hbm4b:s1+s2] =	stream.linear.scatter [tilespmem:s14], [sflag:$0x4], $0x1000, $0x38;
	[tilespmem:$0x4200] =	vst v63  }
0x96: {  	_ =	swait.ge [sflag:s17], $0x1000  }
0x97: {  	s31 =	rddreg [dreg:$0x3];
	[sflag:s17] =	ssyncset.done $0x0  }
0x98: {  	[sflag:s17] =	ssyncadd.s32 $0xFFFFF000;
	s1 =	sadd.s32 s19, s31  }
0x99: {  	[hbm4b:s1+s2] =	stream.linear.scatter [tilespmem:s15], [sflag:$0x4], $0x1000, $0x38;
	[tilespmem:$0x4200] =	vst v63  }
0x9a: {  	p1 =	seq.s32 s19, $0x9C00;
	_ =	swait.ge [sflag:s17], $0x1000  }
0x9b: {  	s22 =	simm.s32 @!p1 $0x4;
	s1 =	sshrl.u32 @!p1 s20, $0x3;
	[sflag:s17] =	ssyncset.done $0x0  }
0x9c: {  	s20 =	simm.s32 @!p1 $0x0;
	s6 =	sadd.s32 @!p1 s4, s1;
	[sflag:s17] =	ssyncadd.s32 $0xFFFFF000  }
0x9d: {  	[tilespmem:s20], [sflag:$0x4] =	stream.linear.gather @!p1 [hbm4b:s6+s20], $0x80, $0x38;
	[tilespmem:$0x4200] =	vst v63  }
0x9e: {  	_ =	swait.ge @!p1 [sflag:s22], $0x80  }
0x9f: {  	[sflag:s22] =	ssyncset.done @!p1 $0x0  }
0xa0: {  	s1 =	sadd.s32 @!p1 s5, s1;
	s6 =	simm.s32 @!p1 $0x80;
	[sflag:s22] =	ssyncadd.s32 @!p1 $0xFFFFFF80  }
0xa1: {  	[tilespmem:s6], [sflag:$0x4] =	stream.linear.gather @!p1 [hbm4b:s1+s20], $0x80, $0x38;
	[tilespmem:$0x4200] =	vst v63  }
0xa2: {  	_ =	swait.ge @!p1 [sflag:s22], $0x80  }
0xa3: {  	[sflag:s22] =	ssyncset.done @!p1 $0x0  }
0xa4: {  	s1 =	simm.s32 @!p1 $0x200;
	[sflag:s22] =	ssyncadd.s32 @!p1 $0xFFFFFF80  }
0xa5: {  	[tilespmem:s1], [sflag:$0x1] =	stream.indirect.gather @!p1 [hbm4b:s3+s6], $0x20, s20, s6, $0xb8;
	[tilespmem:$0x4200] =	vst v63  }
0xa6: {  	s1 =	simm.s32 @!p1 $0x1200;
	s20 =	simm.s32 @!p0 $0x2  }
0xa7: {  	[tilespmem:s1], [sflag:$0x1] =	stream.indirect.gather @!p1 [hbm4b:s3+s6], $0x20, s6, s6, $0xb8;
	[tilespmem:$0x4200] =	vst v63  }
0xa8: {  	_ =	swait.ge @!p0 [sflag:s20], $0x1000  }
0xa9: {  	[sflag:s20] =	ssyncset.done @!p0 $0x0  }
0xaa: {  	[sflag:s20] =	ssyncadd.s32 @!p0 $0xFFFFF000  }
0xab: {  	_ =	swait.ge @!p0 [sflag:s20], $0x1000  }
0xac: {  	s1 =	rddreg [dreg:$0x4];
	[sflag:s20] =	ssyncset.done @!p0 $0x0  }
0xad: {  	[sflag:s20] =	ssyncadd.s32 @!p0 $0xFFFFF000;
	s1 =	sadd.s32 @!p0 s19, s1  }
0xae: {  	[hbm4b:s1+s23] =	stream.linear.scatter @!p0 [tilespmem:s21], [sflag:$0x4], $0x1000, $0x38;
	[tilespmem:$0x4200] =	vst v63  }
0xaf: {  	s18 =	sadd.s32 $0x1, s18;
	s6 =	simm.s32 @!p0 $0x3;
	_ =	swait.ge @!p0 [sflag:s24], $0x1000  }
0xb0: {  	p1 =	sne.s32 s18, s8;
	s1 =	rddreg [dreg:$0x5];
	[sflag:s24] =	ssyncset.done @!p0 $0x0  }
.Ltmp1:
0xb1: {  	[sflag:s24] =	ssyncadd.s32 @!p0 $0xFFFFF000;
	s1 =	sadd.s32 @!p0 s19, s1;
	(pc) =	sbr.rel @p1 .LBB2_1-.Ltmp1, $4  }
0xb2: {  	[hbm4b:s1+s23] =	stream.linear.scatter @!p0 [tilespmem:s0], [sflag:$0x3], $0x1000, $0x38;
	[tilespmem:$0x4200] =	vst v63  }
0xb3: {  	_ =	swait.ge @!p0 [sflag:s6], $0x1000  }
0xb4: {  	[sflag:s6] =	ssyncset.done @!p0 $0x0  }
0xb5: {  	[sflag:s6] =	ssyncadd.s32 @!p0 $0xFFFFF000  }
0xb6: {  	_ =	sfence.sel $0x180000  }
0xb7: {  	[bflag:$0x0] =	sbarrier.arrive $0xFFFF  }
0xb8: {  	_ =	strace $0x90000053  }
0xb9: {  	s0 =	stileid.u32;
	[bflag:$0x2] =	sbarrier.arrive $0xFFFF  }
0xba: {  	p0 =	sne.s32 s0, $0x0;
	s0 =	rddreg [dreg:$0x1]  }
0xbb: {  	s0 =	sadd.s32 @!p0 $0x100000, s0  }
0xbc: {  	[sflag:s0] =	ssyncadd.tile.s32 @!p0 $0x1;
	_ =	shalt  }
.Lfunc_end2:
_tile_overlayer_lowered:
.L_overlay_start_2:
0xbd: {  	(tag) =	ssettag $0x2  }
0xbe: {  	s0 =	rddreg [dreg:$0x0];
	s2 =	stileid.u32  }
0xbf: {  	s1 =	rddreg [dreg:$0x1];
	p0 =	sne.s32 s2, $0x0  }
0xc0: {  	s3 =	rddreg [dreg:$0x2];
	[bflag:$0x3] =	sbarrier.arrive $0xFFFF;
	s2 =	simm.s32 @!p0 $0x1C03  }
0xc1: {  	[timem:s3], [sflag:s2] =	dma.local @!p0 [hbm:s0], s1  }
0xc2: {  	s0 =	simm.s32 @!p0 $0x3  }
0xc3: {  	_ =	swait.ge @!p0 [sflag:s0], s1  }
0xc4: {  	s1 =	ssub.s32 @!p0 $0x0, s1;
	[sflag:s0] =	ssyncset.done @!p0 $0x0  }
0xc5: {  	[sflag:s0] =	ssyncadd.s32 @!p0 s1  }
0xc6: {  	[bflag:$0x3] =	sbarrier.arrive $0xFFFF  }
0xc7: {  	_ =	shalt  }

// kernel: kernel.25.cloned.1.call-start
scs
__scs_entry_jumppad:
0x0: {  	(pc) =	sbr.rel $0x88, $3  }
0x1: {  	(tag) =	ssettag $0x0;
	lr =	simm.s32 $0x1  }
0x2: {  	[smem:$0x3F65] =	sst lr;
	_ =	strace $0xD0000000  }
0x3: {  	_ = 	snop  }
0x4: {  	_ = 	snop  }
0x5: {  	_ = 	snop  }
0x6: {  	_ = 	snop  }
0x7: {  	_ = 	snop  }
__scs_overlays_trampoline_lowered:
0x8: {  	[smem:$0x3F74] =	sst s0  }
0x9: {  	[smem:$0x3F75] =	sst s1  }
0xa: {  	[smem:$0x3F76] =	sst s2  }
0xb: {  	[smem:$0x3F77] =	sst s3  }
0xc: {  	[smem:$0x3F78] =	sst s4  }
0xd: {  	[smem:$0x3F79] =	sst s5  }
0xe: {  	[smem:$0x3F7A] =	sst s6  }
0xf: {  	[smem:$0x3F7B] =	sst s7  }
0x10: {  	[smem:$0x3F7C] =	sst s8  }
0x11: {  	[smem:$0x3F7D] =	sst s9;
	s0 =	simm.s32 @!p0 $0x0  }
0x12: {  	s1 =	sld [smem:$0x3F63];
	s0 =	simm.s32 @p0 $0x1  }
0x13: {  	[smem:$0x3F7E] =	sst s0;
	s0 =	simm.s32 @!p1 $0x0  }
0x14: {  	s2 =	sld [smem:$0x3F62];
	s0 =	simm.s32 @p1 $0x1  }
0x15: {  	[smem:$0x3F7F] =	sst s0;
	s0 =	simm.s32 @!p2 $0x0  }
0x16: {  	s3 =	sld [smem:$0x3FDB];
	s0 =	simm.s32 @p2 $0x1  }
0x17: {  	s4 =	simm.s32 $0x1BF5;
	[smem:$0x3F81] =	sst s0  }
0x18: {  	s0 =	sld [smem:$0x3F64];
	_ =	swait.ge [sflag:s4], $0x0  }
0x19: {  	s7 =	sld [smem:$0x3F65]  }
0x1a: {  	s8 =	sadd.s32 $0xFFFFE003, lr  }
0x1b: {  	s9 =	sadd.s32 $0xFFFFFEF7, lr;
	s5 =	simm.s32 $0xFFFFFFFF;
	p2 =	slt.u32 s8, $0xFFFFF086  }
0x1c: {  	p1 =	slt.u32 s9, $0xF7A;
	s5 =	simm.s32 @!p2 $0x0  }
0x1d: {  	s5 =	simm.s32 @p1 $0x1;
	p0 =	seq.s32 s7, s2  }
0x1e: {  	s7 =	smul.u32 @!p0 $0xF7A, s2;
	p2 =	seq.s32 @!p0 s5, $0x0  }
0x1f: {  	s9 =	smul.u32 $0xF7A, s1;
	s8 =	simm.s32 @!p0 $0x1BF5;
	p2 =	por !p2, p0  }
0x20: {  	[sflag:s8] =	ssyncset.s32 @!p0 $0xFFFFF086;
	s6 =	sadd.s32 @!p0 s3, s7;
	s7 =	simm.s32 @!p0 $0x108  }
0x21: {  	s3 =	sadd.s32 s3, s9;
	s6 =	sadd.s32 @!p0 $0x88, s6;
	s7 =	simm.s32 @p2 $0x1082  }
0x22: {  	[simem:s7], [sflag:s8] =	dma.local @!p0 [hbm:s6], $0xF7A  }
0x23: {  	s9 =	sor.u32 $0xD0000000, s2;
	s6 =	simm.s32 $0x108;
	_ =	swait.ge @!p0 [sflag:s8], $0x0  }
0x24: {  	s3 =	sadd.s32 $0x88, s3;
	s6 =	simm.s32 @!p1 $0x1082;
	[sflag:s4] =	ssyncset.s32 $0xFFFFF086  }
0x25: {  	[simem:s6], [sflag:s4] =	dma.local [hbm:s3], $0xF7A  }
0x26: {  	[smem:$0x3F65] =	sst s1;
	(tag) =	ssettag s2;
	_ =	strace s9  }
0x27: {  	s1 =	sld [smem:$0x3F75]  }
0x28: {  	s2 =	sld [smem:$0x3F76]  }
0x29: {  	s4 =	sld [smem:$0x3F78]  }
0x2a: {  	p0 =	seq.s32 s5, $0x0;
	s5 =	sld [smem:$0x3F79]  }
0x2b: {  	s6 =	sld [smem:$0x3F7A]  }
0x2c: {  	s7 =	sld [smem:$0x3F7B]  }
0x2d: {  	s3 =	simm.s32 $0x108;
	s8 =	sld [smem:$0x3F7C]  }
0x2e: {  	s3 =	simm.s32 @!p0 $0x1082;
	s9 =	sld [smem:$0x3F7D]  }
0x2f: {  	lr =	sadd.s32 s0, s3;
	s0 =	sld [smem:$0x3F74]  }
0x30: {  	s3 =	sld [smem:$0x3F77]  }
0x31: {  	[smem:$0x3F80] =	sst s10  }
0x32: {  	s10 =	sld [smem:$0x3F7E];
	_ =	sdelay $0x3  }
0x33: {  	p0 =	seq.s32 s10, $0x1;
	s10 =	sld [smem:$0x3F80];
	_ =	sdelay $0x3  }
0x34: {  	[smem:$0x3F80] =	sst s10  }
0x35: {  	s10 =	sld [smem:$0x3F7F];
	_ =	sdelay $0x3  }
0x36: {  	p1 =	seq.s32 s10, $0x1;
	s10 =	sld [smem:$0x3F80];
	_ =	sdelay $0x3  }
0x37: {  	[smem:$0x3F80] =	sst s10  }
0x38: {  	s10 =	sld [smem:$0x3F81]  }
0x39: {  	_ = 	snop;
	(pc) =	sbr.ind lr, $3  }
0x3a: {  	_ = 	snop  }
0x3b: {  	_ = 	snop  }
0x3c: {  	p2 =	seq.s32 s10, $0x1;
	s10 =	sld [smem:$0x3F80]  }
0x3d: {  	_ =	shalt  }
0x3e: {  	_ =	shalt  }
0x3f: {  	_ =	shalt  }
0x40: {  	_ =	shalt  }
0x41: {  	_ =	shalt  }
0x42: {  	_ =	shalt  }
0x43: {  	_ =	shalt  }
0x44: {  	_ =	shalt  }
0x45: {  	_ =	shalt  }
0x46: {  	_ =	shalt  }
0x47: {  	_ =	shalt  }
0x48: {  	_ =	shalt  }
0x49: {  	_ =	shalt  }
0x4a: {  	_ =	shalt  }
0x4b: {  	_ =	shalt  }
0x4c: {  	_ =	shalt  }
0x4d: {  	_ =	shalt  }
0x4e: {  	_ =	shalt  }
0x4f: {  	_ =	shalt  }
0x50: {  	_ =	shalt  }
0x51: {  	_ =	shalt  }
0x52: {  	_ =	shalt  }
0x53: {  	_ =	shalt  }
0x54: {  	_ =	shalt  }
0x55: {  	_ =	shalt  }
0x56: {  	_ =	shalt  }
0x57: {  	_ =	shalt  }
0x58: {  	_ =	shalt  }
0x59: {  	_ =	shalt  }
0x5a: {  	_ =	shalt  }
0x5b: {  	_ =	shalt  }
0x5c: {  	_ =	shalt  }
0x5d: {  	_ =	shalt  }
0x5e: {  	_ =	shalt  }
0x5f: {  	_ =	shalt  }
0x60: {  	_ =	shalt  }
0x61: {  	_ =	shalt  }
0x62: {  	_ =	shalt  }
0x63: {  	_ =	shalt  }
0x64: {  	_ =	shalt  }
0x65: {  	_ =	shalt  }
0x66: {  	_ =	shalt  }
0x67: {  	_ =	shalt  }
0x68: {  	_ =	shalt  }
0x69: {  	_ =	shalt  }
0x6a: {  	_ =	shalt  }
0x6b: {  	_ =	shalt  }
0x6c: {  	_ =	shalt  }
0x6d: {  	_ =	shalt  }
0x6e: {  	_ =	shalt  }
0x6f: {  	_ =	shalt  }
0x70: {  	_ =	shalt  }
0x71: {  	_ =	shalt  }
0x72: {  	_ =	shalt  }
0x73: {  	_ =	shalt  }
0x74: {  	_ =	shalt  }
0x75: {  	_ =	shalt  }
0x76: {  	_ =	shalt  }
0x77: {  	_ =	shalt  }
0x78: {  	_ =	shalt  }
0x79: {  	_ =	shalt  }
0x7a: {  	_ =	shalt  }
0x7b: {  	_ =	shalt  }
0x7c: {  	_ =	shalt  }
0x7d: {  	_ =	shalt  }
0x7e: {  	_ =	shalt  }
0x7f: {  	_ =	shalt  }
0x80: {  	_ =	shalt  }
0x81: {  	_ =	shalt  }
0x82: {  	_ =	shalt  }
0x83: {  	_ =	shalt  }
0x84: {  	_ =	shalt  }
0x85: {  	_ =	shalt  }
0x86: {  	_ =	shalt  }
0x87: {  	_ =	shalt  }
.Lfunc_end0:
.L_simem_size_0:
called_computation.5_lowered:
.L_overlay_start_0:
0x88: {  	s2 =	sld [smem:$0x3FD9]  }
0x89: {  	s3 =	sld [smem:$0x3FFE];
	_ =	sdelay $0x1  }
0x8a: {  	s1 =	srdreg.scid  }
0x8b: {  	s0 =	sand.u32 $0x1, s1  }
0x8c: {  	s16 =	sshll.u32 s0, $0xA;
	s2 =	sadd.s32 s3, s2  }
0x8d: {  	s2 =	sadd.s32 s2, s16  }
0x8e: {  	[smem:$0x3F8C] =	sst s2  }
0x8f: {  	_ = 	snop  }
0x90: {  	(tm) =	ssettm $0x1  }
0x91: {  	s17 =	sld [smem:$0x3FFB];
	_ =	sdelay $0x3  }
0x92: {  	_ =	strace s17  }
0x93: {  	s2 =	sld [smem:$0x3FFC];
	_ =	sdelay $0x3  }
0x94: {  	_ =	strace s2  }
0x95: {  	s2 =	sld [smem:$0x3FFD];
	_ =	sdelay $0x3  }
0x96: {  	_ =	strace s2  }
0x97: {  	_ =	strace $0x8FFFFFFF  }
0x98: {  	s18 =	sld [smem:$0x3FDB];
	_ =	sdelay $0x1  }
0x99: {  	s19 =	simm.s32 $_scs_section_size  }
0x9a: {  	s4 =	simm.s32 $_size__tile_overlayer_lowered;
	s5 =	simm.s32 $_tile_overlayer_lowered  }
0x9b: {  	s22 =	simm.s32 $0x1BFF;
	s21 =	sshll.u32 s5, $0x1;
	s2 =	sadd.s32 s19, s18  }
0x9c: {  	s6 =	simm.s32 $0x0;
	s20 =	sshll.u32 s4, $0x1;
	s4 =	sadd.s32 s21, s2  }
0x9d: {  	[timem:s6], [sflag:s22] =	dma.local [hbm:s4], s20  }
0x9e: {  	_ =	swait.ge [sflag:s22], s20  }
0x9f: {  	s3 =	ssub.s32 $0x0, s20;
	[sflag:s22] =	ssyncset.done $0x0  }
0xa0: {  	[sflag:s22] =	ssyncadd.s32 s3;
	_ =	sdelay $0x1  }
0xa1: {  	s23 =	simm.s32 $0x1B8B  }
0xa2: {  	_ =	swait.ge [sflag:s23], $0x1  }
0xa3: {  	[sflag:s23] =	ssyncset.done $0x0  }
0xa4: {  	s25 =	simm.s32 $0x1B8E;
	s24 =	sld [smem:$0x3FFE];
	[sflag:s23] =	ssyncadd.s32 $0xFFFFFFFF  }
0xa5: {  	s26 =	simm.s32 $execute0_lowered;
	[smem:$0x3FD2] =	sst s25  }
0xa6: {  	s4 =	sshll.u32 s26, $0x1;
	_ =	strace $0x80000055;
	[dreg:$0x1] =	wrdreg $0xFFFFFFFF  }
0xa7: {  	s28 =	simm.s32 $_size_execute0_lowered;
	s2 =	sadd.s32 s2, s4;
	[dreg:$0x0] =	wrdreg $0x0  }
0xa8: {  	s4 =	sshll.u32 s28, $0x1;
	[dreg:$0x2] =	wrdreg s2  }
0xa9: {  	[dreg:$0x3] =	wrdreg s4  }
0xaa: {  	[dreg:$0x4] =	wrdreg $0xC0  }
0xab: {  	_ =	task [dreg:s6], $0x5FFFF  }
0xac: {  	[dreg:$0x1] =	wrdreg $0xFFFFFFFF  }
0xad: {  	[dreg:$0x0] =	wrdreg $0x60  }
0xae: {  	[dreg:$0x2] =	wrdreg s24  }
0xaf: {  	[dreg:$0x3] =	wrdreg $0x5F800  }
0xb0: {  	[dreg:$0x4] =	wrdreg $0x9  }
0xb1: {  	_ =	task.clear_ibuf [dreg:s6], $0x5FFFF;
	_ =	strace $0x90000055  }
0xb2: {  	s29 =	simm.s32 $0x9;
	_ =	strace $0x80000057  }
0xb3: {  	_ =	swait.ge [sflag:s29], $0x1  }
0xb4: {  	[sflag:s29] =	ssyncadd.s32 $0xFFFFFFFF  }
0xb5: {  	_ =	strace $0x90000057  }
0xb6: {  	_ =	sfence  }
0xb7: {  	s30 =	sld [smem:$0x0];
	_ =	sdelay $0x2  }
0xb8: {  	s31 =	sshll.u32 s1, $0xD;
	s1 =	sshrl.u32 s1, $0x2  }
0xb9: {  	s3 =	sand.u32 $0x4000, s31;
	s1 =	sadd.s32 s1, s30  }
0xba: {  	s0 =	sor.u32 s3, s0;
	s1 =	sshll.u32 s1, $0x11  }
0xbb: {  	s0 =	sor.u32 s1, s0  }
0xbc: {  	s0 =	sadd.s32 $0x8F2B, s0  }
0xbd: {  	[sflag:s0] =	ssyncadd.remote.s32 $0x1  }
0xbe: {  	_ =	sfence.sel $0xFFFF  }
0xbf: {  	[dreg:$0x0] =	wrdreg $0xFFFFFFFF;
	(pc) =	sbr.abs _section_cstart, $3  }
0xc0: {  	[dreg:$0x1] =	wrdreg $0xFFFFFFFF  }
0xc1: {  	_ =	task.clear_ibuf [dreg:s6], $0x2FFFF;
	_ =	strace $0x9FFFFFFF  }
0xc2: {  	(tm) =	ssettm $0x7FFFFFFF  }
0xc3: {  	_ =	shalt  }
tec
execute0_lowered:
.L_overlay_start_1:
0x0: {  	(tag) =	ssettag $0x1  }
0x1: {  	s0 =	stileid.u32;
	s6 =	rddreg [dreg:$0x0]  }
0x2: {  	s1 =	srdreg.scid;
	s2 =	rddreg [dreg:$0x1];
	s3 =	simm.s32 $0x0  }
0x3: {  	s12 =	simm.s32 $0x1;
	s13 =	simm.s32 $0x80;
	s5 =	smul.u32 $0x13C00, s0  }
0x4: {  	s14 =	simm.s32 $0x1080;
	s15 =	simm.s32 $0x0;
	s7 =	smul.u32 $0x4F00, s0  }
0x5: {  	s4 =	sand.u32 $0x1, s1;
	s1 =	rddreg [dreg:$0x2];
	s9 =	smul.u32 $0x9E0, s0  }
0x6: {  	[smem:$0x7FF] =	sst s3;
	s31 =	sshll.u32 s0, $0x6;
	s8 =	smul.u32 $0x2780, s4  }
0x7: {  	s26 =	smul.u32 $0x9E00, s4;
	_ =	strace $0x80000056;
	s29 =	ssub.s32 $0x2, s4  }
0x8: {  	s4 =	sadd.s32 $0x15A00, s6;
	s10 =	sadd.s32 s5, s6;
	s30 =	sshrl.u32 s29, $0x1  }
0x9: {  	s5 =	sshrl.u32 s5, $0x2;
	s7 =	sadd.s32 s8, s7;
	s28 =	sadd.s32 s9, s26  }
0xa: {  	s9 =	ssub.s32 s29, s30;
	s5 =	sadd.s32 s5, s2;
	s10 =	sadd.s32 s26, s10  }
0xb: {  	s7 =	sshrl.u32 s7, $0x3;
	s8 =	smax.u32 s9, $0x1;
	s9 =	sadd.s32 $0x86C00, s10  }
0xc: {  	s11 =	sadd.s32 s7, s6;
	s7 =	sadd.s32 s28, s6;
	s6 =	sor.u32 $0x1C01, s31  }
0xd: {  	s7 =	sadd.s32 $0x1C2C00, s7;
	s10 =	sadd.s32 $0x7CE00, s11;
	s11 =	sshrl.u32 s5, $0x3  }
.LBB2_1:
0xe: {  	[spmem:s11], [sflag:s6] =	dma.local [hbm:s4], $0x9E0  }
0xf: {  	_ =	swait.ge [sflag:s12], $0x9E0  }
0x10: {  	[sflag:s12] =	ssyncset.done $0x0  }
0x11: {  	[sflag:s12] =	ssyncadd.s32 $0xFFFFF620  }
0x12: {  	s16 =	sadd.s32 $0x0, s10;
	[bflag:$0x0] =	sbarrier.arrive $0xFFFF  }
0x13: {  	[tilespmem:s3], [sflag:$0x1] =	stream.linear.gather [hbm4b:s16+s3], $0x80, $0x38;
	[tilespmem:$0xAE80] =	vst v63  }
0x14: {  	_ =	swait.ge [sflag:s12], $0x80  }
0x15: {  	[sflag:s12] =	ssyncset.done $0x0  }
0x16: {  	[sflag:s12] =	ssyncadd.s32 $0xFFFFFF80  }
0x17: {  	[tilespmem:s13], [sflag:$0x1] =	stream.linear.gather [hbm4b:s9+s3], $0x1000, $0x38;
	[tilespmem:$0xAE80] =	vst v63  }
0x18: {  	_ =	swait.ge [sflag:s12], $0x1000  }
0x19: {  	[sflag:s12] =	ssyncset.done $0x0  }
0x1a: {  	[sflag:s12] =	ssyncadd.s32 $0xFFFFF000  }
0x1b: {  	[spmem:s2] =	stream.indirect.scatter.add.f32 [tilespmem:s13], [sflag:$0x1], $0x20, s3, s13, $0xb8;
	[tilespmem:$0xAE80] =	vst v63  }
0x1c: {  	s17 =	simm.s32 $0x10;
	_ =	swait.ge [sflag:s12], $0x1000  }
0x1d: {  	s18 =	simm.s32 $0x20;
	s16 =	sadd.s32 $0x200, s9;
	[sflag:s12] =	ssyncset.done $0x0  }
.LBB2_2:
0x1e: {  	s19 =	sadd.s32 s17, s10  }
0x1f: {  	[sflag:s12] =	ssyncadd.s32 $0xFFFFF000;
	s17 =	smov.u32 s18;
	s20 =	sadd.s32 $0x10, s18  }
0x20: {  	[tilespmem:s3], [sflag:$0x1] =	stream.linear.gather [hbm4b:s19+s3], $0x80, $0x38;
	[tilespmem:$0xAE80] =	vst v63  }
0x21: {  	p0 =	sne.s32 s18, $0x4E0;
	_ =	swait.ge [sflag:s12], $0x80  }
0x22: {  	[sflag:s12] =	ssyncset.done $0x0  }
0x23: {  	[sflag:s12] =	ssyncadd.s32 $0xFFFFFF80  }
0x24: {  	[tilespmem:s13], [sflag:$0x1] =	stream.linear.gather [hbm4b:s16+s3], $0x1000, $0x38;
	[tilespmem:$0xAE80] =	vst v63  }
0x25: {  	_ =	swait.ge [sflag:s12], $0x1000  }
.Ltmp0:
0x26: {  	[sflag:s12] =	ssyncset.done $0x0;
	(pc) =	sbr.rel @p0 .LBB2_2-.Ltmp0, $4  }
0x27: {  	[sflag:s12] =	ssyncadd.s32 $0xFFFFF000  }
0x28: {  	[spmem:s2] =	stream.indirect.scatter.add.f32 [tilespmem:s13], [sflag:$0x1], $0x20, s3, s13, $0xb8;
	[tilespmem:$0xAE80] =	vst v63  }
0x29: {  	_ =	swait.ge [sflag:s12], $0x1000  }
0x2a: {  	s18 =	smov.u32 s20;
	s16 =	sadd.s32 $0x200, s16;
	[sflag:s12] =	ssyncset.done $0x0  }
0x2b: {  	s17 =	sadd.s32 s17, s10;
	[sflag:s12] =	ssyncadd.s32 $0xFFFFF000  }
0x2c: {  	[tilespmem:s3], [sflag:$0x1] =	stream.linear.gather [hbm4b:s17+s3], $0x80, $0x38;
	[tilespmem:$0xAE80] =	vst v63  }
0x2d: {  	_ =	swait.ge [sflag:s12], $0x80  }
0x2e: {  	[sflag:s12] =	ssyncset.done $0x0  }
0x2f: {  	[sflag:s12] =	ssyncadd.s32 $0xFFFFFF80  }
0x30: {  	[tilespmem:s13], [sflag:$0x1] =	stream.linear.gather [hbm4b:s16+s3], $0x1000, $0x38;
	[tilespmem:$0xAE80] =	vst v63  }
0x31: {  	_ =	swait.ge [sflag:s12], $0x1000  }
0x32: {  	[sflag:s12] =	ssyncset.done $0x0  }
0x33: {  	[sflag:s12] =	ssyncadd.s32 $0xFFFFF000  }
0x34: {  	[spmem:s2] =	stream.indirect.scatter.add.f32 [tilespmem:s13], [sflag:$0x1], $0x20, s3, s13, $0xb8;
	[tilespmem:$0xAE80] =	vst v63  }
0x35: {  	_ =	swait.ge [sflag:s12], $0x1000  }
0x36: {  	[sflag:s12] =	ssyncset.done $0x0  }
0x37: {  	[sflag:s12] =	ssyncadd.s32 $0xFFFFF000  }
0x38: {  	[bflag:$0x0] =	sbarrier.arrive $0xFFFF  }
0x39: {  	[tilespmem:s14], [sflag:$0x1] =	stream.linear.gather [spmem:s5], $0x4F00, $0x38;
	[tilespmem:$0xAE80] =	vst v63  }
0x3a: {  	s15 =	sadd.s32 $0x1, s15;
	_ =	swait.ge [sflag:s12], $0x4F00  }
0x3b: {  	p0 =	sne.s32 s15, s8;
	[sflag:s12] =	ssyncset.done $0x0  }
.Ltmp1:
0x3c: {  	[sflag:s12] =	ssyncadd.s32 $0xFFFFB100;
	(pc) =	sbr.rel @p0 .LBB2_1-.Ltmp1, $4  }
0x3d: {  	[hbm4b:s7+s3] =	stream.linear.scatter [tilespmem:s14], [sflag:$0x1], $0x4F00, $0x38;
	[tilespmem:$0xAE80] =	vst v63  }
0x3e: {  	_ =	swait.ge [sflag:s12], $0x4F00  }
0x3f: {  	[sflag:s12] =	ssyncset.done $0x0  }
0x40: {  	[sflag:s12] =	ssyncadd.s32 $0xFFFFB100  }
0x41: {  	_ =	sfence.sel $0x180000  }
0x42: {  	[bflag:$0x0] =	sbarrier.arrive $0xFFFF  }
0x43: {  	p0 =	sne.s32 s0, $0x0;
	_ =	strace $0x90000056  }
0x44: {  	s0 =	sadd.s32 @!p0 $0x100000, s1;
	[bflag:$0x2] =	sbarrier.arrive $0xFFFF  }
0x45: {  	[sflag:s0] =	ssyncadd.tile.s32 @!p0 $0x1;
	_ =	shalt  }
.Lfunc_end2:
_tile_overlayer_lowered:
.L_overlay_start_2:
0x46: {  	(tag) =	ssettag $0x2  }
0x47: {  	s0 =	rddreg [dreg:$0x0];
	s2 =	stileid.u32  }
0x48: {  	s1 =	rddreg [dreg:$0x1];
	p0 =	sne.s32 s2, $0x0  }
0x49: {  	s3 =	rddreg [dreg:$0x2];
	[bflag:$0x3] =	sbarrier.arrive $0xFFFF;
	s2 =	simm.s32 @!p0 $0x1C01  }
0x4a: {  	[timem:s3], [sflag:s2] =	dma.local @!p0 [hbm:s0], s1  }
0x4b: {  	s0 =	simm.s32 @!p0 $0x1  }
0x4c: {  	_ =	swait.ge @!p0 [sflag:s0], s1  }
0x4d: {  	s1 =	ssub.s32 @!p0 $0x0, s1;
	[sflag:s0] =	ssyncset.done @!p0 $0x0  }
0x4e: {  	[sflag:s0] =	ssyncadd.s32 @!p0 s1  }
0x4f: {  	[bflag:$0x3] =	sbarrier.arrive $0xFFFF  }
0x50: {  	_ =	shalt  }

// kernel: kernel.28.cloned.1.call-start
scs
__scs_entry_jumppad:
0x0: {  	(pc) =	sbr.rel $0x88, $3  }
0x1: {  	(tag) =	ssettag $0x0;
	lr =	simm.s32 $0x1  }
0x2: {  	[smem:$0x3F65] =	sst lr;
	_ =	strace $0xD0000000  }
0x3: {  	_ = 	snop  }
0x4: {  	_ = 	snop  }
0x5: {  	_ = 	snop  }
0x6: {  	_ = 	snop  }
0x7: {  	_ = 	snop  }
__scs_overlays_trampoline_lowered:
0x8: {  	[smem:$0x3F74] =	sst s0  }
0x9: {  	[smem:$0x3F75] =	sst s1  }
0xa: {  	[smem:$0x3F76] =	sst s2  }
0xb: {  	[smem:$0x3F77] =	sst s3  }
0xc: {  	[smem:$0x3F78] =	sst s4  }
0xd: {  	[smem:$0x3F79] =	sst s5  }
0xe: {  	[smem:$0x3F7A] =	sst s6  }
0xf: {  	[smem:$0x3F7B] =	sst s7  }
0x10: {  	[smem:$0x3F7C] =	sst s8  }
0x11: {  	[smem:$0x3F7D] =	sst s9;
	s0 =	simm.s32 @!p0 $0x0  }
0x12: {  	s1 =	sld [smem:$0x3F63];
	s0 =	simm.s32 @p0 $0x1  }
0x13: {  	[smem:$0x3F7E] =	sst s0;
	s0 =	simm.s32 @!p1 $0x0  }
0x14: {  	s2 =	sld [smem:$0x3F62];
	s0 =	simm.s32 @p1 $0x1  }
0x15: {  	[smem:$0x3F7F] =	sst s0;
	s0 =	simm.s32 @!p2 $0x0  }
0x16: {  	s3 =	sld [smem:$0x3FDB];
	s0 =	simm.s32 @p2 $0x1  }
0x17: {  	s4 =	simm.s32 $0x1BF5;
	[smem:$0x3F81] =	sst s0  }
0x18: {  	s0 =	sld [smem:$0x3F64];
	_ =	swait.ge [sflag:s4], $0x0  }
0x19: {  	s7 =	sld [smem:$0x3F65]  }
0x1a: {  	s8 =	sadd.s32 $0xFFFFE003, lr  }
0x1b: {  	s9 =	sadd.s32 $0xFFFFFEF7, lr;
	s5 =	simm.s32 $0xFFFFFFFF;
	p2 =	slt.u32 s8, $0xFFFFF086  }
0x1c: {  	p1 =	slt.u32 s9, $0xF7A;
	s5 =	simm.s32 @!p2 $0x0  }
0x1d: {  	s5 =	simm.s32 @p1 $0x1;
	p0 =	seq.s32 s7, s2  }
0x1e: {  	s7 =	smul.u32 @!p0 $0xF7A, s2;
	p2 =	seq.s32 @!p0 s5, $0x0  }
0x1f: {  	s9 =	smul.u32 $0xF7A, s1;
	s8 =	simm.s32 @!p0 $0x1BF5;
	p2 =	por !p2, p0  }
0x20: {  	[sflag:s8] =	ssyncset.s32 @!p0 $0xFFFFF086;
	s6 =	sadd.s32 @!p0 s3, s7;
	s7 =	simm.s32 @!p0 $0x108  }
0x21: {  	s3 =	sadd.s32 s3, s9;
	s6 =	sadd.s32 @!p0 $0x88, s6;
	s7 =	simm.s32 @p2 $0x1082  }
0x22: {  	[simem:s7], [sflag:s8] =	dma.local @!p0 [hbm:s6], $0xF7A  }
0x23: {  	s9 =	sor.u32 $0xD0000000, s2;
	s6 =	simm.s32 $0x108;
	_ =	swait.ge @!p0 [sflag:s8], $0x0  }
0x24: {  	s3 =	sadd.s32 $0x88, s3;
	s6 =	simm.s32 @!p1 $0x1082;
	[sflag:s4] =	ssyncset.s32 $0xFFFFF086  }
0x25: {  	[simem:s6], [sflag:s4] =	dma.local [hbm:s3], $0xF7A  }
0x26: {  	[smem:$0x3F65] =	sst s1;
	(tag) =	ssettag s2;
	_ =	strace s9  }
0x27: {  	s1 =	sld [smem:$0x3F75]  }
0x28: {  	s2 =	sld [smem:$0x3F76]  }
0x29: {  	s4 =	sld [smem:$0x3F78]  }
0x2a: {  	p0 =	seq.s32 s5, $0x0;
	s5 =	sld [smem:$0x3F79]  }
0x2b: {  	s6 =	sld [smem:$0x3F7A]  }
0x2c: {  	s7 =	sld [smem:$0x3F7B]  }
0x2d: {  	s3 =	simm.s32 $0x108;
	s8 =	sld [smem:$0x3F7C]  }
0x2e: {  	s3 =	simm.s32 @!p0 $0x1082;
	s9 =	sld [smem:$0x3F7D]  }
0x2f: {  	lr =	sadd.s32 s0, s3;
	s0 =	sld [smem:$0x3F74]  }
0x30: {  	s3 =	sld [smem:$0x3F77]  }
0x31: {  	[smem:$0x3F80] =	sst s10  }
0x32: {  	s10 =	sld [smem:$0x3F7E];
	_ =	sdelay $0x3  }
0x33: {  	p0 =	seq.s32 s10, $0x1;
	s10 =	sld [smem:$0x3F80];
	_ =	sdelay $0x3  }
0x34: {  	[smem:$0x3F80] =	sst s10  }
0x35: {  	s10 =	sld [smem:$0x3F7F];
	_ =	sdelay $0x3  }
0x36: {  	p1 =	seq.s32 s10, $0x1;
	s10 =	sld [smem:$0x3F80];
	_ =	sdelay $0x3  }
0x37: {  	[smem:$0x3F80] =	sst s10  }
0x38: {  	s10 =	sld [smem:$0x3F81]  }
0x39: {  	_ = 	snop;
	(pc) =	sbr.ind lr, $3  }
0x3a: {  	_ = 	snop  }
0x3b: {  	_ = 	snop  }
0x3c: {  	p2 =	seq.s32 s10, $0x1;
	s10 =	sld [smem:$0x3F80]  }
0x3d: {  	_ =	shalt  }
0x3e: {  	_ =	shalt  }
0x3f: {  	_ =	shalt  }
0x40: {  	_ =	shalt  }
0x41: {  	_ =	shalt  }
0x42: {  	_ =	shalt  }
0x43: {  	_ =	shalt  }
0x44: {  	_ =	shalt  }
0x45: {  	_ =	shalt  }
0x46: {  	_ =	shalt  }
0x47: {  	_ =	shalt  }
0x48: {  	_ =	shalt  }
0x49: {  	_ =	shalt  }
0x4a: {  	_ =	shalt  }
0x4b: {  	_ =	shalt  }
0x4c: {  	_ =	shalt  }
0x4d: {  	_ =	shalt  }
0x4e: {  	_ =	shalt  }
0x4f: {  	_ =	shalt  }
0x50: {  	_ =	shalt  }
0x51: {  	_ =	shalt  }
0x52: {  	_ =	shalt  }
0x53: {  	_ =	shalt  }
0x54: {  	_ =	shalt  }
0x55: {  	_ =	shalt  }
0x56: {  	_ =	shalt  }
0x57: {  	_ =	shalt  }
0x58: {  	_ =	shalt  }
0x59: {  	_ =	shalt  }
0x5a: {  	_ =	shalt  }
0x5b: {  	_ =	shalt  }
0x5c: {  	_ =	shalt  }
0x5d: {  	_ =	shalt  }
0x5e: {  	_ =	shalt  }
0x5f: {  	_ =	shalt  }
0x60: {  	_ =	shalt  }
0x61: {  	_ =	shalt  }
0x62: {  	_ =	shalt  }
0x63: {  	_ =	shalt  }
0x64: {  	_ =	shalt  }
0x65: {  	_ =	shalt  }
0x66: {  	_ =	shalt  }
0x67: {  	_ =	shalt  }
0x68: {  	_ =	shalt  }
0x69: {  	_ =	shalt  }
0x6a: {  	_ =	shalt  }
0x6b: {  	_ =	shalt  }
0x6c: {  	_ =	shalt  }
0x6d: {  	_ =	shalt  }
0x6e: {  	_ =	shalt  }
0x6f: {  	_ =	shalt  }
0x70: {  	_ =	shalt  }
0x71: {  	_ =	shalt  }
0x72: {  	_ =	shalt  }
0x73: {  	_ =	shalt  }
0x74: {  	_ =	shalt  }
0x75: {  	_ =	shalt  }
0x76: {  	_ =	shalt  }
0x77: {  	_ =	shalt  }
0x78: {  	_ =	shalt  }
0x79: {  	_ =	shalt  }
0x7a: {  	_ =	shalt  }
0x7b: {  	_ =	shalt  }
0x7c: {  	_ =	shalt  }
0x7d: {  	_ =	shalt  }
0x7e: {  	_ =	shalt  }
0x7f: {  	_ =	shalt  }
0x80: {  	_ =	shalt  }
0x81: {  	_ =	shalt  }
0x82: {  	_ =	shalt  }
0x83: {  	_ =	shalt  }
0x84: {  	_ =	shalt  }
0x85: {  	_ =	shalt  }
0x86: {  	_ =	shalt  }
0x87: {  	_ =	shalt  }
.Lfunc_end0:
.L_simem_size_0:
called_computation.6_lowered:
.L_overlay_start_0:
0x88: {  	s2 =	sld [smem:$0x3FD9]  }
0x89: {  	s3 =	sld [smem:$0x3FFE];
	_ =	sdelay $0x1  }
0x8a: {  	s1 =	srdreg.scid  }
0x8b: {  	s0 =	sand.u32 $0x1, s1  }
0x8c: {  	s16 =	sshll.u32 s0, $0xA;
	s2 =	sadd.s32 s3, s2  }
0x8d: {  	s2 =	sadd.s32 s2, s16  }
0x8e: {  	[smem:$0x3F8C] =	sst s2  }
0x8f: {  	_ = 	snop  }
0x90: {  	(tm) =	ssettm $0x1  }
0x91: {  	s17 =	sld [smem:$0x3FFB];
	_ =	sdelay $0x3  }
0x92: {  	_ =	strace s17  }
0x93: {  	s2 =	sld [smem:$0x3FFC];
	_ =	sdelay $0x3  }
0x94: {  	_ =	strace s2  }
0x95: {  	s2 =	sld [smem:$0x3FFD];
	_ =	sdelay $0x3  }
0x96: {  	_ =	strace s2  }
0x97: {  	_ =	strace $0x8FFFFFFF  }
0x98: {  	s18 =	sld [smem:$0x3FDB];
	_ =	sdelay $0x1  }
0x99: {  	s19 =	simm.s32 $_scs_section_size  }
0x9a: {  	s4 =	simm.s32 $_size__tile_overlayer_lowered;
	s5 =	simm.s32 $_tile_overlayer_lowered  }
0x9b: {  	s22 =	simm.s32 $0x1BFF;
	s21 =	sshll.u32 s5, $0x1;
	s2 =	sadd.s32 s19, s18  }
0x9c: {  	s6 =	simm.s32 $0x0;
	s20 =	sshll.u32 s4, $0x1;
	s4 =	sadd.s32 s21, s2  }
0x9d: {  	[timem:s6], [sflag:s22] =	dma.local [hbm:s4], s20  }
0x9e: {  	_ =	swait.ge [sflag:s22], s20  }
0x9f: {  	s3 =	ssub.s32 $0x0, s20;
	[sflag:s22] =	ssyncset.done $0x0  }
0xa0: {  	[sflag:s22] =	ssyncadd.s32 s3;
	_ =	sdelay $0x1  }
0xa1: {  	s23 =	simm.s32 $0x1B8B  }
0xa2: {  	_ =	swait.ge [sflag:s23], $0x1  }
0xa3: {  	[sflag:s23] =	ssyncset.done $0x0  }
0xa4: {  	s25 =	simm.s32 $0x1B8E;
	s24 =	sld [smem:$0x3FFE];
	[sflag:s23] =	ssyncadd.s32 $0xFFFFFFFF  }
0xa5: {  	s26 =	simm.s32 $execute0_lowered;
	[smem:$0x3FD2] =	sst s25  }
0xa6: {  	s4 =	sshll.u32 s26, $0x1;
	_ =	strace $0x80000058;
	[dreg:$0x1] =	wrdreg $0xFFFFFFFF  }
0xa7: {  	s28 =	simm.s32 $_size_execute0_lowered;
	s2 =	sadd.s32 s2, s4;
	[dreg:$0x0] =	wrdreg $0x0  }
0xa8: {  	s4 =	sshll.u32 s28, $0x1;
	[dreg:$0x2] =	wrdreg s2  }
0xa9: {  	[dreg:$0x3] =	wrdreg s4  }
0xaa: {  	[dreg:$0x4] =	wrdreg $0xC0  }
0xab: {  	_ =	task [dreg:s6], $0x5FFFF  }
0xac: {  	[dreg:$0x1] =	wrdreg $0xFFFFFFFF  }
0xad: {  	[dreg:$0x0] =	wrdreg $0x60  }
0xae: {  	[dreg:$0x2] =	wrdreg s24  }
0xaf: {  	[dreg:$0x3] =	wrdreg $0x9  }
0xb0: {  	_ =	task.clear_ibuf [dreg:s6], $0x4FFFF;
	_ =	strace $0x90000058  }
0xb1: {  	s29 =	simm.s32 $0x9;
	_ =	strace $0x8000005A  }
0xb2: {  	_ =	swait.ge [sflag:s29], $0x1  }
0xb3: {  	[sflag:s29] =	ssyncadd.s32 $0xFFFFFFFF  }
0xb4: {  	_ =	strace $0x9000005A  }
0xb5: {  	_ =	sfence  }
0xb6: {  	s30 =	sld [smem:$0x0];
	_ =	sdelay $0x2  }
0xb7: {  	s31 =	sshll.u32 s1, $0xD;
	s1 =	sshrl.u32 s1, $0x2  }
0xb8: {  	s3 =	sand.u32 $0x4000, s31;
	s1 =	sadd.s32 s1, s30  }
0xb9: {  	s0 =	sor.u32 s3, s0;
	s1 =	sshll.u32 s1, $0x11  }
0xba: {  	s0 =	sor.u32 s1, s0  }
0xbb: {  	s0 =	sadd.s32 $0x8F2B, s0  }
0xbc: {  	[sflag:s0] =	ssyncadd.remote.s32 $0x1  }
0xbd: {  	_ =	sfence.sel $0xFFFF  }
0xbe: {  	[dreg:$0x0] =	wrdreg $0xFFFFFFFF;
	(pc) =	sbr.abs _section_cstart, $3  }
0xbf: {  	[dreg:$0x1] =	wrdreg $0xFFFFFFFF  }
0xc0: {  	_ =	task.clear_ibuf [dreg:s6], $0x2FFFF;
	_ =	strace $0x9FFFFFFF  }
0xc1: {  	(tm) =	ssettm $0x7FFFFFFF  }
tec
execute0_lowered:
.L_overlay_start_1:
0x0: {  	(tag) =	ssettag $0x1  }
0x1: {  	s6 =	rddreg [dreg:$0x0]  }
0x2: {  	s2 =	simm.s32 $0x0;
	s3 =	srdreg.scid;
	s0 =	stileid.u32  }
0x3: {  	s16 =	simm.s32 $0x1;
	s17 =	simm.s32 $0x4;
	s18 =	simm.s32 $0x0  }
0x4: {  	[smem:$0x7FF] =	sst s2;
	s9 =	sand.u32 $0x1, s3;
	s28 =	sshll.u32 s0, $0x1  }
0x5: {  	s3 =	sadd.s32 $0x65200, s6;
	s4 =	sadd.s32 $0x73000, s6;
	s10 =	smul.u32 $0x9E000, s0  }
0x6: {  	s11 =	sadd.s32 $0x1C2C00, s6;
	s14 =	sadd.s32 $0x86C00, s6;
	s29 =	smul.u32 $0x4F00, s0  }
0x7: {  	_ =	strace $0x80000059;
	s8 =	ssub.s32 $0x2, s9;
	s13 =	smul.u32 $0x4F000, s9  }
0x8: {  	s5 =	sor.u32 s9, s28;
	s9 =	smul.u32 $0x2780, s9;
	s12 =	sshrl.u32 s8, $0x1  }
0x9: {  	s7 =	smul.u32 $0x2780, s5;
	s5 =	sadd.s32 $0xBC00, s6;
	s8 =	ssub.s32 s8, s12  }
0xa: {  	s10 =	sadd.s32 s13, s10;
	s9 =	sadd.s32 s9, s29;
	s12 =	simm.s32 $0x3  }
0xb: {  	s7 =	sshrl.u32 s7, $0x3;
	s8 =	smax.u32 s8, $0x1;
	s13 =	sshrl.u32 s10, $0x3  }
0xc: {  	s10 =	sadd.s32 $0x1000, s10;
	s31 =	sadd.s32 $0x80, s9;
	s1 =	sadd.s32 s4, s7  }
0xd: {  	s9 =	sadd.s32 $0x100, s9;
	s15 =	sadd.s32 s13, s14;
	[dreg:$0x6] =	wrdreg s1  }
0xe: {  	s13 =	sadd.s32 s13, s11;
	s10 =	sshrl.u32 s10, $0x3;
	[dreg:$0x3] =	wrdreg s15  }
0xf: {  	s7 =	sadd.s32 s5, s7;
	[dreg:$0x2] =	wrdreg s13;
	s30 =	sadd.s32 s10, s14  }
0x10: {  	s10 =	sadd.s32 s10, s11;
	s11 =	sshrl.u32 s31, $0x3;
	s13 =	simm.s32 $0x80  }
0x11: {  	s14 =	simm.s32 $0x200;
	s15 =	simm.s32 $0x1200;
	[dreg:$0x5] =	wrdreg s30  }
0x12: {  	[dreg:$0x4] =	wrdreg s10;
	s10 =	sadd.s32 s11, s5;
	s11 =	sadd.s32 s11, s4  }
.LBB2_1:
0x13: {  	s0 =	rddreg [dreg:$0x6]  }
0x14: {  	[tilespmem:s2], [sflag:$0x3] =	stream.linear.gather [hbm4b:s0+s2], $0x80, $0x38;
	[tilespmem:$0x4200] =	vst v63  }
0x15: {  	_ =	swait.ge [sflag:s12], $0x80  }
0x16: {  	[sflag:s12] =	ssyncset.done $0x0  }
0x17: {  	[sflag:s12] =	ssyncadd.s32 $0xFFFFFF80  }
0x18: {  	[tilespmem:s13], [sflag:$0x3] =	stream.linear.gather [hbm4b:s7+s2], $0x80, $0x38;
	[tilespmem:$0x4200] =	vst v63  }
0x19: {  	_ =	swait.ge [sflag:s12], $0x80  }
0x1a: {  	[sflag:s12] =	ssyncset.done $0x0  }
0x1b: {  	[sflag:s12] =	ssyncadd.s32 $0xFFFFFF80  }
0x1c: {  	[tilespmem:s14], [sflag:$0x1] =	stream.indirect.gather [hbm4b:s3+s13], $0x20, s2, s13, $0xb8;
	[tilespmem:$0x4200] =	vst v63  }
0x1d: {  	p0 =	por $0x0, $0x0  }
0x1e: {  	[tilespmem:s15], [sflag:$0x1] =	stream.indirect.gather [hbm4b:s3+s13], $0x20, s13, s13, $0xb8;
	[tilespmem:$0x4200] =	vst v63  }
0x1f: {  	s20 =	simm.s32 @!p0 $0x0;
	s19 =	simm.s32 @!p0 $0x100;
	s21 =	simm.s32 @!p0 $0x4  }
0x20: {  	[tilespmem:s19], [sflag:$0x4] =	stream.linear.gather @!p0 [hbm4b:s11+s20], $0x80, $0x38;
	[tilespmem:$0x4200] =	vst v63  }
0x21: {  	_ =	swait.ge @!p0 [sflag:s21], $0x80;
	p0 =	por p0, p0  }
0x22: {  	[sflag:s21] =	ssyncset.done @!p0 $0x0  }
0x23: {  	s22 =	simm.s32 @!p0 $0x180;
	[sflag:s21] =	ssyncadd.s32 @!p0 $0xFFFFFF80  }
0x24: {  	[tilespmem:s22], [sflag:$0x4] =	stream.linear.gather @!p0 [hbm4b:s10+s20], $0x80, $0x38;
	[tilespmem:$0x4200] =	vst v63  }
0x25: {  	_ =	swait.ge @!p0 [sflag:s21], $0x80  }
0x26: {  	[sflag:s21] =	ssyncset.done @!p0 $0x0  }
0x27: {  	s23 =	simm.s32 @!p0 $0x80;
	s24 =	simm.s32 @!p0 $0x2200;
	[sflag:s21] =	ssyncadd.s32 @!p0 $0xFFFFFF80  }
0x28: {  	[tilespmem:s24], [sflag:$0x2] =	stream.indirect.gather @!p0 [hbm4b:s3+s23], $0x20, s19, s23, $0xb8;
	[tilespmem:$0x4200] =	vst v63  }
0x29: {  	s25 =	simm.s32 @!p0 $0x3200  }
0x2a: {  	[tilespmem:s25], [sflag:$0x2] =	stream.indirect.gather @!p0 [hbm4b:s3+s23], $0x20, s22, s23, $0xb8;
	[tilespmem:$0x4200] =	vst v63  }
0x2b: {  	_ =	swait.ge [sflag:s16], $0x1000  }
0x2c: {  	[sflag:s16] =	ssyncset.done $0x0  }
0x2d: {  	[sflag:s16] =	ssyncadd.s32 $0xFFFFF000  }
0x2e: {  	_ =	swait.ge [sflag:s16], $0x1000  }
0x2f: {  	s29 =	rddreg [dreg:$0x2];
	[sflag:s16] =	ssyncset.done $0x0  }
0x30: {  	[sflag:s16] =	ssyncadd.s32 $0xFFFFF000;
	s19 =	sadd.s32 $0x0, s29  }
0x31: {  	[hbm4b:s19+s2] =	stream.linear.scatter [tilespmem:s14], [sflag:$0x4], $0x1000, $0x38;
	[tilespmem:$0x4200] =	vst v63  }
0x32: {  	_ =	swait.ge [sflag:s17], $0x1000  }
0x33: {  	s31 =	rddreg [dreg:$0x3];
	[sflag:s17] =	ssyncset.done $0x0  }
0x34: {  	[sflag:s17] =	ssyncadd.s32 $0xFFFFF000;
	s19 =	sadd.s32 $0x0, s31  }
0x35: {  	[hbm4b:s19+s2] =	stream.linear.scatter [tilespmem:s15], [sflag:$0x4], $0x1000, $0x38;
	[tilespmem:$0x4200] =	vst v63  }
0x36: {  	p1 =	por $0x0, $0x0;
	_ =	swait.ge [sflag:s17], $0x1000  }
0x37: {  	s26 =	simm.s32 @!p1 $0x4;
	s19 =	sshrl.u32 @!p1 s9, $0x3;
	[sflag:s17] =	ssyncset.done $0x0  }
0x38: {  	s23 =	simm.s32 @!p1 $0x0;
	s22 =	sadd.s32 @!p1 s4, s19;
	[sflag:s17] =	ssyncadd.s32 $0xFFFFF000  }
0x39: {  	[tilespmem:s23], [sflag:$0x4] =	stream.linear.gather @!p1 [hbm4b:s22+s23], $0x80, $0x38;
	[tilespmem:$0x4200] =	vst v63  }
0x3a: {  	_ =	swait.ge @!p1 [sflag:s26], $0x80  }
0x3b: {  	[sflag:s26] =	ssyncset.done @!p1 $0x0  }
0x3c: {  	s19 =	sadd.s32 @!p1 s5, s19;
	s22 =	simm.s32 @!p1 $0x80;
	[sflag:s26] =	ssyncadd.s32 @!p1 $0xFFFFFF80  }
0x3d: {  	[tilespmem:s22], [sflag:$0x4] =	stream.linear.gather @!p1 [hbm4b:s19+s23], $0x80, $0x38;
	[tilespmem:$0x4200] =	vst v63  }
0x3e: {  	_ =	swait.ge @!p1 [sflag:s26], $0x80  }
0x3f: {  	[sflag:s26] =	ssyncset.done @!p1 $0x0  }
0x40: {  	s19 =	simm.s32 @!p1 $0x200;
	[sflag:s26] =	ssyncadd.s32 @!p1 $0xFFFFFF80  }
0x41: {  	[tilespmem:s19], [sflag:$0x1] =	stream.indirect.gather @!p1 [hbm4b:s3+s22], $0x20, s23, s22, $0xb8;
	[tilespmem:$0x4200] =	vst v63  }
0x42: {  	s19 =	simm.s32 @!p1 $0x1200;
	s23 =	simm.s32 @!p0 $0x2  }
0x43: {  	[tilespmem:s19], [sflag:$0x1] =	stream.indirect.gather @!p1 [hbm4b:s3+s22], $0x20, s22, s22, $0xb8;
	[tilespmem:$0x4200] =	vst v63  }
0x44: {  	_ =	swait.ge @!p0 [sflag:s23], $0x1000  }
0x45: {  	[sflag:s23] =	ssyncset.done @!p0 $0x0  }
0x46: {  	[sflag:s23] =	ssyncadd.s32 @!p0 $0xFFFFF000  }
0x47: {  	_ =	swait.ge @!p0 [sflag:s23], $0x1000  }
0x48: {  	p2 =	por $0x0, $0x0;
	s19 =	rddreg [dreg:$0x4];
	[sflag:s23] =	ssyncset.done @!p0 $0x0  }
0x49: {  	s30 =	simm.s32 @!p0 $0x3;
	[sflag:s23] =	ssyncadd.s32 @!p0 $0xFFFFF000;
	s19 =	sadd.s32 @!p0 $0x0, s19  }
0x4a: {  	[hbm4b:s19+s20] =	stream.linear.scatter @!p0 [tilespmem:s24], [sflag:$0x4], $0x1000, $0x38;
	[tilespmem:$0x4200] =	vst v63  }
0x4b: {  	s23 =	simm.s32 $0x800;
	s19 =	simm.s32 $0x400;
	_ =	swait.ge @!p0 [sflag:s21], $0x1000  }
0x4c: {  	s24 =	simm.s32 $0x3;
	s22 =	rddreg [dreg:$0x5];
	[sflag:s21] =	ssyncset.done @!p0 $0x0  }
0x4d: {  	[sflag:s21] =	ssyncadd.s32 @!p0 $0xFFFFF000;
	s21 =	sadd.s32 $0x20, s10;
	s22 =	sadd.s32 @!p0 $0x0, s22  }
0x4e: {  	[hbm4b:s22+s20] =	stream.linear.scatter @!p0 [tilespmem:s25], [sflag:$0x3], $0x1000, $0x38;
	[tilespmem:$0x4200] =	vst v63  }
0x4f: {  	s22 =	sadd.s32 $0x20, s11;
	s20 =	sadd.s32 $0x100, s9;
	_ =	swait.ge @!p0 [sflag:s30], $0x1000  }
.LBB2_2:
0x50: {  	s25 =	simm.s32 @!p2 $0x0;
	[sflag:s30] =	ssyncset.done @!p0 $0x0  }
0x51: {  	s31 =	simm.s32 @!p2 $0x100;
	s28 =	simm.s32 @!p2 $0x4;
	[sflag:s30] =	ssyncadd.s32 @!p0 $0xFFFFF000  }
0x52: {  	[tilespmem:s31], [sflag:$0x4] =	stream.linear.gather @!p2 [hbm4b:s22+s25], $0x80, $0x38;
	[tilespmem:$0x4200] =	vst v63  }
0x53: {  	p0 =	por p2, p2;
	_ =	swait.ge @!p2 [sflag:s28], $0x80  }
0x54: {  	[sflag:s28] =	ssyncset.done @!p0 $0x0  }
0x55: {  	s0 =	simm.s32 @!p0 $0x180;
	[sflag:s28] =	ssyncadd.s32 @!p0 $0xFFFFFF80  }
0x56: {  	[tilespmem:s0], [sflag:$0x4] =	stream.linear.gather @!p0 [hbm4b:s21+s25], $0x80, $0x38;
	[tilespmem:$0x4200] =	vst v63  }
0x57: {  	_ =	swait.ge @!p0 [sflag:s28], $0x80  }
0x58: {  	[sflag:s28] =	ssyncset.done @!p0 $0x0  }
0x59: {  	s1 =	simm.s32 @!p0 $0x80;
	s30 =	simm.s32 @!p0 $0x2200;
	[sflag:s28] =	ssyncadd.s32 @!p0 $0xFFFFFF80  }
0x5a: {  	[tilespmem:s30], [sflag:$0x2] =	stream.indirect.gather @!p0 [hbm4b:s3+s1], $0x20, s31, s1, $0xb8;
	[tilespmem:$0x4200] =	vst v63  }
0x5b: {  	s29 =	simm.s32 @!p0 $0x3200  }
0x5c: {  	[tilespmem:s29], [sflag:$0x2] =	stream.indirect.gather @!p0 [hbm4b:s3+s1], $0x20, s0, s1, $0xb8;
	[tilespmem:$0x4200] =	vst v63  }
0x5d: {  	_ =	swait.ge [sflag:s16], $0x1000  }
0x5e: {  	[sflag:s16] =	ssyncset.done $0x0  }
0x5f: {  	[sflag:s16] =	ssyncadd.s32 $0xFFFFF000  }
0x60: {  	_ =	swait.ge [sflag:s16], $0x1000  }
0x61: {  	s26 =	smov.u32 s19;
	s6 =	rddreg [dreg:$0x2];
	[sflag:s16] =	ssyncset.done $0x0  }
0x62: {  	[sflag:s16] =	ssyncadd.s32 $0xFFFFF000;
	s0 =	sadd.s32 s26, s6  }
0x63: {  	[hbm4b:s0+s2] =	stream.linear.scatter [tilespmem:s14], [sflag:$0x4], $0x1000, $0x38;
	[tilespmem:$0x4200] =	vst v63  }
0x64: {  	_ =	swait.ge [sflag:s17], $0x1000  }
0x65: {  	s31 =	rddreg [dreg:$0x3];
	[sflag:s17] =	ssyncset.done $0x0  }
0x66: {  	[sflag:s17] =	ssyncadd.s32 $0xFFFFF000;
	s0 =	sadd.s32 s26, s31  }
0x67: {  	[hbm4b:s0+s2] =	stream.linear.scatter [tilespmem:s15], [sflag:$0x4], $0x1000, $0x38;
	[tilespmem:$0x4200] =	vst v63  }
0x68: {  	p2 =	seq.s32 s26, $0x9C00;
	_ =	swait.ge [sflag:s17], $0x1000  }
0x69: {  	s6 =	simm.s32 @!p2 $0x4;
	s0 =	sshrl.u32 @!p2 s20, $0x3;
	[sflag:s17] =	ssyncset.done $0x0  }
0x6a: {  	s31 =	simm.s32 @!p2 $0x0;
	s1 =	sadd.s32 @!p2 s4, s0;
	[sflag:s17] =	ssyncadd.s32 $0xFFFFF000  }
0x6b: {  	[tilespmem:s31], [sflag:$0x4] =	stream.linear.gather @!p2 [hbm4b:s1+s31], $0x80, $0x38;
	[tilespmem:$0x4200] =	vst v63  }
0x6c: {  	_ =	swait.ge @!p2 [sflag:s6], $0x80  }
0x6d: {  	[sflag:s6] =	ssyncset.done @!p2 $0x0  }
0x6e: {  	s0 =	sadd.s32 @!p2 s5, s0;
	s1 =	simm.s32 @!p2 $0x80;
	[sflag:s6] =	ssyncadd.s32 @!p2 $0xFFFFFF80  }
0x6f: {  	[tilespmem:s1], [sflag:$0x4] =	stream.linear.gather @!p2 [hbm4b:s0+s31], $0x80, $0x38;
	[tilespmem:$0x4200] =	vst v63  }
0x70: {  	_ =	swait.ge @!p2 [sflag:s6], $0x80  }
0x71: {  	[sflag:s6] =	ssyncset.done @!p2 $0x0  }
0x72: {  	s0 =	simm.s32 @!p2 $0x200;
	[sflag:s6] =	ssyncadd.s32 @!p2 $0xFFFFFF80  }
0x73: {  	[tilespmem:s0], [sflag:$0x1] =	stream.indirect.gather @!p2 [hbm4b:s3+s1], $0x20, s31, s1, $0xb8;
	[tilespmem:$0x4200] =	vst v63  }
0x74: {  	s6 =	simm.s32 @!p2 $0x1200;
	s0 =	simm.s32 @!p0 $0x2  }
0x75: {  	[tilespmem:s6], [sflag:$0x1] =	stream.indirect.gather @!p2 [hbm4b:s3+s1], $0x20, s1, s1, $0xb8;
	[tilespmem:$0x4200] =	vst v63  }
0x76: {  	_ =	swait.ge @!p0 [sflag:s0], $0x1000  }
0x77: {  	[sflag:s0] =	ssyncset.done @!p0 $0x0  }
0x78: {  	[sflag:s0] =	ssyncadd.s32 @!p0 $0xFFFFF000  }
0x79: {  	s19 =	smov.u32 s23;
	s23 =	sadd.s32 $0x400, s23;
	_ =	swait.ge @!p0 [sflag:s0], $0x1000  }
0x7a: {  	s24 =	sadd.s32 $0x2, s24;
	[sflag:s0] =	ssyncset.done @!p0 $0x0;
	s1 =	rddreg [dreg:$0x4]  }
0x7b: {  	p1 =	sne.s32 s23, $0xA000;
	[sflag:s0] =	ssyncadd.s32 @!p0 $0xFFFFF000;
	s0 =	sadd.s32 @!p0 s26, s1  }
0x7c: {  	[hbm4b:s0+s25] =	stream.linear.scatter @!p0 [tilespmem:s30], [sflag:$0x4], $0x1000, $0x38;
	[tilespmem:$0x4200] =	vst v63  }
.Ltmp0:
0x7d: {  	s22 =	sadd.s32 $0x20, s22;
	_ =	swait.ge @!p0 [sflag:s28], $0x1000;
	(pc) =	sbr.rel @p1 .LBB2_2-.Ltmp0, $4  }
0x7e: {  	s21 =	sadd.s32 $0x20, s21;
	[sflag:s28] =	ssyncset.done @!p0 $0x0;
	s0 =	rddreg [dreg:$0x5]  }
0x7f: {  	s30 =	simm.s32 @!p0 $0x3;
	[sflag:s28] =	ssyncadd.s32 @!p0 $0xFFFFF000;
	s0 =	sadd.s32 @!p0 s26, s0  }
0x80: {  	[hbm4b:s0+s25] =	stream.linear.scatter @!p0 [tilespmem:s29], [sflag:$0x3], $0x1000, $0x38;
	[tilespmem:$0x4200] =	vst v63  }
0x81: {  	s20 =	sadd.s32 $0x100, s20;
	p2 =	sgt.u32 s24, $0x4E;
	_ =	swait.ge @!p0 [sflag:s30], $0x1000  }
0x82: {  	s23 =	simm.s32 @!p2 $0x0;
	[sflag:s30] =	ssyncset.done @!p0 $0x0  }
0x83: {  	s0 =	simm.s32 @!p2 $0x100;
	s24 =	simm.s32 @!p2 $0x4;
	[sflag:s30] =	ssyncadd.s32 @!p0 $0xFFFFF000  }
0x84: {  	[tilespmem:s0], [sflag:$0x4] =	stream.linear.gather @!p2 [hbm4b:s22+s23], $0x80, $0x38;
	[tilespmem:$0x4200] =	vst v63  }
0x85: {  	p0 =	por p2, p2;
	_ =	swait.ge @!p2 [sflag:s24], $0x80  }
0x86: {  	[sflag:s24] =	ssyncset.done @!p0 $0x0  }
0x87: {  	s1 =	simm.s32 @!p0 $0x180;
	[sflag:s24] =	ssyncadd.s32 @!p0 $0xFFFFFF80  }
0x88: {  	[tilespmem:s1], [sflag:$0x4] =	stream.linear.gather @!p0 [hbm4b:s21+s23], $0x80, $0x38;
	[tilespmem:$0x4200] =	vst v63  }
0x89: {  	_ =	swait.ge @!p0 [sflag:s24], $0x80  }
0x8a: {  	[sflag:s24] =	ssyncset.done @!p0 $0x0  }
0x8b: {  	s6 =	simm.s32 @!p0 $0x80;
	s21 =	simm.s32 @!p0 $0x2200;
	[sflag:s24] =	ssyncadd.s32 @!p0 $0xFFFFFF80  }
0x8c: {  	[tilespmem:s21], [sflag:$0x2] =	stream.indirect.gather @!p0 [hbm4b:s3+s6], $0x20, s0, s6, $0xb8;
	[tilespmem:$0x4200] =	vst v63  }
0x8d: {  	s0 =	simm.s32 @!p0 $0x3200  }
0x8e: {  	[tilespmem:s0], [sflag:$0x2] =	stream.indirect.gather @!p0 [hbm4b:s3+s6], $0x20, s1, s6, $0xb8;
	[tilespmem:$0x4200] =	vst v63  }
0x8f: {  	_ =	swait.ge [sflag:s16], $0x1000  }
0x90: {  	[sflag:s16] =	ssyncset.done $0x0  }
0x91: {  	[sflag:s16] =	ssyncadd.s32 $0xFFFFF000  }
0x92: {  	_ =	swait.ge [sflag:s16], $0x1000  }
0x93: {  	s30 =	rddreg [dreg:$0x2];
	[sflag:s16] =	ssyncset.done $0x0  }
0x94: {  	[sflag:s16] =	ssyncadd.s32 $0xFFFFF000;
	s1 =	sadd.s32 s19, s30  }
0x95: {  	[hbm4b:s1+s2] =	stream.linear.scatter [tilespmem:s14], [sflag:$0x4], $0x1000, $0x38;
	[tilespmem:$0x4200] =	vst v63  }
0x96: {  	_ =	swait.ge [sflag:s17], $0x1000  }
0x97: {  	s31 =	rddreg [dreg:$0x3];
	[sflag:s17] =	ssyncset.done $0x0  }
0x98: {  	[sflag:s17] =	ssyncadd.s32 $0xFFFFF000;
	s1 =	sadd.s32 s19, s31  }
0x99: {  	[hbm4b:s1+s2] =	stream.linear.scatter [tilespmem:s15], [sflag:$0x4], $0x1000, $0x38;
	[tilespmem:$0x4200] =	vst v63  }
0x9a: {  	p1 =	seq.s32 s19, $0x9C00;
	_ =	swait.ge [sflag:s17], $0x1000  }
0x9b: {  	s22 =	simm.s32 @!p1 $0x4;
	s1 =	sshrl.u32 @!p1 s20, $0x3;
	[sflag:s17] =	ssyncset.done $0x0  }
0x9c: {  	s20 =	simm.s32 @!p1 $0x0;
	s6 =	sadd.s32 @!p1 s4, s1;
	[sflag:s17] =	ssyncadd.s32 $0xFFFFF000  }
0x9d: {  	[tilespmem:s20], [sflag:$0x4] =	stream.linear.gather @!p1 [hbm4b:s6+s20], $0x80, $0x38;
	[tilespmem:$0x4200] =	vst v63  }
0x9e: {  	_ =	swait.ge @!p1 [sflag:s22], $0x80  }
0x9f: {  	[sflag:s22] =	ssyncset.done @!p1 $0x0  }
0xa0: {  	s1 =	sadd.s32 @!p1 s5, s1;
	s6 =	simm.s32 @!p1 $0x80;
	[sflag:s22] =	ssyncadd.s32 @!p1 $0xFFFFFF80  }
0xa1: {  	[tilespmem:s6], [sflag:$0x4] =	stream.linear.gather @!p1 [hbm4b:s1+s20], $0x80, $0x38;
	[tilespmem:$0x4200] =	vst v63  }
0xa2: {  	_ =	swait.ge @!p1 [sflag:s22], $0x80  }
0xa3: {  	[sflag:s22] =	ssyncset.done @!p1 $0x0  }
0xa4: {  	s1 =	simm.s32 @!p1 $0x200;
	[sflag:s22] =	ssyncadd.s32 @!p1 $0xFFFFFF80  }
0xa5: {  	[tilespmem:s1], [sflag:$0x1] =	stream.indirect.gather @!p1 [hbm4b:s3+s6], $0x20, s20, s6, $0xb8;
	[tilespmem:$0x4200] =	vst v63  }
0xa6: {  	s1 =	simm.s32 @!p1 $0x1200;
	s20 =	simm.s32 @!p0 $0x2  }
0xa7: {  	[tilespmem:s1], [sflag:$0x1] =	stream.indirect.gather @!p1 [hbm4b:s3+s6], $0x20, s6, s6, $0xb8;
	[tilespmem:$0x4200] =	vst v63  }
0xa8: {  	_ =	swait.ge @!p0 [sflag:s20], $0x1000  }
0xa9: {  	[sflag:s20] =	ssyncset.done @!p0 $0x0  }
0xaa: {  	[sflag:s20] =	ssyncadd.s32 @!p0 $0xFFFFF000  }
0xab: {  	_ =	swait.ge @!p0 [sflag:s20], $0x1000  }
0xac: {  	s1 =	rddreg [dreg:$0x4];
	[sflag:s20] =	ssyncset.done @!p0 $0x0  }
0xad: {  	[sflag:s20] =	ssyncadd.s32 @!p0 $0xFFFFF000;
	s1 =	sadd.s32 @!p0 s19, s1  }
0xae: {  	[hbm4b:s1+s23] =	stream.linear.scatter @!p0 [tilespmem:s21], [sflag:$0x4], $0x1000, $0x38;
	[tilespmem:$0x4200] =	vst v63  }
0xaf: {  	s18 =	sadd.s32 $0x1, s18;
	s6 =	simm.s32 @!p0 $0x3;
	_ =	swait.ge @!p0 [sflag:s24], $0x1000  }
0xb0: {  	p1 =	sne.s32 s18, s8;
	s1 =	rddreg [dreg:$0x5];
	[sflag:s24] =	ssyncset.done @!p0 $0x0  }
.Ltmp1:
0xb1: {  	[sflag:s24] =	ssyncadd.s32 @!p0 $0xFFFFF000;
	s1 =	sadd.s32 @!p0 s19, s1;
	(pc) =	sbr.rel @p1 .LBB2_1-.Ltmp1, $4  }
0xb2: {  	[hbm4b:s1+s23] =	stream.linear.scatter @!p0 [tilespmem:s0], [sflag:$0x3], $0x1000, $0x38;
	[tilespmem:$0x4200] =	vst v63  }
0xb3: {  	_ =	swait.ge @!p0 [sflag:s6], $0x1000  }
0xb4: {  	[sflag:s6] =	ssyncset.done @!p0 $0x0  }
0xb5: {  	[sflag:s6] =	ssyncadd.s32 @!p0 $0xFFFFF000  }
0xb6: {  	_ =	sfence.sel $0x180000  }
0xb7: {  	[bflag:$0x0] =	sbarrier.arrive $0xFFFF  }
0xb8: {  	_ =	strace $0x90000059  }
0xb9: {  	s0 =	stileid.u32;
	[bflag:$0x2] =	sbarrier.arrive $0xFFFF  }
0xba: {  	p0 =	sne.s32 s0, $0x0;
	s0 =	rddreg [dreg:$0x1]  }
0xbb: {  	s0 =	sadd.s32 @!p0 $0x100000, s0  }
0xbc: {  	[sflag:s0] =	ssyncadd.tile.s32 @!p0 $0x1;
	_ =	shalt  }
.Lfunc_end2:
_tile_overlayer_lowered:
.L_overlay_start_2:
0xbd: {  	(tag) =	ssettag $0x2  }
0xbe: {  	s0 =	rddreg [dreg:$0x0];
	s2 =	stileid.u32  }
0xbf: {  	s1 =	rddreg [dreg:$0x1];
	p0 =	sne.s32 s2, $0x0  }
0xc0: {  	s3 =	rddreg [dreg:$0x2];
	[bflag:$0x3] =	sbarrier.arrive $0xFFFF;
	s2 =	simm.s32 @!p0 $0x1C03  }
0xc1: {  	[timem:s3], [sflag:s2] =	dma.local @!p0 [hbm:s0], s1  }
0xc2: {  	s0 =	simm.s32 @!p0 $0x3  }
0xc3: {  	_ =	swait.ge @!p0 [sflag:s0], s1  }
0xc4: {  	s1 =	ssub.s32 @!p0 $0x0, s1;
	[sflag:s0] =	ssyncset.done @!p0 $0x0  }
0xc5: {  	[sflag:s0] =	ssyncadd.s32 @!p0 s1  }
0xc6: {  	[bflag:$0x3] =	sbarrier.arrive $0xFFFF  }
0xc7: {  	_ =	shalt  }

// kernel: kernel.31.cloned.1.call-start
scs
__scs_entry_jumppad:
0x0: {  	(pc) =	sbr.rel $0x88, $3  }
0x1: {  	(tag) =	ssettag $0x0;
	lr =	simm.s32 $0x1  }
0x2: {  	[smem:$0x3F65] =	sst lr;
	_ =	strace $0xD0000000  }
0x3: {  	_ = 	snop  }
0x4: {  	_ = 	snop  }
0x5: {  	_ = 	snop  }
0x6: {  	_ = 	snop  }
0x7: {  	_ = 	snop  }
__scs_overlays_trampoline_lowered:
0x8: {  	[smem:$0x3F74] =	sst s0  }
0x9: {  	[smem:$0x3F75] =	sst s1  }
0xa: {  	[smem:$0x3F76] =	sst s2  }
0xb: {  	[smem:$0x3F77] =	sst s3  }
0xc: {  	[smem:$0x3F78] =	sst s4  }
0xd: {  	[smem:$0x3F79] =	sst s5  }
0xe: {  	[smem:$0x3F7A] =	sst s6  }
0xf: {  	[smem:$0x3F7B] =	sst s7  }
0x10: {  	[smem:$0x3F7C] =	sst s8  }
0x11: {  	[smem:$0x3F7D] =	sst s9;
	s0 =	simm.s32 @!p0 $0x0  }
0x12: {  	s1 =	sld [smem:$0x3F63];
	s0 =	simm.s32 @p0 $0x1  }
0x13: {  	[smem:$0x3F7E] =	sst s0;
	s0 =	simm.s32 @!p1 $0x0  }
0x14: {  	s2 =	sld [smem:$0x3F62];
	s0 =	simm.s32 @p1 $0x1  }
0x15: {  	[smem:$0x3F7F] =	sst s0;
	s0 =	simm.s32 @!p2 $0x0  }
0x16: {  	s3 =	sld [smem:$0x3FDB];
	s0 =	simm.s32 @p2 $0x1  }
0x17: {  	s4 =	simm.s32 $0x1BF5;
	[smem:$0x3F81] =	sst s0  }
0x18: {  	s0 =	sld [smem:$0x3F64];
	_ =	swait.ge [sflag:s4], $0x0  }
0x19: {  	s7 =	sld [smem:$0x3F65]  }
0x1a: {  	s8 =	sadd.s32 $0xFFFFE003, lr  }
0x1b: {  	s9 =	sadd.s32 $0xFFFFFEF7, lr;
	s5 =	simm.s32 $0xFFFFFFFF;
	p2 =	slt.u32 s8, $0xFFFFF086  }
0x1c: {  	p1 =	slt.u32 s9, $0xF7A;
	s5 =	simm.s32 @!p2 $0x0  }
0x1d: {  	s5 =	simm.s32 @p1 $0x1;
	p0 =	seq.s32 s7, s2  }
0x1e: {  	s7 =	smul.u32 @!p0 $0xF7A, s2;
	p2 =	seq.s32 @!p0 s5, $0x0  }
0x1f: {  	s9 =	smul.u32 $0xF7A, s1;
	s8 =	simm.s32 @!p0 $0x1BF5;
	p2 =	por !p2, p0  }
0x20: {  	[sflag:s8] =	ssyncset.s32 @!p0 $0xFFFFF086;
	s6 =	sadd.s32 @!p0 s3, s7;
	s7 =	simm.s32 @!p0 $0x108  }
0x21: {  	s3 =	sadd.s32 s3, s9;
	s6 =	sadd.s32 @!p0 $0x88, s6;
	s7 =	simm.s32 @p2 $0x1082  }
0x22: {  	[simem:s7], [sflag:s8] =	dma.local @!p0 [hbm:s6], $0xF7A  }
0x23: {  	s9 =	sor.u32 $0xD0000000, s2;
	s6 =	simm.s32 $0x108;
	_ =	swait.ge @!p0 [sflag:s8], $0x0  }
0x24: {  	s3 =	sadd.s32 $0x88, s3;
	s6 =	simm.s32 @!p1 $0x1082;
	[sflag:s4] =	ssyncset.s32 $0xFFFFF086  }
0x25: {  	[simem:s6], [sflag:s4] =	dma.local [hbm:s3], $0xF7A  }
0x26: {  	[smem:$0x3F65] =	sst s1;
	(tag) =	ssettag s2;
	_ =	strace s9  }
0x27: {  	s1 =	sld [smem:$0x3F75]  }
0x28: {  	s2 =	sld [smem:$0x3F76]  }
0x29: {  	s4 =	sld [smem:$0x3F78]  }
0x2a: {  	p0 =	seq.s32 s5, $0x0;
	s5 =	sld [smem:$0x3F79]  }
0x2b: {  	s6 =	sld [smem:$0x3F7A]  }
0x2c: {  	s7 =	sld [smem:$0x3F7B]  }
0x2d: {  	s3 =	simm.s32 $0x108;
	s8 =	sld [smem:$0x3F7C]  }
0x2e: {  	s3 =	simm.s32 @!p0 $0x1082;
	s9 =	sld [smem:$0x3F7D]  }
0x2f: {  	lr =	sadd.s32 s0, s3;
	s0 =	sld [smem:$0x3F74]  }
0x30: {  	s3 =	sld [smem:$0x3F77]  }
0x31: {  	[smem:$0x3F80] =	sst s10  }
0x32: {  	s10 =	sld [smem:$0x3F7E];
	_ =	sdelay $0x3  }
0x33: {  	p0 =	seq.s32 s10, $0x1;
	s10 =	sld [smem:$0x3F80];
	_ =	sdelay $0x3  }
0x34: {  	[smem:$0x3F80] =	sst s10  }
0x35: {  	s10 =	sld [smem:$0x3F7F];
	_ =	sdelay $0x3  }
0x36: {  	p1 =	seq.s32 s10, $0x1;
	s10 =	sld [smem:$0x3F80];
	_ =	sdelay $0x3  }
0x37: {  	[smem:$0x3F80] =	sst s10  }
0x38: {  	s10 =	sld [smem:$0x3F81]  }
0x39: {  	_ = 	snop;
	(pc) =	sbr.ind lr, $3  }
0x3a: {  	_ = 	snop  }
0x3b: {  	_ = 	snop  }
0x3c: {  	p2 =	seq.s32 s10, $0x1;
	s10 =	sld [smem:$0x3F80]  }
0x3d: {  	_ =	shalt  }
0x3e: {  	_ =	shalt  }
0x3f: {  	_ =	shalt  }
0x40: {  	_ =	shalt  }
0x41: {  	_ =	shalt  }
0x42: {  	_ =	shalt  }
0x43: {  	_ =	shalt  }
0x44: {  	_ =	shalt  }
0x45: {  	_ =	shalt  }
0x46: {  	_ =	shalt  }
0x47: {  	_ =	shalt  }
0x48: {  	_ =	shalt  }
0x49: {  	_ =	shalt  }
0x4a: {  	_ =	shalt  }
0x4b: {  	_ =	shalt  }
0x4c: {  	_ =	shalt  }
0x4d: {  	_ =	shalt  }
0x4e: {  	_ =	shalt  }
0x4f: {  	_ =	shalt  }
0x50: {  	_ =	shalt  }
0x51: {  	_ =	shalt  }
0x52: {  	_ =	shalt  }
0x53: {  	_ =	shalt  }
0x54: {  	_ =	shalt  }
0x55: {  	_ =	shalt  }
0x56: {  	_ =	shalt  }
0x57: {  	_ =	shalt  }
0x58: {  	_ =	shalt  }
0x59: {  	_ =	shalt  }
0x5a: {  	_ =	shalt  }
0x5b: {  	_ =	shalt  }
0x5c: {  	_ =	shalt  }
0x5d: {  	_ =	shalt  }
0x5e: {  	_ =	shalt  }
0x5f: {  	_ =	shalt  }
0x60: {  	_ =	shalt  }
0x61: {  	_ =	shalt  }
0x62: {  	_ =	shalt  }
0x63: {  	_ =	shalt  }
0x64: {  	_ =	shalt  }
0x65: {  	_ =	shalt  }
0x66: {  	_ =	shalt  }
0x67: {  	_ =	shalt  }
0x68: {  	_ =	shalt  }
0x69: {  	_ =	shalt  }
0x6a: {  	_ =	shalt  }
0x6b: {  	_ =	shalt  }
0x6c: {  	_ =	shalt  }
0x6d: {  	_ =	shalt  }
0x6e: {  	_ =	shalt  }
0x6f: {  	_ =	shalt  }
0x70: {  	_ =	shalt  }
0x71: {  	_ =	shalt  }
0x72: {  	_ =	shalt  }
0x73: {  	_ =	shalt  }
0x74: {  	_ =	shalt  }
0x75: {  	_ =	shalt  }
0x76: {  	_ =	shalt  }
0x77: {  	_ =	shalt  }
0x78: {  	_ =	shalt  }
0x79: {  	_ =	shalt  }
0x7a: {  	_ =	shalt  }
0x7b: {  	_ =	shalt  }
0x7c: {  	_ =	shalt  }
0x7d: {  	_ =	shalt  }
0x7e: {  	_ =	shalt  }
0x7f: {  	_ =	shalt  }
0x80: {  	_ =	shalt  }
0x81: {  	_ =	shalt  }
0x82: {  	_ =	shalt  }
0x83: {  	_ =	shalt  }
0x84: {  	_ =	shalt  }
0x85: {  	_ =	shalt  }
0x86: {  	_ =	shalt  }
0x87: {  	_ =	shalt  }
.Lfunc_end0:
.L_simem_size_0:
called_computation.7_lowered:
.L_overlay_start_0:
0x88: {  	s2 =	sld [smem:$0x3FD9]  }
0x89: {  	s3 =	sld [smem:$0x3FFE];
	_ =	sdelay $0x1  }
0x8a: {  	s1 =	srdreg.scid  }
0x8b: {  	s0 =	sand.u32 $0x1, s1  }
0x8c: {  	s16 =	sshll.u32 s0, $0xA;
	s2 =	sadd.s32 s3, s2  }
0x8d: {  	s2 =	sadd.s32 s2, s16  }
0x8e: {  	[smem:$0x3F8C] =	sst s2  }
0x8f: {  	_ = 	snop  }
0x90: {  	(tm) =	ssettm $0x1  }
0x91: {  	s17 =	sld [smem:$0x3FFB];
	_ =	sdelay $0x3  }
0x92: {  	_ =	strace s17  }
0x93: {  	s2 =	sld [smem:$0x3FFC];
	_ =	sdelay $0x3  }
0x94: {  	_ =	strace s2  }
0x95: {  	s2 =	sld [smem:$0x3FFD];
	_ =	sdelay $0x3  }
0x96: {  	_ =	strace s2  }
0x97: {  	_ =	strace $0x8FFFFFFF  }
0x98: {  	s18 =	sld [smem:$0x3FDB];
	_ =	sdelay $0x1  }
0x99: {  	s19 =	simm.s32 $_scs_section_size  }
0x9a: {  	s4 =	simm.s32 $_size__tile_overlayer_lowered;
	s5 =	simm.s32 $_tile_overlayer_lowered  }
0x9b: {  	s22 =	simm.s32 $0x1BFF;
	s21 =	sshll.u32 s5, $0x1;
	s2 =	sadd.s32 s19, s18  }
0x9c: {  	s6 =	simm.s32 $0x0;
	s20 =	sshll.u32 s4, $0x1;
	s4 =	sadd.s32 s21, s2  }
0x9d: {  	[timem:s6], [sflag:s22] =	dma.local [hbm:s4], s20  }
0x9e: {  	_ =	swait.ge [sflag:s22], s20  }
0x9f: {  	s3 =	ssub.s32 $0x0, s20;
	[sflag:s22] =	ssyncset.done $0x0  }
0xa0: {  	[sflag:s22] =	ssyncadd.s32 s3;
	_ =	sdelay $0x1  }
0xa1: {  	s23 =	simm.s32 $0x1B8B  }
0xa2: {  	_ =	swait.ge [sflag:s23], $0x1  }
0xa3: {  	[sflag:s23] =	ssyncset.done $0x0  }
0xa4: {  	s25 =	simm.s32 $0x1B8E;
	s24 =	sld [smem:$0x3FFE];
	[sflag:s23] =	ssyncadd.s32 $0xFFFFFFFF  }
0xa5: {  	s26 =	simm.s32 $execute0_lowered;
	[smem:$0x3FD2] =	sst s25  }
0xa6: {  	s4 =	sshll.u32 s26, $0x1;
	_ =	strace $0x8000005B;
	[dreg:$0x1] =	wrdreg $0xFFFFFFFF  }
0xa7: {  	s28 =	simm.s32 $_size_execute0_lowered;
	s2 =	sadd.s32 s2, s4;
	[dreg:$0x0] =	wrdreg $0x0  }
0xa8: {  	s4 =	sshll.u32 s28, $0x1;
	[dreg:$0x2] =	wrdreg s2  }
0xa9: {  	[dreg:$0x3] =	wrdreg s4  }
0xaa: {  	[dreg:$0x4] =	wrdreg $0xC0  }
0xab: {  	_ =	task [dreg:s6], $0x5FFFF  }
0xac: {  	[dreg:$0x1] =	wrdreg $0xFFFFFFFF  }
0xad: {  	[dreg:$0x0] =	wrdreg $0x60  }
0xae: {  	[dreg:$0x2] =	wrdreg s24  }
0xaf: {  	[dreg:$0x3] =	wrdreg $0x5F800  }
0xb0: {  	[dreg:$0x4] =	wrdreg $0x9  }
0xb1: {  	_ =	task.clear_ibuf [dreg:s6], $0x5FFFF;
	_ =	strace $0x9000005B  }
0xb2: {  	s29 =	simm.s32 $0x9;
	_ =	strace $0x8000005D  }
0xb3: {  	_ =	swait.ge [sflag:s29], $0x1  }
0xb4: {  	[sflag:s29] =	ssyncadd.s32 $0xFFFFFFFF  }
0xb5: {  	_ =	strace $0x9000005D  }
0xb6: {  	_ =	sfence  }
0xb7: {  	s30 =	sld [smem:$0x0];
	_ =	sdelay $0x2  }
0xb8: {  	s31 =	sshll.u32 s1, $0xD;
	s1 =	sshrl.u32 s1, $0x2  }
0xb9: {  	s3 =	sand.u32 $0x4000, s31;
	s1 =	sadd.s32 s1, s30  }
0xba: {  	s0 =	sor.u32 s3, s0;
	s1 =	sshll.u32 s1, $0x11  }
0xbb: {  	s0 =	sor.u32 s1, s0  }
0xbc: {  	s0 =	sadd.s32 $0x8F2B, s0  }
0xbd: {  	[sflag:s0] =	ssyncadd.remote.s32 $0x1  }
0xbe: {  	_ =	sfence.sel $0xFFFF  }
0xbf: {  	[dreg:$0x0] =	wrdreg $0xFFFFFFFF;
	(pc) =	sbr.abs _section_cstart, $3  }
0xc0: {  	[dreg:$0x1] =	wrdreg $0xFFFFFFFF  }
0xc1: {  	_ =	task.clear_ibuf [dreg:s6], $0x2FFFF;
	_ =	strace $0x9FFFFFFF  }
0xc2: {  	(tm) =	ssettm $0x7FFFFFFF  }
0xc3: {  	_ =	shalt  }
tec
execute0_lowered:
.L_overlay_start_1:
0x0: {  	(tag) =	ssettag $0x1  }
0x1: {  	s0 =	stileid.u32;
	s6 =	rddreg [dreg:$0x0]  }
0x2: {  	s1 =	srdreg.scid;
	s2 =	rddreg [dreg:$0x1];
	s3 =	simm.s32 $0x0  }
0x3: {  	s12 =	simm.s32 $0x1;
	s13 =	simm.s32 $0x80;
	s5 =	smul.u32 $0x13C00, s0  }
0x4: {  	s14 =	simm.s32 $0x1080;
	s15 =	simm.s32 $0x0;
	s7 =	smul.u32 $0x4F00, s0  }
0x5: {  	s4 =	sand.u32 $0x1, s1;
	s1 =	rddreg [dreg:$0x2];
	s9 =	smul.u32 $0x9E0, s0  }
0x6: {  	[smem:$0x7FF] =	sst s3;
	s31 =	sshll.u32 s0, $0x6;
	s8 =	smul.u32 $0x2780, s4  }
0x7: {  	s26 =	smul.u32 $0x9E00, s4;
	_ =	strace $0x8000005C;
	s29 =	ssub.s32 $0x2, s4  }
0x8: {  	s4 =	sadd.s32 $0x15A00, s6;
	s10 =	sadd.s32 s5, s6;
	s30 =	sshrl.u32 s29, $0x1  }
0x9: {  	s5 =	sshrl.u32 s5, $0x2;
	s7 =	sadd.s32 s8, s7;
	s28 =	sadd.s32 s9, s26  }
0xa: {  	s9 =	ssub.s32 s29, s30;
	s5 =	sadd.s32 s5, s2;
	s10 =	sadd.s32 s26, s10  }
0xb: {  	s7 =	sshrl.u32 s7, $0x3;
	s8 =	smax.u32 s9, $0x1;
	s9 =	sadd.s32 $0x86C00, s10  }
0xc: {  	s11 =	sadd.s32 s7, s6;
	s7 =	sadd.s32 s28, s6;
	s6 =	sor.u32 $0x1C01, s31  }
0xd: {  	s7 =	sadd.s32 $0x65200, s7;
	s10 =	sadd.s32 $0x7CE00, s11;
	s11 =	sshrl.u32 s5, $0x3  }
.LBB2_1:
0xe: {  	[spmem:s11], [sflag:s6] =	dma.local [hbm:s4], $0x9E0  }
0xf: {  	_ =	swait.ge [sflag:s12], $0x9E0  }
0x10: {  	[sflag:s12] =	ssyncset.done $0x0  }
0x11: {  	[sflag:s12] =	ssyncadd.s32 $0xFFFFF620  }
0x12: {  	s16 =	sadd.s32 $0x0, s10;
	[bflag:$0x0] =	sbarrier.arrive $0xFFFF  }
0x13: {  	[tilespmem:s3], [sflag:$0x1] =	stream.linear.gather [hbm4b:s16+s3], $0x80, $0x38;
	[tilespmem:$0xAE80] =	vst v63  }
0x14: {  	_ =	swait.ge [sflag:s12], $0x80  }
0x15: {  	[sflag:s12] =	ssyncset.done $0x0  }
0x16: {  	[sflag:s12] =	ssyncadd.s32 $0xFFFFFF80  }
0x17: {  	[tilespmem:s13], [sflag:$0x1] =	stream.linear.gather [hbm4b:s9+s3], $0x1000, $0x38;
	[tilespmem:$0xAE80] =	vst v63  }
0x18: {  	_ =	swait.ge [sflag:s12], $0x1000  }
0x19: {  	[sflag:s12] =	ssyncset.done $0x0  }
0x1a: {  	[sflag:s12] =	ssyncadd.s32 $0xFFFFF000  }
0x1b: {  	[spmem:s2] =	stream.indirect.scatter.add.f32 [tilespmem:s13], [sflag:$0x1], $0x20, s3, s13, $0xb8;
	[tilespmem:$0xAE80] =	vst v63  }
0x1c: {  	s17 =	simm.s32 $0x10;
	_ =	swait.ge [sflag:s12], $0x1000  }
0x1d: {  	s18 =	simm.s32 $0x20;
	s16 =	sadd.s32 $0x200, s9;
	[sflag:s12] =	ssyncset.done $0x0  }
.LBB2_2:
0x1e: {  	s19 =	sadd.s32 s17, s10  }
0x1f: {  	[sflag:s12] =	ssyncadd.s32 $0xFFFFF000;
	s17 =	smov.u32 s18;
	s20 =	sadd.s32 $0x10, s18  }
0x20: {  	[tilespmem:s3], [sflag:$0x1] =	stream.linear.gather [hbm4b:s19+s3], $0x80, $0x38;
	[tilespmem:$0xAE80] =	vst v63  }
0x21: {  	p0 =	sne.s32 s18, $0x4E0;
	_ =	swait.ge [sflag:s12], $0x80  }
0x22: {  	[sflag:s12] =	ssyncset.done $0x0  }
0x23: {  	[sflag:s12] =	ssyncadd.s32 $0xFFFFFF80  }
0x24: {  	[tilespmem:s13], [sflag:$0x1] =	stream.linear.gather [hbm4b:s16+s3], $0x1000, $0x38;
	[tilespmem:$0xAE80] =	vst v63  }
0x25: {  	_ =	swait.ge [sflag:s12], $0x1000  }
.Ltmp0:
0x26: {  	[sflag:s12] =	ssyncset.done $0x0;
	(pc) =	sbr.rel @p0 .LBB2_2-.Ltmp0, $4  }
0x27: {  	[sflag:s12] =	ssyncadd.s32 $0xFFFFF000  }
0x28: {  	[spmem:s2] =	stream.indirect.scatter.add.f32 [tilespmem:s13], [sflag:$0x1], $0x20, s3, s13, $0xb8;
	[tilespmem:$0xAE80] =	vst v63  }
0x29: {  	_ =	swait.ge [sflag:s12], $0x1000  }
0x2a: {  	s18 =	smov.u32 s20;
	s16 =	sadd.s32 $0x200, s16;
	[sflag:s12] =	ssyncset.done $0x0  }
0x2b: {  	s17 =	sadd.s32 s17, s10;
	[sflag:s12] =	ssyncadd.s32 $0xFFFFF000  }
0x2c: {  	[tilespmem:s3], [sflag:$0x1] =	stream.linear.gather [hbm4b:s17+s3], $0x80, $0x38;
	[tilespmem:$0xAE80] =	vst v63  }
0x2d: {  	_ =	swait.ge [sflag:s12], $0x80  }
0x2e: {  	[sflag:s12] =	ssyncset.done $0x0  }
0x2f: {  	[sflag:s12] =	ssyncadd.s32 $0xFFFFFF80  }
0x30: {  	[tilespmem:s13], [sflag:$0x1] =	stream.linear.gather [hbm4b:s16+s3], $0x1000, $0x38;
	[tilespmem:$0xAE80] =	vst v63  }
0x31: {  	_ =	swait.ge [sflag:s12], $0x1000  }
0x32: {  	[sflag:s12] =	ssyncset.done $0x0  }
0x33: {  	[sflag:s12] =	ssyncadd.s32 $0xFFFFF000  }
0x34: {  	[spmem:s2] =	stream.indirect.scatter.add.f32 [tilespmem:s13], [sflag:$0x1], $0x20, s3, s13, $0xb8;
	[tilespmem:$0xAE80] =	vst v63  }
0x35: {  	_ =	swait.ge [sflag:s12], $0x1000  }
0x36: {  	[sflag:s12] =	ssyncset.done $0x0  }
0x37: {  	[sflag:s12] =	ssyncadd.s32 $0xFFFFF000  }
0x38: {  	[bflag:$0x0] =	sbarrier.arrive $0xFFFF  }
0x39: {  	[tilespmem:s14], [sflag:$0x1] =	stream.linear.gather [spmem:s5], $0x4F00, $0x38;
	[tilespmem:$0xAE80] =	vst v63  }
0x3a: {  	s15 =	sadd.s32 $0x1, s15;
	_ =	swait.ge [sflag:s12], $0x4F00  }
0x3b: {  	p0 =	sne.s32 s15, s8;
	[sflag:s12] =	ssyncset.done $0x0  }
.Ltmp1:
0x3c: {  	[sflag:s12] =	ssyncadd.s32 $0xFFFFB100;
	(pc) =	sbr.rel @p0 .LBB2_1-.Ltmp1, $4  }
0x3d: {  	[hbm4b:s7+s3] =	stream.linear.scatter [tilespmem:s14], [sflag:$0x1], $0x4F00, $0x38;
	[tilespmem:$0xAE80] =	vst v63  }
0x3e: {  	_ =	swait.ge [sflag:s12], $0x4F00  }
0x3f: {  	[sflag:s12] =	ssyncset.done $0x0  }
0x40: {  	[sflag:s12] =	ssyncadd.s32 $0xFFFFB100  }
0x41: {  	_ =	sfence.sel $0x180000  }
0x42: {  	[bflag:$0x0] =	sbarrier.arrive $0xFFFF  }
0x43: {  	p0 =	sne.s32 s0, $0x0;
	_ =	strace $0x9000005C  }
0x44: {  	s0 =	sadd.s32 @!p0 $0x100000, s1;
	[bflag:$0x2] =	sbarrier.arrive $0xFFFF  }
0x45: {  	[sflag:s0] =	ssyncadd.tile.s32 @!p0 $0x1;
	_ =	shalt  }
.Lfunc_end2:
_tile_overlayer_lowered:
.L_overlay_start_2:
0x46: {  	(tag) =	ssettag $0x2  }
0x47: {  	s0 =	rddreg [dreg:$0x0];
	s2 =	stileid.u32  }
0x48: {  	s1 =	rddreg [dreg:$0x1];
	p0 =	sne.s32 s2, $0x0  }
0x49: {  	s3 =	rddreg [dreg:$0x2];
	[bflag:$0x3] =	sbarrier.arrive $0xFFFF;
	s2 =	simm.s32 @!p0 $0x1C01  }
0x4a: {  	[timem:s3], [sflag:s2] =	dma.local @!p0 [hbm:s0], s1  }
0x4b: {  	s0 =	simm.s32 @!p0 $0x1  }
0x4c: {  	_ =	swait.ge @!p0 [sflag:s0], s1  }
0x4d: {  	s1 =	ssub.s32 @!p0 $0x0, s1;
	[sflag:s0] =	ssyncset.done @!p0 $0x0  }
0x4e: {  	[sflag:s0] =	ssyncadd.s32 @!p0 s1  }
0x4f: {  	[bflag:$0x3] =	sbarrier.arrive $0xFFFF  }
0x50: {  	_ =	shalt  }

</sc_bundles>
